<compile_context>
chip_gen: v7x
topology: tpu7x:2x2x1
jax: 0.10.2.dev20260603
libtpu: 0.0.44.dev20260713+nightly
codegen_flags: <defaults>
</compile_context>

<pallas_src>
import functools

import jax
import jax.numpy as jnp
from jax import lax
from jax.experimental import pallas as pl
from jax.experimental.pallas import tpu as pltpu
from jax.experimental.pallas import tpu_sc as plsc

N = 10000
D = 128
E = 320000
H = 160000
T = 1024

NW = 32
NP = 10240
PAD_IDX = NP - 1
EPT = 10112
HPT = 5120
HPF = NW * HPT
EC = EPT // 128
BC = HPT // 64
SC1 = HPT // 128
RPT = NP // 16

_mesh = plsc.VectorSubcoreMesh(core_axis_name="c", subcore_axis_name="s",
                               num_cores=2, num_subcores=16)


def _make_gather(nrows_out, csz, nchunks):

    @functools.partial(
        pl.kernel,
        out_type=jax.ShapeDtypeStruct((nrows_out, D), jnp.float32),
        mesh=_mesh,
        scratch_types=[
            pltpu.VMEM((csz,), jnp.int32),
            pltpu.VMEM((csz, D), jnp.float32),
            pltpu.SemaphoreType.DMA,
        ],
    )
    def k(table_hbm, idx_hbm, out_hbm, idx_v, rows_v, sem):
        wid = lax.axis_index("s") * 2 + lax.axis_index("c")
        base = wid * (csz * nchunks)
        for j in range(nchunks):
            o = base + j * csz
            pltpu.sync_copy(idx_hbm.at[pl.ds(o, csz)], idx_v)
            pltpu.async_copy(table_hbm.at[idx_v], rows_v, sem).wait()
            pltpu.sync_copy(rows_v, out_hbm.at[pl.ds(o, csz)])

    return k


_gather_np = _make_gather(NP, 64, 5)
_gather_tgt = _make_gather(T, 32, 1)


@functools.partial(
    pl.kernel,
    out_type=jax.ShapeDtypeStruct((HPF, D), jnp.float32),
    mesh=_mesh,
    scratch_types=[
        pltpu.VMEM((64,), jnp.int32),
        pltpu.VMEM((64,), jnp.int32),
        pltpu.VMEM((64,), jnp.int32),
        pltpu.VMEM((64, D), jnp.float32),
        pltpu.VMEM((64, D), jnp.float32),
        pltpu.VMEM((64, D), jnp.float32),
        pltpu.SemaphoreType.DMA,
        pltpu.SemaphoreType.DMA,
        pltpu.SemaphoreType.DMA,
    ],
)
def _sc_b0(h_hbm, ea_hbm, eb_hbm, ec_hbm, s_hbm,
           ia, ib, ic, ra, rb, rc, sem, sem2, sem3):
    wid = lax.axis_index("s") * 2 + lax.axis_index("c")
    hbase = wid * HPT

    def body(j, carry):
        o = hbase + j * 64
        pltpu.sync_copy(ea_hbm.at[pl.ds(o, 64)], ia)
        pltpu.sync_copy(eb_hbm.at[pl.ds(o, 64)], ib)
        pltpu.sync_copy(ec_hbm.at[pl.ds(o, 64)], ic)
        da = pltpu.async_copy(h_hbm.at[ia], ra, sem)
        db = pltpu.async_copy(h_hbm.at[ib], rb, sem2)
        dc = pltpu.async_copy(h_hbm.at[ic], rc, sem3)
        da.wait()
        db.wait()
        dc.wait()

        def row_body(r, carry2):
            for q in range(8):
                sl = pl.ds(q * 16, 16)
                ra[r, sl] = ra[r, sl] + rb[r, sl] + rc[r, sl]
            return carry2

        lax.fori_loop(0, 64, row_body, 0)
        pltpu.sync_copy(ra, s_hbm.at[pl.ds(o, 64)])
        return carry

    lax.fori_loop(0, BC, body, 0)


@functools.partial(
    pl.kernel,
    out_type=jax.ShapeDtypeStruct((2, NP, D), jnp.float32),
    mesh=_mesh,
    scratch_types=[
        pltpu.VMEM_SHARED((NP, D), jnp.float32),
        pltpu.VMEM((128,), jnp.int32),
        pltpu.VMEM((128,), jnp.int32),
        pltpu.VMEM((128, D), jnp.float32),
        pltpu.SemaphoreType.DMA,
    ],
)
def _sc_a(mr_hbm, src_hbm, dst_hbm, zeros_hbm, accA_hbm,
          acc, i_s, i_d, rows, sem):
    c = lax.axis_index("c")
    s = lax.axis_index("s")
    wid = s * 2 + c
    my_rows = pl.ds(s * RPT, RPT)
    pltpu.sync_copy(zeros_hbm.at[my_rows], acc.at[my_rows])
    plsc.subcore_barrier()
    ebase = wid * EPT

    def body(j, carry):
        o = ebase + j * 128
        pltpu.sync_copy(src_hbm.at[pl.ds(o, 128)], i_s)
        pltpu.sync_copy(dst_hbm.at[pl.ds(o, 128)], i_d)
        pltpu.async_copy(mr_hbm.at[i_s], rows, sem).wait()
        pltpu.sync_copy(rows, acc.at[i_d], add=True)
        return carry

    lax.fori_loop(0, EC, body, 0)
    plsc.subcore_barrier()
    pltpu.sync_copy(acc.at[my_rows], accA_hbm.at[c, my_rows])


@functools.partial(
    pl.kernel,
    out_type=jax.ShapeDtypeStruct((2, NP, D), jnp.float32),
    mesh=_mesh,
    scratch_types=[
        pltpu.VMEM_SHARED((NP, D), jnp.float32),
        pltpu.VMEM((128,), jnp.int32),
        pltpu.VMEM((128,), jnp.int32),
        pltpu.VMEM((128,), jnp.int32),
        pltpu.VMEM((128, D), jnp.float32),
    ],
)
def _sc_b1(hef_hbm, ea_hbm, eb_hbm, ec_hbm, zeros_hbm, accB_hbm,
           acc, ia, ib, ic, buf):
    c = lax.axis_index("c")
    s = lax.axis_index("s")
    wid = s * 2 + c
    my_rows = pl.ds(s * RPT, RPT)
    pltpu.sync_copy(zeros_hbm.at[my_rows], acc.at[my_rows])
    plsc.subcore_barrier()
    hbase = wid * HPT

    def body(j, carry):
        o = hbase + j * 128
        pltpu.sync_copy(ea_hbm.at[pl.ds(o, 128)], ia)
        pltpu.sync_copy(eb_hbm.at[pl.ds(o, 128)], ib)
        pltpu.sync_copy(ec_hbm.at[pl.ds(o, 128)], ic)
        pltpu.sync_copy(hef_hbm.at[pl.ds(o, 128)], buf)
        pltpu.sync_copy(buf, acc.at[ia], add=True)
        pltpu.sync_copy(buf, acc.at[ib], add=True)
        pltpu.sync_copy(buf, acc.at[ic], add=True)
        return carry

    lax.fori_loop(0, SC1, body, 0)
    plsc.subcore_barrier()
    pltpu.sync_copy(acc.at[my_rows], accB_hbm.at[c, my_rows])


def _tc_mr_body(h_ref, wm, out_ref):
    out_ref[...] = jnp.dot(h_ref[...], wm[...],
                           preferred_element_type=jnp.float32)


def _tc_mr(h, wm):
    R = 1280
    return pl.pallas_call(
        _tc_mr_body,
        grid=(NP // R,),
        in_specs=[pl.BlockSpec((R, D), lambda i: (i, 0)),
                  pl.BlockSpec((D, D), lambda i: (0, 0))],
        out_specs=pl.BlockSpec((R, D), lambda i: (i, 0)),
        out_shape=jax.ShapeDtypeStruct((NP, D), jnp.float32),
    )(h, wm)


def _tc_hef_body(s_ref, wh, out_ref):
    out_ref[...] = jnp.dot(s_ref[...] / 3.0, wh[...],
                           preferred_element_type=jnp.float32)


def _tc_hef(s, wh):
    R = 2560
    return pl.pallas_call(
        _tc_hef_body,
        grid=(HPF // R,),
        in_specs=[pl.BlockSpec((R, D), lambda i: (i, 0)),
                  pl.BlockSpec((D, D), lambda i: (0, 0))],
        out_specs=pl.BlockSpec((R, D), lambda i: (i, 0)),
        out_shape=jax.ShapeDtypeStruct((HPF, D), jnp.float32),
    )(s, wh)


def _tc_layer_body(h_ref, a0, a1, b0, b1, ws, bias, lns, lnb, out_ref):
    y = (jnp.dot(h_ref[...], ws[...], preferred_element_type=jnp.float32)
         + (a0[...] + a1[...]) + (b0[...] + b1[...]) + bias[...])
    mu = jnp.mean(y, axis=1, keepdims=True)
    yc = y - mu
    var = jnp.mean(yc * yc, axis=1, keepdims=True)
    out_ref[...] = jnp.maximum(yc / jnp.sqrt(var + 1e-5) * lns[...] + lnb[...],
                               0.0)


def _tc_layer(h, a0, a1, b0, b1, ws, bias, lns, lnb):
    R = 1280
    row_spec = pl.BlockSpec((R, D), lambda i: (i, 0))
    w_spec = pl.BlockSpec((D, D), lambda i: (0, 0))
    v_spec = pl.BlockSpec((1, D), lambda i: (0, 0))
    return pl.pallas_call(
        _tc_layer_body,
        grid=(NP // R,),
        in_specs=[row_spec] * 5 + [w_spec] + [v_spec] * 3,
        out_specs=row_spec,
        out_shape=jax.ShapeDtypeStruct((NP, D), jnp.float32),
    )(h, a0, a1, b0, b1, ws, bias, lns, lnb)


def _tc_head_body(ht, w0, b0, s0, e0, w1, b1, s1, e1, ow, ob, out_ref):
    def ln_relu(v, sc, bi):
        mu = jnp.mean(v, axis=1, keepdims=True)
        vc = v - mu
        var = jnp.mean(vc * vc, axis=1, keepdims=True)
        return jnp.maximum(vc / jnp.sqrt(var + 1e-5) * sc + bi, 0.0)

    y = ln_relu(jnp.dot(ht[...], w0[...], preferred_element_type=jnp.float32)
                + b0[...], s0[...], e0[...])
    y = ln_relu(jnp.dot(y, w1[...], preferred_element_type=jnp.float32)
                + b1[...], s1[...], e1[...])
    q = jnp.dot(y, ow[...], preferred_element_type=jnp.float32)
    out_ref[...] = q[:, 0:1] + ob[...]


def _tc_head(ht, w0, b0, s0, e0, w1, b1, s1, e1, ow, ob):
    return pl.pallas_call(
        _tc_head_body,
        out_shape=jax.ShapeDtypeStruct((T, 1), jnp.float32),
    )(ht, w0, b0, s0, e0, w1, b1, s1, e1, ow, ob)


def kernel(x, edge_index, teamplate_node_mask, target_indices, edge_list,
           emb, conv_W_self, conv_W_msg, conv_W_hyper, conv_b,
           ln_scale, ln_bias, lin_W, lin_b, lin_ln_scale, lin_ln_bias,
           out_W, out_b):
    x_p = jnp.pad(jnp.ravel(x).astype(jnp.int32), (0, NP - N))
    src = jnp.pad(edge_index[0], (0, NW * EPT - E), constant_values=PAD_IDX)
    dst = jnp.pad(edge_index[1], (0, NW * EPT - E), constant_values=PAD_IDX)
    ea = jnp.pad(edge_list[:, 0], (0, HPF - H), constant_values=PAD_IDX)
    eb = jnp.pad(edge_list[:, 1], (0, HPF - H), constant_values=PAD_IDX)
    ec = jnp.pad(edge_list[:, 2], (0, HPF - H), constant_values=PAD_IDX)
    zeros = jnp.zeros((NP, D), jnp.float32)
    ow_pad = jnp.zeros((D, D), jnp.float32).at[:, 0:1].set(out_W)

    h = _gather_np(emb, x_p)
    for i in range(2):
        s3 = _sc_b0(h, ea, eb, ec)
        mr = _tc_mr(h, conv_W_msg[i])
        accA = _sc_a(mr, src, dst, zeros)
        hef = _tc_hef(s3, conv_W_hyper[i])
        accB = _sc_b1(hef, ea, eb, ec, zeros)
        h = _tc_layer(h, accA[0], accA[1], accB[0], accB[1],
                      conv_W_self[i], conv_b[i][None, :],
                      ln_scale[i][None, :], ln_bias[i][None, :])
    ht = _gather_tgt(h, jnp.ravel(target_indices).astype(jnp.int32))
    return _tc_head(ht,
                    lin_W[0], lin_b[0][None, :], lin_ln_scale[0][None, :],
                    lin_ln_bias[0][None, :],
                    lin_W[1], lin_b[1][None, :], lin_ln_scale[1][None, :],
                    lin_ln_bias[1][None, :],
                    ow_pad, out_b.reshape(1, 1))

# --- scband reference (transcript-rebuilt; emitter-appended) ---
"""Pipeline reference for scband-hyper-classification-56642028700256 (READ-ONLY COPY).

The authoritative reference and input builder live on the scoring server;
editing this copy changes nothing except your own understanding.
"""

import jax, jax.numpy as jnp
import numpy as np

N = 10000
E = 320000
H = 160000
D = 128
V = 5000
L = 2
M = 2
T = 1024


def setup_inputs(seed: int = 0) -> dict:
    key = jax.random.key(seed)
    ks = jax.random.split(key, 20)
    s = 1.0 / np.sqrt(D)
    inp = {}
    inp['x'] = jax.random.randint(ks[0], (N,), 0, V, dtype=jnp.int32)
    inp['edge_index'] = jax.random.randint(ks[1], (2, E), 0, N, dtype=jnp.int32)
    inp['teamplate_node_mask'] = jnp.zeros((N,), dtype=bool)
    inp['target_indices'] = jax.random.randint(ks[2], (T,), 0, N, dtype=jnp.int32)
    inp['edge_list'] = jax.random.randint(ks[3], (H, 3), 0, N, dtype=jnp.int32)
    inp['emb'] = jax.random.normal(ks[4], (V, D), dtype=jnp.float32) * 0.02
    inp['conv_W_self'] = jax.random.normal(ks[5], (L, D, D), dtype=jnp.float32) * s
    inp['conv_W_msg'] = jax.random.normal(ks[6], (L, D, D), dtype=jnp.float32) * s
    inp['conv_W_hyper'] = jax.random.normal(ks[7], (L, D, D), dtype=jnp.float32) * s
    inp['conv_b'] = jnp.zeros((L, D), dtype=jnp.float32)
    inp['ln_scale'] = jnp.ones((L, D), dtype=jnp.float32)
    inp['ln_bias'] = jnp.zeros((L, D), dtype=jnp.float32)
    inp['lin_W'] = jax.random.normal(ks[8], (M, D, D), dtype=jnp.float32) * s
    inp['lin_b'] = jnp.zeros((M, D), dtype=jnp.float32)
    inp['lin_ln_scale'] = jnp.ones((M, D), dtype=jnp.float32)
    inp['lin_ln_bias'] = jnp.zeros((M, D), dtype=jnp.float32)
    inp['out_W'] = jax.random.normal(ks[9], (D, 1), dtype=jnp.float32) * s
    inp['out_b'] = jnp.zeros((1,), dtype=jnp.float32)
    return inp


def _layer_norm(v, scale, bias, eps=1e-5):
    mu = jnp.mean(v, axis=-1, keepdims=True)
    var = jnp.mean((v - mu) ** 2, axis=-1, keepdims=True)
    return (v - mu) / jnp.sqrt(var + eps) * scale + bias


def reference(x, edge_index, teamplate_node_mask, target_indices, edge_list,
              emb, conv_W_self, conv_W_msg, conv_W_hyper, conv_b,
              ln_scale, ln_bias, lin_W, lin_b, lin_ln_scale, lin_ln_bias,
              out_W, out_b):
    # x = torch.ravel(x); target_indices = torch.ravel(target_indices)
    x_flat = jnp.ravel(x)
    tgt = jnp.ravel(target_indices)
    # embedding lookup
    h = jnp.take(emb, x_flat, axis=0)
    src = edge_index[0]
    dst = edge_index[1]
    flat_he_nodes = edge_list.reshape(-1)
    for i in range(L):
        # HyperConv: self transform + pairwise-edge message aggregation +
        # hyperedge (arity-3) message aggregation, per edge_arity_dict
        msg = jnp.take(h, src, axis=0) @ conv_W_msg[i]
        agg = jax.ops.segment_sum(msg, dst, num_segments=N)
        he_feat = jnp.mean(jnp.take(h, edge_list, axis=0), axis=1) @ conv_W_hyper[i]
        he_bcast = jnp.broadcast_to(he_feat[:, None, :], (H, 3, D)).reshape(-1, D)
        hyper_agg = jax.ops.segment_sum(he_bcast, flat_he_nodes, num_segments=N)
        h = h @ conv_W_self[i] + agg + hyper_agg + conv_b[i]
        h = _layer_norm(h, ln_scale[i], ln_bias[i])
        h = jax.nn.relu(h)
    h = jnp.take(h, tgt, axis=0)
    for j in range(M):
        h = h @ lin_W[j] + lin_b[j]
        h = _layer_norm(h, lin_ln_scale[j], lin_ln_bias[j])
        h = jax.nn.relu(h)
    return h @ out_W + out_b


if False:  # reference __main__ guard neutralized (emitter)
    out = reference(**setup_inputs())
    print(out.shape)

if __name__ == "__main__":
    import jax
    _d = setup_inputs()
    print(jax.jit(kernel)(*tuple(_d.values())))

</pallas_src>

<mosaic_0001>
#map = affine_map<(d0, d1) -> (0, 0)>
#map1 = affine_map<(d0, d1) -> (0)>
module attributes {stable_mosaic.version = 14 : i64} {
  func.func @_sc_b0(%arg0: i32, %arg1: i32, %arg2: memref<10240x128xf32, #tpu.memory_space<hbm>>, %arg3: memref<163840xi32, #tpu.memory_space<hbm>>, %arg4: memref<163840xi32, #tpu.memory_space<hbm>>, %arg5: memref<163840xi32, #tpu.memory_space<hbm>>, %arg6: memref<163840x128xf32, #tpu.memory_space<hbm>>, %arg7: memref<64xi32, #tpu.memory_space<vmem>>, %arg8: memref<64xi32, #tpu.memory_space<vmem>>, %arg9: memref<64xi32, #tpu.memory_space<vmem>>, %arg10: memref<64x128xf32, #tpu.memory_space<vmem>>, %arg11: memref<64x128xf32, #tpu.memory_space<vmem>>, %arg12: memref<64x128xf32, #tpu.memory_space<vmem>>, %arg13: memref<!tpu.dma_semaphore, #tpu.memory_space<semaphore_mem>>, %arg14: memref<!tpu.dma_semaphore, #tpu.memory_space<semaphore_mem>>, %arg15: memref<!tpu.dma_semaphore, #tpu.memory_space<semaphore_mem>>) attributes {dimension_semantics = [#tpu.dimension_semantics<core_parallel>, #tpu.dimension_semantics<subcore_parallel>], iteration_bounds = array<i64: 2, 16>, scalar_prefetch = 0 : i64, scratch_operands = 9 : i64, tpu.core_type = #tpu.core_type<sc_vector_subcore>, window_params = [{transform_indices = #map}, {transform_indices = #map1}, {transform_indices = #map1}, {transform_indices = #map1}, {transform_indices = #map}]} {
    %mul3A = arith.constant 2 : i32
    %mul3A_0 = arith.muli %arg1, %mul3A : i32
    %add3A = arith.addi %mul3A_0, %arg0 : i32
    %mul3A_1 = arith.constant 5120 : i32
    %mul3A_2 = arith.muli %add3A, %mul3A_1 : i32
    %scan3A = arith.constant 0 : i32
    %scan3A_3 = arith.constant 0 : i32
    %scan3A_4 = arith.constant 80 : i32
    %scan3A_5 = arith.addi %scan3A_3, %scan3A_4 : i32
    %scan3A_6 = arith.constant 1 : i32
    scf.for %scan3A_8 = %scan3A_3 to %scan3A_5 step %scan3A_6  : i32 {
      %mul3A_9 = arith.constant 64 : i32
      %mul3A_10 = arith.muli %scan3A_8, %mul3A_9 : i32
      %add3A_11 = arith.addi %mul3A_2, %mul3A_10 : i32
      "tpu.region"() ({
        %run_scoped3A = tpu.sem_alloc : memref<!tpu.dma_semaphore, #tpu.memory_space<semaphore_mem>>
        %dma_start3A_34 = tpu.memref_slice %arg3[%add3A_11] : memref<163840xi32, #tpu.memory_space<hbm>> -> memref<64xi32, #tpu.memory_space<hbm>>
        %dma_start3A_35 = tpu.memref_slice %arg3[%add3A_11] : memref<163840xi32, #tpu.memory_space<hbm>> -> memref<64xi32, #tpu.memory_space<hbm>>
        tpu.enqueue_dma source(%dma_start3A_35 : memref<64xi32, #tpu.memory_space<hbm>>) target(%arg7 : memref<64xi32, #tpu.memory_space<vmem>>) target_semaphore(%run_scoped3A : memref<!tpu.dma_semaphore, #tpu.memory_space<semaphore_mem>>)
        %dma_wait3A_36 = tpu.memref_slice %arg3[%add3A_11] : memref<163840xi32, #tpu.memory_space<hbm>> -> memref<64xi32, #tpu.memory_space<hbm>>
        %dma_wait3A_37 = tpu.memref_slice %arg3[%add3A_11] : memref<163840xi32, #tpu.memory_space<hbm>> -> memref<64xi32, #tpu.memory_space<hbm>>
        tpu.wait_dma2 semaphore(%run_scoped3A : memref<!tpu.dma_semaphore, #tpu.memory_space<semaphore_mem>>) src(%dma_wait3A_37 : memref<64xi32, #tpu.memory_space<hbm>>) dst(%arg7 : memref<64xi32, #tpu.memory_space<vmem>>)
        tpu.yield
      }) : () -> ()
      "tpu.region"() ({
        %run_scoped3A = tpu.sem_alloc : memref<!tpu.dma_semaphore, #tpu.memory_space<semaphore_mem>>
        %dma_start3A_34 = tpu.memref_slice %arg4[%add3A_11] : memref<163840xi32, #tpu.memory_space<hbm>> -> memref<64xi32, #tpu.memory_space<hbm>>
        %dma_start3A_35 = tpu.memref_slice %arg4[%add3A_11] : memref<163840xi32, #tpu.memory_space<hbm>> -> memref<64xi32, #tpu.memory_space<hbm>>
        tpu.enqueue_dma source(%dma_start3A_35 : memref<64xi32, #tpu.memory_space<hbm>>) target(%arg8 : memref<64xi32, #tpu.memory_space<vmem>>) target_semaphore(%run_scoped3A : memref<!tpu.dma_semaphore, #tpu.memory_space<semaphore_mem>>)
        %dma_wait3A_36 = tpu.memref_slice %arg4[%add3A_11] : memref<163840xi32, #tpu.memory_space<hbm>> -> memref<64xi32, #tpu.memory_space<hbm>>
        %dma_wait3A_37 = tpu.memref_slice %arg4[%add3A_11] : memref<163840xi32, #tpu.memory_space<hbm>> -> memref<64xi32, #tpu.memory_space<hbm>>
        tpu.wait_dma2 semaphore(%run_scoped3A : memref<!tpu.dma_semaphore, #tpu.memory_space<semaphore_mem>>) src(%dma_wait3A_37 : memref<64xi32, #tpu.memory_space<hbm>>) dst(%arg8 : memref<64xi32, #tpu.memory_space<vmem>>)
        tpu.yield
      }) : () -> ()
      "tpu.region"() ({
        %run_scoped3A = tpu.sem_alloc : memref<!tpu.dma_semaphore, #tpu.memory_space<semaphore_mem>>
        %dma_start3A_34 = tpu.memref_slice %arg5[%add3A_11] : memref<163840xi32, #tpu.memory_space<hbm>> -> memref<64xi32, #tpu.memory_space<hbm>>
        %dma_start3A_35 = tpu.memref_slice %arg5[%add3A_11] : memref<163840xi32, #tpu.memory_space<hbm>> -> memref<64xi32, #tpu.memory_space<hbm>>
        tpu.enqueue_dma source(%dma_start3A_35 : memref<64xi32, #tpu.memory_space<hbm>>) target(%arg9 : memref<64xi32, #tpu.memory_space<vmem>>) target_semaphore(%run_scoped3A : memref<!tpu.dma_semaphore, #tpu.memory_space<semaphore_mem>>)
        %dma_wait3A_36 = tpu.memref_slice %arg5[%add3A_11] : memref<163840xi32, #tpu.memory_space<hbm>> -> memref<64xi32, #tpu.memory_space<hbm>>
        %dma_wait3A_37 = tpu.memref_slice %arg5[%add3A_11] : memref<163840xi32, #tpu.memory_space<hbm>> -> memref<64xi32, #tpu.memory_space<hbm>>
        tpu.wait_dma2 semaphore(%run_scoped3A : memref<!tpu.dma_semaphore, #tpu.memory_space<semaphore_mem>>) src(%dma_wait3A_37 : memref<64xi32, #tpu.memory_space<hbm>>) dst(%arg9 : memref<64xi32, #tpu.memory_space<vmem>>)
        tpu.yield
      }) : () -> ()
      %dma_start3A = arith.constant 0 : i32
      %dma_start3A_12 = arith.constant 0 : i32
      %dma_start3A_13 = tpu.memref_slice %arg2[%dma_start3A, %dma_start3A_12] : memref<10240x128xf32, #tpu.memory_space<hbm>> -> memref<10240x128xf32, #tpu.memory_space<hbm>>
      tpu.enqueue_indirect_dma source(%dma_start3A_13 : memref<10240x128xf32, #tpu.memory_space<hbm>>) target(%arg10 : memref<64x128xf32, #tpu.memory_space<vmem>>) offsets(%arg7 : memref<64xi32, #tpu.memory_space<vmem>>) semaphore(%arg13 : memref<!tpu.dma_semaphore, #tpu.memory_space<semaphore_mem>>)
      %dma_start3A_14 = arith.constant 0 : i32
      %dma_start3A_15 = arith.constant 0 : i32
      %dma_start3A_16 = tpu.memref_slice %arg2[%dma_start3A_14, %dma_start3A_15] : memref<10240x128xf32, #tpu.memory_space<hbm>> -> memref<10240x128xf32, #tpu.memory_space<hbm>>
      tpu.enqueue_indirect_dma source(%dma_start3A_16 : memref<10240x128xf32, #tpu.memory_space<hbm>>) target(%arg11 : memref<64x128xf32, #tpu.memory_space<vmem>>) offsets(%arg8 : memref<64xi32, #tpu.memory_space<vmem>>) semaphore(%arg14 : memref<!tpu.dma_semaphore, #tpu.memory_space<semaphore_mem>>)
      %dma_start3A_17 = arith.constant 0 : i32
      %dma_start3A_18 = arith.constant 0 : i32
      %dma_start3A_19 = tpu.memref_slice %arg2[%dma_start3A_17, %dma_start3A_18] : memref<10240x128xf32, #tpu.memory_space<hbm>> -> memref<10240x128xf32, #tpu.memory_space<hbm>>
      tpu.enqueue_indirect_dma source(%dma_start3A_19 : memref<10240x128xf32, #tpu.memory_space<hbm>>) target(%arg12 : memref<64x128xf32, #tpu.memory_space<vmem>>) offsets(%arg9 : memref<64xi32, #tpu.memory_space<vmem>>) semaphore(%arg15 : memref<!tpu.dma_semaphore, #tpu.memory_space<semaphore_mem>>)
      %dma_wait3A = arith.constant 0 : i32
      %dma_wait3A_20 = arith.constant 0 : i32
      %dma_wait3A_21 = tpu.memref_slice %arg2[%dma_wait3A, %dma_wait3A_20] : memref<10240x128xf32, #tpu.memory_space<hbm>> -> memref<10240x128xf32, #tpu.memory_space<hbm>>
      tpu.wait_indirect_dma semaphore(%arg13 : memref<!tpu.dma_semaphore, #tpu.memory_space<semaphore_mem>>) src(%dma_wait3A_21 : memref<10240x128xf32, #tpu.memory_space<hbm>>) dst(%arg10 : memref<64x128xf32, #tpu.memory_space<vmem>>)
      %dma_wait3A_22 = arith.constant 0 : i32
      %dma_wait3A_23 = arith.constant 0 : i32
      %dma_wait3A_24 = tpu.memref_slice %arg2[%dma_wait3A_22, %dma_wait3A_23] : memref<10240x128xf32, #tpu.memory_space<hbm>> -> memref<10240x128xf32, #tpu.memory_space<hbm>>
      tpu.wait_indirect_dma semaphore(%arg14 : memref<!tpu.dma_semaphore, #tpu.memory_space<semaphore_mem>>) src(%dma_wait3A_24 : memref<10240x128xf32, #tpu.memory_space<hbm>>) dst(%arg11 : memref<64x128xf32, #tpu.memory_space<vmem>>)
      %dma_wait3A_25 = arith.constant 0 : i32
      %dma_wait3A_26 = arith.constant 0 : i32
      %dma_wait3A_27 = tpu.memref_slice %arg2[%dma_wait3A_25, %dma_wait3A_26] : memref<10240x128xf32, #tpu.memory_space<hbm>> -> memref<10240x128xf32, #tpu.memory_space<hbm>>
      tpu.wait_indirect_dma semaphore(%arg15 : memref<!tpu.dma_semaphore, #tpu.memory_space<semaphore_mem>>) src(%dma_wait3A_27 : memref<10240x128xf32, #tpu.memory_space<hbm>>) dst(%arg12 : memref<64x128xf32, #tpu.memory_space<vmem>>)
      %scan3A_28 = arith.constant 0 : i32
      %scan3A_29 = arith.constant 0 : i32
      %scan3A_30 = arith.constant 64 : i32
      %scan3A_31 = arith.addi %scan3A_29, %scan3A_30 : i32
      %scan3A_32 = arith.constant 1 : i32
      scf.for %scan3A_34 = %scan3A_29 to %scan3A_31 step %scan3A_32  : i32 {
        %get3A = arith.index_cast %scan3A_34 : i32 to index
        %get3A_35 = arith.constant 0 : index
        %get3A_36 = tpu.vector_load %arg10[%get3A, %get3A_35] {strides = array<i32>} : memref<64x128xf32, #tpu.memory_space<vmem>>, vector<1x16xf32>,
        %get3A_37 = vector.shape_cast %get3A_36 : vector<1x16xf32> to vector<16xf32>
        %get3A_38 = arith.index_cast %scan3A_34 : i32 to index
        %get3A_39 = arith.constant 0 : index
        %get3A_40 = tpu.vector_load %arg11[%get3A_38, %get3A_39] {strides = array<i32>} : memref<64x128xf32, #tpu.memory_space<vmem>>, vector<1x16xf32>,
        %get3A_41 = vector.shape_cast %get3A_40 : vector<1x16xf32> to vector<16xf32>
        %add3A_42 = arith.addf %get3A_37, %get3A_41 : vector<16xf32>
        %get3A_43 = arith.index_cast %scan3A_34 : i32 to index
        %get3A_44 = arith.constant 0 : index
        %get3A_45 = tpu.vector_load %arg12[%get3A_43, %get3A_44] {strides = array<i32>} : memref<64x128xf32, #tpu.memory_space<vmem>>, vector<1x16xf32>,
        %get3A_46 = vector.shape_cast %get3A_45 : vector<1x16xf32> to vector<16xf32>
        %add3A_47 = arith.addf %add3A_42, %get3A_46 : vector<16xf32>
        %swap3A = arith.index_cast %scan3A_34 : i32 to index
        %swap3A_48 = arith.constant 0 : index
        %swap3A_49 = tpu.vector_load %arg10[%swap3A, %swap3A_48] {strides = array<i32>} : memref<64x128xf32, #tpu.memory_space<vmem>>, vector<1x16xf32>,
        %swap3A_50 = vector.shape_cast %swap3A_49 : vector<1x16xf32> to vector<16xf32>
        %swap3A_51 = vector.shape_cast %add3A_47 : vector<16xf32> to vector<1x16xf32>
        tpu.vector_store %arg10[%swap3A, %swap3A_48], %swap3A_51 {strides = array<i32>} : memref<64x128xf32, #tpu.memory_space<vmem>>, vector<1x16xf32>,
        %get3A_52 = arith.index_cast %scan3A_34 : i32 to index
        %get3A_53 = arith.constant 16 : index
        %get3A_54 = tpu.vector_load %arg10[%get3A_52, %get3A_53] {strides = array<i32>} : memref<64x128xf32, #tpu.memory_space<vmem>>, vector<1x16xf32>,
        %get3A_55 = vector.shape_cast %get3A_54 : vector<1x16xf32> to vector<16xf32>
        %get3A_56 = arith.index_cast %scan3A_34 : i32 to index
        %get3A_57 = arith.constant 16 : index
        %get3A_58 = tpu.vector_load %arg11[%get3A_56, %get3A_57] {strides = array<i32>} : memref<64x128xf32, #tpu.memory_space<vmem>>, vector<1x16xf32>,
        %get3A_59 = vector.shape_cast %get3A_58 : vector<1x16xf32> to vector<16xf32>
        %add3A_60 = arith.addf %get3A_55, %get3A_59 : vector<16xf32>
        %get3A_61 = arith.index_cast %scan3A_34 : i32 to index
        %get3A_62 = arith.constant 16 : index
        %get3A_63 = tpu.vector_load %arg12[%get3A_61, %get3A_62] {strides = array<i32>} : memref<64x128xf32, #tpu.memory_space<vmem>>, vector<1x16xf32>,
        %get3A_64 = vector.shape_cast %get3A_63 : vector<1x16xf32> to vector<16xf32>
        %add3A_65 = arith.addf %add3A_60, %get3A_64 : vector<16xf32>
        %swap3A_66 = arith.index_cast %scan3A_34 : i32 to index
        %swap3A_67 = arith.constant 16 : index
        %swap3A_68 = tpu.vector_load %arg10[%swap3A_66, %swap3A_67] {strides = array<i32>} : memref<64x128xf32, #tpu.memory_space<vmem>>, vector<1x16xf32>,
        %swap3A_69 = vector.shape_cast %swap3A_68 : vector<1x16xf32> to vector<16xf32>
        %swap3A_70 = vector.shape_cast %add3A_65 : vector<16xf32> to vector<1x16xf32>
        tpu.vector_store %arg10[%swap3A_66, %swap3A_67], %swap3A_70 {strides = array<i32>} : memref<64x128xf32, #tpu.memory_space<vmem>>, vector<1x16xf32>,
        %get3A_71 = arith.index_cast %scan3A_34 : i32 to index
        %get3A_72 = arith.constant 32 : index
        %get3A_73 = tpu.vector_load %arg10[%get3A_71, %get3A_72] {strides = array<i32>} : memref<64x128xf32, #tpu.memory_space<vmem>>, vector<1x16xf32>,
        %get3A_74 = vector.shape_cast %get3A_73 : vector<1x16xf32> to vector<16xf32>
        %get3A_75 = arith.index_cast %scan3A_34 : i32 to index
        %get3A_76 = arith.constant 32 : index
        %get3A_77 = tpu.vector_load %arg11[%get3A_75, %get3A_76] {strides = array<i32>} : memref<64x128xf32, #tpu.memory_space<vmem>>, vector<1x16xf32>,
        %get3A_78 = vector.shape_cast %get3A_77 : vector<1x16xf32> to vector<16xf32>
        %add3A_79 = arith.addf %get3A_74, %get3A_78 : vector<16xf32>
        %get3A_80 = arith.index_cast %scan3A_34 : i32 to index
        %get3A_81 = arith.constant 32 : index
        %get3A_82 = tpu.vector_load %arg12[%get3A_80, %get3A_81] {strides = array<i32>} : memref<64x128xf32, #tpu.memory_space<vmem>>, vector<1x16xf32>,
        %get3A_83 = vector.shape_cast %get3A_82 : vector<1x16xf32> to vector<16xf32>
        %add3A_84 = arith.addf %add3A_79, %get3A_83 : vector<16xf32>
        %swap3A_85 = arith.index_cast %scan3A_34 : i32 to index
        %swap3A_86 = arith.constant 32 : index
        %swap3A_87 = tpu.vector_load %arg10[%swap3A_85, %swap3A_86] {strides = array<i32>} : memref<64x128xf32, #tpu.memory_space<vmem>>, vector<1x16xf32>,
        %swap3A_88 = vector.shape_cast %swap3A_87 : vector<1x16xf32> to vector<16xf32>
        %swap3A_89 = vector.shape_cast %add3A_84 : vector<16xf32> to vector<1x16xf32>
        tpu.vector_store %arg10[%swap3A_85, %swap3A_86], %swap3A_89 {strides = array<i32>} : memref<64x128xf32, #tpu.memory_space<vmem>>, vector<1x16xf32>,
        %get3A_90 = arith.index_cast %scan3A_34 : i32 to index
        %get3A_91 = arith.constant 48 : index
        %get3A_92 = tpu.vector_load %arg10[%get3A_90, %get3A_91] {strides = array<i32>} : memref<64x128xf32, #tpu.memory_space<vmem>>, vector<1x16xf32>,
        %get3A_93 = vector.shape_cast %get3A_92 : vector<1x16xf32> to vector<16xf32>
        %get3A_94 = arith.index_cast %scan3A_34 : i32 to index
        %get3A_95 = arith.constant 48 : index
        %get3A_96 = tpu.vector_load %arg11[%get3A_94, %get3A_95] {strides = array<i32>} : memref<64x128xf32, #tpu.memory_space<vmem>>, vector<1x16xf32>,
        %get3A_97 = vector.shape_cast %get3A_96 : vector<1x16xf32> to vector<16xf32>
        %add3A_98 = arith.addf %get3A_93, %get3A_97 : vector<16xf32>
        %get3A_99 = arith.index_cast %scan3A_34 : i32 to index
        %get3A_100 = arith.constant 48 : index
        %get3A_101 = tpu.vector_load %arg12[%get3A_99, %get3A_100] {strides = array<i32>} : memref<64x128xf32, #tpu.memory_space<vmem>>, vector<1x16xf32>,
        %get3A_102 = vector.shape_cast %get3A_101 : vector<1x16xf32> to vector<16xf32>
        %add3A_103 = arith.addf %add3A_98, %get3A_102 : vector<16xf32>
        %swap3A_104 = arith.index_cast %scan3A_34 : i32 to index
        %swap3A_105 = arith.constant 48 : index
        %swap3A_106 = tpu.vector_load %arg10[%swap3A_104, %swap3A_105] {strides = array<i32>} : memref<64x128xf32, #tpu.memory_space<vmem>>, vector<1x16xf32>,
        %swap3A_107 = vector.shape_cast %swap3A_106 : vector<1x16xf32> to vector<16xf32>
        %swap3A_108 = vector.shape_cast %add3A_103 : vector<16xf32> to vector<1x16xf32>
        tpu.vector_store %arg10[%swap3A_104, %swap3A_105], %swap3A_108 {strides = array<i32>} : memref<64x128xf32, #tpu.memory_space<vmem>>, vector<1x16xf32>,
        %get3A_109 = arith.index_cast %scan3A_34 : i32 to index
        %get3A_110 = arith.constant 64 : index
        %get3A_111 = tpu.vector_load %arg10[%get3A_109, %get3A_110] {strides = array<i32>} : memref<64x128xf32, #tpu.memory_space<vmem>>, vector<1x16xf32>,
        %get3A_112 = vector.shape_cast %get3A_111 : vector<1x16xf32> to vector<16xf32>
        %get3A_113 = arith.index_cast %scan3A_34 : i32 to index
        %get3A_114 = arith.constant 64 : index
        %get3A_115 = tpu.vector_load %arg11[%get3A_113, %get3A_114] {strides = array<i32>} : memref<64x128xf32, #tpu.memory_space<vmem>>, vector<1x16xf32>,
        %get3A_116 = vector.shape_cast %get3A_115 : vector<1x16xf32> to vector<16xf32>
        %add3A_117 = arith.addf %get3A_112, %get3A_116 : vector<16xf32>
        %get3A_118 = arith.index_cast %scan3A_34 : i32 to index
        %get3A_119 = arith.constant 64 : index
        %get3A_120 = tpu.vector_load %arg12[%get3A_118, %get3A_119] {strides = array<i32>} : memref<64x128xf32, #tpu.memory_space<vmem>>, vector<1x16xf32>,
        %get3A_121 = vector.shape_cast %get3A_120 : vector<1x16xf32> to vector<16xf32>
        %add3A_122 = arith.addf %add3A_117, %get3A_121 : vector<16xf32>
        %swap3A_123 = arith.index_cast %scan3A_34 : i32 to index
        %swap3A_124 = arith.constant 64 : index
        %swap3A_125 = tpu.vector_load %arg10[%swap3A_123, %swap3A_124] {strides = array<i32>} : memref<64x128xf32, #tpu.memory_space<vmem>>, vector<1x16xf32>,
        %swap3A_126 = vector.shape_cast %swap3A_125 : vector<1x16xf32> to vector<16xf32>
        %swap3A_127 = vector.shape_cast %add3A_122 : vector<16xf32> to vector<1x16xf32>
        tpu.vector_store %arg10[%swap3A_123, %swap3A_124], %swap3A_127 {strides = array<i32>} : memref<64x128xf32, #tpu.memory_space<vmem>>, vector<1x16xf32>,
        %get3A_128 = arith.index_cast %scan3A_34 : i32 to index
        %get3A_129 = arith.constant 80 : index
        %get3A_130 = tpu.vector_load %arg10[%get3A_128, %get3A_129] {strides = array<i32>} : memref<64x128xf32, #tpu.memory_space<vmem>>, vector<1x16xf32>,
        %get3A_131 = vector.shape_cast %get3A_130 : vector<1x16xf32> to vector<16xf32>
        %get3A_132 = arith.index_cast %scan3A_34 : i32 to index
        %get3A_133 = arith.constant 80 : index
        %get3A_134 = tpu.vector_load %arg11[%get3A_132, %get3A_133] {strides = array<i32>} : memref<64x128xf32, #tpu.memory_space<vmem>>, vector<1x16xf32>,
        %get3A_135 = vector.shape_cast %get3A_134 : vector<1x16xf32> to vector<16xf32>
        %add3A_136 = arith.addf %get3A_131, %get3A_135 : vector<16xf32>
        %get3A_137 = arith.index_cast %scan3A_34 : i32 to index
        %get3A_138 = arith.constant 80 : index
        %get3A_139 = tpu.vector_load %arg12[%get3A_137, %get3A_138] {strides = array<i32>} : memref<64x128xf32, #tpu.memory_space<vmem>>, vector<1x16xf32>,
        %get3A_140 = vector.shape_cast %get3A_139 : vector<1x16xf32> to vector<16xf32>
        %add3A_141 = arith.addf %add3A_136, %get3A_140 : vector<16xf32>
        %swap3A_142 = arith.index_cast %scan3A_34 : i32 to index
        %swap3A_143 = arith.constant 80 : index
        %swap3A_144 = tpu.vector_load %arg10[%swap3A_142, %swap3A_143] {strides = array<i32>} : memref<64x128xf32, #tpu.memory_space<vmem>>, vector<1x16xf32>,
        %swap3A_145 = vector.shape_cast %swap3A_144 : vector<1x16xf32> to vector<16xf32>
        %swap3A_146 = vector.shape_cast %add3A_141 : vector<16xf32> to vector<1x16xf32>
        tpu.vector_store %arg10[%swap3A_142, %swap3A_143], %swap3A_146 {strides = array<i32>} : memref<64x128xf32, #tpu.memory_space<vmem>>, vector<1x16xf32>,
        %get3A_147 = arith.index_cast %scan3A_34 : i32 to index
        %get3A_148 = arith.constant 96 : index
        %get3A_149 = tpu.vector_load %arg10[%get3A_147, %get3A_148] {strides = array<i32>} : memref<64x128xf32, #tpu.memory_space<vmem>>, vector<1x16xf32>,
        %get3A_150 = vector.shape_cast %get3A_149 : vector<1x16xf32> to vector<16xf32>
        %get3A_151 = arith.index_cast %scan3A_34 : i32 to index
        %get3A_152 = arith.constant 96 : index
        %get3A_153 = tpu.vector_load %arg11[%get3A_151, %get3A_152] {strides = array<i32>} : memref<64x128xf32, #tpu.memory_space<vmem>>, vector<1x16xf32>,
        %get3A_154 = vector.shape_cast %get3A_153 : vector<1x16xf32> to vector<16xf32>
        %add3A_155 = arith.addf %get3A_150, %get3A_154 : vector<16xf32>
        %get3A_156 = arith.index_cast %scan3A_34 : i32 to index
        %get3A_157 = arith.constant 96 : index
        %get3A_158 = tpu.vector_load %arg12[%get3A_156, %get3A_157] {strides = array<i32>} : memref<64x128xf32, #tpu.memory_space<vmem>>, vector<1x16xf32>,
        %get3A_159 = vector.shape_cast %get3A_158 : vector<1x16xf32> to vector<16xf32>
        %add3A_160 = arith.addf %add3A_155, %get3A_159 : vector<16xf32>
        %swap3A_161 = arith.index_cast %scan3A_34 : i32 to index
        %swap3A_162 = arith.constant 96 : index
        %swap3A_163 = tpu.vector_load %arg10[%swap3A_161, %swap3A_162] {strides = array<i32>} : memref<64x128xf32, #tpu.memory_space<vmem>>, vector<1x16xf32>,
        %swap3A_164 = vector.shape_cast %swap3A_163 : vector<1x16xf32> to vector<16xf32>
        %swap3A_165 = vector.shape_cast %add3A_160 : vector<16xf32> to vector<1x16xf32>
        tpu.vector_store %arg10[%swap3A_161, %swap3A_162], %swap3A_165 {strides = array<i32>} : memref<64x128xf32, #tpu.memory_space<vmem>>, vector<1x16xf32>,
        %get3A_166 = arith.index_cast %scan3A_34 : i32 to index
        %get3A_167 = arith.constant 112 : index
        %get3A_168 = tpu.vector_load %arg10[%get3A_166, %get3A_167] {strides = array<i32>} : memref<64x128xf32, #tpu.memory_space<vmem>>, vector<1x16xf32>,
        %get3A_169 = vector.shape_cast %get3A_168 : vector<1x16xf32> to vector<16xf32>
        %get3A_170 = arith.index_cast %scan3A_34 : i32 to index
        %get3A_171 = arith.constant 112 : index
        %get3A_172 = tpu.vector_load %arg11[%get3A_170, %get3A_171] {strides = array<i32>} : memref<64x128xf32, #tpu.memory_space<vmem>>, vector<1x16xf32>,
        %get3A_173 = vector.shape_cast %get3A_172 : vector<1x16xf32> to vector<16xf32>
        %add3A_174 = arith.addf %get3A_169, %get3A_173 : vector<16xf32>
        %get3A_175 = arith.index_cast %scan3A_34 : i32 to index
        %get3A_176 = arith.constant 112 : index
        %get3A_177 = tpu.vector_load %arg12[%get3A_175, %get3A_176] {strides = array<i32>} : memref<64x128xf32, #tpu.memory_space<vmem>>, vector<1x16xf32>,
        %get3A_178 = vector.shape_cast %get3A_177 : vector<1x16xf32> to vector<16xf32>
        %add3A_179 = arith.addf %add3A_174, %get3A_178 : vector<16xf32>
        %swap3A_180 = arith.index_cast %scan3A_34 : i32 to index
        %swap3A_181 = arith.constant 112 : index
        %swap3A_182 = tpu.vector_load %arg10[%swap3A_180, %swap3A_181] {strides = array<i32>} : memref<64x128xf32, #tpu.memory_space<vmem>>, vector<1x16xf32>,
        %swap3A_183 = vector.shape_cast %swap3A_182 : vector<1x16xf32> to vector<16xf32>
        %swap3A_184 = vector.shape_cast %add3A_179 : vector<16xf32> to vector<1x16xf32>
        tpu.vector_store %arg10[%swap3A_180, %swap3A_181], %swap3A_184 {strides = array<i32>} : memref<64x128xf32, #tpu.memory_space<vmem>>, vector<1x16xf32>,
      }
      %scan3A_33 = arith.constant 64 : i32
      "tpu.region"() ({
        %run_scoped3A = tpu.sem_alloc : memref<!tpu.dma_semaphore, #tpu.memory_space<semaphore_mem>>
        %dma_start3A_34 = arith.constant 0 : i32
        %dma_start3A_35 = tpu.memref_slice %arg6[%add3A_11, %dma_start3A_34] : memref<163840x128xf32, #tpu.memory_space<hbm>> -> memref<64x128xf32, #tpu.memory_space<hbm>>
        %dma_start3A_36 = arith.constant 0 : i32
        %dma_start3A_37 = tpu.memref_slice %arg6[%add3A_11, %dma_start3A_36] : memref<163840x128xf32, #tpu.memory_space<hbm>> -> memref<64x128xf32, #tpu.memory_space<hbm>>
        tpu.enqueue_dma source(%arg10 : memref<64x128xf32, #tpu.memory_space<vmem>>) target(%dma_start3A_37 : memref<64x128xf32, #tpu.memory_space<hbm>>) target_semaphore(%run_scoped3A : memref<!tpu.dma_semaphore, #tpu.memory_space<semaphore_mem>>)
        %dma_wait3A_38 = arith.constant 0 : i32
        %dma_wait3A_39 = tpu.memref_slice %arg6[%add3A_11, %dma_wait3A_38] : memref<163840x128xf32, #tpu.memory_space<hbm>> -> memref<64x128xf32, #tpu.memory_space<hbm>>
        %dma_wait3A_40 = arith.constant 0 : i32
        %dma_wait3A_41 = tpu.memref_slice %arg6[%add3A_11, %dma_wait3A_40] : memref<163840x128xf32, #tpu.memory_space<hbm>> -> memref<64x128xf32, #tpu.memory_space<hbm>>
        tpu.wait_dma2 semaphore(%run_scoped3A : memref<!tpu.dma_semaphore, #tpu.memory_space<semaphore_mem>>) src(%arg10 : memref<64x128xf32, #tpu.memory_space<vmem>>) dst(%dma_wait3A_41 : memref<64x128xf32, #tpu.memory_space<hbm>>)
        tpu.yield
      }) : () -> ()
    }
    %scan3A_7 = arith.constant 80 : i32
    return
  }
}

#map = affine_map<(d0, d1) -> (0, 0)>
#map1 = affine_map<(d0, d1) -> (0)>
#map2 = affine_map<(d0, d1) -> (0, 0, 0)>
module attributes {stable_mosaic.version = 14 : i64} {
  func.func @_sc_b1(%arg0: i32, %arg1: i32, %arg2: memref<163840x128xf32, #tpu.memory_space<hbm>>, %arg3: memref<163840xi32, #tpu.memory_space<hbm>>, %arg4: memref<163840xi32, #tpu.memory_space<hbm>>, %arg5: memref<163840xi32, #tpu.memory_space<hbm>>, %arg6: memref<10240x128xf32, #tpu.memory_space<hbm>>, %arg7: memref<2x10240x128xf32, #tpu.memory_space<hbm>>, %arg8: memref<10240x128xf32, #tpu.memory_space<vmem_shared>>, %arg9: memref<128xi32, #tpu.memory_space<vmem>>, %arg10: memref<128xi32, #tpu.memory_space<vmem>>, %arg11: memref<128xi32, #tpu.memory_space<vmem>>, %arg12: memref<128x128xf32, #tpu.memory_space<vmem>>) attributes {dimension_semantics = [#tpu.dimension_semantics<core_parallel>, #tpu.dimension_semantics<subcore_parallel>], iteration_bounds = array<i64: 2, 16>, scalar_prefetch = 0 : i64, scratch_operands = 5 : i64, tpu.core_type = #tpu.core_type<sc_vector_subcore>, window_params = [{transform_indices = #map}, {transform_indices = #map1}, {transform_indices = #map1}, {transform_indices = #map1}, {transform_indices = #map}, {transform_indices = #map2}]} {
    %mul3A = arith.constant 2 : i32
    %mul3A_0 = arith.muli %arg1, %mul3A : i32
    %add3A = arith.addi %mul3A_0, %arg0 : i32
    %mul3A_1 = arith.constant 640 : i32
    %mul3A_2 = arith.muli %arg1, %mul3A_1 : i32
    "tpu.region"() ({
      %run_scoped3A = tpu.sem_alloc : memref<!tpu.dma_semaphore, #tpu.memory_space<semaphore_mem>>
      %dma_start3A = arith.constant 0 : i32
      %dma_start3A_11 = tpu.memref_slice %arg8[%mul3A_2, %dma_start3A] : memref<10240x128xf32, #tpu.memory_space<vmem_shared>> -> memref<640x128xf32, #tpu.memory_space<vmem_shared>>
      %dma_start3A_12 = arith.constant 0 : i32
      %dma_start3A_13 = tpu.memref_slice %arg6[%mul3A_2, %dma_start3A_12] : memref<10240x128xf32, #tpu.memory_space<hbm>> -> memref<640x128xf32, #tpu.memory_space<hbm>>
      tpu.enqueue_dma source(%dma_start3A_13 : memref<640x128xf32, #tpu.memory_space<hbm>>) target(%dma_start3A_11 : memref<640x128xf32, #tpu.memory_space<vmem_shared>>) target_semaphore(%run_scoped3A : memref<!tpu.dma_semaphore, #tpu.memory_space<semaphore_mem>>)
      %dma_wait3A = arith.constant 0 : i32
      %dma_wait3A_14 = tpu.memref_slice %arg8[%mul3A_2, %dma_wait3A] : memref<10240x128xf32, #tpu.memory_space<vmem_shared>> -> memref<640x128xf32, #tpu.memory_space<vmem_shared>>
      %dma_wait3A_15 = arith.constant 0 : i32
      %dma_wait3A_16 = tpu.memref_slice %arg6[%mul3A_2, %dma_wait3A_15] : memref<10240x128xf32, #tpu.memory_space<hbm>> -> memref<640x128xf32, #tpu.memory_space<hbm>>
      tpu.wait_dma2 semaphore(%run_scoped3A : memref<!tpu.dma_semaphore, #tpu.memory_space<semaphore_mem>>) src(%dma_wait3A_16 : memref<640x128xf32, #tpu.memory_space<hbm>>) dst(%dma_wait3A_14 : memref<640x128xf32, #tpu.memory_space<vmem_shared>>)
      tpu.yield
    }) : () -> ()
    %barrier3A = arith.constant 0 : index
    tpu.barrier barrier_id(%barrier3A)
    %mul3A_3 = arith.constant 5120 : i32
    %mul3A_4 = arith.muli %add3A, %mul3A_3 : i32
    %scan3A = arith.constant 0 : i32
    %scan3A_5 = arith.constant 0 : i32
    %scan3A_6 = arith.constant 40 : i32
    %scan3A_7 = arith.addi %scan3A_5, %scan3A_6 : i32
    %scan3A_8 = arith.constant 1 : i32
    scf.for %scan3A_11 = %scan3A_5 to %scan3A_7 step %scan3A_8  : i32 {
      %mul3A_12 = arith.constant 128 : i32
      %mul3A_13 = arith.muli %scan3A_11, %mul3A_12 : i32
      %add3A_14 = arith.addi %mul3A_4, %mul3A_13 : i32
      "tpu.region"() ({
        %run_scoped3A = tpu.sem_alloc : memref<!tpu.dma_semaphore, #tpu.memory_space<semaphore_mem>>
        %dma_start3A = tpu.memref_slice %arg3[%add3A_14] : memref<163840xi32, #tpu.memory_space<hbm>> -> memref<128xi32, #tpu.memory_space<hbm>>
        %dma_start3A_15 = tpu.memref_slice %arg3[%add3A_14] : memref<163840xi32, #tpu.memory_space<hbm>> -> memref<128xi32, #tpu.memory_space<hbm>>
        tpu.enqueue_dma source(%dma_start3A_15 : memref<128xi32, #tpu.memory_space<hbm>>) target(%arg9 : memref<128xi32, #tpu.memory_space<vmem>>) target_semaphore(%run_scoped3A : memref<!tpu.dma_semaphore, #tpu.memory_space<semaphore_mem>>)
        %dma_wait3A = tpu.memref_slice %arg3[%add3A_14] : memref<163840xi32, #tpu.memory_space<hbm>> -> memref<128xi32, #tpu.memory_space<hbm>>
        %dma_wait3A_16 = tpu.memref_slice %arg3[%add3A_14] : memref<163840xi32, #tpu.memory_space<hbm>> -> memref<128xi32, #tpu.memory_space<hbm>>
        tpu.wait_dma2 semaphore(%run_scoped3A : memref<!tpu.dma_semaphore, #tpu.memory_space<semaphore_mem>>) src(%dma_wait3A_16 : memref<128xi32, #tpu.memory_space<hbm>>) dst(%arg9 : memref<128xi32, #tpu.memory_space<vmem>>)
        tpu.yield
      }) : () -> ()
      "tpu.region"() ({
        %run_scoped3A = tpu.sem_alloc : memref<!tpu.dma_semaphore, #tpu.memory_space<semaphore_mem>>
        %dma_start3A = tpu.memref_slice %arg4[%add3A_14] : memref<163840xi32, #tpu.memory_space<hbm>> -> memref<128xi32, #tpu.memory_space<hbm>>
        %dma_start3A_15 = tpu.memref_slice %arg4[%add3A_14] : memref<163840xi32, #tpu.memory_space<hbm>> -> memref<128xi32, #tpu.memory_space<hbm>>
        tpu.enqueue_dma source(%dma_start3A_15 : memref<128xi32, #tpu.memory_space<hbm>>) target(%arg10 : memref<128xi32, #tpu.memory_space<vmem>>) target_semaphore(%run_scoped3A : memref<!tpu.dma_semaphore, #tpu.memory_space<semaphore_mem>>)
        %dma_wait3A = tpu.memref_slice %arg4[%add3A_14] : memref<163840xi32, #tpu.memory_space<hbm>> -> memref<128xi32, #tpu.memory_space<hbm>>
        %dma_wait3A_16 = tpu.memref_slice %arg4[%add3A_14] : memref<163840xi32, #tpu.memory_space<hbm>> -> memref<128xi32, #tpu.memory_space<hbm>>
        tpu.wait_dma2 semaphore(%run_scoped3A : memref<!tpu.dma_semaphore, #tpu.memory_space<semaphore_mem>>) src(%dma_wait3A_16 : memref<128xi32, #tpu.memory_space<hbm>>) dst(%arg10 : memref<128xi32, #tpu.memory_space<vmem>>)
        tpu.yield
      }) : () -> ()
      "tpu.region"() ({
        %run_scoped3A = tpu.sem_alloc : memref<!tpu.dma_semaphore, #tpu.memory_space<semaphore_mem>>
        %dma_start3A = tpu.memref_slice %arg5[%add3A_14] : memref<163840xi32, #tpu.memory_space<hbm>> -> memref<128xi32, #tpu.memory_space<hbm>>
        %dma_start3A_15 = tpu.memref_slice %arg5[%add3A_14] : memref<163840xi32, #tpu.memory_space<hbm>> -> memref<128xi32, #tpu.memory_space<hbm>>
        tpu.enqueue_dma source(%dma_start3A_15 : memref<128xi32, #tpu.memory_space<hbm>>) target(%arg11 : memref<128xi32, #tpu.memory_space<vmem>>) target_semaphore(%run_scoped3A : memref<!tpu.dma_semaphore, #tpu.memory_space<semaphore_mem>>)
        %dma_wait3A = tpu.memref_slice %arg5[%add3A_14] : memref<163840xi32, #tpu.memory_space<hbm>> -> memref<128xi32, #tpu.memory_space<hbm>>
        %dma_wait3A_16 = tpu.memref_slice %arg5[%add3A_14] : memref<163840xi32, #tpu.memory_space<hbm>> -> memref<128xi32, #tpu.memory_space<hbm>>
        tpu.wait_dma2 semaphore(%run_scoped3A : memref<!tpu.dma_semaphore, #tpu.memory_space<semaphore_mem>>) src(%dma_wait3A_16 : memref<128xi32, #tpu.memory_space<hbm>>) dst(%arg11 : memref<128xi32, #tpu.memory_space<vmem>>)
        tpu.yield
      }) : () -> ()
      "tpu.region"() ({
        %run_scoped3A = tpu.sem_alloc : memref<!tpu.dma_semaphore, #tpu.memory_space<semaphore_mem>>
        %dma_start3A = arith.constant 0 : i32
        %dma_start3A_15 = tpu.memref_slice %arg2[%add3A_14, %dma_start3A] : memref<163840x128xf32, #tpu.memory_space<hbm>> -> memref<128x128xf32, #tpu.memory_space<hbm>>
        %dma_start3A_16 = arith.constant 0 : i32
        %dma_start3A_17 = tpu.memref_slice %arg2[%add3A_14, %dma_start3A_16] : memref<163840x128xf32, #tpu.memory_space<hbm>> -> memref<128x128xf32, #tpu.memory_space<hbm>>
        tpu.enqueue_dma source(%dma_start3A_17 : memref<128x128xf32, #tpu.memory_space<hbm>>) target(%arg12 : memref<128x128xf32, #tpu.memory_space<vmem>>) target_semaphore(%run_scoped3A : memref<!tpu.dma_semaphore, #tpu.memory_space<semaphore_mem>>)
        %dma_wait3A = arith.constant 0 : i32
        %dma_wait3A_18 = tpu.memref_slice %arg2[%add3A_14, %dma_wait3A] : memref<163840x128xf32, #tpu.memory_space<hbm>> -> memref<128x128xf32, #tpu.memory_space<hbm>>
        %dma_wait3A_19 = arith.constant 0 : i32
        %dma_wait3A_20 = tpu.memref_slice %arg2[%add3A_14, %dma_wait3A_19] : memref<163840x128xf32, #tpu.memory_space<hbm>> -> memref<128x128xf32, #tpu.memory_space<hbm>>
        tpu.wait_dma2 semaphore(%run_scoped3A : memref<!tpu.dma_semaphore, #tpu.memory_space<semaphore_mem>>) src(%dma_wait3A_20 : memref<128x128xf32, #tpu.memory_space<hbm>>) dst(%arg12 : memref<128x128xf32, #tpu.memory_space<vmem>>)
        tpu.yield
      }) : () -> ()
      "tpu.region"() ({
        %run_scoped3A = tpu.sem_alloc : memref<!tpu.dma_semaphore, #tpu.memory_space<semaphore_mem>>
        %dma_start3A = arith.constant 0 : i32
        %dma_start3A_15 = arith.constant 0 : i32
        %dma_start3A_16 = tpu.memref_slice %arg8[%dma_start3A, %dma_start3A_15] : memref<10240x128xf32, #tpu.memory_space<vmem_shared>> -> memref<10240x128xf32, #tpu.memory_space<vmem_shared>>
        tpu.enqueue_indirect_dma source(%arg12 : memref<128x128xf32, #tpu.memory_space<vmem>>) target(%dma_start3A_16 : memref<10240x128xf32, #tpu.memory_space<vmem_shared>>) offsets(%arg9 : memref<128xi32, #tpu.memory_space<vmem>>) semaphore(%run_scoped3A : memref<!tpu.dma_semaphore, #tpu.memory_space<semaphore_mem>>) {add = true}
        %dma_wait3A = arith.constant 0 : i32
        %dma_wait3A_17 = arith.constant 0 : i32
        %dma_wait3A_18 = tpu.memref_slice %arg8[%dma_wait3A, %dma_wait3A_17] : memref<10240x128xf32, #tpu.memory_space<vmem_shared>> -> memref<10240x128xf32, #tpu.memory_space<vmem_shared>>
        tpu.wait_indirect_dma semaphore(%run_scoped3A : memref<!tpu.dma_semaphore, #tpu.memory_space<semaphore_mem>>) src(%arg12 : memref<128x128xf32, #tpu.memory_space<vmem>>) dst(%dma_wait3A_18 : memref<10240x128xf32, #tpu.memory_space<vmem_shared>>)
        tpu.yield
      }) : () -> ()
      "tpu.region"() ({
        %run_scoped3A = tpu.sem_alloc : memref<!tpu.dma_semaphore, #tpu.memory_space<semaphore_mem>>
        %dma_start3A = arith.constant 0 : i32
        %dma_start3A_15 = arith.constant 0 : i32
        %dma_start3A_16 = tpu.memref_slice %arg8[%dma_start3A, %dma_start3A_15] : memref<10240x128xf32, #tpu.memory_space<vmem_shared>> -> memref<10240x128xf32, #tpu.memory_space<vmem_shared>>
        tpu.enqueue_indirect_dma source(%arg12 : memref<128x128xf32, #tpu.memory_space<vmem>>) target(%dma_start3A_16 : memref<10240x128xf32, #tpu.memory_space<vmem_shared>>) offsets(%arg10 : memref<128xi32, #tpu.memory_space<vmem>>) semaphore(%run_scoped3A : memref<!tpu.dma_semaphore, #tpu.memory_space<semaphore_mem>>) {add = true}
        %dma_wait3A = arith.constant 0 : i32
        %dma_wait3A_17 = arith.constant 0 : i32
        %dma_wait3A_18 = tpu.memref_slice %arg8[%dma_wait3A, %dma_wait3A_17] : memref<10240x128xf32, #tpu.memory_space<vmem_shared>> -> memref<10240x128xf32, #tpu.memory_space<vmem_shared>>
        tpu.wait_indirect_dma semaphore(%run_scoped3A : memref<!tpu.dma_semaphore, #tpu.memory_space<semaphore_mem>>) src(%arg12 : memref<128x128xf32, #tpu.memory_space<vmem>>) dst(%dma_wait3A_18 : memref<10240x128xf32, #tpu.memory_space<vmem_shared>>)
        tpu.yield
      }) : () -> ()
      "tpu.region"() ({
        %run_scoped3A = tpu.sem_alloc : memref<!tpu.dma_semaphore, #tpu.memory_space<semaphore_mem>>
        %dma_start3A = arith.constant 0 : i32
        %dma_start3A_15 = arith.constant 0 : i32
        %dma_start3A_16 = tpu.memref_slice %arg8[%dma_start3A, %dma_start3A_15] : memref<10240x128xf32, #tpu.memory_space<vmem_shared>> -> memref<10240x128xf32, #tpu.memory_space<vmem_shared>>
        tpu.enqueue_indirect_dma source(%arg12 : memref<128x128xf32, #tpu.memory_space<vmem>>) target(%dma_start3A_16 : memref<10240x128xf32, #tpu.memory_space<vmem_shared>>) offsets(%arg11 : memref<128xi32, #tpu.memory_space<vmem>>) semaphore(%run_scoped3A : memref<!tpu.dma_semaphore, #tpu.memory_space<semaphore_mem>>) {add = true}
        %dma_wait3A = arith.constant 0 : i32
        %dma_wait3A_17 = arith.constant 0 : i32
        %dma_wait3A_18 = tpu.memref_slice %arg8[%dma_wait3A, %dma_wait3A_17] : memref<10240x128xf32, #tpu.memory_space<vmem_shared>> -> memref<10240x128xf32, #tpu.memory_space<vmem_shared>>
        tpu.wait_indirect_dma semaphore(%run_scoped3A : memref<!tpu.dma_semaphore, #tpu.memory_space<semaphore_mem>>) src(%arg12 : memref<128x128xf32, #tpu.memory_space<vmem>>) dst(%dma_wait3A_18 : memref<10240x128xf32, #tpu.memory_space<vmem_shared>>)
        tpu.yield
      }) : () -> ()
    }
    %scan3A_9 = arith.constant 40 : i32
    %barrier3A_10 = arith.constant 0 : index
    tpu.barrier barrier_id(%barrier3A_10)
    "tpu.region"() ({
      %run_scoped3A = tpu.sem_alloc : memref<!tpu.dma_semaphore, #tpu.memory_space<semaphore_mem>>
      %dma_start3A = arith.constant 0 : i32
      %dma_start3A_11 = tpu.memref_slice %arg7[%arg0, %mul3A_2, %dma_start3A] : memref<2x10240x128xf32, #tpu.memory_space<hbm>> -> memref<1x640x128xf32, #tpu.memory_space<hbm>>
      %dma_start3A_12 = tpu.memref_squeeze %dma_start3A_11 : memref<1x640x128xf32, #tpu.memory_space<hbm>> -> memref<640x128xf32, #tpu.memory_space<hbm>>
      %dma_start3A_13 = arith.constant 0 : i32
      %dma_start3A_14 = tpu.memref_slice %arg8[%mul3A_2, %dma_start3A_13] : memref<10240x128xf32, #tpu.memory_space<vmem_shared>> -> memref<640x128xf32, #tpu.memory_space<vmem_shared>>
      tpu.enqueue_dma source(%dma_start3A_14 : memref<640x128xf32, #tpu.memory_space<vmem_shared>>) target(%dma_start3A_12 : memref<640x128xf32, #tpu.memory_space<hbm>>) target_semaphore(%run_scoped3A : memref<!tpu.dma_semaphore, #tpu.memory_space<semaphore_mem>>)
      %dma_wait3A = arith.constant 0 : i32
      %dma_wait3A_15 = tpu.memref_slice %arg7[%arg0, %mul3A_2, %dma_wait3A] : memref<2x10240x128xf32, #tpu.memory_space<hbm>> -> memref<1x640x128xf32, #tpu.memory_space<hbm>>
      %dma_wait3A_16 = tpu.memref_squeeze %dma_wait3A_15 : memref<1x640x128xf32, #tpu.memory_space<hbm>> -> memref<640x128xf32, #tpu.memory_space<hbm>>
      %dma_wait3A_17 = arith.constant 0 : i32
      %dma_wait3A_18 = tpu.memref_slice %arg8[%mul3A_2, %dma_wait3A_17] : memref<10240x128xf32, #tpu.memory_space<vmem_shared>> -> memref<640x128xf32, #tpu.memory_space<vmem_shared>>
      tpu.wait_dma2 semaphore(%run_scoped3A : memref<!tpu.dma_semaphore, #tpu.memory_space<semaphore_mem>>) src(%dma_wait3A_18 : memref<640x128xf32, #tpu.memory_space<vmem_shared>>) dst(%dma_wait3A_16 : memref<640x128xf32, #tpu.memory_space<hbm>>)
      tpu.yield
    }) : () -> ()
    return
  }
}

#map = affine_map<(d0, d1) -> (0, 0)>
#map1 = affine_map<(d0, d1) -> (0)>
module attributes {stable_mosaic.version = 14 : i64} {
  func.func @k(%arg0: i32, %arg1: i32, %arg2: memref<5000x128xf32, #tpu.memory_space<hbm>>, %arg3: memref<10240xi32, #tpu.memory_space<hbm>>, %arg4: memref<10240x128xf32, #tpu.memory_space<hbm>>, %arg5: memref<64xi32, #tpu.memory_space<vmem>>, %arg6: memref<64x128xf32, #tpu.memory_space<vmem>>, %arg7: memref<!tpu.dma_semaphore, #tpu.memory_space<semaphore_mem>>) attributes {dimension_semantics = [#tpu.dimension_semantics<core_parallel>, #tpu.dimension_semantics<subcore_parallel>], iteration_bounds = array<i64: 2, 16>, scalar_prefetch = 0 : i64, scratch_operands = 3 : i64, tpu.core_type = #tpu.core_type<sc_vector_subcore>, window_params = [{transform_indices = #map}, {transform_indices = #map1}, {transform_indices = #map}]} {
    %mul3A = arith.constant 2 : i32
    %mul3A_0 = arith.muli %arg1, %mul3A : i32
    %add3A = arith.addi %mul3A_0, %arg0 : i32
    %mul3A_1 = arith.constant 320 : i32
    %mul3A_2 = arith.muli %add3A, %mul3A_1 : i32
    %add3A_3 = arith.constant 0 : i32
    %add3A_4 = arith.addi %mul3A_2, %add3A_3 : i32
    "tpu.region"() ({
      %run_scoped3A = tpu.sem_alloc : memref<!tpu.dma_semaphore, #tpu.memory_space<semaphore_mem>>
      %dma_start3A_41 = tpu.memref_slice %arg3[%add3A_4] : memref<10240xi32, #tpu.memory_space<hbm>> -> memref<64xi32, #tpu.memory_space<hbm>>
      %dma_start3A_42 = tpu.memref_slice %arg3[%add3A_4] : memref<10240xi32, #tpu.memory_space<hbm>> -> memref<64xi32, #tpu.memory_space<hbm>>
      tpu.enqueue_dma source(%dma_start3A_42 : memref<64xi32, #tpu.memory_space<hbm>>) target(%arg5 : memref<64xi32, #tpu.memory_space<vmem>>) target_semaphore(%run_scoped3A : memref<!tpu.dma_semaphore, #tpu.memory_space<semaphore_mem>>)
      %dma_wait3A_43 = tpu.memref_slice %arg3[%add3A_4] : memref<10240xi32, #tpu.memory_space<hbm>> -> memref<64xi32, #tpu.memory_space<hbm>>
      %dma_wait3A_44 = tpu.memref_slice %arg3[%add3A_4] : memref<10240xi32, #tpu.memory_space<hbm>> -> memref<64xi32, #tpu.memory_space<hbm>>
      tpu.wait_dma2 semaphore(%run_scoped3A : memref<!tpu.dma_semaphore, #tpu.memory_space<semaphore_mem>>) src(%dma_wait3A_44 : memref<64xi32, #tpu.memory_space<hbm>>) dst(%arg5 : memref<64xi32, #tpu.memory_space<vmem>>)
      tpu.yield
    }) : () -> ()
    %dma_start3A = arith.constant 0 : i32
    %dma_start3A_5 = arith.constant 0 : i32
    %dma_start3A_6 = tpu.memref_slice %arg2[%dma_start3A, %dma_start3A_5] : memref<5000x128xf32, #tpu.memory_space<hbm>> -> memref<5000x128xf32, #tpu.memory_space<hbm>>
    tpu.enqueue_indirect_dma source(%dma_start3A_6 : memref<5000x128xf32, #tpu.memory_space<hbm>>) target(%arg6 : memref<64x128xf32, #tpu.memory_space<vmem>>) offsets(%arg5 : memref<64xi32, #tpu.memory_space<vmem>>) semaphore(%arg7 : memref<!tpu.dma_semaphore, #tpu.memory_space<semaphore_mem>>)
    %dma_wait3A = arith.constant 0 : i32
    %dma_wait3A_7 = arith.constant 0 : i32
    %dma_wait3A_8 = tpu.memref_slice %arg2[%dma_wait3A, %dma_wait3A_7] : memref<5000x128xf32, #tpu.memory_space<hbm>> -> memref<5000x128xf32, #tpu.memory_space<hbm>>
    tpu.wait_indirect_dma semaphore(%arg7 : memref<!tpu.dma_semaphore, #tpu.memory_space<semaphore_mem>>) src(%dma_wait3A_8 : memref<5000x128xf32, #tpu.memory_space<hbm>>) dst(%arg6 : memref<64x128xf32, #tpu.memory_space<vmem>>)
    "tpu.region"() ({
      %run_scoped3A = tpu.sem_alloc : memref<!tpu.dma_semaphore, #tpu.memory_space<semaphore_mem>>
      %dma_start3A_41 = arith.constant 0 : i32
      %dma_start3A_42 = tpu.memref_slice %arg4[%add3A_4, %dma_start3A_41] : memref<10240x128xf32, #tpu.memory_space<hbm>> -> memref<64x128xf32, #tpu.memory_space<hbm>>
      %dma_start3A_43 = arith.constant 0 : i32
      %dma_start3A_44 = tpu.memref_slice %arg4[%add3A_4, %dma_start3A_43] : memref<10240x128xf32, #tpu.memory_space<hbm>> -> memref<64x128xf32, #tpu.memory_space<hbm>>
      tpu.enqueue_dma source(%arg6 : memref<64x128xf32, #tpu.memory_space<vmem>>) target(%dma_start3A_44 : memref<64x128xf32, #tpu.memory_space<hbm>>) target_semaphore(%run_scoped3A : memref<!tpu.dma_semaphore, #tpu.memory_space<semaphore_mem>>)
      %dma_wait3A_45 = arith.constant 0 : i32
      %dma_wait3A_46 = tpu.memref_slice %arg4[%add3A_4, %dma_wait3A_45] : memref<10240x128xf32, #tpu.memory_space<hbm>> -> memref<64x128xf32, #tpu.memory_space<hbm>>
      %dma_wait3A_47 = arith.constant 0 : i32
      %dma_wait3A_48 = tpu.memref_slice %arg4[%add3A_4, %dma_wait3A_47] : memref<10240x128xf32, #tpu.memory_space<hbm>> -> memref<64x128xf32, #tpu.memory_space<hbm>>
      tpu.wait_dma2 semaphore(%run_scoped3A : memref<!tpu.dma_semaphore, #tpu.memory_space<semaphore_mem>>) src(%arg6 : memref<64x128xf32, #tpu.memory_space<vmem>>) dst(%dma_wait3A_48 : memref<64x128xf32, #tpu.memory_space<hbm>>)
      tpu.yield
    }) : () -> ()
    %add3A_9 = arith.constant 64 : i32
    %add3A_10 = arith.addi %mul3A_2, %add3A_9 : i32
    "tpu.region"() ({
      %run_scoped3A = tpu.sem_alloc : memref<!tpu.dma_semaphore, #tpu.memory_space<semaphore_mem>>
      %dma_start3A_41 = tpu.memref_slice %arg3[%add3A_10] : memref<10240xi32, #tpu.memory_space<hbm>> -> memref<64xi32, #tpu.memory_space<hbm>>
      %dma_start3A_42 = tpu.memref_slice %arg3[%add3A_10] : memref<10240xi32, #tpu.memory_space<hbm>> -> memref<64xi32, #tpu.memory_space<hbm>>
      tpu.enqueue_dma source(%dma_start3A_42 : memref<64xi32, #tpu.memory_space<hbm>>) target(%arg5 : memref<64xi32, #tpu.memory_space<vmem>>) target_semaphore(%run_scoped3A : memref<!tpu.dma_semaphore, #tpu.memory_space<semaphore_mem>>)
      %dma_wait3A_43 = tpu.memref_slice %arg3[%add3A_10] : memref<10240xi32, #tpu.memory_space<hbm>> -> memref<64xi32, #tpu.memory_space<hbm>>
      %dma_wait3A_44 = tpu.memref_slice %arg3[%add3A_10] : memref<10240xi32, #tpu.memory_space<hbm>> -> memref<64xi32, #tpu.memory_space<hbm>>
      tpu.wait_dma2 semaphore(%run_scoped3A : memref<!tpu.dma_semaphore, #tpu.memory_space<semaphore_mem>>) src(%dma_wait3A_44 : memref<64xi32, #tpu.memory_space<hbm>>) dst(%arg5 : memref<64xi32, #tpu.memory_space<vmem>>)
      tpu.yield
    }) : () -> ()
    %dma_start3A_11 = arith.constant 0 : i32
    %dma_start3A_12 = arith.constant 0 : i32
    %dma_start3A_13 = tpu.memref_slice %arg2[%dma_start3A_11, %dma_start3A_12] : memref<5000x128xf32, #tpu.memory_space<hbm>> -> memref<5000x128xf32, #tpu.memory_space<hbm>>
    tpu.enqueue_indirect_dma source(%dma_start3A_13 : memref<5000x128xf32, #tpu.memory_space<hbm>>) target(%arg6 : memref<64x128xf32, #tpu.memory_space<vmem>>) offsets(%arg5 : memref<64xi32, #tpu.memory_space<vmem>>) semaphore(%arg7 : memref<!tpu.dma_semaphore, #tpu.memory_space<semaphore_mem>>)
    %dma_wait3A_14 = arith.constant 0 : i32
    %dma_wait3A_15 = arith.constant 0 : i32
    %dma_wait3A_16 = tpu.memref_slice %arg2[%dma_wait3A_14, %dma_wait3A_15] : memref<5000x128xf32, #tpu.memory_space<hbm>> -> memref<5000x128xf32, #tpu.memory_space<hbm>>
    tpu.wait_indirect_dma semaphore(%arg7 : memref<!tpu.dma_semaphore, #tpu.memory_space<semaphore_mem>>) src(%dma_wait3A_16 : memref<5000x128xf32, #tpu.memory_space<hbm>>) dst(%arg6 : memref<64x128xf32, #tpu.memory_space<vmem>>)
    "tpu.region"() ({
      %run_scoped3A = tpu.sem_alloc : memref<!tpu.dma_semaphore, #tpu.memory_space<semaphore_mem>>
      %dma_start3A_41 = arith.constant 0 : i32
      %dma_start3A_42 = tpu.memref_slice %arg4[%add3A_10, %dma_start3A_41] : memref<10240x128xf32, #tpu.memory_space<hbm>> -> memref<64x128xf32, #tpu.memory_space<hbm>>
      %dma_start3A_43 = arith.constant 0 : i32
      %dma_start3A_44 = tpu.memref_slice %arg4[%add3A_10, %dma_start3A_43] : memref<10240x128xf32, #tpu.memory_space<hbm>> -> memref<64x128xf32, #tpu.memory_space<hbm>>
      tpu.enqueue_dma source(%arg6 : memref<64x128xf32, #tpu.memory_space<vmem>>) target(%dma_start3A_44 : memref<64x128xf32, #tpu.memory_space<hbm>>) target_semaphore(%run_scoped3A : memref<!tpu.dma_semaphore, #tpu.memory_space<semaphore_mem>>)
      %dma_wait3A_45 = arith.constant 0 : i32
      %dma_wait3A_46 = tpu.memref_slice %arg4[%add3A_10, %dma_wait3A_45] : memref<10240x128xf32, #tpu.memory_space<hbm>> -> memref<64x128xf32, #tpu.memory_space<hbm>>
      %dma_wait3A_47 = arith.constant 0 : i32
      %dma_wait3A_48 = tpu.memref_slice %arg4[%add3A_10, %dma_wait3A_47] : memref<10240x128xf32, #tpu.memory_space<hbm>> -> memref<64x128xf32, #tpu.memory_space<hbm>>
      tpu.wait_dma2 semaphore(%run_scoped3A : memref<!tpu.dma_semaphore, #tpu.memory_space<semaphore_mem>>) src(%arg6 : memref<64x128xf32, #tpu.memory_space<vmem>>) dst(%dma_wait3A_48 : memref<64x128xf32, #tpu.memory_space<hbm>>)
      tpu.yield
    }) : () -> ()
    %add3A_17 = arith.constant 128 : i32
    %add3A_18 = arith.addi %mul3A_2, %add3A_17 : i32
    "tpu.region"() ({
      %run_scoped3A = tpu.sem_alloc : memref<!tpu.dma_semaphore, #tpu.memory_space<semaphore_mem>>
      %dma_start3A_41 = tpu.memref_slice %arg3[%add3A_18] : memref<10240xi32, #tpu.memory_space<hbm>> -> memref<64xi32, #tpu.memory_space<hbm>>
      %dma_start3A_42 = tpu.memref_slice %arg3[%add3A_18] : memref<10240xi32, #tpu.memory_space<hbm>> -> memref<64xi32, #tpu.memory_space<hbm>>
      tpu.enqueue_dma source(%dma_start3A_42 : memref<64xi32, #tpu.memory_space<hbm>>) target(%arg5 : memref<64xi32, #tpu.memory_space<vmem>>) target_semaphore(%run_scoped3A : memref<!tpu.dma_semaphore, #tpu.memory_space<semaphore_mem>>)
      %dma_wait3A_43 = tpu.memref_slice %arg3[%add3A_18] : memref<10240xi32, #tpu.memory_space<hbm>> -> memref<64xi32, #tpu.memory_space<hbm>>
      %dma_wait3A_44 = tpu.memref_slice %arg3[%add3A_18] : memref<10240xi32, #tpu.memory_space<hbm>> -> memref<64xi32, #tpu.memory_space<hbm>>
      tpu.wait_dma2 semaphore(%run_scoped3A : memref<!tpu.dma_semaphore, #tpu.memory_space<semaphore_mem>>) src(%dma_wait3A_44 : memref<64xi32, #tpu.memory_space<hbm>>) dst(%arg5 : memref<64xi32, #tpu.memory_space<vmem>>)
      tpu.yield
    }) : () -> ()
    %dma_start3A_19 = arith.constant 0 : i32
    %dma_start3A_20 = arith.constant 0 : i32
    %dma_start3A_21 = tpu.memref_slice %arg2[%dma_start3A_19, %dma_start3A_20] : memref<5000x128xf32, #tpu.memory_space<hbm>> -> memref<5000x128xf32, #tpu.memory_space<hbm>>
    tpu.enqueue_indirect_dma source(%dma_start3A_21 : memref<5000x128xf32, #tpu.memory_space<hbm>>) target(%arg6 : memref<64x128xf32, #tpu.memory_space<vmem>>) offsets(%arg5 : memref<64xi32, #tpu.memory_space<vmem>>) semaphore(%arg7 : memref<!tpu.dma_semaphore, #tpu.memory_space<semaphore_mem>>)
    %dma_wait3A_22 = arith.constant 0 : i32
    %dma_wait3A_23 = arith.constant 0 : i32
    %dma_wait3A_24 = tpu.memref_slice %arg2[%dma_wait3A_22, %dma_wait3A_23] : memref<5000x128xf32, #tpu.memory_space<hbm>> -> memref<5000x128xf32, #tpu.memory_space<hbm>>
    tpu.wait_indirect_dma semaphore(%arg7 : memref<!tpu.dma_semaphore, #tpu.memory_space<semaphore_mem>>) src(%dma_wait3A_24 : memref<5000x128xf32, #tpu.memory_space<hbm>>) dst(%arg6 : memref<64x128xf32, #tpu.memory_space<vmem>>)
    "tpu.region"() ({
      %run_scoped3A = tpu.sem_alloc : memref<!tpu.dma_semaphore, #tpu.memory_space<semaphore_mem>>
      %dma_start3A_41 = arith.constant 0 : i32
      %dma_start3A_42 = tpu.memref_slice %arg4[%add3A_18, %dma_start3A_41] : memref<10240x128xf32, #tpu.memory_space<hbm>> -> memref<64x128xf32, #tpu.memory_space<hbm>>
      %dma_start3A_43 = arith.constant 0 : i32
      %dma_start3A_44 = tpu.memref_slice %arg4[%add3A_18, %dma_start3A_43] : memref<10240x128xf32, #tpu.memory_space<hbm>> -> memref<64x128xf32, #tpu.memory_space<hbm>>
      tpu.enqueue_dma source(%arg6 : memref<64x128xf32, #tpu.memory_space<vmem>>) target(%dma_start3A_44 : memref<64x128xf32, #tpu.memory_space<hbm>>) target_semaphore(%run_scoped3A : memref<!tpu.dma_semaphore, #tpu.memory_space<semaphore_mem>>)
      %dma_wait3A_45 = arith.constant 0 : i32
      %dma_wait3A_46 = tpu.memref_slice %arg4[%add3A_18, %dma_wait3A_45] : memref<10240x128xf32, #tpu.memory_space<hbm>> -> memref<64x128xf32, #tpu.memory_space<hbm>>
      %dma_wait3A_47 = arith.constant 0 : i32
      %dma_wait3A_48 = tpu.memref_slice %arg4[%add3A_18, %dma_wait3A_47] : memref<10240x128xf32, #tpu.memory_space<hbm>> -> memref<64x128xf32, #tpu.memory_space<hbm>>
      tpu.wait_dma2 semaphore(%run_scoped3A : memref<!tpu.dma_semaphore, #tpu.memory_space<semaphore_mem>>) src(%arg6 : memref<64x128xf32, #tpu.memory_space<vmem>>) dst(%dma_wait3A_48 : memref<64x128xf32, #tpu.memory_space<hbm>>)
      tpu.yield
    }) : () -> ()
    %add3A_25 = arith.constant 192 : i32
    %add3A_26 = arith.addi %mul3A_2, %add3A_25 : i32
    "tpu.region"() ({
      %run_scoped3A = tpu.sem_alloc : memref<!tpu.dma_semaphore, #tpu.memory_space<semaphore_mem>>
      %dma_start3A_41 = tpu.memref_slice %arg3[%add3A_26] : memref<10240xi32, #tpu.memory_space<hbm>> -> memref<64xi32, #tpu.memory_space<hbm>>
      %dma_start3A_42 = tpu.memref_slice %arg3[%add3A_26] : memref<10240xi32, #tpu.memory_space<hbm>> -> memref<64xi32, #tpu.memory_space<hbm>>
      tpu.enqueue_dma source(%dma_start3A_42 : memref<64xi32, #tpu.memory_space<hbm>>) target(%arg5 : memref<64xi32, #tpu.memory_space<vmem>>) target_semaphore(%run_scoped3A : memref<!tpu.dma_semaphore, #tpu.memory_space<semaphore_mem>>)
      %dma_wait3A_43 = tpu.memref_slice %arg3[%add3A_26] : memref<10240xi32, #tpu.memory_space<hbm>> -> memref<64xi32, #tpu.memory_space<hbm>>
      %dma_wait3A_44 = tpu.memref_slice %arg3[%add3A_26] : memref<10240xi32, #tpu.memory_space<hbm>> -> memref<64xi32, #tpu.memory_space<hbm>>
      tpu.wait_dma2 semaphore(%run_scoped3A : memref<!tpu.dma_semaphore, #tpu.memory_space<semaphore_mem>>) src(%dma_wait3A_44 : memref<64xi32, #tpu.memory_space<hbm>>) dst(%arg5 : memref<64xi32, #tpu.memory_space<vmem>>)
      tpu.yield
    }) : () -> ()
    %dma_start3A_27 = arith.constant 0 : i32
    %dma_start3A_28 = arith.constant 0 : i32
    %dma_start3A_29 = tpu.memref_slice %arg2[%dma_start3A_27, %dma_start3A_28] : memref<5000x128xf32, #tpu.memory_space<hbm>> -> memref<5000x128xf32, #tpu.memory_space<hbm>>
    tpu.enqueue_indirect_dma source(%dma_start3A_29 : memref<5000x128xf32, #tpu.memory_space<hbm>>) target(%arg6 : memref<64x128xf32, #tpu.memory_space<vmem>>) offsets(%arg5 : memref<64xi32, #tpu.memory_space<vmem>>) semaphore(%arg7 : memref<!tpu.dma_semaphore, #tpu.memory_space<semaphore_mem>>)
    %dma_wait3A_30 = arith.constant 0 : i32
    %dma_wait3A_31 = arith.constant 0 : i32
    %dma_wait3A_32 = tpu.memref_slice %arg2[%dma_wait3A_30, %dma_wait3A_31] : memref<5000x128xf32, #tpu.memory_space<hbm>> -> memref<5000x128xf32, #tpu.memory_space<hbm>>
    tpu.wait_indirect_dma semaphore(%arg7 : memref<!tpu.dma_semaphore, #tpu.memory_space<semaphore_mem>>) src(%dma_wait3A_32 : memref<5000x128xf32, #tpu.memory_space<hbm>>) dst(%arg6 : memref<64x128xf32, #tpu.memory_space<vmem>>)
    "tpu.region"() ({
      %run_scoped3A = tpu.sem_alloc : memref<!tpu.dma_semaphore, #tpu.memory_space<semaphore_mem>>
      %dma_start3A_41 = arith.constant 0 : i32
      %dma_start3A_42 = tpu.memref_slice %arg4[%add3A_26, %dma_start3A_41] : memref<10240x128xf32, #tpu.memory_space<hbm>> -> memref<64x128xf32, #tpu.memory_space<hbm>>
      %dma_start3A_43 = arith.constant 0 : i32
      %dma_start3A_44 = tpu.memref_slice %arg4[%add3A_26, %dma_start3A_43] : memref<10240x128xf32, #tpu.memory_space<hbm>> -> memref<64x128xf32, #tpu.memory_space<hbm>>
      tpu.enqueue_dma source(%arg6 : memref<64x128xf32, #tpu.memory_space<vmem>>) target(%dma_start3A_44 : memref<64x128xf32, #tpu.memory_space<hbm>>) target_semaphore(%run_scoped3A : memref<!tpu.dma_semaphore, #tpu.memory_space<semaphore_mem>>)
      %dma_wait3A_45 = arith.constant 0 : i32
      %dma_wait3A_46 = tpu.memref_slice %arg4[%add3A_26, %dma_wait3A_45] : memref<10240x128xf32, #tpu.memory_space<hbm>> -> memref<64x128xf32, #tpu.memory_space<hbm>>
      %dma_wait3A_47 = arith.constant 0 : i32
      %dma_wait3A_48 = tpu.memref_slice %arg4[%add3A_26, %dma_wait3A_47] : memref<10240x128xf32, #tpu.memory_space<hbm>> -> memref<64x128xf32, #tpu.memory_space<hbm>>
      tpu.wait_dma2 semaphore(%run_scoped3A : memref<!tpu.dma_semaphore, #tpu.memory_space<semaphore_mem>>) src(%arg6 : memref<64x128xf32, #tpu.memory_space<vmem>>) dst(%dma_wait3A_48 : memref<64x128xf32, #tpu.memory_space<hbm>>)
      tpu.yield
    }) : () -> ()
    %add3A_33 = arith.constant 256 : i32
    %add3A_34 = arith.addi %mul3A_2, %add3A_33 : i32
    "tpu.region"() ({
      %run_scoped3A = tpu.sem_alloc : memref<!tpu.dma_semaphore, #tpu.memory_space<semaphore_mem>>
      %dma_start3A_41 = tpu.memref_slice %arg3[%add3A_34] : memref<10240xi32, #tpu.memory_space<hbm>> -> memref<64xi32, #tpu.memory_space<hbm>>
      %dma_start3A_42 = tpu.memref_slice %arg3[%add3A_34] : memref<10240xi32, #tpu.memory_space<hbm>> -> memref<64xi32, #tpu.memory_space<hbm>>
      tpu.enqueue_dma source(%dma_start3A_42 : memref<64xi32, #tpu.memory_space<hbm>>) target(%arg5 : memref<64xi32, #tpu.memory_space<vmem>>) target_semaphore(%run_scoped3A : memref<!tpu.dma_semaphore, #tpu.memory_space<semaphore_mem>>)
      %dma_wait3A_43 = tpu.memref_slice %arg3[%add3A_34] : memref<10240xi32, #tpu.memory_space<hbm>> -> memref<64xi32, #tpu.memory_space<hbm>>
      %dma_wait3A_44 = tpu.memref_slice %arg3[%add3A_34] : memref<10240xi32, #tpu.memory_space<hbm>> -> memref<64xi32, #tpu.memory_space<hbm>>
      tpu.wait_dma2 semaphore(%run_scoped3A : memref<!tpu.dma_semaphore, #tpu.memory_space<semaphore_mem>>) src(%dma_wait3A_44 : memref<64xi32, #tpu.memory_space<hbm>>) dst(%arg5 : memref<64xi32, #tpu.memory_space<vmem>>)
      tpu.yield
    }) : () -> ()
    %dma_start3A_35 = arith.constant 0 : i32
    %dma_start3A_36 = arith.constant 0 : i32
    %dma_start3A_37 = tpu.memref_slice %arg2[%dma_start3A_35, %dma_start3A_36] : memref<5000x128xf32, #tpu.memory_space<hbm>> -> memref<5000x128xf32, #tpu.memory_space<hbm>>
    tpu.enqueue_indirect_dma source(%dma_start3A_37 : memref<5000x128xf32, #tpu.memory_space<hbm>>) target(%arg6 : memref<64x128xf32, #tpu.memory_space<vmem>>) offsets(%arg5 : memref<64xi32, #tpu.memory_space<vmem>>) semaphore(%arg7 : memref<!tpu.dma_semaphore, #tpu.memory_space<semaphore_mem>>)
    %dma_wait3A_38 = arith.constant 0 : i32
    %dma_wait3A_39 = arith.constant 0 : i32
    %dma_wait3A_40 = tpu.memref_slice %arg2[%dma_wait3A_38, %dma_wait3A_39] : memref<5000x128xf32, #tpu.memory_space<hbm>> -> memref<5000x128xf32, #tpu.memory_space<hbm>>
    tpu.wait_indirect_dma semaphore(%arg7 : memref<!tpu.dma_semaphore, #tpu.memory_space<semaphore_mem>>) src(%dma_wait3A_40 : memref<5000x128xf32, #tpu.memory_space<hbm>>) dst(%arg6 : memref<64x128xf32, #tpu.memory_space<vmem>>)
    "tpu.region"() ({
      %run_scoped3A = tpu.sem_alloc : memref<!tpu.dma_semaphore, #tpu.memory_space<semaphore_mem>>
      %dma_start3A_41 = arith.constant 0 : i32
      %dma_start3A_42 = tpu.memref_slice %arg4[%add3A_34, %dma_start3A_41] : memref<10240x128xf32, #tpu.memory_space<hbm>> -> memref<64x128xf32, #tpu.memory_space<hbm>>
      %dma_start3A_43 = arith.constant 0 : i32
      %dma_start3A_44 = tpu.memref_slice %arg4[%add3A_34, %dma_start3A_43] : memref<10240x128xf32, #tpu.memory_space<hbm>> -> memref<64x128xf32, #tpu.memory_space<hbm>>
      tpu.enqueue_dma source(%arg6 : memref<64x128xf32, #tpu.memory_space<vmem>>) target(%dma_start3A_44 : memref<64x128xf32, #tpu.memory_space<hbm>>) target_semaphore(%run_scoped3A : memref<!tpu.dma_semaphore, #tpu.memory_space<semaphore_mem>>)
      %dma_wait3A_45 = arith.constant 0 : i32
      %dma_wait3A_46 = tpu.memref_slice %arg4[%add3A_34, %dma_wait3A_45] : memref<10240x128xf32, #tpu.memory_space<hbm>> -> memref<64x128xf32, #tpu.memory_space<hbm>>
      %dma_wait3A_47 = arith.constant 0 : i32
      %dma_wait3A_48 = tpu.memref_slice %arg4[%add3A_34, %dma_wait3A_47] : memref<10240x128xf32, #tpu.memory_space<hbm>> -> memref<64x128xf32, #tpu.memory_space<hbm>>
      tpu.wait_dma2 semaphore(%run_scoped3A : memref<!tpu.dma_semaphore, #tpu.memory_space<semaphore_mem>>) src(%arg6 : memref<64x128xf32, #tpu.memory_space<vmem>>) dst(%dma_wait3A_48 : memref<64x128xf32, #tpu.memory_space<hbm>>)
      tpu.yield
    }) : () -> ()
    return
  }
}

#map = affine_map<(d0, d1) -> (0, 0)>
#map1 = affine_map<(d0, d1) -> (0)>
#map2 = affine_map<(d0, d1) -> (0, 0, 0)>
module attributes {stable_mosaic.version = 14 : i64} {
  func.func @_sc_a(%arg0: i32, %arg1: i32, %arg2: memref<10240x128xf32, #tpu.memory_space<hbm>>, %arg3: memref<323584xi32, #tpu.memory_space<hbm>>, %arg4: memref<323584xi32, #tpu.memory_space<hbm>>, %arg5: memref<10240x128xf32, #tpu.memory_space<hbm>>, %arg6: memref<2x10240x128xf32, #tpu.memory_space<hbm>>, %arg7: memref<10240x128xf32, #tpu.memory_space<vmem_shared>>, %arg8: memref<128xi32, #tpu.memory_space<vmem>>, %arg9: memref<128xi32, #tpu.memory_space<vmem>>, %arg10: memref<128x128xf32, #tpu.memory_space<vmem>>, %arg11: memref<!tpu.dma_semaphore, #tpu.memory_space<semaphore_mem>>) attributes {dimension_semantics = [#tpu.dimension_semantics<core_parallel>, #tpu.dimension_semantics<subcore_parallel>], iteration_bounds = array<i64: 2, 16>, scalar_prefetch = 0 : i64, scratch_operands = 5 : i64, tpu.core_type = #tpu.core_type<sc_vector_subcore>, window_params = [{transform_indices = #map}, {transform_indices = #map1}, {transform_indices = #map1}, {transform_indices = #map}, {transform_indices = #map2}]} {
    %mul3A = arith.constant 2 : i32
    %mul3A_0 = arith.muli %arg1, %mul3A : i32
    %add3A = arith.addi %mul3A_0, %arg0 : i32
    %mul3A_1 = arith.constant 640 : i32
    %mul3A_2 = arith.muli %arg1, %mul3A_1 : i32
    "tpu.region"() ({
      %run_scoped3A = tpu.sem_alloc : memref<!tpu.dma_semaphore, #tpu.memory_space<semaphore_mem>>
      %dma_start3A = arith.constant 0 : i32
      %dma_start3A_11 = tpu.memref_slice %arg7[%mul3A_2, %dma_start3A] : memref<10240x128xf32, #tpu.memory_space<vmem_shared>> -> memref<640x128xf32, #tpu.memory_space<vmem_shared>>
      %dma_start3A_12 = arith.constant 0 : i32
      %dma_start3A_13 = tpu.memref_slice %arg5[%mul3A_2, %dma_start3A_12] : memref<10240x128xf32, #tpu.memory_space<hbm>> -> memref<640x128xf32, #tpu.memory_space<hbm>>
      tpu.enqueue_dma source(%dma_start3A_13 : memref<640x128xf32, #tpu.memory_space<hbm>>) target(%dma_start3A_11 : memref<640x128xf32, #tpu.memory_space<vmem_shared>>) target_semaphore(%run_scoped3A : memref<!tpu.dma_semaphore, #tpu.memory_space<semaphore_mem>>)
      %dma_wait3A = arith.constant 0 : i32
      %dma_wait3A_14 = tpu.memref_slice %arg7[%mul3A_2, %dma_wait3A] : memref<10240x128xf32, #tpu.memory_space<vmem_shared>> -> memref<640x128xf32, #tpu.memory_space<vmem_shared>>
      %dma_wait3A_15 = arith.constant 0 : i32
      %dma_wait3A_16 = tpu.memref_slice %arg5[%mul3A_2, %dma_wait3A_15] : memref<10240x128xf32, #tpu.memory_space<hbm>> -> memref<640x128xf32, #tpu.memory_space<hbm>>
      tpu.wait_dma2 semaphore(%run_scoped3A : memref<!tpu.dma_semaphore, #tpu.memory_space<semaphore_mem>>) src(%dma_wait3A_16 : memref<640x128xf32, #tpu.memory_space<hbm>>) dst(%dma_wait3A_14 : memref<640x128xf32, #tpu.memory_space<vmem_shared>>)
      tpu.yield
    }) : () -> ()
    %barrier3A = arith.constant 0 : index
    tpu.barrier barrier_id(%barrier3A)
    %mul3A_3 = arith.constant 10112 : i32
    %mul3A_4 = arith.muli %add3A, %mul3A_3 : i32
    %scan3A = arith.constant 0 : i32
    %scan3A_5 = arith.constant 0 : i32
    %scan3A_6 = arith.constant 79 : i32
    %scan3A_7 = arith.addi %scan3A_5, %scan3A_6 : i32
    %scan3A_8 = arith.constant 1 : i32
    scf.for %scan3A_11 = %scan3A_5 to %scan3A_7 step %scan3A_8  : i32 {
      %mul3A_12 = arith.constant 128 : i32
      %mul3A_13 = arith.muli %scan3A_11, %mul3A_12 : i32
      %add3A_14 = arith.addi %mul3A_4, %mul3A_13 : i32
      "tpu.region"() ({
        %run_scoped3A = tpu.sem_alloc : memref<!tpu.dma_semaphore, #tpu.memory_space<semaphore_mem>>
        %dma_start3A_19 = tpu.memref_slice %arg3[%add3A_14] : memref<323584xi32, #tpu.memory_space<hbm>> -> memref<128xi32, #tpu.memory_space<hbm>>
        %dma_start3A_20 = tpu.memref_slice %arg3[%add3A_14] : memref<323584xi32, #tpu.memory_space<hbm>> -> memref<128xi32, #tpu.memory_space<hbm>>
        tpu.enqueue_dma source(%dma_start3A_20 : memref<128xi32, #tpu.memory_space<hbm>>) target(%arg8 : memref<128xi32, #tpu.memory_space<vmem>>) target_semaphore(%run_scoped3A : memref<!tpu.dma_semaphore, #tpu.memory_space<semaphore_mem>>)
        %dma_wait3A_21 = tpu.memref_slice %arg3[%add3A_14] : memref<323584xi32, #tpu.memory_space<hbm>> -> memref<128xi32, #tpu.memory_space<hbm>>
        %dma_wait3A_22 = tpu.memref_slice %arg3[%add3A_14] : memref<323584xi32, #tpu.memory_space<hbm>> -> memref<128xi32, #tpu.memory_space<hbm>>
        tpu.wait_dma2 semaphore(%run_scoped3A : memref<!tpu.dma_semaphore, #tpu.memory_space<semaphore_mem>>) src(%dma_wait3A_22 : memref<128xi32, #tpu.memory_space<hbm>>) dst(%arg8 : memref<128xi32, #tpu.memory_space<vmem>>)
        tpu.yield
      }) : () -> ()
      "tpu.region"() ({
        %run_scoped3A = tpu.sem_alloc : memref<!tpu.dma_semaphore, #tpu.memory_space<semaphore_mem>>
        %dma_start3A_19 = tpu.memref_slice %arg4[%add3A_14] : memref<323584xi32, #tpu.memory_space<hbm>> -> memref<128xi32, #tpu.memory_space<hbm>>
        %dma_start3A_20 = tpu.memref_slice %arg4[%add3A_14] : memref<323584xi32, #tpu.memory_space<hbm>> -> memref<128xi32, #tpu.memory_space<hbm>>
        tpu.enqueue_dma source(%dma_start3A_20 : memref<128xi32, #tpu.memory_space<hbm>>) target(%arg9 : memref<128xi32, #tpu.memory_space<vmem>>) target_semaphore(%run_scoped3A : memref<!tpu.dma_semaphore, #tpu.memory_space<semaphore_mem>>)
        %dma_wait3A_21 = tpu.memref_slice %arg4[%add3A_14] : memref<323584xi32, #tpu.memory_space<hbm>> -> memref<128xi32, #tpu.memory_space<hbm>>
        %dma_wait3A_22 = tpu.memref_slice %arg4[%add3A_14] : memref<323584xi32, #tpu.memory_space<hbm>> -> memref<128xi32, #tpu.memory_space<hbm>>
        tpu.wait_dma2 semaphore(%run_scoped3A : memref<!tpu.dma_semaphore, #tpu.memory_space<semaphore_mem>>) src(%dma_wait3A_22 : memref<128xi32, #tpu.memory_space<hbm>>) dst(%arg9 : memref<128xi32, #tpu.memory_space<vmem>>)
        tpu.yield
      }) : () -> ()
      %dma_start3A = arith.constant 0 : i32
      %dma_start3A_15 = arith.constant 0 : i32
      %dma_start3A_16 = tpu.memref_slice %arg2[%dma_start3A, %dma_start3A_15] : memref<10240x128xf32, #tpu.memory_space<hbm>> -> memref<10240x128xf32, #tpu.memory_space<hbm>>
      tpu.enqueue_indirect_dma source(%dma_start3A_16 : memref<10240x128xf32, #tpu.memory_space<hbm>>) target(%arg10 : memref<128x128xf32, #tpu.memory_space<vmem>>) offsets(%arg8 : memref<128xi32, #tpu.memory_space<vmem>>) semaphore(%arg11 : memref<!tpu.dma_semaphore, #tpu.memory_space<semaphore_mem>>)
      %dma_wait3A = arith.constant 0 : i32
      %dma_wait3A_17 = arith.constant 0 : i32
      %dma_wait3A_18 = tpu.memref_slice %arg2[%dma_wait3A, %dma_wait3A_17] : memref<10240x128xf32, #tpu.memory_space<hbm>> -> memref<10240x128xf32, #tpu.memory_space<hbm>>
      tpu.wait_indirect_dma semaphore(%arg11 : memref<!tpu.dma_semaphore, #tpu.memory_space<semaphore_mem>>) src(%dma_wait3A_18 : memref<10240x128xf32, #tpu.memory_space<hbm>>) dst(%arg10 : memref<128x128xf32, #tpu.memory_space<vmem>>)
      "tpu.region"() ({
        %run_scoped3A = tpu.sem_alloc : memref<!tpu.dma_semaphore, #tpu.memory_space<semaphore_mem>>
        %dma_start3A_19 = arith.constant 0 : i32
        %dma_start3A_20 = arith.constant 0 : i32
        %dma_start3A_21 = tpu.memref_slice %arg7[%dma_start3A_19, %dma_start3A_20] : memref<10240x128xf32, #tpu.memory_space<vmem_shared>> -> memref<10240x128xf32, #tpu.memory_space<vmem_shared>>
        tpu.enqueue_indirect_dma source(%arg10 : memref<128x128xf32, #tpu.memory_space<vmem>>) target(%dma_start3A_21 : memref<10240x128xf32, #tpu.memory_space<vmem_shared>>) offsets(%arg9 : memref<128xi32, #tpu.memory_space<vmem>>) semaphore(%run_scoped3A : memref<!tpu.dma_semaphore, #tpu.memory_space<semaphore_mem>>) {add = true}
        %dma_wait3A_22 = arith.constant 0 : i32
        %dma_wait3A_23 = arith.constant 0 : i32
        %dma_wait3A_24 = tpu.memref_slice %arg7[%dma_wait3A_22, %dma_wait3A_23] : memref<10240x128xf32, #tpu.memory_space<vmem_shared>> -> memref<10240x128xf32, #tpu.memory_space<vmem_shared>>
        tpu.wait_indirect_dma semaphore(%run_scoped3A : memref<!tpu.dma_semaphore, #tpu.memory_space<semaphore_mem>>) src(%arg10 : memref<128x128xf32, #tpu.memory_space<vmem>>) dst(%dma_wait3A_24 : memref<10240x128xf32, #tpu.memory_space<vmem_shared>>)
        tpu.yield
      }) : () -> ()
    }
    %scan3A_9 = arith.constant 79 : i32
    %barrier3A_10 = arith.constant 0 : index
    tpu.barrier barrier_id(%barrier3A_10)
    "tpu.region"() ({
      %run_scoped3A = tpu.sem_alloc : memref<!tpu.dma_semaphore, #tpu.memory_space<semaphore_mem>>
      %dma_start3A = arith.constant 0 : i32
      %dma_start3A_11 = tpu.memref_slice %arg6[%arg0, %mul3A_2, %dma_start3A] : memref<2x10240x128xf32, #tpu.memory_space<hbm>> -> memref<1x640x128xf32, #tpu.memory_space<hbm>>
      %dma_start3A_12 = tpu.memref_squeeze %dma_start3A_11 : memref<1x640x128xf32, #tpu.memory_space<hbm>> -> memref<640x128xf32, #tpu.memory_space<hbm>>
      %dma_start3A_13 = arith.constant 0 : i32
      %dma_start3A_14 = tpu.memref_slice %arg7[%mul3A_2, %dma_start3A_13] : memref<10240x128xf32, #tpu.memory_space<vmem_shared>> -> memref<640x128xf32, #tpu.memory_space<vmem_shared>>
      tpu.enqueue_dma source(%dma_start3A_14 : memref<640x128xf32, #tpu.memory_space<vmem_shared>>) target(%dma_start3A_12 : memref<640x128xf32, #tpu.memory_space<hbm>>) target_semaphore(%run_scoped3A : memref<!tpu.dma_semaphore, #tpu.memory_space<semaphore_mem>>)
      %dma_wait3A = arith.constant 0 : i32
      %dma_wait3A_15 = tpu.memref_slice %arg6[%arg0, %mul3A_2, %dma_wait3A] : memref<2x10240x128xf32, #tpu.memory_space<hbm>> -> memref<1x640x128xf32, #tpu.memory_space<hbm>>
      %dma_wait3A_16 = tpu.memref_squeeze %dma_wait3A_15 : memref<1x640x128xf32, #tpu.memory_space<hbm>> -> memref<640x128xf32, #tpu.memory_space<hbm>>
      %dma_wait3A_17 = arith.constant 0 : i32
      %dma_wait3A_18 = tpu.memref_slice %arg7[%mul3A_2, %dma_wait3A_17] : memref<10240x128xf32, #tpu.memory_space<vmem_shared>> -> memref<640x128xf32, #tpu.memory_space<vmem_shared>>
      tpu.wait_dma2 semaphore(%run_scoped3A : memref<!tpu.dma_semaphore, #tpu.memory_space<semaphore_mem>>) src(%dma_wait3A_18 : memref<640x128xf32, #tpu.memory_space<vmem_shared>>) dst(%dma_wait3A_16 : memref<640x128xf32, #tpu.memory_space<hbm>>)
      tpu.yield
    }) : () -> ()
    return
  }
}

#map = affine_map<(d0, d1) -> (0, 0)>
#map1 = affine_map<(d0, d1) -> (0)>
module attributes {stable_mosaic.version = 14 : i64} {
  func.func @_sc_b0(%arg0: i32, %arg1: i32, %arg2: memref<10240x128xf32, #tpu.memory_space<hbm>>, %arg3: memref<163840xi32, #tpu.memory_space<hbm>>, %arg4: memref<163840xi32, #tpu.memory_space<hbm>>, %arg5: memref<163840xi32, #tpu.memory_space<hbm>>, %arg6: memref<163840x128xf32, #tpu.memory_space<hbm>>, %arg7: memref<64xi32, #tpu.memory_space<vmem>>, %arg8: memref<64xi32, #tpu.memory_space<vmem>>, %arg9: memref<64xi32, #tpu.memory_space<vmem>>, %arg10: memref<64x128xf32, #tpu.memory_space<vmem>>, %arg11: memref<64x128xf32, #tpu.memory_space<vmem>>, %arg12: memref<64x128xf32, #tpu.memory_space<vmem>>, %arg13: memref<!tpu.dma_semaphore, #tpu.memory_space<semaphore_mem>>, %arg14: memref<!tpu.dma_semaphore, #tpu.memory_space<semaphore_mem>>, %arg15: memref<!tpu.dma_semaphore, #tpu.memory_space<semaphore_mem>>) attributes {dimension_semantics = [#tpu.dimension_semantics<core_parallel>, #tpu.dimension_semantics<subcore_parallel>], iteration_bounds = array<i64: 2, 16>, scalar_prefetch = 0 : i64, scratch_operands = 9 : i64, tpu.core_type = #tpu.core_type<sc_vector_subcore>, window_params = [{transform_indices = #map}, {transform_indices = #map1}, {transform_indices = #map1}, {transform_indices = #map1}, {transform_indices = #map}]} {
    %mul3A = arith.constant 2 : i32
    %mul3A_0 = arith.muli %arg1, %mul3A : i32
    %add3A = arith.addi %mul3A_0, %arg0 : i32
    %mul3A_1 = arith.constant 5120 : i32
    %mul3A_2 = arith.muli %add3A, %mul3A_1 : i32
    %scan3A = arith.constant 0 : i32
    %scan3A_3 = arith.constant 0 : i32
    %scan3A_4 = arith.constant 80 : i32
    %scan3A_5 = arith.addi %scan3A_3, %scan3A_4 : i32
    %scan3A_6 = arith.constant 1 : i32
    scf.for %scan3A_8 = %scan3A_3 to %scan3A_5 step %scan3A_6  : i32 {
      %mul3A_9 = arith.constant 64 : i32
      %mul3A_10 = arith.muli %scan3A_8, %mul3A_9 : i32
      %add3A_11 = arith.addi %mul3A_2, %mul3A_10 : i32
      "tpu.region"() ({
        %run_scoped3A = tpu.sem_alloc : memref<!tpu.dma_semaphore, #tpu.memory_space<semaphore_mem>>
        %dma_start3A_34 = tpu.memref_slice %arg3[%add3A_11] : memref<163840xi32, #tpu.memory_space<hbm>> -> memref<64xi32, #tpu.memory_space<hbm>>
        %dma_start3A_35 = tpu.memref_slice %arg3[%add3A_11] : memref<163840xi32, #tpu.memory_space<hbm>> -> memref<64xi32, #tpu.memory_space<hbm>>
        tpu.enqueue_dma source(%dma_start3A_35 : memref<64xi32, #tpu.memory_space<hbm>>) target(%arg7 : memref<64xi32, #tpu.memory_space<vmem>>) target_semaphore(%run_scoped3A : memref<!tpu.dma_semaphore, #tpu.memory_space<semaphore_mem>>)
        %dma_wait3A_36 = tpu.memref_slice %arg3[%add3A_11] : memref<163840xi32, #tpu.memory_space<hbm>> -> memref<64xi32, #tpu.memory_space<hbm>>
        %dma_wait3A_37 = tpu.memref_slice %arg3[%add3A_11] : memref<163840xi32, #tpu.memory_space<hbm>> -> memref<64xi32, #tpu.memory_space<hbm>>
        tpu.wait_dma2 semaphore(%run_scoped3A : memref<!tpu.dma_semaphore, #tpu.memory_space<semaphore_mem>>) src(%dma_wait3A_37 : memref<64xi32, #tpu.memory_space<hbm>>) dst(%arg7 : memref<64xi32, #tpu.memory_space<vmem>>)
        tpu.yield
      }) : () -> ()
      "tpu.region"() ({
        %run_scoped3A = tpu.sem_alloc : memref<!tpu.dma_semaphore, #tpu.memory_space<semaphore_mem>>
        %dma_start3A_34 = tpu.memref_slice %arg4[%add3A_11] : memref<163840xi32, #tpu.memory_space<hbm>> -> memref<64xi32, #tpu.memory_space<hbm>>
        %dma_start3A_35 = tpu.memref_slice %arg4[%add3A_11] : memref<163840xi32, #tpu.memory_space<hbm>> -> memref<64xi32, #tpu.memory_space<hbm>>
        tpu.enqueue_dma source(%dma_start3A_35 : memref<64xi32, #tpu.memory_space<hbm>>) target(%arg8 : memref<64xi32, #tpu.memory_space<vmem>>) target_semaphore(%run_scoped3A : memref<!tpu.dma_semaphore, #tpu.memory_space<semaphore_mem>>)
        %dma_wait3A_36 = tpu.memref_slice %arg4[%add3A_11] : memref<163840xi32, #tpu.memory_space<hbm>> -> memref<64xi32, #tpu.memory_space<hbm>>
        %dma_wait3A_37 = tpu.memref_slice %arg4[%add3A_11] : memref<163840xi32, #tpu.memory_space<hbm>> -> memref<64xi32, #tpu.memory_space<hbm>>
        tpu.wait_dma2 semaphore(%run_scoped3A : memref<!tpu.dma_semaphore, #tpu.memory_space<semaphore_mem>>) src(%dma_wait3A_37 : memref<64xi32, #tpu.memory_space<hbm>>) dst(%arg8 : memref<64xi32, #tpu.memory_space<vmem>>)
        tpu.yield
      }) : () -> ()
      "tpu.region"() ({
        %run_scoped3A = tpu.sem_alloc : memref<!tpu.dma_semaphore, #tpu.memory_space<semaphore_mem>>
        %dma_start3A_34 = tpu.memref_slice %arg5[%add3A_11] : memref<163840xi32, #tpu.memory_space<hbm>> -> memref<64xi32, #tpu.memory_space<hbm>>
        %dma_start3A_35 = tpu.memref_slice %arg5[%add3A_11] : memref<163840xi32, #tpu.memory_space<hbm>> -> memref<64xi32, #tpu.memory_space<hbm>>
        tpu.enqueue_dma source(%dma_start3A_35 : memref<64xi32, #tpu.memory_space<hbm>>) target(%arg9 : memref<64xi32, #tpu.memory_space<vmem>>) target_semaphore(%run_scoped3A : memref<!tpu.dma_semaphore, #tpu.memory_space<semaphore_mem>>)
        %dma_wait3A_36 = tpu.memref_slice %arg5[%add3A_11] : memref<163840xi32, #tpu.memory_space<hbm>> -> memref<64xi32, #tpu.memory_space<hbm>>
        %dma_wait3A_37 = tpu.memref_slice %arg5[%add3A_11] : memref<163840xi32, #tpu.memory_space<hbm>> -> memref<64xi32, #tpu.memory_space<hbm>>
        tpu.wait_dma2 semaphore(%run_scoped3A : memref<!tpu.dma_semaphore, #tpu.memory_space<semaphore_mem>>) src(%dma_wait3A_37 : memref<64xi32, #tpu.memory_space<hbm>>) dst(%arg9 : memref<64xi32, #tpu.memory_space<vmem>>)
        tpu.yield
      }) : () -> ()
      %dma_start3A = arith.constant 0 : i32
      %dma_start3A_12 = arith.constant 0 : i32
      %dma_start3A_13 = tpu.memref_slice %arg2[%dma_start3A, %dma_start3A_12] : memref<10240x128xf32, #tpu.memory_space<hbm>> -> memref<10240x128xf32, #tpu.memory_space<hbm>>
      tpu.enqueue_indirect_dma source(%dma_start3A_13 : memref<10240x128xf32, #tpu.memory_space<hbm>>) target(%arg10 : memref<64x128xf32, #tpu.memory_space<vmem>>) offsets(%arg7 : memref<64xi32, #tpu.memory_space<vmem>>) semaphore(%arg13 : memref<!tpu.dma_semaphore, #tpu.memory_space<semaphore_mem>>)
      %dma_start3A_14 = arith.constant 0 : i32
      %dma_start3A_15 = arith.constant 0 : i32
      %dma_start3A_16 = tpu.memref_slice %arg2[%dma_start3A_14, %dma_start3A_15] : memref<10240x128xf32, #tpu.memory_space<hbm>> -> memref<10240x128xf32, #tpu.memory_space<hbm>>
      tpu.enqueue_indirect_dma source(%dma_start3A_16 : memref<10240x128xf32, #tpu.memory_space<hbm>>) target(%arg11 : memref<64x128xf32, #tpu.memory_space<vmem>>) offsets(%arg8 : memref<64xi32, #tpu.memory_space<vmem>>) semaphore(%arg14 : memref<!tpu.dma_semaphore, #tpu.memory_space<semaphore_mem>>)
      %dma_start3A_17 = arith.constant 0 : i32
      %dma_start3A_18 = arith.constant 0 : i32
      %dma_start3A_19 = tpu.memref_slice %arg2[%dma_start3A_17, %dma_start3A_18] : memref<10240x128xf32, #tpu.memory_space<hbm>> -> memref<10240x128xf32, #tpu.memory_space<hbm>>
      tpu.enqueue_indirect_dma source(%dma_start3A_19 : memref<10240x128xf32, #tpu.memory_space<hbm>>) target(%arg12 : memref<64x128xf32, #tpu.memory_space<vmem>>) offsets(%arg9 : memref<64xi32, #tpu.memory_space<vmem>>) semaphore(%arg15 : memref<!tpu.dma_semaphore, #tpu.memory_space<semaphore_mem>>)
      %dma_wait3A = arith.constant 0 : i32
      %dma_wait3A_20 = arith.constant 0 : i32
      %dma_wait3A_21 = tpu.memref_slice %arg2[%dma_wait3A, %dma_wait3A_20] : memref<10240x128xf32, #tpu.memory_space<hbm>> -> memref<10240x128xf32, #tpu.memory_space<hbm>>
      tpu.wait_indirect_dma semaphore(%arg13 : memref<!tpu.dma_semaphore, #tpu.memory_space<semaphore_mem>>) src(%dma_wait3A_21 : memref<10240x128xf32, #tpu.memory_space<hbm>>) dst(%arg10 : memref<64x128xf32, #tpu.memory_space<vmem>>)
      %dma_wait3A_22 = arith.constant 0 : i32
      %dma_wait3A_23 = arith.constant 0 : i32
      %dma_wait3A_24 = tpu.memref_slice %arg2[%dma_wait3A_22, %dma_wait3A_23] : memref<10240x128xf32, #tpu.memory_space<hbm>> -> memref<10240x128xf32, #tpu.memory_space<hbm>>
      tpu.wait_indirect_dma semaphore(%arg14 : memref<!tpu.dma_semaphore, #tpu.memory_space<semaphore_mem>>) src(%dma_wait3A_24 : memref<10240x128xf32, #tpu.memory_space<hbm>>) dst(%arg11 : memref<64x128xf32, #tpu.memory_space<vmem>>)
      %dma_wait3A_25 = arith.constant 0 : i32
      %dma_wait3A_26 = arith.constant 0 : i32
      %dma_wait3A_27 = tpu.memref_slice %arg2[%dma_wait3A_25, %dma_wait3A_26] : memref<10240x128xf32, #tpu.memory_space<hbm>> -> memref<10240x128xf32, #tpu.memory_space<hbm>>
      tpu.wait_indirect_dma semaphore(%arg15 : memref<!tpu.dma_semaphore, #tpu.memory_space<semaphore_mem>>) src(%dma_wait3A_27 : memref<10240x128xf32, #tpu.memory_space<hbm>>) dst(%arg12 : memref<64x128xf32, #tpu.memory_space<vmem>>)
      %scan3A_28 = arith.constant 0 : i32
      %scan3A_29 = arith.constant 0 : i32
      %scan3A_30 = arith.constant 64 : i32
      %scan3A_31 = arith.addi %scan3A_29, %scan3A_30 : i32
      %scan3A_32 = arith.constant 1 : i32
      scf.for %scan3A_34 = %scan3A_29 to %scan3A_31 step %scan3A_32  : i32 {
        %get3A = arith.index_cast %scan3A_34 : i32 to index
        %get3A_35 = arith.constant 0 : index
        %get3A_36 = tpu.vector_load %arg10[%get3A, %get3A_35] {strides = array<i32>} : memref<64x128xf32, #tpu.memory_space<vmem>>, vector<1x16xf32>,
        %get3A_37 = vector.shape_cast %get3A_36 : vector<1x16xf32> to vector<16xf32>
        %get3A_38 = arith.index_cast %scan3A_34 : i32 to index
        %get3A_39 = arith.constant 0 : index
        %get3A_40 = tpu.vector_load %arg11[%get3A_38, %get3A_39] {strides = array<i32>} : memref<64x128xf32, #tpu.memory_space<vmem>>, vector<1x16xf32>,
        %get3A_41 = vector.shape_cast %get3A_40 : vector<1x16xf32> to vector<16xf32>
        %add3A_42 = arith.addf %get3A_37, %get3A_41 : vector<16xf32>
        %get3A_43 = arith.index_cast %scan3A_34 : i32 to index
        %get3A_44 = arith.constant 0 : index
        %get3A_45 = tpu.vector_load %arg12[%get3A_43, %get3A_44] {strides = array<i32>} : memref<64x128xf32, #tpu.memory_space<vmem>>, vector<1x16xf32>,
        %get3A_46 = vector.shape_cast %get3A_45 : vector<1x16xf32> to vector<16xf32>
        %add3A_47 = arith.addf %add3A_42, %get3A_46 : vector<16xf32>
        %swap3A = arith.index_cast %scan3A_34 : i32 to index
        %swap3A_48 = arith.constant 0 : index
        %swap3A_49 = tpu.vector_load %arg10[%swap3A, %swap3A_48] {strides = array<i32>} : memref<64x128xf32, #tpu.memory_space<vmem>>, vector<1x16xf32>,
        %swap3A_50 = vector.shape_cast %swap3A_49 : vector<1x16xf32> to vector<16xf32>
        %swap3A_51 = vector.shape_cast %add3A_47 : vector<16xf32> to vector<1x16xf32>
        tpu.vector_store %arg10[%swap3A, %swap3A_48], %swap3A_51 {strides = array<i32>} : memref<64x128xf32, #tpu.memory_space<vmem>>, vector<1x16xf32>,
        %get3A_52 = arith.index_cast %scan3A_34 : i32 to index
        %get3A_53 = arith.constant 16 : index
        %get3A_54 = tpu.vector_load %arg10[%get3A_52, %get3A_53] {strides = array<i32>} : memref<64x128xf32, #tpu.memory_space<vmem>>, vector<1x16xf32>,
        %get3A_55 = vector.shape_cast %get3A_54 : vector<1x16xf32> to vector<16xf32>
        %get3A_56 = arith.index_cast %scan3A_34 : i32 to index
        %get3A_57 = arith.constant 16 : index
        %get3A_58 = tpu.vector_load %arg11[%get3A_56, %get3A_57] {strides = array<i32>} : memref<64x128xf32, #tpu.memory_space<vmem>>, vector<1x16xf32>,
        %get3A_59 = vector.shape_cast %get3A_58 : vector<1x16xf32> to vector<16xf32>
        %add3A_60 = arith.addf %get3A_55, %get3A_59 : vector<16xf32>
        %get3A_61 = arith.index_cast %scan3A_34 : i32 to index
        %get3A_62 = arith.constant 16 : index
        %get3A_63 = tpu.vector_load %arg12[%get3A_61, %get3A_62] {strides = array<i32>} : memref<64x128xf32, #tpu.memory_space<vmem>>, vector<1x16xf32>,
        %get3A_64 = vector.shape_cast %get3A_63 : vector<1x16xf32> to vector<16xf32>
        %add3A_65 = arith.addf %add3A_60, %get3A_64 : vector<16xf32>
        %swap3A_66 = arith.index_cast %scan3A_34 : i32 to index
        %swap3A_67 = arith.constant 16 : index
        %swap3A_68 = tpu.vector_load %arg10[%swap3A_66, %swap3A_67] {strides = array<i32>} : memref<64x128xf32, #tpu.memory_space<vmem>>, vector<1x16xf32>,
        %swap3A_69 = vector.shape_cast %swap3A_68 : vector<1x16xf32> to vector<16xf32>
        %swap3A_70 = vector.shape_cast %add3A_65 : vector<16xf32> to vector<1x16xf32>
        tpu.vector_store %arg10[%swap3A_66, %swap3A_67], %swap3A_70 {strides = array<i32>} : memref<64x128xf32, #tpu.memory_space<vmem>>, vector<1x16xf32>,
        %get3A_71 = arith.index_cast %scan3A_34 : i32 to index
        %get3A_72 = arith.constant 32 : index
        %get3A_73 = tpu.vector_load %arg10[%get3A_71, %get3A_72] {strides = array<i32>} : memref<64x128xf32, #tpu.memory_space<vmem>>, vector<1x16xf32>,
        %get3A_74 = vector.shape_cast %get3A_73 : vector<1x16xf32> to vector<16xf32>
        %get3A_75 = arith.index_cast %scan3A_34 : i32 to index
        %get3A_76 = arith.constant 32 : index
        %get3A_77 = tpu.vector_load %arg11[%get3A_75, %get3A_76] {strides = array<i32>} : memref<64x128xf32, #tpu.memory_space<vmem>>, vector<1x16xf32>,
        %get3A_78 = vector.shape_cast %get3A_77 : vector<1x16xf32> to vector<16xf32>
        %add3A_79 = arith.addf %get3A_74, %get3A_78 : vector<16xf32>
        %get3A_80 = arith.index_cast %scan3A_34 : i32 to index
        %get3A_81 = arith.constant 32 : index
        %get3A_82 = tpu.vector_load %arg12[%get3A_80, %get3A_81] {strides = array<i32>} : memref<64x128xf32, #tpu.memory_space<vmem>>, vector<1x16xf32>,
        %get3A_83 = vector.shape_cast %get3A_82 : vector<1x16xf32> to vector<16xf32>
        %add3A_84 = arith.addf %add3A_79, %get3A_83 : vector<16xf32>
        %swap3A_85 = arith.index_cast %scan3A_34 : i32 to index
        %swap3A_86 = arith.constant 32 : index
        %swap3A_87 = tpu.vector_load %arg10[%swap3A_85, %swap3A_86] {strides = array<i32>} : memref<64x128xf32, #tpu.memory_space<vmem>>, vector<1x16xf32>,
        %swap3A_88 = vector.shape_cast %swap3A_87 : vector<1x16xf32> to vector<16xf32>
        %swap3A_89 = vector.shape_cast %add3A_84 : vector<16xf32> to vector<1x16xf32>
        tpu.vector_store %arg10[%swap3A_85, %swap3A_86], %swap3A_89 {strides = array<i32>} : memref<64x128xf32, #tpu.memory_space<vmem>>, vector<1x16xf32>,
        %get3A_90 = arith.index_cast %scan3A_34 : i32 to index
        %get3A_91 = arith.constant 48 : index
        %get3A_92 = tpu.vector_load %arg10[%get3A_90, %get3A_91] {strides = array<i32>} : memref<64x128xf32, #tpu.memory_space<vmem>>, vector<1x16xf32>,
        %get3A_93 = vector.shape_cast %get3A_92 : vector<1x16xf32> to vector<16xf32>
        %get3A_94 = arith.index_cast %scan3A_34 : i32 to index
        %get3A_95 = arith.constant 48 : index
        %get3A_96 = tpu.vector_load %arg11[%get3A_94, %get3A_95] {strides = array<i32>} : memref<64x128xf32, #tpu.memory_space<vmem>>, vector<1x16xf32>,
        %get3A_97 = vector.shape_cast %get3A_96 : vector<1x16xf32> to vector<16xf32>
        %add3A_98 = arith.addf %get3A_93, %get3A_97 : vector<16xf32>
        %get3A_99 = arith.index_cast %scan3A_34 : i32 to index
        %get3A_100 = arith.constant 48 : index
        %get3A_101 = tpu.vector_load %arg12[%get3A_99, %get3A_100] {strides = array<i32>} : memref<64x128xf32, #tpu.memory_space<vmem>>, vector<1x16xf32>,
        %get3A_102 = vector.shape_cast %get3A_101 : vector<1x16xf32> to vector<16xf32>
        %add3A_103 = arith.addf %add3A_98, %get3A_102 : vector<16xf32>
        %swap3A_104 = arith.index_cast %scan3A_34 : i32 to index
        %swap3A_105 = arith.constant 48 : index
        %swap3A_106 = tpu.vector_load %arg10[%swap3A_104, %swap3A_105] {strides = array<i32>} : memref<64x128xf32, #tpu.memory_space<vmem>>, vector<1x16xf32>,
        %swap3A_107 = vector.shape_cast %swap3A_106 : vector<1x16xf32> to vector<16xf32>
        %swap3A_108 = vector.shape_cast %add3A_103 : vector<16xf32> to vector<1x16xf32>
        tpu.vector_store %arg10[%swap3A_104, %swap3A_105], %swap3A_108 {strides = array<i32>} : memref<64x128xf32, #tpu.memory_space<vmem>>, vector<1x16xf32>,
        %get3A_109 = arith.index_cast %scan3A_34 : i32 to index
        %get3A_110 = arith.constant 64 : index
        %get3A_111 = tpu.vector_load %arg10[%get3A_109, %get3A_110] {strides = array<i32>} : memref<64x128xf32, #tpu.memory_space<vmem>>, vector<1x16xf32>,
        %get3A_112 = vector.shape_cast %get3A_111 : vector<1x16xf32> to vector<16xf32>
        %get3A_113 = arith.index_cast %scan3A_34 : i32 to index
        %get3A_114 = arith.constant 64 : index
        %get3A_115 = tpu.vector_load %arg11[%get3A_113, %get3A_114] {strides = array<i32>} : memref<64x128xf32, #tpu.memory_space<vmem>>, vector<1x16xf32>,
        %get3A_116 = vector.shape_cast %get3A_115 : vector<1x16xf32> to vector<16xf32>
        %add3A_117 = arith.addf %get3A_112, %get3A_116 : vector<16xf32>
        %get3A_118 = arith.index_cast %scan3A_34 : i32 to index
        %get3A_119 = arith.constant 64 : index
        %get3A_120 = tpu.vector_load %arg12[%get3A_118, %get3A_119] {strides = array<i32>} : memref<64x128xf32, #tpu.memory_space<vmem>>, vector<1x16xf32>,
        %get3A_121 = vector.shape_cast %get3A_120 : vector<1x16xf32> to vector<16xf32>
        %add3A_122 = arith.addf %add3A_117, %get3A_121 : vector<16xf32>
        %swap3A_123 = arith.index_cast %scan3A_34 : i32 to index
        %swap3A_124 = arith.constant 64 : index
        %swap3A_125 = tpu.vector_load %arg10[%swap3A_123, %swap3A_124] {strides = array<i32>} : memref<64x128xf32, #tpu.memory_space<vmem>>, vector<1x16xf32>,
        %swap3A_126 = vector.shape_cast %swap3A_125 : vector<1x16xf32> to vector<16xf32>
        %swap3A_127 = vector.shape_cast %add3A_122 : vector<16xf32> to vector<1x16xf32>
        tpu.vector_store %arg10[%swap3A_123, %swap3A_124], %swap3A_127 {strides = array<i32>} : memref<64x128xf32, #tpu.memory_space<vmem>>, vector<1x16xf32>,
        %get3A_128 = arith.index_cast %scan3A_34 : i32 to index
        %get3A_129 = arith.constant 80 : index
        %get3A_130 = tpu.vector_load %arg10[%get3A_128, %get3A_129] {strides = array<i32>} : memref<64x128xf32, #tpu.memory_space<vmem>>, vector<1x16xf32>,
        %get3A_131 = vector.shape_cast %get3A_130 : vector<1x16xf32> to vector<16xf32>
        %get3A_132 = arith.index_cast %scan3A_34 : i32 to index
        %get3A_133 = arith.constant 80 : index
        %get3A_134 = tpu.vector_load %arg11[%get3A_132, %get3A_133] {strides = array<i32>} : memref<64x128xf32, #tpu.memory_space<vmem>>, vector<1x16xf32>,
        %get3A_135 = vector.shape_cast %get3A_134 : vector<1x16xf32> to vector<16xf32>
        %add3A_136 = arith.addf %get3A_131, %get3A_135 : vector<16xf32>
        %get3A_137 = arith.index_cast %scan3A_34 : i32 to index
        %get3A_138 = arith.constant 80 : index
        %get3A_139 = tpu.vector_load %arg12[%get3A_137, %get3A_138] {strides = array<i32>} : memref<64x128xf32, #tpu.memory_space<vmem>>, vector<1x16xf32>,
        %get3A_140 = vector.shape_cast %get3A_139 : vector<1x16xf32> to vector<16xf32>
        %add3A_141 = arith.addf %add3A_136, %get3A_140 : vector<16xf32>
        %swap3A_142 = arith.index_cast %scan3A_34 : i32 to index
        %swap3A_143 = arith.constant 80 : index
        %swap3A_144 = tpu.vector_load %arg10[%swap3A_142, %swap3A_143] {strides = array<i32>} : memref<64x128xf32, #tpu.memory_space<vmem>>, vector<1x16xf32>,
        %swap3A_145 = vector.shape_cast %swap3A_144 : vector<1x16xf32> to vector<16xf32>
        %swap3A_146 = vector.shape_cast %add3A_141 : vector<16xf32> to vector<1x16xf32>
        tpu.vector_store %arg10[%swap3A_142, %swap3A_143], %swap3A_146 {strides = array<i32>} : memref<64x128xf32, #tpu.memory_space<vmem>>, vector<1x16xf32>,
        %get3A_147 = arith.index_cast %scan3A_34 : i32 to index
        %get3A_148 = arith.constant 96 : index
        %get3A_149 = tpu.vector_load %arg10[%get3A_147, %get3A_148] {strides = array<i32>} : memref<64x128xf32, #tpu.memory_space<vmem>>, vector<1x16xf32>,
        %get3A_150 = vector.shape_cast %get3A_149 : vector<1x16xf32> to vector<16xf32>
        %get3A_151 = arith.index_cast %scan3A_34 : i32 to index
        %get3A_152 = arith.constant 96 : index
        %get3A_153 = tpu.vector_load %arg11[%get3A_151, %get3A_152] {strides = array<i32>} : memref<64x128xf32, #tpu.memory_space<vmem>>, vector<1x16xf32>,
        %get3A_154 = vector.shape_cast %get3A_153 : vector<1x16xf32> to vector<16xf32>
        %add3A_155 = arith.addf %get3A_150, %get3A_154 : vector<16xf32>
        %get3A_156 = arith.index_cast %scan3A_34 : i32 to index
        %get3A_157 = arith.constant 96 : index
        %get3A_158 = tpu.vector_load %arg12[%get3A_156, %get3A_157] {strides = array<i32>} : memref<64x128xf32, #tpu.memory_space<vmem>>, vector<1x16xf32>,
        %get3A_159 = vector.shape_cast %get3A_158 : vector<1x16xf32> to vector<16xf32>
        %add3A_160 = arith.addf %add3A_155, %get3A_159 : vector<16xf32>
        %swap3A_161 = arith.index_cast %scan3A_34 : i32 to index
        %swap3A_162 = arith.constant 96 : index
        %swap3A_163 = tpu.vector_load %arg10[%swap3A_161, %swap3A_162] {strides = array<i32>} : memref<64x128xf32, #tpu.memory_space<vmem>>, vector<1x16xf32>,
        %swap3A_164 = vector.shape_cast %swap3A_163 : vector<1x16xf32> to vector<16xf32>
        %swap3A_165 = vector.shape_cast %add3A_160 : vector<16xf32> to vector<1x16xf32>
        tpu.vector_store %arg10[%swap3A_161, %swap3A_162], %swap3A_165 {strides = array<i32>} : memref<64x128xf32, #tpu.memory_space<vmem>>, vector<1x16xf32>,
        %get3A_166 = arith.index_cast %scan3A_34 : i32 to index
        %get3A_167 = arith.constant 112 : index
        %get3A_168 = tpu.vector_load %arg10[%get3A_166, %get3A_167] {strides = array<i32>} : memref<64x128xf32, #tpu.memory_space<vmem>>, vector<1x16xf32>,
        %get3A_169 = vector.shape_cast %get3A_168 : vector<1x16xf32> to vector<16xf32>
        %get3A_170 = arith.index_cast %scan3A_34 : i32 to index
        %get3A_171 = arith.constant 112 : index
        %get3A_172 = tpu.vector_load %arg11[%get3A_170, %get3A_171] {strides = array<i32>} : memref<64x128xf32, #tpu.memory_space<vmem>>, vector<1x16xf32>,
        %get3A_173 = vector.shape_cast %get3A_172 : vector<1x16xf32> to vector<16xf32>
        %add3A_174 = arith.addf %get3A_169, %get3A_173 : vector<16xf32>
        %get3A_175 = arith.index_cast %scan3A_34 : i32 to index
        %get3A_176 = arith.constant 112 : index
        %get3A_177 = tpu.vector_load %arg12[%get3A_175, %get3A_176] {strides = array<i32>} : memref<64x128xf32, #tpu.memory_space<vmem>>, vector<1x16xf32>,
        %get3A_178 = vector.shape_cast %get3A_177 : vector<1x16xf32> to vector<16xf32>
        %add3A_179 = arith.addf %add3A_174, %get3A_178 : vector<16xf32>
        %swap3A_180 = arith.index_cast %scan3A_34 : i32 to index
        %swap3A_181 = arith.constant 112 : index
        %swap3A_182 = tpu.vector_load %arg10[%swap3A_180, %swap3A_181] {strides = array<i32>} : memref<64x128xf32, #tpu.memory_space<vmem>>, vector<1x16xf32>,
        %swap3A_183 = vector.shape_cast %swap3A_182 : vector<1x16xf32> to vector<16xf32>
        %swap3A_184 = vector.shape_cast %add3A_179 : vector<16xf32> to vector<1x16xf32>
        tpu.vector_store %arg10[%swap3A_180, %swap3A_181], %swap3A_184 {strides = array<i32>} : memref<64x128xf32, #tpu.memory_space<vmem>>, vector<1x16xf32>,
      }
      %scan3A_33 = arith.constant 64 : i32
      "tpu.region"() ({
        %run_scoped3A = tpu.sem_alloc : memref<!tpu.dma_semaphore, #tpu.memory_space<semaphore_mem>>
        %dma_start3A_34 = arith.constant 0 : i32
        %dma_start3A_35 = tpu.memref_slice %arg6[%add3A_11, %dma_start3A_34] : memref<163840x128xf32, #tpu.memory_space<hbm>> -> memref<64x128xf32, #tpu.memory_space<hbm>>
        %dma_start3A_36 = arith.constant 0 : i32
        %dma_start3A_37 = tpu.memref_slice %arg6[%add3A_11, %dma_start3A_36] : memref<163840x128xf32, #tpu.memory_space<hbm>> -> memref<64x128xf32, #tpu.memory_space<hbm>>
        tpu.enqueue_dma source(%arg10 : memref<64x128xf32, #tpu.memory_space<vmem>>) target(%dma_start3A_37 : memref<64x128xf32, #tpu.memory_space<hbm>>) target_semaphore(%run_scoped3A : memref<!tpu.dma_semaphore, #tpu.memory_space<semaphore_mem>>)
        %dma_wait3A_38 = arith.constant 0 : i32
        %dma_wait3A_39 = tpu.memref_slice %arg6[%add3A_11, %dma_wait3A_38] : memref<163840x128xf32, #tpu.memory_space<hbm>> -> memref<64x128xf32, #tpu.memory_space<hbm>>
        %dma_wait3A_40 = arith.constant 0 : i32
        %dma_wait3A_41 = tpu.memref_slice %arg6[%add3A_11, %dma_wait3A_40] : memref<163840x128xf32, #tpu.memory_space<hbm>> -> memref<64x128xf32, #tpu.memory_space<hbm>>
        tpu.wait_dma2 semaphore(%run_scoped3A : memref<!tpu.dma_semaphore, #tpu.memory_space<semaphore_mem>>) src(%arg10 : memref<64x128xf32, #tpu.memory_space<vmem>>) dst(%dma_wait3A_41 : memref<64x128xf32, #tpu.memory_space<hbm>>)
        tpu.yield
      }) : () -> ()
    }
    %scan3A_7 = arith.constant 80 : i32
    return
  }
}

#map = affine_map<(d0, d1) -> (0, 0)>
#map1 = affine_map<(d0, d1) -> (0)>
#map2 = affine_map<(d0, d1) -> (0, 0, 0)>
module attributes {stable_mosaic.version = 14 : i64} {
  func.func @_sc_b1(%arg0: i32, %arg1: i32, %arg2: memref<163840x128xf32, #tpu.memory_space<hbm>>, %arg3: memref<163840xi32, #tpu.memory_space<hbm>>, %arg4: memref<163840xi32, #tpu.memory_space<hbm>>, %arg5: memref<163840xi32, #tpu.memory_space<hbm>>, %arg6: memref<10240x128xf32, #tpu.memory_space<hbm>>, %arg7: memref<2x10240x128xf32, #tpu.memory_space<hbm>>, %arg8: memref<10240x128xf32, #tpu.memory_space<vmem_shared>>, %arg9: memref<128xi32, #tpu.memory_space<vmem>>, %arg10: memref<128xi32, #tpu.memory_space<vmem>>, %arg11: memref<128xi32, #tpu.memory_space<vmem>>, %arg12: memref<128x128xf32, #tpu.memory_space<vmem>>) attributes {dimension_semantics = [#tpu.dimension_semantics<core_parallel>, #tpu.dimension_semantics<subcore_parallel>], iteration_bounds = array<i64: 2, 16>, scalar_prefetch = 0 : i64, scratch_operands = 5 : i64, tpu.core_type = #tpu.core_type<sc_vector_subcore>, window_params = [{transform_indices = #map}, {transform_indices = #map1}, {transform_indices = #map1}, {transform_indices = #map1}, {transform_indices = #map}, {transform_indices = #map2}]} {
    %mul3A = arith.constant 2 : i32
    %mul3A_0 = arith.muli %arg1, %mul3A : i32
    %add3A = arith.addi %mul3A_0, %arg0 : i32
    %mul3A_1 = arith.constant 640 : i32
    %mul3A_2 = arith.muli %arg1, %mul3A_1 : i32
    "tpu.region"() ({
      %run_scoped3A = tpu.sem_alloc : memref<!tpu.dma_semaphore, #tpu.memory_space<semaphore_mem>>
      %dma_start3A = arith.constant 0 : i32
      %dma_start3A_11 = tpu.memref_slice %arg8[%mul3A_2, %dma_start3A] : memref<10240x128xf32, #tpu.memory_space<vmem_shared>> -> memref<640x128xf32, #tpu.memory_space<vmem_shared>>
      %dma_start3A_12 = arith.constant 0 : i32
      %dma_start3A_13 = tpu.memref_slice %arg6[%mul3A_2, %dma_start3A_12] : memref<10240x128xf32, #tpu.memory_space<hbm>> -> memref<640x128xf32, #tpu.memory_space<hbm>>
      tpu.enqueue_dma source(%dma_start3A_13 : memref<640x128xf32, #tpu.memory_space<hbm>>) target(%dma_start3A_11 : memref<640x128xf32, #tpu.memory_space<vmem_shared>>) target_semaphore(%run_scoped3A : memref<!tpu.dma_semaphore, #tpu.memory_space<semaphore_mem>>)
      %dma_wait3A = arith.constant 0 : i32
      %dma_wait3A_14 = tpu.memref_slice %arg8[%mul3A_2, %dma_wait3A] : memref<10240x128xf32, #tpu.memory_space<vmem_shared>> -> memref<640x128xf32, #tpu.memory_space<vmem_shared>>
      %dma_wait3A_15 = arith.constant 0 : i32
      %dma_wait3A_16 = tpu.memref_slice %arg6[%mul3A_2, %dma_wait3A_15] : memref<10240x128xf32, #tpu.memory_space<hbm>> -> memref<640x128xf32, #tpu.memory_space<hbm>>
      tpu.wait_dma2 semaphore(%run_scoped3A : memref<!tpu.dma_semaphore, #tpu.memory_space<semaphore_mem>>) src(%dma_wait3A_16 : memref<640x128xf32, #tpu.memory_space<hbm>>) dst(%dma_wait3A_14 : memref<640x128xf32, #tpu.memory_space<vmem_shared>>)
      tpu.yield
    }) : () -> ()
    %barrier3A = arith.constant 0 : index
    tpu.barrier barrier_id(%barrier3A)
    %mul3A_3 = arith.constant 5120 : i32
    %mul3A_4 = arith.muli %add3A, %mul3A_3 : i32
    %scan3A = arith.constant 0 : i32
    %scan3A_5 = arith.constant 0 : i32
    %scan3A_6 = arith.constant 40 : i32
    %scan3A_7 = arith.addi %scan3A_5, %scan3A_6 : i32
    %scan3A_8 = arith.constant 1 : i32
    scf.for %scan3A_11 = %scan3A_5 to %scan3A_7 step %scan3A_8  : i32 {
      %mul3A_12 = arith.constant 128 : i32
      %mul3A_13 = arith.muli %scan3A_11, %mul3A_12 : i32
      %add3A_14 = arith.addi %mul3A_4, %mul3A_13 : i32
      "tpu.region"() ({
        %run_scoped3A = tpu.sem_alloc : memref<!tpu.dma_semaphore, #tpu.memory_space<semaphore_mem>>
        %dma_start3A = tpu.memref_slice %arg3[%add3A_14] : memref<163840xi32, #tpu.memory_space<hbm>> -> memref<128xi32, #tpu.memory_space<hbm>>
        %dma_start3A_15 = tpu.memref_slice %arg3[%add3A_14] : memref<163840xi32, #tpu.memory_space<hbm>> -> memref<128xi32, #tpu.memory_space<hbm>>
        tpu.enqueue_dma source(%dma_start3A_15 : memref<128xi32, #tpu.memory_space<hbm>>) target(%arg9 : memref<128xi32, #tpu.memory_space<vmem>>) target_semaphore(%run_scoped3A : memref<!tpu.dma_semaphore, #tpu.memory_space<semaphore_mem>>)
        %dma_wait3A = tpu.memref_slice %arg3[%add3A_14] : memref<163840xi32, #tpu.memory_space<hbm>> -> memref<128xi32, #tpu.memory_space<hbm>>
        %dma_wait3A_16 = tpu.memref_slice %arg3[%add3A_14] : memref<163840xi32, #tpu.memory_space<hbm>> -> memref<128xi32, #tpu.memory_space<hbm>>
        tpu.wait_dma2 semaphore(%run_scoped3A : memref<!tpu.dma_semaphore, #tpu.memory_space<semaphore_mem>>) src(%dma_wait3A_16 : memref<128xi32, #tpu.memory_space<hbm>>) dst(%arg9 : memref<128xi32, #tpu.memory_space<vmem>>)
        tpu.yield
      }) : () -> ()
      "tpu.region"() ({
        %run_scoped3A = tpu.sem_alloc : memref<!tpu.dma_semaphore, #tpu.memory_space<semaphore_mem>>
        %dma_start3A = tpu.memref_slice %arg4[%add3A_14] : memref<163840xi32, #tpu.memory_space<hbm>> -> memref<128xi32, #tpu.memory_space<hbm>>
        %dma_start3A_15 = tpu.memref_slice %arg4[%add3A_14] : memref<163840xi32, #tpu.memory_space<hbm>> -> memref<128xi32, #tpu.memory_space<hbm>>
        tpu.enqueue_dma source(%dma_start3A_15 : memref<128xi32, #tpu.memory_space<hbm>>) target(%arg10 : memref<128xi32, #tpu.memory_space<vmem>>) target_semaphore(%run_scoped3A : memref<!tpu.dma_semaphore, #tpu.memory_space<semaphore_mem>>)
        %dma_wait3A = tpu.memref_slice %arg4[%add3A_14] : memref<163840xi32, #tpu.memory_space<hbm>> -> memref<128xi32, #tpu.memory_space<hbm>>
        %dma_wait3A_16 = tpu.memref_slice %arg4[%add3A_14] : memref<163840xi32, #tpu.memory_space<hbm>> -> memref<128xi32, #tpu.memory_space<hbm>>
        tpu.wait_dma2 semaphore(%run_scoped3A : memref<!tpu.dma_semaphore, #tpu.memory_space<semaphore_mem>>) src(%dma_wait3A_16 : memref<128xi32, #tpu.memory_space<hbm>>) dst(%arg10 : memref<128xi32, #tpu.memory_space<vmem>>)
        tpu.yield
      }) : () -> ()
      "tpu.region"() ({
        %run_scoped3A = tpu.sem_alloc : memref<!tpu.dma_semaphore, #tpu.memory_space<semaphore_mem>>
        %dma_start3A = tpu.memref_slice %arg5[%add3A_14] : memref<163840xi32, #tpu.memory_space<hbm>> -> memref<128xi32, #tpu.memory_space<hbm>>
        %dma_start3A_15 = tpu.memref_slice %arg5[%add3A_14] : memref<163840xi32, #tpu.memory_space<hbm>> -> memref<128xi32, #tpu.memory_space<hbm>>
        tpu.enqueue_dma source(%dma_start3A_15 : memref<128xi32, #tpu.memory_space<hbm>>) target(%arg11 : memref<128xi32, #tpu.memory_space<vmem>>) target_semaphore(%run_scoped3A : memref<!tpu.dma_semaphore, #tpu.memory_space<semaphore_mem>>)
        %dma_wait3A = tpu.memref_slice %arg5[%add3A_14] : memref<163840xi32, #tpu.memory_space<hbm>> -> memref<128xi32, #tpu.memory_space<hbm>>
        %dma_wait3A_16 = tpu.memref_slice %arg5[%add3A_14] : memref<163840xi32, #tpu.memory_space<hbm>> -> memref<128xi32, #tpu.memory_space<hbm>>
        tpu.wait_dma2 semaphore(%run_scoped3A : memref<!tpu.dma_semaphore, #tpu.memory_space<semaphore_mem>>) src(%dma_wait3A_16 : memref<128xi32, #tpu.memory_space<hbm>>) dst(%arg11 : memref<128xi32, #tpu.memory_space<vmem>>)
        tpu.yield
      }) : () -> ()
      "tpu.region"() ({
        %run_scoped3A = tpu.sem_alloc : memref<!tpu.dma_semaphore, #tpu.memory_space<semaphore_mem>>
        %dma_start3A = arith.constant 0 : i32
        %dma_start3A_15 = tpu.memref_slice %arg2[%add3A_14, %dma_start3A] : memref<163840x128xf32, #tpu.memory_space<hbm>> -> memref<128x128xf32, #tpu.memory_space<hbm>>
        %dma_start3A_16 = arith.constant 0 : i32
        %dma_start3A_17 = tpu.memref_slice %arg2[%add3A_14, %dma_start3A_16] : memref<163840x128xf32, #tpu.memory_space<hbm>> -> memref<128x128xf32, #tpu.memory_space<hbm>>
        tpu.enqueue_dma source(%dma_start3A_17 : memref<128x128xf32, #tpu.memory_space<hbm>>) target(%arg12 : memref<128x128xf32, #tpu.memory_space<vmem>>) target_semaphore(%run_scoped3A : memref<!tpu.dma_semaphore, #tpu.memory_space<semaphore_mem>>)
        %dma_wait3A = arith.constant 0 : i32
        %dma_wait3A_18 = tpu.memref_slice %arg2[%add3A_14, %dma_wait3A] : memref<163840x128xf32, #tpu.memory_space<hbm>> -> memref<128x128xf32, #tpu.memory_space<hbm>>
        %dma_wait3A_19 = arith.constant 0 : i32
        %dma_wait3A_20 = tpu.memref_slice %arg2[%add3A_14, %dma_wait3A_19] : memref<163840x128xf32, #tpu.memory_space<hbm>> -> memref<128x128xf32, #tpu.memory_space<hbm>>
        tpu.wait_dma2 semaphore(%run_scoped3A : memref<!tpu.dma_semaphore, #tpu.memory_space<semaphore_mem>>) src(%dma_wait3A_20 : memref<128x128xf32, #tpu.memory_space<hbm>>) dst(%arg12 : memref<128x128xf32, #tpu.memory_space<vmem>>)
        tpu.yield
      }) : () -> ()
      "tpu.region"() ({
        %run_scoped3A = tpu.sem_alloc : memref<!tpu.dma_semaphore, #tpu.memory_space<semaphore_mem>>
        %dma_start3A = arith.constant 0 : i32
        %dma_start3A_15 = arith.constant 0 : i32
        %dma_start3A_16 = tpu.memref_slice %arg8[%dma_start3A, %dma_start3A_15] : memref<10240x128xf32, #tpu.memory_space<vmem_shared>> -> memref<10240x128xf32, #tpu.memory_space<vmem_shared>>
        tpu.enqueue_indirect_dma source(%arg12 : memref<128x128xf32, #tpu.memory_space<vmem>>) target(%dma_start3A_16 : memref<10240x128xf32, #tpu.memory_space<vmem_shared>>) offsets(%arg9 : memref<128xi32, #tpu.memory_space<vmem>>) semaphore(%run_scoped3A : memref<!tpu.dma_semaphore, #tpu.memory_space<semaphore_mem>>) {add = true}
        %dma_wait3A = arith.constant 0 : i32
        %dma_wait3A_17 = arith.constant 0 : i32
        %dma_wait3A_18 = tpu.memref_slice %arg8[%dma_wait3A, %dma_wait3A_17] : memref<10240x128xf32, #tpu.memory_space<vmem_shared>> -> memref<10240x128xf32, #tpu.memory_space<vmem_shared>>
        tpu.wait_indirect_dma semaphore(%run_scoped3A : memref<!tpu.dma_semaphore, #tpu.memory_space<semaphore_mem>>) src(%arg12 : memref<128x128xf32, #tpu.memory_space<vmem>>) dst(%dma_wait3A_18 : memref<10240x128xf32, #tpu.memory_space<vmem_shared>>)
        tpu.yield
      }) : () -> ()
      "tpu.region"() ({
        %run_scoped3A = tpu.sem_alloc : memref<!tpu.dma_semaphore, #tpu.memory_space<semaphore_mem>>
        %dma_start3A = arith.constant 0 : i32
        %dma_start3A_15 = arith.constant 0 : i32
        %dma_start3A_16 = tpu.memref_slice %arg8[%dma_start3A, %dma_start3A_15] : memref<10240x128xf32, #tpu.memory_space<vmem_shared>> -> memref<10240x128xf32, #tpu.memory_space<vmem_shared>>
        tpu.enqueue_indirect_dma source(%arg12 : memref<128x128xf32, #tpu.memory_space<vmem>>) target(%dma_start3A_16 : memref<10240x128xf32, #tpu.memory_space<vmem_shared>>) offsets(%arg10 : memref<128xi32, #tpu.memory_space<vmem>>) semaphore(%run_scoped3A : memref<!tpu.dma_semaphore, #tpu.memory_space<semaphore_mem>>) {add = true}
        %dma_wait3A = arith.constant 0 : i32
        %dma_wait3A_17 = arith.constant 0 : i32
        %dma_wait3A_18 = tpu.memref_slice %arg8[%dma_wait3A, %dma_wait3A_17] : memref<10240x128xf32, #tpu.memory_space<vmem_shared>> -> memref<10240x128xf32, #tpu.memory_space<vmem_shared>>
        tpu.wait_indirect_dma semaphore(%run_scoped3A : memref<!tpu.dma_semaphore, #tpu.memory_space<semaphore_mem>>) src(%arg12 : memref<128x128xf32, #tpu.memory_space<vmem>>) dst(%dma_wait3A_18 : memref<10240x128xf32, #tpu.memory_space<vmem_shared>>)
        tpu.yield
      }) : () -> ()
      "tpu.region"() ({
        %run_scoped3A = tpu.sem_alloc : memref<!tpu.dma_semaphore, #tpu.memory_space<semaphore_mem>>
        %dma_start3A = arith.constant 0 : i32
        %dma_start3A_15 = arith.constant 0 : i32
        %dma_start3A_16 = tpu.memref_slice %arg8[%dma_start3A, %dma_start3A_15] : memref<10240x128xf32, #tpu.memory_space<vmem_shared>> -> memref<10240x128xf32, #tpu.memory_space<vmem_shared>>
        tpu.enqueue_indirect_dma source(%arg12 : memref<128x128xf32, #tpu.memory_space<vmem>>) target(%dma_start3A_16 : memref<10240x128xf32, #tpu.memory_space<vmem_shared>>) offsets(%arg11 : memref<128xi32, #tpu.memory_space<vmem>>) semaphore(%run_scoped3A : memref<!tpu.dma_semaphore, #tpu.memory_space<semaphore_mem>>) {add = true}
        %dma_wait3A = arith.constant 0 : i32
        %dma_wait3A_17 = arith.constant 0 : i32
        %dma_wait3A_18 = tpu.memref_slice %arg8[%dma_wait3A, %dma_wait3A_17] : memref<10240x128xf32, #tpu.memory_space<vmem_shared>> -> memref<10240x128xf32, #tpu.memory_space<vmem_shared>>
        tpu.wait_indirect_dma semaphore(%run_scoped3A : memref<!tpu.dma_semaphore, #tpu.memory_space<semaphore_mem>>) src(%arg12 : memref<128x128xf32, #tpu.memory_space<vmem>>) dst(%dma_wait3A_18 : memref<10240x128xf32, #tpu.memory_space<vmem_shared>>)
        tpu.yield
      }) : () -> ()
    }
    %scan3A_9 = arith.constant 40 : i32
    %barrier3A_10 = arith.constant 0 : index
    tpu.barrier barrier_id(%barrier3A_10)
    "tpu.region"() ({
      %run_scoped3A = tpu.sem_alloc : memref<!tpu.dma_semaphore, #tpu.memory_space<semaphore_mem>>
      %dma_start3A = arith.constant 0 : i32
      %dma_start3A_11 = tpu.memref_slice %arg7[%arg0, %mul3A_2, %dma_start3A] : memref<2x10240x128xf32, #tpu.memory_space<hbm>> -> memref<1x640x128xf32, #tpu.memory_space<hbm>>
      %dma_start3A_12 = tpu.memref_squeeze %dma_start3A_11 : memref<1x640x128xf32, #tpu.memory_space<hbm>> -> memref<640x128xf32, #tpu.memory_space<hbm>>
      %dma_start3A_13 = arith.constant 0 : i32
      %dma_start3A_14 = tpu.memref_slice %arg8[%mul3A_2, %dma_start3A_13] : memref<10240x128xf32, #tpu.memory_space<vmem_shared>> -> memref<640x128xf32, #tpu.memory_space<vmem_shared>>
      tpu.enqueue_dma source(%dma_start3A_14 : memref<640x128xf32, #tpu.memory_space<vmem_shared>>) target(%dma_start3A_12 : memref<640x128xf32, #tpu.memory_space<hbm>>) target_semaphore(%run_scoped3A : memref<!tpu.dma_semaphore, #tpu.memory_space<semaphore_mem>>)
      %dma_wait3A = arith.constant 0 : i32
      %dma_wait3A_15 = tpu.memref_slice %arg7[%arg0, %mul3A_2, %dma_wait3A] : memref<2x10240x128xf32, #tpu.memory_space<hbm>> -> memref<1x640x128xf32, #tpu.memory_space<hbm>>
      %dma_wait3A_16 = tpu.memref_squeeze %dma_wait3A_15 : memref<1x640x128xf32, #tpu.memory_space<hbm>> -> memref<640x128xf32, #tpu.memory_space<hbm>>
      %dma_wait3A_17 = arith.constant 0 : i32
      %dma_wait3A_18 = tpu.memref_slice %arg8[%mul3A_2, %dma_wait3A_17] : memref<10240x128xf32, #tpu.memory_space<vmem_shared>> -> memref<640x128xf32, #tpu.memory_space<vmem_shared>>
      tpu.wait_dma2 semaphore(%run_scoped3A : memref<!tpu.dma_semaphore, #tpu.memory_space<semaphore_mem>>) src(%dma_wait3A_18 : memref<640x128xf32, #tpu.memory_space<vmem_shared>>) dst(%dma_wait3A_16 : memref<640x128xf32, #tpu.memory_space<hbm>>)
      tpu.yield
    }) : () -> ()
    return
  }
}

#map = affine_map<(d0, d1) -> (0, 0)>
#map1 = affine_map<(d0, d1) -> (0)>
#map2 = affine_map<(d0, d1) -> (0, 0, 0)>
module attributes {stable_mosaic.version = 14 : i64} {
  func.func @_sc_a(%arg0: i32, %arg1: i32, %arg2: memref<10240x128xf32, #tpu.memory_space<hbm>>, %arg3: memref<323584xi32, #tpu.memory_space<hbm>>, %arg4: memref<323584xi32, #tpu.memory_space<hbm>>, %arg5: memref<10240x128xf32, #tpu.memory_space<hbm>>, %arg6: memref<2x10240x128xf32, #tpu.memory_space<hbm>>, %arg7: memref<10240x128xf32, #tpu.memory_space<vmem_shared>>, %arg8: memref<128xi32, #tpu.memory_space<vmem>>, %arg9: memref<128xi32, #tpu.memory_space<vmem>>, %arg10: memref<128x128xf32, #tpu.memory_space<vmem>>, %arg11: memref<!tpu.dma_semaphore, #tpu.memory_space<semaphore_mem>>) attributes {dimension_semantics = [#tpu.dimension_semantics<core_parallel>, #tpu.dimension_semantics<subcore_parallel>], iteration_bounds = array<i64: 2, 16>, scalar_prefetch = 0 : i64, scratch_operands = 5 : i64, tpu.core_type = #tpu.core_type<sc_vector_subcore>, window_params = [{transform_indices = #map}, {transform_indices = #map1}, {transform_indices = #map1}, {transform_indices = #map}, {transform_indices = #map2}]} {
    %mul3A = arith.constant 2 : i32
    %mul3A_0 = arith.muli %arg1, %mul3A : i32
    %add3A = arith.addi %mul3A_0, %arg0 : i32
    %mul3A_1 = arith.constant 640 : i32
    %mul3A_2 = arith.muli %arg1, %mul3A_1 : i32
    "tpu.region"() ({
      %run_scoped3A = tpu.sem_alloc : memref<!tpu.dma_semaphore, #tpu.memory_space<semaphore_mem>>
      %dma_start3A = arith.constant 0 : i32
      %dma_start3A_11 = tpu.memref_slice %arg7[%mul3A_2, %dma_start3A] : memref<10240x128xf32, #tpu.memory_space<vmem_shared>> -> memref<640x128xf32, #tpu.memory_space<vmem_shared>>
      %dma_start3A_12 = arith.constant 0 : i32
      %dma_start3A_13 = tpu.memref_slice %arg5[%mul3A_2, %dma_start3A_12] : memref<10240x128xf32, #tpu.memory_space<hbm>> -> memref<640x128xf32, #tpu.memory_space<hbm>>
      tpu.enqueue_dma source(%dma_start3A_13 : memref<640x128xf32, #tpu.memory_space<hbm>>) target(%dma_start3A_11 : memref<640x128xf32, #tpu.memory_space<vmem_shared>>) target_semaphore(%run_scoped3A : memref<!tpu.dma_semaphore, #tpu.memory_space<semaphore_mem>>)
      %dma_wait3A = arith.constant 0 : i32
      %dma_wait3A_14 = tpu.memref_slice %arg7[%mul3A_2, %dma_wait3A] : memref<10240x128xf32, #tpu.memory_space<vmem_shared>> -> memref<640x128xf32, #tpu.memory_space<vmem_shared>>
      %dma_wait3A_15 = arith.constant 0 : i32
      %dma_wait3A_16 = tpu.memref_slice %arg5[%mul3A_2, %dma_wait3A_15] : memref<10240x128xf32, #tpu.memory_space<hbm>> -> memref<640x128xf32, #tpu.memory_space<hbm>>
      tpu.wait_dma2 semaphore(%run_scoped3A : memref<!tpu.dma_semaphore, #tpu.memory_space<semaphore_mem>>) src(%dma_wait3A_16 : memref<640x128xf32, #tpu.memory_space<hbm>>) dst(%dma_wait3A_14 : memref<640x128xf32, #tpu.memory_space<vmem_shared>>)
      tpu.yield
    }) : () -> ()
    %barrier3A = arith.constant 0 : index
    tpu.barrier barrier_id(%barrier3A)
    %mul3A_3 = arith.constant 10112 : i32
    %mul3A_4 = arith.muli %add3A, %mul3A_3 : i32
    %scan3A = arith.constant 0 : i32
    %scan3A_5 = arith.constant 0 : i32
    %scan3A_6 = arith.constant 79 : i32
    %scan3A_7 = arith.addi %scan3A_5, %scan3A_6 : i32
    %scan3A_8 = arith.constant 1 : i32
    scf.for %scan3A_11 = %scan3A_5 to %scan3A_7 step %scan3A_8  : i32 {
      %mul3A_12 = arith.constant 128 : i32
      %mul3A_13 = arith.muli %scan3A_11, %mul3A_12 : i32
      %add3A_14 = arith.addi %mul3A_4, %mul3A_13 : i32
      "tpu.region"() ({
        %run_scoped3A = tpu.sem_alloc : memref<!tpu.dma_semaphore, #tpu.memory_space<semaphore_mem>>
        %dma_start3A_19 = tpu.memref_slice %arg3[%add3A_14] : memref<323584xi32, #tpu.memory_space<hbm>> -> memref<128xi32, #tpu.memory_space<hbm>>
        %dma_start3A_20 = tpu.memref_slice %arg3[%add3A_14] : memref<323584xi32, #tpu.memory_space<hbm>> -> memref<128xi32, #tpu.memory_space<hbm>>
        tpu.enqueue_dma source(%dma_start3A_20 : memref<128xi32, #tpu.memory_space<hbm>>) target(%arg8 : memref<128xi32, #tpu.memory_space<vmem>>) target_semaphore(%run_scoped3A : memref<!tpu.dma_semaphore, #tpu.memory_space<semaphore_mem>>)
        %dma_wait3A_21 = tpu.memref_slice %arg3[%add3A_14] : memref<323584xi32, #tpu.memory_space<hbm>> -> memref<128xi32, #tpu.memory_space<hbm>>
        %dma_wait3A_22 = tpu.memref_slice %arg3[%add3A_14] : memref<323584xi32, #tpu.memory_space<hbm>> -> memref<128xi32, #tpu.memory_space<hbm>>
        tpu.wait_dma2 semaphore(%run_scoped3A : memref<!tpu.dma_semaphore, #tpu.memory_space<semaphore_mem>>) src(%dma_wait3A_22 : memref<128xi32, #tpu.memory_space<hbm>>) dst(%arg8 : memref<128xi32, #tpu.memory_space<vmem>>)
        tpu.yield
      }) : () -> ()
      "tpu.region"() ({
        %run_scoped3A = tpu.sem_alloc : memref<!tpu.dma_semaphore, #tpu.memory_space<semaphore_mem>>
        %dma_start3A_19 = tpu.memref_slice %arg4[%add3A_14] : memref<323584xi32, #tpu.memory_space<hbm>> -> memref<128xi32, #tpu.memory_space<hbm>>
        %dma_start3A_20 = tpu.memref_slice %arg4[%add3A_14] : memref<323584xi32, #tpu.memory_space<hbm>> -> memref<128xi32, #tpu.memory_space<hbm>>
        tpu.enqueue_dma source(%dma_start3A_20 : memref<128xi32, #tpu.memory_space<hbm>>) target(%arg9 : memref<128xi32, #tpu.memory_space<vmem>>) target_semaphore(%run_scoped3A : memref<!tpu.dma_semaphore, #tpu.memory_space<semaphore_mem>>)
        %dma_wait3A_21 = tpu.memref_slice %arg4[%add3A_14] : memref<323584xi32, #tpu.memory_space<hbm>> -> memref<128xi32, #tpu.memory_space<hbm>>
        %dma_wait3A_22 = tpu.memref_slice %arg4[%add3A_14] : memref<323584xi32, #tpu.memory_space<hbm>> -> memref<128xi32, #tpu.memory_space<hbm>>
        tpu.wait_dma2 semaphore(%run_scoped3A : memref<!tpu.dma_semaphore, #tpu.memory_space<semaphore_mem>>) src(%dma_wait3A_22 : memref<128xi32, #tpu.memory_space<hbm>>) dst(%arg9 : memref<128xi32, #tpu.memory_space<vmem>>)
        tpu.yield
      }) : () -> ()
      %dma_start3A = arith.constant 0 : i32
      %dma_start3A_15 = arith.constant 0 : i32
      %dma_start3A_16 = tpu.memref_slice %arg2[%dma_start3A, %dma_start3A_15] : memref<10240x128xf32, #tpu.memory_space<hbm>> -> memref<10240x128xf32, #tpu.memory_space<hbm>>
      tpu.enqueue_indirect_dma source(%dma_start3A_16 : memref<10240x128xf32, #tpu.memory_space<hbm>>) target(%arg10 : memref<128x128xf32, #tpu.memory_space<vmem>>) offsets(%arg8 : memref<128xi32, #tpu.memory_space<vmem>>) semaphore(%arg11 : memref<!tpu.dma_semaphore, #tpu.memory_space<semaphore_mem>>)
      %dma_wait3A = arith.constant 0 : i32
      %dma_wait3A_17 = arith.constant 0 : i32
      %dma_wait3A_18 = tpu.memref_slice %arg2[%dma_wait3A, %dma_wait3A_17] : memref<10240x128xf32, #tpu.memory_space<hbm>> -> memref<10240x128xf32, #tpu.memory_space<hbm>>
      tpu.wait_indirect_dma semaphore(%arg11 : memref<!tpu.dma_semaphore, #tpu.memory_space<semaphore_mem>>) src(%dma_wait3A_18 : memref<10240x128xf32, #tpu.memory_space<hbm>>) dst(%arg10 : memref<128x128xf32, #tpu.memory_space<vmem>>)
      "tpu.region"() ({
        %run_scoped3A = tpu.sem_alloc : memref<!tpu.dma_semaphore, #tpu.memory_space<semaphore_mem>>
        %dma_start3A_19 = arith.constant 0 : i32
        %dma_start3A_20 = arith.constant 0 : i32
        %dma_start3A_21 = tpu.memref_slice %arg7[%dma_start3A_19, %dma_start3A_20] : memref<10240x128xf32, #tpu.memory_space<vmem_shared>> -> memref<10240x128xf32, #tpu.memory_space<vmem_shared>>
        tpu.enqueue_indirect_dma source(%arg10 : memref<128x128xf32, #tpu.memory_space<vmem>>) target(%dma_start3A_21 : memref<10240x128xf32, #tpu.memory_space<vmem_shared>>) offsets(%arg9 : memref<128xi32, #tpu.memory_space<vmem>>) semaphore(%run_scoped3A : memref<!tpu.dma_semaphore, #tpu.memory_space<semaphore_mem>>) {add = true}
        %dma_wait3A_22 = arith.constant 0 : i32
        %dma_wait3A_23 = arith.constant 0 : i32
        %dma_wait3A_24 = tpu.memref_slice %arg7[%dma_wait3A_22, %dma_wait3A_23] : memref<10240x128xf32, #tpu.memory_space<vmem_shared>> -> memref<10240x128xf32, #tpu.memory_space<vmem_shared>>
        tpu.wait_indirect_dma semaphore(%run_scoped3A : memref<!tpu.dma_semaphore, #tpu.memory_space<semaphore_mem>>) src(%arg10 : memref<128x128xf32, #tpu.memory_space<vmem>>) dst(%dma_wait3A_24 : memref<10240x128xf32, #tpu.memory_space<vmem_shared>>)
        tpu.yield
      }) : () -> ()
    }
    %scan3A_9 = arith.constant 79 : i32
    %barrier3A_10 = arith.constant 0 : index
    tpu.barrier barrier_id(%barrier3A_10)
    "tpu.region"() ({
      %run_scoped3A = tpu.sem_alloc : memref<!tpu.dma_semaphore, #tpu.memory_space<semaphore_mem>>
      %dma_start3A = arith.constant 0 : i32
      %dma_start3A_11 = tpu.memref_slice %arg6[%arg0, %mul3A_2, %dma_start3A] : memref<2x10240x128xf32, #tpu.memory_space<hbm>> -> memref<1x640x128xf32, #tpu.memory_space<hbm>>
      %dma_start3A_12 = tpu.memref_squeeze %dma_start3A_11 : memref<1x640x128xf32, #tpu.memory_space<hbm>> -> memref<640x128xf32, #tpu.memory_space<hbm>>
      %dma_start3A_13 = arith.constant 0 : i32
      %dma_start3A_14 = tpu.memref_slice %arg7[%mul3A_2, %dma_start3A_13] : memref<10240x128xf32, #tpu.memory_space<vmem_shared>> -> memref<640x128xf32, #tpu.memory_space<vmem_shared>>
      tpu.enqueue_dma source(%dma_start3A_14 : memref<640x128xf32, #tpu.memory_space<vmem_shared>>) target(%dma_start3A_12 : memref<640x128xf32, #tpu.memory_space<hbm>>) target_semaphore(%run_scoped3A : memref<!tpu.dma_semaphore, #tpu.memory_space<semaphore_mem>>)
      %dma_wait3A = arith.constant 0 : i32
      %dma_wait3A_15 = tpu.memref_slice %arg6[%arg0, %mul3A_2, %dma_wait3A] : memref<2x10240x128xf32, #tpu.memory_space<hbm>> -> memref<1x640x128xf32, #tpu.memory_space<hbm>>
      %dma_wait3A_16 = tpu.memref_squeeze %dma_wait3A_15 : memref<1x640x128xf32, #tpu.memory_space<hbm>> -> memref<640x128xf32, #tpu.memory_space<hbm>>
      %dma_wait3A_17 = arith.constant 0 : i32
      %dma_wait3A_18 = tpu.memref_slice %arg7[%mul3A_2, %dma_wait3A_17] : memref<10240x128xf32, #tpu.memory_space<vmem_shared>> -> memref<640x128xf32, #tpu.memory_space<vmem_shared>>
      tpu.wait_dma2 semaphore(%run_scoped3A : memref<!tpu.dma_semaphore, #tpu.memory_space<semaphore_mem>>) src(%dma_wait3A_18 : memref<640x128xf32, #tpu.memory_space<vmem_shared>>) dst(%dma_wait3A_16 : memref<640x128xf32, #tpu.memory_space<hbm>>)
      tpu.yield
    }) : () -> ()
    return
  }
}

#map = affine_map<(d0, d1) -> (0, 0)>
#map1 = affine_map<(d0, d1) -> (0)>
module attributes {stable_mosaic.version = 14 : i64} {
  func.func @k(%arg0: i32, %arg1: i32, %arg2: memref<10240x128xf32, #tpu.memory_space<hbm>>, %arg3: memref<1024xi32, #tpu.memory_space<hbm>>, %arg4: memref<1024x128xf32, #tpu.memory_space<hbm>>, %arg5: memref<32xi32, #tpu.memory_space<vmem>>, %arg6: memref<32x128xf32, #tpu.memory_space<vmem>>, %arg7: memref<!tpu.dma_semaphore, #tpu.memory_space<semaphore_mem>>) attributes {dimension_semantics = [#tpu.dimension_semantics<core_parallel>, #tpu.dimension_semantics<subcore_parallel>], iteration_bounds = array<i64: 2, 16>, scalar_prefetch = 0 : i64, scratch_operands = 3 : i64, tpu.core_type = #tpu.core_type<sc_vector_subcore>, window_params = [{transform_indices = #map}, {transform_indices = #map1}, {transform_indices = #map}]} {
    %mul3A = arith.constant 2 : i32
    %mul3A_0 = arith.muli %arg1, %mul3A : i32
    %add3A = arith.addi %mul3A_0, %arg0 : i32
    %mul3A_1 = arith.constant 32 : i32
    %mul3A_2 = arith.muli %add3A, %mul3A_1 : i32
    %add3A_3 = arith.constant 0 : i32
    %add3A_4 = arith.addi %mul3A_2, %add3A_3 : i32
    "tpu.region"() ({
      %run_scoped3A = tpu.sem_alloc : memref<!tpu.dma_semaphore, #tpu.memory_space<semaphore_mem>>
      %dma_start3A_9 = tpu.memref_slice %arg3[%add3A_4] : memref<1024xi32, #tpu.memory_space<hbm>> -> memref<32xi32, #tpu.memory_space<hbm>>
      %dma_start3A_10 = tpu.memref_slice %arg3[%add3A_4] : memref<1024xi32, #tpu.memory_space<hbm>> -> memref<32xi32, #tpu.memory_space<hbm>>
      tpu.enqueue_dma source(%dma_start3A_10 : memref<32xi32, #tpu.memory_space<hbm>>) target(%arg5 : memref<32xi32, #tpu.memory_space<vmem>>) target_semaphore(%run_scoped3A : memref<!tpu.dma_semaphore, #tpu.memory_space<semaphore_mem>>)
      %dma_wait3A_11 = tpu.memref_slice %arg3[%add3A_4] : memref<1024xi32, #tpu.memory_space<hbm>> -> memref<32xi32, #tpu.memory_space<hbm>>
      %dma_wait3A_12 = tpu.memref_slice %arg3[%add3A_4] : memref<1024xi32, #tpu.memory_space<hbm>> -> memref<32xi32, #tpu.memory_space<hbm>>
      tpu.wait_dma2 semaphore(%run_scoped3A : memref<!tpu.dma_semaphore, #tpu.memory_space<semaphore_mem>>) src(%dma_wait3A_12 : memref<32xi32, #tpu.memory_space<hbm>>) dst(%arg5 : memref<32xi32, #tpu.memory_space<vmem>>)
      tpu.yield
    }) : () -> ()
    %dma_start3A = arith.constant 0 : i32
    %dma_start3A_5 = arith.constant 0 : i32
    %dma_start3A_6 = tpu.memref_slice %arg2[%dma_start3A, %dma_start3A_5] : memref<10240x128xf32, #tpu.memory_space<hbm>> -> memref<10240x128xf32, #tpu.memory_space<hbm>>
    tpu.enqueue_indirect_dma source(%dma_start3A_6 : memref<10240x128xf32, #tpu.memory_space<hbm>>) target(%arg6 : memref<32x128xf32, #tpu.memory_space<vmem>>) offsets(%arg5 : memref<32xi32, #tpu.memory_space<vmem>>) semaphore(%arg7 : memref<!tpu.dma_semaphore, #tpu.memory_space<semaphore_mem>>)
    %dma_wait3A = arith.constant 0 : i32
    %dma_wait3A_7 = arith.constant 0 : i32
    %dma_wait3A_8 = tpu.memref_slice %arg2[%dma_wait3A, %dma_wait3A_7] : memref<10240x128xf32, #tpu.memory_space<hbm>> -> memref<10240x128xf32, #tpu.memory_space<hbm>>
    tpu.wait_indirect_dma semaphore(%arg7 : memref<!tpu.dma_semaphore, #tpu.memory_space<semaphore_mem>>) src(%dma_wait3A_8 : memref<10240x128xf32, #tpu.memory_space<hbm>>) dst(%arg6 : memref<32x128xf32, #tpu.memory_space<vmem>>)
    "tpu.region"() ({
      %run_scoped3A = tpu.sem_alloc : memref<!tpu.dma_semaphore, #tpu.memory_space<semaphore_mem>>
      %dma_start3A_9 = arith.constant 0 : i32
      %dma_start3A_10 = tpu.memref_slice %arg4[%add3A_4, %dma_start3A_9] : memref<1024x128xf32, #tpu.memory_space<hbm>> -> memref<32x128xf32, #tpu.memory_space<hbm>>
      %dma_start3A_11 = arith.constant 0 : i32
      %dma_start3A_12 = tpu.memref_slice %arg4[%add3A_4, %dma_start3A_11] : memref<1024x128xf32, #tpu.memory_space<hbm>> -> memref<32x128xf32, #tpu.memory_space<hbm>>
      tpu.enqueue_dma source(%arg6 : memref<32x128xf32, #tpu.memory_space<vmem>>) target(%dma_start3A_12 : memref<32x128xf32, #tpu.memory_space<hbm>>) target_semaphore(%run_scoped3A : memref<!tpu.dma_semaphore, #tpu.memory_space<semaphore_mem>>)
      %dma_wait3A_13 = arith.constant 0 : i32
      %dma_wait3A_14 = tpu.memref_slice %arg4[%add3A_4, %dma_wait3A_13] : memref<1024x128xf32, #tpu.memory_space<hbm>> -> memref<32x128xf32, #tpu.memory_space<hbm>>
      %dma_wait3A_15 = arith.constant 0 : i32
      %dma_wait3A_16 = tpu.memref_slice %arg4[%add3A_4, %dma_wait3A_15] : memref<1024x128xf32, #tpu.memory_space<hbm>> -> memref<32x128xf32, #tpu.memory_space<hbm>>
      tpu.wait_dma2 semaphore(%run_scoped3A : memref<!tpu.dma_semaphore, #tpu.memory_space<semaphore_mem>>) src(%arg6 : memref<32x128xf32, #tpu.memory_space<vmem>>) dst(%dma_wait3A_16 : memref<32x128xf32, #tpu.memory_space<hbm>>)
      tpu.yield
    }) : () -> ()
    return
  }
}

module attributes {stable_mosaic.version = 14 : i64} {
  func.func @_tc_mr_body(%arg0: i32, %arg1: memref<1280x128xf32, #tpu.memory_space<vmem>>, %arg2: memref<128x128xf32, #tpu.memory_space<vmem>>, %arg3: memref<1280x128xf32, #tpu.memory_space<vmem>>) attributes {dimension_semantics = [#tpu.dimension_semantics<arbitrary>], iteration_bounds = array<i64: 8>, scalar_prefetch = 0 : i64, scratch_operands = 0 : i64, tpu.core_type = #tpu.core_type<tc>, window_params = [{transform_indices = @transform_0, window_bounds = array<i64: 1280, 128>}, {pipeline_mode = #tpu.pipeline_mode<synchronous>, transform_indices = @transform_1, window_bounds = array<i64: 128, 128>}, {transform_indices = @transform_2, window_bounds = array<i64: 1280, 128>}]} {
    %get3A = arith.constant 0 : index
    %get3A_0 = arith.constant 0 : index
    %get3A_1 = vector.load %arg1[%get3A, %get3A_0] : memref<1280x128xf32, #tpu.memory_space<vmem>>, vector<1280x128xf32>
    %get3A_2 = arith.constant 0 : index
    %get3A_3 = arith.constant 0 : index
    %get3A_4 = vector.load %arg2[%get3A_2, %get3A_3] : memref<128x128xf32, #tpu.memory_space<vmem>>, vector<128x128xf32>
    %dot_general3A = arith.constant dense<0.000000e+00> : vector<1280x128xf32>
    %dot_general3A_5 = tpu.matmul %get3A_1, %get3A_4, %dot_general3A {dimension_numbers = #tpu.dot_dimension_numbers<[1], [0], [0], [1], [0, 0, 1, 1], [], []>, transpose_lhs_hint = false} : vector<1280x128xf32>, vector<128x128xf32>, vector<1280x128xf32> -> vector<1280x128xf32>
    %swap3A = arith.constant 0 : index
    %swap3A_6 = arith.constant 0 : index
    %swap3A_7 = vector.load %arg3[%swap3A, %swap3A_6] : memref<1280x128xf32, #tpu.memory_space<vmem>>, vector<1280x128xf32>
    tpu.vector_store %arg3[%swap3A, %swap3A_6], %dot_general3A_5 {strides = array<i32>} : memref<1280x128xf32, #tpu.memory_space<vmem>>, vector<1280x128xf32>,
    return
  }
  func.func @transform_0(%arg0: i32) -> (i32, i32) {
    %c0_i32 = arith.constant 0 : i32
    %c0_i32_0 = arith.constant 0 : i32
    return %arg0, %c0_i32 : i32, i32
  }
  func.func @transform_1(%arg0: i32) -> (i32, i32) {
    %c0_i32 = arith.constant 0 : i32
    %c0_i32_0 = arith.constant 0 : i32
    %c0_i32_1 = arith.constant 0 : i32
    return %c0_i32, %c0_i32_0 : i32, i32
  }
  func.func @transform_2(%arg0: i32) -> (i32, i32) {
    %c0_i32 = arith.constant 0 : i32
    %c0_i32_0 = arith.constant 0 : i32
    return %arg0, %c0_i32 : i32, i32
  }
}

module attributes {stable_mosaic.version = 14 : i64} {
  func.func @_tc_hef_body(%arg0: i32, %arg1: memref<2560x128xf32, #tpu.memory_space<vmem>>, %arg2: memref<128x128xf32, #tpu.memory_space<vmem>>, %arg3: memref<2560x128xf32, #tpu.memory_space<vmem>>) attributes {dimension_semantics = [#tpu.dimension_semantics<arbitrary>], iteration_bounds = array<i64: 64>, scalar_prefetch = 0 : i64, scratch_operands = 0 : i64, tpu.core_type = #tpu.core_type<tc>, window_params = [{transform_indices = @transform_0, window_bounds = array<i64: 2560, 128>}, {pipeline_mode = #tpu.pipeline_mode<synchronous>, transform_indices = @transform_1, window_bounds = array<i64: 128, 128>}, {transform_indices = @transform_2, window_bounds = array<i64: 2560, 128>}]} {
    %get3A = arith.constant 0 : index
    %get3A_0 = arith.constant 0 : index
    %get3A_1 = vector.load %arg1[%get3A, %get3A_0] : memref<2560x128xf32, #tpu.memory_space<vmem>>, vector<2560x128xf32>
    %div3A = arith.constant 3.000000e+00 : f32
    %div3A_2 = vector.broadcast %div3A : f32 to vector<2560x128xf32>
    %div3A_3 = arith.divf %get3A_1, %div3A_2 : vector<2560x128xf32>
    %get3A_4 = arith.constant 0 : index
    %get3A_5 = arith.constant 0 : index
    %get3A_6 = vector.load %arg2[%get3A_4, %get3A_5] : memref<128x128xf32, #tpu.memory_space<vmem>>, vector<128x128xf32>
    %dot_general3A = arith.constant dense<0.000000e+00> : vector<2560x128xf32>
    %dot_general3A_7 = tpu.matmul %div3A_3, %get3A_6, %dot_general3A {dimension_numbers = #tpu.dot_dimension_numbers<[1], [0], [0], [1], [0, 0, 1, 1], [], []>, transpose_lhs_hint = false} : vector<2560x128xf32>, vector<128x128xf32>, vector<2560x128xf32> -> vector<2560x128xf32>
    %swap3A = arith.constant 0 : index
    %swap3A_8 = arith.constant 0 : index
    %swap3A_9 = vector.load %arg3[%swap3A, %swap3A_8] : memref<2560x128xf32, #tpu.memory_space<vmem>>, vector<2560x128xf32>
    tpu.vector_store %arg3[%swap3A, %swap3A_8], %dot_general3A_7 {strides = array<i32>} : memref<2560x128xf32, #tpu.memory_space<vmem>>, vector<2560x128xf32>,
    return
  }
  func.func @transform_0(%arg0: i32) -> (i32, i32) {
    %c0_i32 = arith.constant 0 : i32
    %c0_i32_0 = arith.constant 0 : i32
    return %arg0, %c0_i32 : i32, i32
  }
  func.func @transform_1(%arg0: i32) -> (i32, i32) {
    %c0_i32 = arith.constant 0 : i32
    %c0_i32_0 = arith.constant 0 : i32
    %c0_i32_1 = arith.constant 0 : i32
    return %c0_i32, %c0_i32_0 : i32, i32
  }
  func.func @transform_2(%arg0: i32) -> (i32, i32) {
    %c0_i32 = arith.constant 0 : i32
    %c0_i32_0 = arith.constant 0 : i32
    return %arg0, %c0_i32 : i32, i32
  }
}

module attributes {stable_mosaic.version = 14 : i64} {
  func.func @_tc_layer_body(%arg0: i32, %arg1: memref<1280x128xf32, #tpu.memory_space<vmem>>, %arg2: memref<1280x128xf32, #tpu.memory_space<vmem>>, %arg3: memref<1280x128xf32, #tpu.memory_space<vmem>>, %arg4: memref<1280x128xf32, #tpu.memory_space<vmem>>, %arg5: memref<1280x128xf32, #tpu.memory_space<vmem>>, %arg6: memref<128x128xf32, #tpu.memory_space<vmem>>, %arg7: memref<1x128xf32, #tpu.memory_space<vmem>>, %arg8: memref<1x128xf32, #tpu.memory_space<vmem>>, %arg9: memref<1x128xf32, #tpu.memory_space<vmem>>, %arg10: memref<1280x128xf32, #tpu.memory_space<vmem>>) attributes {dimension_semantics = [#tpu.dimension_semantics<arbitrary>], iteration_bounds = array<i64: 8>, scalar_prefetch = 0 : i64, scratch_operands = 0 : i64, tpu.core_type = #tpu.core_type<tc>, window_params = [{transform_indices = @transform_0, window_bounds = array<i64: 1280, 128>}, {transform_indices = @transform_1, window_bounds = array<i64: 1280, 128>}, {transform_indices = @transform_2, window_bounds = array<i64: 1280, 128>}, {transform_indices = @transform_3, window_bounds = array<i64: 1280, 128>}, {transform_indices = @transform_4, window_bounds = array<i64: 1280, 128>}, {pipeline_mode = #tpu.pipeline_mode<synchronous>, transform_indices = @transform_5, window_bounds = array<i64: 128, 128>}, {pipeline_mode = #tpu.pipeline_mode<synchronous>, transform_indices = @transform_6, window_bounds = array<i64: 1, 128>}, {pipeline_mode = #tpu.pipeline_mode<synchronous>, transform_indices = @transform_7, window_bounds = array<i64: 1, 128>}, {pipeline_mode = #tpu.pipeline_mode<synchronous>, transform_indices = @transform_8, window_bounds = array<i64: 1, 128>}, {transform_indices = @transform_9, window_bounds = array<i64: 1280, 128>}]} {
    %get3A = arith.constant 0 : index
    %get3A_0 = arith.constant 0 : index
    %get3A_1 = vector.load %arg1[%get3A, %get3A_0] : memref<1280x128xf32, #tpu.memory_space<vmem>>, vector<1280x128xf32>
    %get3A_2 = arith.constant 0 : index
    %get3A_3 = arith.constant 0 : index
    %get3A_4 = vector.load %arg6[%get3A_2, %get3A_3] : memref<128x128xf32, #tpu.memory_space<vmem>>, vector<128x128xf32>
    %dot_general3A = arith.constant dense<0.000000e+00> : vector<1280x128xf32>
    %dot_general3A_5 = tpu.matmul %get3A_1, %get3A_4, %dot_general3A {dimension_numbers = #tpu.dot_dimension_numbers<[1], [0], [0], [1], [0, 0, 1, 1], [], []>, transpose_lhs_hint = false} : vector<1280x128xf32>, vector<128x128xf32>, vector<1280x128xf32> -> vector<1280x128xf32>
    %get3A_6 = arith.constant 0 : index
    %get3A_7 = arith.constant 0 : index
    %get3A_8 = vector.load %arg2[%get3A_6, %get3A_7] : memref<1280x128xf32, #tpu.memory_space<vmem>>, vector<1280x128xf32>
    %get3A_9 = arith.constant 0 : index
    %get3A_10 = arith.constant 0 : index
    %get3A_11 = vector.load %arg3[%get3A_9, %get3A_10] : memref<1280x128xf32, #tpu.memory_space<vmem>>, vector<1280x128xf32>
    %add3A = arith.addf %get3A_8, %get3A_11 : vector<1280x128xf32>
    %add3A_12 = arith.addf %dot_general3A_5, %add3A : vector<1280x128xf32>
    %get3A_13 = arith.constant 0 : index
    %get3A_14 = arith.constant 0 : index
    %get3A_15 = vector.load %arg4[%get3A_13, %get3A_14] : memref<1280x128xf32, #tpu.memory_space<vmem>>, vector<1280x128xf32>
    %get3A_16 = arith.constant 0 : index
    %get3A_17 = arith.constant 0 : index
    %get3A_18 = vector.load %arg5[%get3A_16, %get3A_17] : memref<1280x128xf32, #tpu.memory_space<vmem>>, vector<1280x128xf32>
    %add3A_19 = arith.addf %get3A_15, %get3A_18 : vector<1280x128xf32>
    %add3A_20 = arith.addf %add3A_12, %add3A_19 : vector<1280x128xf32>
    %get3A_21 = arith.constant 0 : index
    %get3A_22 = arith.constant 0 : index
    %get3A_23 = vector.load %arg7[%get3A_21, %get3A_22] : memref<1x128xf32, #tpu.memory_space<vmem>>, vector<1x128xf32>
    %add3A_24 = vector.broadcast %get3A_23 : vector<1x128xf32> to vector<1280x128xf32>
    %add3A_25 = arith.addf %add3A_20, %add3A_24 : vector<1280x128xf32>
    %reduce_sum3A = arith.constant dense<0.000000e+00> : vector<1280xf32>
    %reduce_sum3A_26 = vector.multi_reduction <add>, %add3A_25, %reduce_sum3A [1] : vector<1280x128xf32> to vector<1280xf32>
    %broadcast_in_dim3A = vector.shape_cast %reduce_sum3A_26 : vector<1280xf32> to vector<1280x1xf32>
    %div3A = arith.constant 1.280000e+02 : f32
    %div3A_27 = vector.broadcast %div3A : f32 to vector<1280x1xf32>
    %div3A_28 = arith.divf %broadcast_in_dim3A, %div3A_27 : vector<1280x1xf32>
    %sub3A = vector.broadcast %div3A_28 : vector<1280x1xf32> to vector<1280x128xf32>
    %sub3A_29 = arith.subf %add3A_25, %sub3A : vector<1280x128xf32>
    %mul3A = arith.mulf %sub3A_29, %sub3A_29 : vector<1280x128xf32>
    %reduce_sum3A_30 = arith.constant dense<0.000000e+00> : vector<1280xf32>
    %reduce_sum3A_31 = vector.multi_reduction <add>, %mul3A, %reduce_sum3A_30 [1] : vector<1280x128xf32> to vector<1280xf32>
    %broadcast_in_dim3A_32 = vector.shape_cast %reduce_sum3A_31 : vector<1280xf32> to vector<1280x1xf32>
    %div3A_33 = arith.constant 1.280000e+02 : f32
    %div3A_34 = vector.broadcast %div3A_33 : f32 to vector<1280x1xf32>
    %div3A_35 = arith.divf %broadcast_in_dim3A_32, %div3A_34 : vector<1280x1xf32>
    %add3A_36 = arith.constant 9.99999974E-6 : f32
    %add3A_37 = vector.broadcast %add3A_36 : f32 to vector<1280x1xf32>
    %add3A_38 = arith.addf %div3A_35, %add3A_37 : vector<1280x1xf32>
    %sqrt3A = math.sqrt %add3A_38 : vector<1280x1xf32>
    %div3A_39 = vector.broadcast %sqrt3A : vector<1280x1xf32> to vector<1280x128xf32>
    %div3A_40 = arith.divf %sub3A_29, %div3A_39 : vector<1280x128xf32>
    %get3A_41 = arith.constant 0 : index
    %get3A_42 = arith.constant 0 : index
    %get3A_43 = vector.load %arg8[%get3A_41, %get3A_42] : memref<1x128xf32, #tpu.memory_space<vmem>>, vector<1x128xf32>
    %mul3A_44 = vector.broadcast %get3A_43 : vector<1x128xf32> to vector<1280x128xf32>
    %mul3A_45 = arith.mulf %div3A_40, %mul3A_44 : vector<1280x128xf32>
    %get3A_46 = arith.constant 0 : index
    %get3A_47 = arith.constant 0 : index
    %get3A_48 = vector.load %arg9[%get3A_46, %get3A_47] : memref<1x128xf32, #tpu.memory_space<vmem>>, vector<1x128xf32>
    %add3A_49 = vector.broadcast %get3A_48 : vector<1x128xf32> to vector<1280x128xf32>
    %add3A_50 = arith.addf %mul3A_45, %add3A_49 : vector<1280x128xf32>
    %max3A = arith.constant 0.000000e+00 : f32
    %max3A_51 = vector.broadcast %max3A : f32 to vector<1280x128xf32>
    %max3A_52 = arith.maximumf %add3A_50, %max3A_51 : vector<1280x128xf32>
    %swap3A = arith.constant 0 : index
    %swap3A_53 = arith.constant 0 : index
    %swap3A_54 = vector.load %arg10[%swap3A, %swap3A_53] : memref<1280x128xf32, #tpu.memory_space<vmem>>, vector<1280x128xf32>
    tpu.vector_store %arg10[%swap3A, %swap3A_53], %max3A_52 {strides = array<i32>} : memref<1280x128xf32, #tpu.memory_space<vmem>>, vector<1280x128xf32>,
    return
  }
  func.func @transform_0(%arg0: i32) -> (i32, i32) {
    %c0_i32 = arith.constant 0 : i32
    %c0_i32_0 = arith.constant 0 : i32
    return %arg0, %c0_i32 : i32, i32
  }
  func.func @transform_1(%arg0: i32) -> (i32, i32) {
    %c0_i32 = arith.constant 0 : i32
    %c0_i32_0 = arith.constant 0 : i32
    return %arg0, %c0_i32 : i32, i32
  }
  func.func @transform_2(%arg0: i32) -> (i32, i32) {
    %c0_i32 = arith.constant 0 : i32
    %c0_i32_0 = arith.constant 0 : i32
    return %arg0, %c0_i32 : i32, i32
  }
  func.func @transform_3(%arg0: i32) -> (i32, i32) {
    %c0_i32 = arith.constant 0 : i32
    %c0_i32_0 = arith.constant 0 : i32
    return %arg0, %c0_i32 : i32, i32
  }
  func.func @transform_4(%arg0: i32) -> (i32, i32) {
    %c0_i32 = arith.constant 0 : i32
    %c0_i32_0 = arith.constant 0 : i32
    return %arg0, %c0_i32 : i32, i32
  }
  func.func @transform_5(%arg0: i32) -> (i32, i32) {
    %c0_i32 = arith.constant 0 : i32
    %c0_i32_0 = arith.constant 0 : i32
    %c0_i32_1 = arith.constant 0 : i32
    return %c0_i32, %c0_i32_0 : i32, i32
  }
  func.func @transform_6(%arg0: i32) -> (i32, i32) {
    %c0_i32 = arith.constant 0 : i32
    %c0_i32_0 = arith.constant 0 : i32
    %c0_i32_1 = arith.constant 0 : i32
    return %c0_i32, %c0_i32_0 : i32, i32
  }
  func.func @transform_7(%arg0: i32) -> (i32, i32) {
    %c0_i32 = arith.constant 0 : i32
    %c0_i32_0 = arith.constant 0 : i32
    %c0_i32_1 = arith.constant 0 : i32
    return %c0_i32, %c0_i32_0 : i32, i32
  }
  func.func @transform_8(%arg0: i32) -> (i32, i32) {
    %c0_i32 = arith.constant 0 : i32
    %c0_i32_0 = arith.constant 0 : i32
    %c0_i32_1 = arith.constant 0 : i32
    return %c0_i32, %c0_i32_0 : i32, i32
  }
  func.func @transform_9(%arg0: i32) -> (i32, i32) {
    %c0_i32 = arith.constant 0 : i32
    %c0_i32_0 = arith.constant 0 : i32
    return %arg0, %c0_i32 : i32, i32
  }
}

module attributes {stable_mosaic.version = 14 : i64} {
  func.func @_tc_head_body(%arg0: memref<1024x128xf32, #tpu.memory_space<vmem>>, %arg1: memref<128x128xf32, #tpu.memory_space<vmem>>, %arg2: memref<1x128xf32, #tpu.memory_space<vmem>>, %arg3: memref<1x128xf32, #tpu.memory_space<vmem>>, %arg4: memref<1x128xf32, #tpu.memory_space<vmem>>, %arg5: memref<128x128xf32, #tpu.memory_space<vmem>>, %arg6: memref<1x128xf32, #tpu.memory_space<vmem>>, %arg7: memref<1x128xf32, #tpu.memory_space<vmem>>, %arg8: memref<1x128xf32, #tpu.memory_space<vmem>>, %arg9: memref<128x128xf32, #tpu.memory_space<vmem>>, %arg10: memref<1x1xf32, #tpu.memory_space<vmem>>, %arg11: memref<1024x1xf32, #tpu.memory_space<vmem>>) attributes {dimension_semantics = [], scalar_prefetch = 0 : i64, scratch_operands = 0 : i64, tpu.core_type = #tpu.core_type<tc>} {
    %get3A = arith.constant 0 : index
    %get3A_0 = arith.constant 0 : index
    %get3A_1 = vector.load %arg0[%get3A, %get3A_0] : memref<1024x128xf32, #tpu.memory_space<vmem>>, vector<1024x128xf32>
    %get3A_2 = arith.constant 0 : index
    %get3A_3 = arith.constant 0 : index
    %get3A_4 = vector.load %arg1[%get3A_2, %get3A_3] : memref<128x128xf32, #tpu.memory_space<vmem>>, vector<128x128xf32>
    %dot_general3A = arith.constant dense<0.000000e+00> : vector<1024x128xf32>
    %dot_general3A_5 = tpu.matmul %get3A_1, %get3A_4, %dot_general3A {dimension_numbers = #tpu.dot_dimension_numbers<[1], [0], [0], [1], [0, 0, 1, 1], [], []>, transpose_lhs_hint = false} : vector<1024x128xf32>, vector<128x128xf32>, vector<1024x128xf32> -> vector<1024x128xf32>
    %get3A_6 = arith.constant 0 : index
    %get3A_7 = arith.constant 0 : index
    %get3A_8 = vector.load %arg2[%get3A_6, %get3A_7] : memref<1x128xf32, #tpu.memory_space<vmem>>, vector<1x128xf32>
    %add3A = vector.broadcast %get3A_8 : vector<1x128xf32> to vector<1024x128xf32>
    %add3A_9 = arith.addf %dot_general3A_5, %add3A : vector<1024x128xf32>
    %get3A_10 = arith.constant 0 : index
    %get3A_11 = arith.constant 0 : index
    %get3A_12 = vector.load %arg3[%get3A_10, %get3A_11] : memref<1x128xf32, #tpu.memory_space<vmem>>, vector<1x128xf32>
    %get3A_13 = arith.constant 0 : index
    %get3A_14 = arith.constant 0 : index
    %get3A_15 = vector.load %arg4[%get3A_13, %get3A_14] : memref<1x128xf32, #tpu.memory_space<vmem>>, vector<1x128xf32>
    %reduce_sum3A = arith.constant dense<0.000000e+00> : vector<1024xf32>
    %reduce_sum3A_16 = vector.multi_reduction <add>, %add3A_9, %reduce_sum3A [1] : vector<1024x128xf32> to vector<1024xf32>
    %broadcast_in_dim3A = vector.shape_cast %reduce_sum3A_16 : vector<1024xf32> to vector<1024x1xf32>
    %div3A = arith.constant 1.280000e+02 : f32
    %div3A_17 = vector.broadcast %div3A : f32 to vector<1024x1xf32>
    %div3A_18 = arith.divf %broadcast_in_dim3A, %div3A_17 : vector<1024x1xf32>
    %sub3A = vector.broadcast %div3A_18 : vector<1024x1xf32> to vector<1024x128xf32>
    %sub3A_19 = arith.subf %add3A_9, %sub3A : vector<1024x128xf32>
    %mul3A = arith.mulf %sub3A_19, %sub3A_19 : vector<1024x128xf32>
    %reduce_sum3A_20 = arith.constant dense<0.000000e+00> : vector<1024xf32>
    %reduce_sum3A_21 = vector.multi_reduction <add>, %mul3A, %reduce_sum3A_20 [1] : vector<1024x128xf32> to vector<1024xf32>
    %broadcast_in_dim3A_22 = vector.shape_cast %reduce_sum3A_21 : vector<1024xf32> to vector<1024x1xf32>
    %div3A_23 = arith.constant 1.280000e+02 : f32
    %div3A_24 = vector.broadcast %div3A_23 : f32 to vector<1024x1xf32>
    %div3A_25 = arith.divf %broadcast_in_dim3A_22, %div3A_24 : vector<1024x1xf32>
    %add3A_26 = arith.constant 9.99999974E-6 : f32
    %add3A_27 = vector.broadcast %add3A_26 : f32 to vector<1024x1xf32>
    %add3A_28 = arith.addf %div3A_25, %add3A_27 : vector<1024x1xf32>
    %sqrt3A = math.sqrt %add3A_28 : vector<1024x1xf32>
    %div3A_29 = vector.broadcast %sqrt3A : vector<1024x1xf32> to vector<1024x128xf32>
    %div3A_30 = arith.divf %sub3A_19, %div3A_29 : vector<1024x128xf32>
    %mul3A_31 = vector.broadcast %get3A_12 : vector<1x128xf32> to vector<1024x128xf32>
    %mul3A_32 = arith.mulf %div3A_30, %mul3A_31 : vector<1024x128xf32>
    %add3A_33 = vector.broadcast %get3A_15 : vector<1x128xf32> to vector<1024x128xf32>
    %add3A_34 = arith.addf %mul3A_32, %add3A_33 : vector<1024x128xf32>
    %max3A = arith.constant 0.000000e+00 : f32
    %max3A_35 = vector.broadcast %max3A : f32 to vector<1024x128xf32>
    %max3A_36 = arith.maximumf %add3A_34, %max3A_35 : vector<1024x128xf32>
    %get3A_37 = arith.constant 0 : index
    %get3A_38 = arith.constant 0 : index
    %get3A_39 = vector.load %arg5[%get3A_37, %get3A_38] : memref<128x128xf32, #tpu.memory_space<vmem>>, vector<128x128xf32>
    %dot_general3A_40 = arith.constant dense<0.000000e+00> : vector<1024x128xf32>
    %dot_general3A_41 = tpu.matmul %max3A_36, %get3A_39, %dot_general3A_40 {dimension_numbers = #tpu.dot_dimension_numbers<[1], [0], [0], [1], [0, 0, 1, 1], [], []>, transpose_lhs_hint = false} : vector<1024x128xf32>, vector<128x128xf32>, vector<1024x128xf32> -> vector<1024x128xf32>
    %get3A_42 = arith.constant 0 : index
    %get3A_43 = arith.constant 0 : index
    %get3A_44 = vector.load %arg6[%get3A_42, %get3A_43] : memref<1x128xf32, #tpu.memory_space<vmem>>, vector<1x128xf32>
    %add3A_45 = vector.broadcast %get3A_44 : vector<1x128xf32> to vector<1024x128xf32>
    %add3A_46 = arith.addf %dot_general3A_41, %add3A_45 : vector<1024x128xf32>
    %get3A_47 = arith.constant 0 : index
    %get3A_48 = arith.constant 0 : index
    %get3A_49 = vector.load %arg7[%get3A_47, %get3A_48] : memref<1x128xf32, #tpu.memory_space<vmem>>, vector<1x128xf32>
    %get3A_50 = arith.constant 0 : index
    %get3A_51 = arith.constant 0 : index
    %get3A_52 = vector.load %arg8[%get3A_50, %get3A_51] : memref<1x128xf32, #tpu.memory_space<vmem>>, vector<1x128xf32>
    %reduce_sum3A_53 = arith.constant dense<0.000000e+00> : vector<1024xf32>
    %reduce_sum3A_54 = vector.multi_reduction <add>, %add3A_46, %reduce_sum3A_53 [1] : vector<1024x128xf32> to vector<1024xf32>
    %broadcast_in_dim3A_55 = vector.shape_cast %reduce_sum3A_54 : vector<1024xf32> to vector<1024x1xf32>
    %div3A_56 = arith.constant 1.280000e+02 : f32
    %div3A_57 = vector.broadcast %div3A_56 : f32 to vector<1024x1xf32>
    %div3A_58 = arith.divf %broadcast_in_dim3A_55, %div3A_57 : vector<1024x1xf32>
    %sub3A_59 = vector.broadcast %div3A_58 : vector<1024x1xf32> to vector<1024x128xf32>
    %sub3A_60 = arith.subf %add3A_46, %sub3A_59 : vector<1024x128xf32>
    %mul3A_61 = arith.mulf %sub3A_60, %sub3A_60 : vector<1024x128xf32>
    %reduce_sum3A_62 = arith.constant dense<0.000000e+00> : vector<1024xf32>
    %reduce_sum3A_63 = vector.multi_reduction <add>, %mul3A_61, %reduce_sum3A_62 [1] : vector<1024x128xf32> to vector<1024xf32>
    %broadcast_in_dim3A_64 = vector.shape_cast %reduce_sum3A_63 : vector<1024xf32> to vector<1024x1xf32>
    %div3A_65 = arith.constant 1.280000e+02 : f32
    %div3A_66 = vector.broadcast %div3A_65 : f32 to vector<1024x1xf32>
    %div3A_67 = arith.divf %broadcast_in_dim3A_64, %div3A_66 : vector<1024x1xf32>
    %add3A_68 = arith.constant 9.99999974E-6 : f32
    %add3A_69 = vector.broadcast %add3A_68 : f32 to vector<1024x1xf32>
    %add3A_70 = arith.addf %div3A_67, %add3A_69 : vector<1024x1xf32>
    %sqrt3A_71 = math.sqrt %add3A_70 : vector<1024x1xf32>
    %div3A_72 = vector.broadcast %sqrt3A_71 : vector<1024x1xf32> to vector<1024x128xf32>
    %div3A_73 = arith.divf %sub3A_60, %div3A_72 : vector<1024x128xf32>
    %mul3A_74 = vector.broadcast %get3A_49 : vector<1x128xf32> to vector<1024x128xf32>
    %mul3A_75 = arith.mulf %div3A_73, %mul3A_74 : vector<1024x128xf32>
    %add3A_76 = vector.broadcast %get3A_52 : vector<1x128xf32> to vector<1024x128xf32>
    %add3A_77 = arith.addf %mul3A_75, %add3A_76 : vector<1024x128xf32>
    %max3A_78 = arith.constant 0.000000e+00 : f32
    %max3A_79 = vector.broadcast %max3A_78 : f32 to vector<1024x128xf32>
    %max3A_80 = arith.maximumf %add3A_77, %max3A_79 : vector<1024x128xf32>
    %get3A_81 = arith.constant 0 : index
    %get3A_82 = arith.constant 0 : index
    %get3A_83 = vector.load %arg9[%get3A_81, %get3A_82] : memref<128x128xf32, #tpu.memory_space<vmem>>, vector<128x128xf32>
    %dot_general3A_84 = arith.constant dense<0.000000e+00> : vector<1024x128xf32>
    %dot_general3A_85 = tpu.matmul %max3A_80, %get3A_83, %dot_general3A_84 {dimension_numbers = #tpu.dot_dimension_numbers<[1], [0], [0], [1], [0, 0, 1, 1], [], []>, transpose_lhs_hint = false} : vector<1024x128xf32>, vector<128x128xf32>, vector<1024x128xf32> -> vector<1024x128xf32>
    %slice3A = vector.extract_strided_slice %dot_general3A_85 {offsets = [0, 0], sizes = [1024, 1], strides = [1, 1]} : vector<1024x128xf32> to vector<1024x1xf32>
    %get3A_86 = arith.constant 0 : index
    %get3A_87 = arith.constant 0 : index
    %get3A_88 = vector.load %arg10[%get3A_86, %get3A_87] : memref<1x1xf32, #tpu.memory_space<vmem>>, vector<1x1xf32>
    %add3A_89 = vector.broadcast %get3A_88 : vector<1x1xf32> to vector<1024x1xf32>
    %add3A_90 = arith.addf %slice3A, %add3A_89 : vector<1024x1xf32>
    %swap3A = arith.constant 0 : index
    %swap3A_91 = arith.constant 0 : index
    %swap3A_92 = vector.load %arg11[%swap3A, %swap3A_91] : memref<1024x1xf32, #tpu.memory_space<vmem>>, vector<1024x1xf32>
    tpu.vector_store %arg11[%swap3A, %swap3A_91], %add3A_90 {strides = array<i32>} : memref<1024x1xf32, #tpu.memory_space<vmem>>, vector<1024x1xf32>,
    return
  }
}

</mosaic_0001>

<sc_bundles>
// kernel: kernel.17.cloned.1.call-start
scs
__scs_entry_jumppad:
0x0: {  	(pc) =	sbr.rel $0x88, $3  }
0x1: {  	(tag) =	ssettag $0x0;
	lr =	simm.s32 $0x1  }
0x2: {  	[smem:$0x3F90] =	sst lr;
	_ =	strace $0xD0000000  }
0x3: {  	_ = 	snop  }
0x4: {  	_ = 	snop  }
0x5: {  	_ = 	snop  }
0x6: {  	_ = 	snop  }
0x7: {  	_ = 	snop  }
__scs_overlays_trampoline_lowered:
0x8: {  	[smem:$0x3F9F] =	sst s0  }
0x9: {  	[smem:$0x3FA0] =	sst s1  }
0xa: {  	[smem:$0x3FA1] =	sst s2  }
0xb: {  	[smem:$0x3FA2] =	sst s3  }
0xc: {  	[smem:$0x3FA3] =	sst s4  }
0xd: {  	[smem:$0x3FA4] =	sst s5  }
0xe: {  	[smem:$0x3FA5] =	sst s6  }
0xf: {  	[smem:$0x3FA6] =	sst s7  }
0x10: {  	[smem:$0x3FA7] =	sst s8  }
0x11: {  	[smem:$0x3FA8] =	sst s9;
	s0 =	simm.s32 @!p0 $0x0  }
0x12: {  	s1 =	sld [smem:$0x3F8E];
	s0 =	simm.s32 @p0 $0x1  }
0x13: {  	[smem:$0x3FA9] =	sst s0;
	s0 =	simm.s32 @!p1 $0x0  }
0x14: {  	s2 =	sld [smem:$0x3F8D];
	s0 =	simm.s32 @p1 $0x1  }
0x15: {  	[smem:$0x3FAA] =	sst s0;
	s0 =	simm.s32 @!p2 $0x0  }
0x16: {  	s3 =	sld [smem:$0x3FDB];
	s0 =	simm.s32 @p2 $0x1  }
0x17: {  	s4 =	simm.s32 $0x1BF5;
	[smem:$0x3FAC] =	sst s0  }
0x18: {  	s0 =	sld [smem:$0x3F8F];
	_ =	swait.ge [sflag:s4], $0x0  }
0x19: {  	s7 =	sld [smem:$0x3F90]  }
0x1a: {  	s8 =	sadd.s32 $0xFFFFE003, lr  }
0x1b: {  	s9 =	sadd.s32 $0xFFFFFEF7, lr;
	s5 =	simm.s32 $0xFFFFFFFF;
	p2 =	slt.u32 s8, $0xFFFFF086  }
0x1c: {  	p1 =	slt.u32 s9, $0xF7A;
	s5 =	simm.s32 @!p2 $0x0  }
0x1d: {  	s5 =	simm.s32 @p1 $0x1;
	p0 =	seq.s32 s7, s2  }
0x1e: {  	s7 =	smul.u32 @!p0 $0xF7A, s2;
	p2 =	seq.s32 @!p0 s5, $0x0  }
0x1f: {  	s9 =	smul.u32 $0xF7A, s1;
	s8 =	simm.s32 @!p0 $0x1BF5;
	p2 =	por !p2, p0  }
0x20: {  	[sflag:s8] =	ssyncset.s32 @!p0 $0xFFFFF086;
	s6 =	sadd.s32 @!p0 s3, s7;
	s7 =	simm.s32 @!p0 $0x108  }
0x21: {  	s3 =	sadd.s32 s3, s9;
	s6 =	sadd.s32 @!p0 $0x88, s6;
	s7 =	simm.s32 @p2 $0x1082  }
0x22: {  	[simem:s7], [sflag:s8] =	dma.local @!p0 [hbm:s6], $0xF7A  }
0x23: {  	s9 =	sor.u32 $0xD0000000, s2;
	s6 =	simm.s32 $0x108;
	_ =	swait.ge @!p0 [sflag:s8], $0x0  }
0x24: {  	s3 =	sadd.s32 $0x88, s3;
	s6 =	simm.s32 @!p1 $0x1082;
	[sflag:s4] =	ssyncset.s32 $0xFFFFF086  }
0x25: {  	[simem:s6], [sflag:s4] =	dma.local [hbm:s3], $0xF7A  }
0x26: {  	[smem:$0x3F90] =	sst s1;
	(tag) =	ssettag s2;
	_ =	strace s9  }
0x27: {  	s1 =	sld [smem:$0x3FA0]  }
0x28: {  	s2 =	sld [smem:$0x3FA1]  }
0x29: {  	s4 =	sld [smem:$0x3FA3]  }
0x2a: {  	p0 =	seq.s32 s5, $0x0;
	s5 =	sld [smem:$0x3FA4]  }
0x2b: {  	s6 =	sld [smem:$0x3FA5]  }
0x2c: {  	s7 =	sld [smem:$0x3FA6]  }
0x2d: {  	s3 =	simm.s32 $0x108;
	s8 =	sld [smem:$0x3FA7]  }
0x2e: {  	s3 =	simm.s32 @!p0 $0x1082;
	s9 =	sld [smem:$0x3FA8]  }
0x2f: {  	lr =	sadd.s32 s0, s3;
	s0 =	sld [smem:$0x3F9F]  }
0x30: {  	s3 =	sld [smem:$0x3FA2]  }
0x31: {  	[smem:$0x3FAB] =	sst s10  }
0x32: {  	s10 =	sld [smem:$0x3FA9];
	_ =	sdelay $0x3  }
0x33: {  	p0 =	seq.s32 s10, $0x1;
	s10 =	sld [smem:$0x3FAB];
	_ =	sdelay $0x3  }
0x34: {  	[smem:$0x3FAB] =	sst s10  }
0x35: {  	s10 =	sld [smem:$0x3FAA];
	_ =	sdelay $0x3  }
0x36: {  	p1 =	seq.s32 s10, $0x1;
	s10 =	sld [smem:$0x3FAB];
	_ =	sdelay $0x3  }
0x37: {  	[smem:$0x3FAB] =	sst s10  }
0x38: {  	s10 =	sld [smem:$0x3FAC]  }
0x39: {  	_ = 	snop;
	(pc) =	sbr.ind lr, $3  }
0x3a: {  	_ = 	snop  }
0x3b: {  	_ = 	snop  }
0x3c: {  	p2 =	seq.s32 s10, $0x1;
	s10 =	sld [smem:$0x3FAB]  }
0x3d: {  	_ =	shalt  }
0x3e: {  	_ =	shalt  }
0x3f: {  	_ =	shalt  }
0x40: {  	_ =	shalt  }
0x41: {  	_ =	shalt  }
0x42: {  	_ =	shalt  }
0x43: {  	_ =	shalt  }
0x44: {  	_ =	shalt  }
0x45: {  	_ =	shalt  }
0x46: {  	_ =	shalt  }
0x47: {  	_ =	shalt  }
0x48: {  	_ =	shalt  }
0x49: {  	_ =	shalt  }
0x4a: {  	_ =	shalt  }
0x4b: {  	_ =	shalt  }
0x4c: {  	_ =	shalt  }
0x4d: {  	_ =	shalt  }
0x4e: {  	_ =	shalt  }
0x4f: {  	_ =	shalt  }
0x50: {  	_ =	shalt  }
0x51: {  	_ =	shalt  }
0x52: {  	_ =	shalt  }
0x53: {  	_ =	shalt  }
0x54: {  	_ =	shalt  }
0x55: {  	_ =	shalt  }
0x56: {  	_ =	shalt  }
0x57: {  	_ =	shalt  }
0x58: {  	_ =	shalt  }
0x59: {  	_ =	shalt  }
0x5a: {  	_ =	shalt  }
0x5b: {  	_ =	shalt  }
0x5c: {  	_ =	shalt  }
0x5d: {  	_ =	shalt  }
0x5e: {  	_ =	shalt  }
0x5f: {  	_ =	shalt  }
0x60: {  	_ =	shalt  }
0x61: {  	_ =	shalt  }
0x62: {  	_ =	shalt  }
0x63: {  	_ =	shalt  }
0x64: {  	_ =	shalt  }
0x65: {  	_ =	shalt  }
0x66: {  	_ =	shalt  }
0x67: {  	_ =	shalt  }
0x68: {  	_ =	shalt  }
0x69: {  	_ =	shalt  }
0x6a: {  	_ =	shalt  }
0x6b: {  	_ =	shalt  }
0x6c: {  	_ =	shalt  }
0x6d: {  	_ =	shalt  }
0x6e: {  	_ =	shalt  }
0x6f: {  	_ =	shalt  }
0x70: {  	_ =	shalt  }
0x71: {  	_ =	shalt  }
0x72: {  	_ =	shalt  }
0x73: {  	_ =	shalt  }
0x74: {  	_ =	shalt  }
0x75: {  	_ =	shalt  }
0x76: {  	_ =	shalt  }
0x77: {  	_ =	shalt  }
0x78: {  	_ =	shalt  }
0x79: {  	_ =	shalt  }
0x7a: {  	_ =	shalt  }
0x7b: {  	_ =	shalt  }
0x7c: {  	_ =	shalt  }
0x7d: {  	_ =	shalt  }
0x7e: {  	_ =	shalt  }
0x7f: {  	_ =	shalt  }
0x80: {  	_ =	shalt  }
0x81: {  	_ =	shalt  }
0x82: {  	_ =	shalt  }
0x83: {  	_ =	shalt  }
0x84: {  	_ =	shalt  }
0x85: {  	_ =	shalt  }
0x86: {  	_ =	shalt  }
0x87: {  	_ =	shalt  }
.Lfunc_end0:
.L_simem_size_0:
called_computation_lowered:
.L_overlay_start_0:
0x88: {  	s2 =	sld [smem:$0x3FD9]  }
0x89: {  	s3 =	sld [smem:$0x3FFE];
	_ =	sdelay $0x1  }
0x8a: {  	s1 =	srdreg.scid  }
0x8b: {  	s0 =	sand.u32 $0x1, s1  }
0x8c: {  	s17 =	sshll.u32 s0, $0xA;
	s2 =	sadd.s32 s3, s2  }
0x8d: {  	s2 =	sadd.s32 s2, s17  }
0x8e: {  	[smem:$0x3FB7] =	sst s2  }
0x8f: {  	_ = 	snop  }
0x90: {  	s2 =	sld [smem:$0x3FC5];
	(tm) =	ssettm $0x1  }
0x91: {  	s18 =	sld [smem:$0x3FFB];
	_ =	sdelay $0x3  }
0x92: {  	_ =	strace s18  }
0x93: {  	s3 =	sld [smem:$0x3FFC];
	_ =	sdelay $0x3  }
0x94: {  	_ =	strace s3  }
0x95: {  	s3 =	sld [smem:$0x3FFD];
	_ =	sdelay $0x3  }
0x96: {  	_ =	strace s3  }
0x97: {  	_ =	strace $0x8FFFFFFF  }
0x98: {  	s19 =	sld [smem:$0x3FDB];
	_ =	sdelay $0x1  }
0x99: {  	s4 =	simm.s32 $_scs_section_size  }
0x9a: {  	s5 =	simm.s32 $_size__tile_overlayer_lowered;
	s6 =	simm.s32 $_tile_overlayer_lowered  }
0x9b: {  	s22 =	simm.s32 $0x1BFF;
	s21 =	sshll.u32 s6, $0x1;
	s3 =	sadd.s32 s4, s19  }
0x9c: {  	s7 =	simm.s32 $0x0;
	s20 =	sshll.u32 s5, $0x1;
	s5 =	sadd.s32 s21, s3  }
0x9d: {  	[timem:s7], [sflag:s22] =	dma.local [hbm:s5], s20  }
0x9e: {  	_ =	swait.ge [sflag:s22], s20  }
0x9f: {  	s4 =	ssub.s32 $0x0, s20;
	[sflag:s22] =	ssyncset.done $0x0  }
0xa0: {  	[sflag:s22] =	ssyncadd.s32 s4;
	_ =	sdelay $0x1  }
0xa1: {  	s23 =	simm.s32 $0x1B8B  }
0xa2: {  	_ =	swait.ge [sflag:s23], $0x1  }
0xa3: {  	[sflag:s23] =	ssyncset.done $0x0  }
0xa4: {  	s25 =	simm.s32 $0x1B8E;
	s24 =	sld [smem:$0x3FFE];
	[sflag:s23] =	ssyncadd.s32 $0xFFFFFFFF  }
0xa5: {  	s26 =	simm.s32 $execute0_lowered;
	[smem:$0x3FD2] =	sst s25  }
0xa6: {  	s5 =	sshll.u32 s26, $0x1;
	_ =	strace $0x80000046;
	[dreg:$0x1] =	wrdreg $0xFFFFFFFF  }
0xa7: {  	s28 =	simm.s32 $_size_execute0_lowered;
	s3 =	sadd.s32 s3, s5;
	[dreg:$0x0] =	wrdreg $0x0  }
0xa8: {  	s5 =	sshll.u32 s28, $0x1;
	[dreg:$0x2] =	wrdreg s3  }
0xa9: {  	[dreg:$0x3] =	wrdreg s5  }
0xaa: {  	[dreg:$0x4] =	wrdreg $0xC0  }
0xab: {  	_ =	task [dreg:s7], $0x5FFFF  }
0xac: {  	[dreg:$0x1] =	wrdreg $0xFFFFFFFF  }
0xad: {  	[dreg:$0x0] =	wrdreg $0x60  }
0xae: {  	[dreg:$0x2] =	wrdreg s2  }
0xaf: {  	[dreg:$0x3] =	wrdreg s24  }
0xb0: {  	[dreg:$0x4] =	wrdreg $0x9  }
0xb1: {  	_ =	task.clear_ibuf [dreg:s7], $0x5FFFF;
	_ =	strace $0x90000046  }
0xb2: {  	s29 =	simm.s32 $0x9;
	_ =	strace $0x80000048  }
0xb3: {  	_ =	swait.ge [sflag:s29], $0x1  }
0xb4: {  	[sflag:s29] =	ssyncadd.s32 $0xFFFFFFFF  }
0xb5: {  	_ =	strace $0x90000048  }
0xb6: {  	_ =	sfence  }
0xb7: {  	s30 =	sld [smem:$0x0];
	_ =	sdelay $0x2  }
0xb8: {  	s31 =	sshll.u32 s1, $0xD;
	s1 =	sshrl.u32 s1, $0x2  }
0xb9: {  	s3 =	sand.u32 $0x4000, s31;
	s1 =	sadd.s32 s1, s30  }
0xba: {  	s0 =	sor.u32 s3, s0;
	s1 =	sshll.u32 s1, $0x11  }
0xbb: {  	s0 =	sor.u32 s1, s0  }
0xbc: {  	s0 =	sadd.s32 $0x8F2B, s0  }
0xbd: {  	[sflag:s0] =	ssyncadd.remote.s32 $0x1  }
0xbe: {  	_ =	sfence.sel $0xFFFF  }
0xbf: {  	[dreg:$0x0] =	wrdreg $0xFFFFFFFF;
	(pc) =	sbr.abs _section_cstart, $3  }
0xc0: {  	[dreg:$0x1] =	wrdreg $0xFFFFFFFF  }
0xc1: {  	_ =	task.clear_ibuf [dreg:s7], $0x2FFFF;
	_ =	strace $0x9FFFFFFF  }
0xc2: {  	(tm) =	ssettm $0x7FFFFFFF  }
0xc3: {  	_ =	shalt  }
tec
execute0_lowered:
.L_overlay_start_1:
0x0: {  	(tag) =	ssettag $0x1  }
0x1: {  	s1 =	srdreg.scid;
	s0 =	stileid.u32  }
0x2: {  	s17 =	sand.u32 $0x1, s1;
	s26 =	sshll.u32 s0, $0x1  }
0x3: {  	s2 =	rddreg [dreg:$0x0];
	s9 =	sor.u32 s17, s26  }
0x4: {  	s10 =	rddreg [dreg:$0x1];
	s18 =	smul.u32 $0x140, s9  }
0x5: {  	s3 =	simm.s32 $0x0;
	s1 =	rddreg [dreg:$0x2]  }
0x6: {  	[smem:$0x7FF] =	sst s3;
	s16 =	sadd.s32 $0x6200, s10;
	s4 =	sshrl.u32 s18, $0x3  }
0x7: {  	_ =	strace $0x80000047;
	s5 =	sadd.s32 s16, s4;
	s4 =	simm.s32 $0x2  }
0x8: {  	[tilespmem:s3], [sflag:$0x2] =	stream.linear.gather [hbm4b:s5+s3], $0x40, $0x38;
	[tilespmem:$0x2080] =	vst v63  }
0x9: {  	_ =	swait.ge [sflag:s4], $0x40  }
0xa: {  	s6 =	simm.s32 $0x40;
	[sflag:s4] =	ssyncset.done $0x0  }
0xb: {  	s7 =	simm.s32 $0x80;
	s8 =	simm.s32 $0x1;
	[sflag:s4] =	ssyncadd.s32 $0xFFFFFFC0  }
0xc: {  	[tilespmem:s7], [sflag:$0x1] =	stream.indirect.gather [hbm4b:s2+s6], $0x80, s3, s6, $0xb8;
	[tilespmem:$0x2080] =	vst v63  }
0xd: {  	s9 =	smul.u32 $0x1400, s9;
	_ =	swait.ge [sflag:s8], $0x2000  }
0xe: {  	s19 =	sadd.s32 $0x6800, s10;
	[sflag:s8] =	ssyncset.done $0x0  }
0xf: {  	s9 =	sadd.s32 s19, s9;
	[sflag:s8] =	ssyncadd.s32 $0xFFFFE000  }
0x10: {  	[hbm4b:s9+s3] =	stream.linear.scatter [tilespmem:s7], [sflag:$0x2], $0x2000, $0x38;
	[tilespmem:$0x2080] =	vst v63  }
0x11: {  	s11 =	sadd.s32 $0x40, s18;
	_ =	swait.ge [sflag:s4], $0x2000  }
0x12: {  	s28 =	sshrl.u32 s11, $0x3;
	[sflag:s4] =	ssyncset.done $0x0  }
0x13: {  	s10 =	sadd.s32 s16, s28;
	[sflag:s4] =	ssyncadd.s32 $0xFFFFE000  }
0x14: {  	[tilespmem:s3], [sflag:$0x2] =	stream.linear.gather [hbm4b:s10+s3], $0x40, $0x38;
	[tilespmem:$0x2080] =	vst v63  }
0x15: {  	_ =	swait.ge [sflag:s4], $0x40  }
0x16: {  	[sflag:s4] =	ssyncset.done $0x0  }
0x17: {  	[sflag:s4] =	ssyncadd.s32 $0xFFFFFFC0  }
0x18: {  	[tilespmem:s7], [sflag:$0x1] =	stream.indirect.gather [hbm4b:s2+s6], $0x80, s3, s6, $0xb8;
	[tilespmem:$0x2080] =	vst v63  }
0x19: {  	_ =	swait.ge [sflag:s8], $0x2000  }
0x1a: {  	s11 =	sshll.u32 s11, $0x4;
	[sflag:s8] =	ssyncset.done $0x0  }
0x1b: {  	s11 =	sadd.s32 s19, s11;
	[sflag:s8] =	ssyncadd.s32 $0xFFFFE000  }
0x1c: {  	[hbm4b:s11+s3] =	stream.linear.scatter [tilespmem:s7], [sflag:$0x2], $0x2000, $0x38;
	[tilespmem:$0x2080] =	vst v63  }
0x1d: {  	s13 =	sadd.s32 $0x80, s18;
	_ =	swait.ge [sflag:s4], $0x2000  }
0x1e: {  	s12 =	sshrl.u32 s13, $0x3;
	[sflag:s4] =	ssyncset.done $0x0  }
0x1f: {  	s12 =	sadd.s32 s16, s12;
	[sflag:s4] =	ssyncadd.s32 $0xFFFFE000  }
0x20: {  	[tilespmem:s3], [sflag:$0x2] =	stream.linear.gather [hbm4b:s12+s3], $0x40, $0x38;
	[tilespmem:$0x2080] =	vst v63  }
0x21: {  	_ =	swait.ge [sflag:s4], $0x40  }
0x22: {  	[sflag:s4] =	ssyncset.done $0x0  }
0x23: {  	[sflag:s4] =	ssyncadd.s32 $0xFFFFFFC0  }
0x24: {  	[tilespmem:s7], [sflag:$0x1] =	stream.indirect.gather [hbm4b:s2+s6], $0x80, s3, s6, $0xb8;
	[tilespmem:$0x2080] =	vst v63  }
0x25: {  	_ =	swait.ge [sflag:s8], $0x2000  }
0x26: {  	s13 =	sshll.u32 s13, $0x4;
	[sflag:s8] =	ssyncset.done $0x0  }
0x27: {  	s13 =	sadd.s32 s19, s13;
	[sflag:s8] =	ssyncadd.s32 $0xFFFFE000  }
0x28: {  	[hbm4b:s13+s3] =	stream.linear.scatter [tilespmem:s7], [sflag:$0x2], $0x2000, $0x38;
	[tilespmem:$0x2080] =	vst v63  }
0x29: {  	s15 =	sadd.s32 $0xC0, s18;
	_ =	swait.ge [sflag:s4], $0x2000  }
0x2a: {  	s14 =	sshrl.u32 s15, $0x3;
	[sflag:s4] =	ssyncset.done $0x0  }
0x2b: {  	s14 =	sadd.s32 s16, s14;
	[sflag:s4] =	ssyncadd.s32 $0xFFFFE000  }
0x2c: {  	[tilespmem:s3], [sflag:$0x2] =	stream.linear.gather [hbm4b:s14+s3], $0x40, $0x38;
	[tilespmem:$0x2080] =	vst v63  }
0x2d: {  	_ =	swait.ge [sflag:s4], $0x40  }
0x2e: {  	[sflag:s4] =	ssyncset.done $0x0  }
0x2f: {  	[sflag:s4] =	ssyncadd.s32 $0xFFFFFFC0  }
0x30: {  	[tilespmem:s7], [sflag:$0x1] =	stream.indirect.gather [hbm4b:s2+s6], $0x80, s3, s6, $0xb8;
	[tilespmem:$0x2080] =	vst v63  }
0x31: {  	_ =	swait.ge [sflag:s8], $0x2000  }
0x32: {  	s15 =	sshll.u32 s15, $0x4;
	[sflag:s8] =	ssyncset.done $0x0  }
0x33: {  	s15 =	sadd.s32 s19, s15;
	[sflag:s8] =	ssyncadd.s32 $0xFFFFE000  }
0x34: {  	[hbm4b:s15+s3] =	stream.linear.scatter [tilespmem:s7], [sflag:$0x2], $0x2000, $0x38;
	[tilespmem:$0x2080] =	vst v63  }
0x35: {  	s18 =	sadd.s32 $0x100, s18;
	_ =	swait.ge [sflag:s4], $0x2000  }
0x36: {  	s20 =	sshrl.u32 s18, $0x3;
	[sflag:s4] =	ssyncset.done $0x0  }
0x37: {  	s17 =	ssub.s32 $0x2, s17;
	s16 =	sadd.s32 s16, s20;
	[sflag:s4] =	ssyncadd.s32 $0xFFFFE000  }
0x38: {  	[tilespmem:s3], [sflag:$0x2] =	stream.linear.gather [hbm4b:s16+s3], $0x40, $0x38;
	[tilespmem:$0x2080] =	vst v63  }
0x39: {  	s29 =	sshrl.u32 s17, $0x1;
	_ =	swait.ge [sflag:s4], $0x40  }
0x3a: {  	s20 =	ssub.s32 s17, s29;
	[sflag:s4] =	ssyncset.done $0x0  }
0x3b: {  	s31 =	smax.u32 s20, $0x1;
	[sflag:s4] =	ssyncadd.s32 $0xFFFFFFC0  }
0x3c: {  	[tilespmem:s7], [sflag:$0x1] =	stream.indirect.gather [hbm4b:s2+s6], $0x80, s3, s6, $0xb8;
	[tilespmem:$0x2080] =	vst v63  }
0x3d: {  	p0 =	sne.s32 s31, $0x1;
	_ =	swait.ge [sflag:s8], $0x2000  }
.Ltmp0:
0x3e: {  	s30 =	sshll.u32 s18, $0x4;
	[sflag:s8] =	ssyncset.done $0x0;
	(pc) =	sbr.rel @!p0 .LBB2_2-.Ltmp0, $4  }
0x3f: {  	s17 =	sadd.s32 s19, s30;
	[sflag:s8] =	ssyncadd.s32 $0xFFFFE000  }
0x40: {  	[hbm4b:s17+s3] =	stream.linear.scatter [tilespmem:s7], [sflag:$0x2], $0x2000, $0x38;
	[tilespmem:$0x2080] =	vst v63  }
0x41: {  	_ =	swait.ge [sflag:s4], $0x2000  }
0x42: {  	s18 =	sadd.s32 $0xFFFFFFFF, s31;
	[sflag:s4] =	ssyncset.done $0x0  }
.LBB2_1:
0x43: {  	p0 =	sne.s32 s18, $0x1;
	s18 =	sadd.s32 $0xFFFFFFFF, s18;
	[sflag:s4] =	ssyncadd.s32 $0xFFFFE000  }
0x44: {  	[tilespmem:s3], [sflag:$0x2] =	stream.linear.gather [hbm4b:s5+s3], $0x40, $0x38;
	[tilespmem:$0x2080] =	vst v63  }
0x45: {  	_ =	swait.ge [sflag:s4], $0x40  }
0x46: {  	[sflag:s4] =	ssyncset.done $0x0  }
0x47: {  	[sflag:s4] =	ssyncadd.s32 $0xFFFFFFC0  }
0x48: {  	[tilespmem:s7], [sflag:$0x1] =	stream.indirect.gather [hbm4b:s2+s6], $0x80, s3, s6, $0xb8;
	[tilespmem:$0x2080] =	vst v63  }
0x49: {  	_ =	swait.ge [sflag:s8], $0x2000  }
0x4a: {  	[sflag:s8] =	ssyncset.done $0x0  }
0x4b: {  	[sflag:s8] =	ssyncadd.s32 $0xFFFFE000  }
0x4c: {  	[hbm4b:s9+s3] =	stream.linear.scatter [tilespmem:s7], [sflag:$0x2], $0x2000, $0x38;
	[tilespmem:$0x2080] =	vst v63  }
0x4d: {  	_ =	swait.ge [sflag:s4], $0x2000  }
0x4e: {  	[sflag:s4] =	ssyncset.done $0x0  }
0x4f: {  	[sflag:s4] =	ssyncadd.s32 $0xFFFFE000  }
0x50: {  	[tilespmem:s3], [sflag:$0x2] =	stream.linear.gather [hbm4b:s10+s3], $0x40, $0x38;
	[tilespmem:$0x2080] =	vst v63  }
0x51: {  	_ =	swait.ge [sflag:s4], $0x40  }
0x52: {  	[sflag:s4] =	ssyncset.done $0x0  }
0x53: {  	[sflag:s4] =	ssyncadd.s32 $0xFFFFFFC0  }
0x54: {  	[tilespmem:s7], [sflag:$0x1] =	stream.indirect.gather [hbm4b:s2+s6], $0x80, s3, s6, $0xb8;
	[tilespmem:$0x2080] =	vst v63  }
0x55: {  	_ =	swait.ge [sflag:s8], $0x2000  }
0x56: {  	[sflag:s8] =	ssyncset.done $0x0  }
0x57: {  	[sflag:s8] =	ssyncadd.s32 $0xFFFFE000  }
0x58: {  	[hbm4b:s11+s3] =	stream.linear.scatter [tilespmem:s7], [sflag:$0x2], $0x2000, $0x38;
	[tilespmem:$0x2080] =	vst v63  }
0x59: {  	_ =	swait.ge [sflag:s4], $0x2000  }
0x5a: {  	[sflag:s4] =	ssyncset.done $0x0  }
0x5b: {  	[sflag:s4] =	ssyncadd.s32 $0xFFFFE000  }
0x5c: {  	[tilespmem:s3], [sflag:$0x2] =	stream.linear.gather [hbm4b:s12+s3], $0x40, $0x38;
	[tilespmem:$0x2080] =	vst v63  }
0x5d: {  	_ =	swait.ge [sflag:s4], $0x40  }
0x5e: {  	[sflag:s4] =	ssyncset.done $0x0  }
0x5f: {  	[sflag:s4] =	ssyncadd.s32 $0xFFFFFFC0  }
0x60: {  	[tilespmem:s7], [sflag:$0x1] =	stream.indirect.gather [hbm4b:s2+s6], $0x80, s3, s6, $0xb8;
	[tilespmem:$0x2080] =	vst v63  }
0x61: {  	_ =	swait.ge [sflag:s8], $0x2000  }
0x62: {  	[sflag:s8] =	ssyncset.done $0x0  }
0x63: {  	[sflag:s8] =	ssyncadd.s32 $0xFFFFE000  }
0x64: {  	[hbm4b:s13+s3] =	stream.linear.scatter [tilespmem:s7], [sflag:$0x2], $0x2000, $0x38;
	[tilespmem:$0x2080] =	vst v63  }
0x65: {  	_ =	swait.ge [sflag:s4], $0x2000  }
0x66: {  	[sflag:s4] =	ssyncset.done $0x0  }
0x67: {  	[sflag:s4] =	ssyncadd.s32 $0xFFFFE000  }
0x68: {  	[tilespmem:s3], [sflag:$0x2] =	stream.linear.gather [hbm4b:s14+s3], $0x40, $0x38;
	[tilespmem:$0x2080] =	vst v63  }
0x69: {  	_ =	swait.ge [sflag:s4], $0x40  }
0x6a: {  	[sflag:s4] =	ssyncset.done $0x0  }
0x6b: {  	[sflag:s4] =	ssyncadd.s32 $0xFFFFFFC0  }
0x6c: {  	[tilespmem:s7], [sflag:$0x1] =	stream.indirect.gather [hbm4b:s2+s6], $0x80, s3, s6, $0xb8;
	[tilespmem:$0x2080] =	vst v63  }
0x6d: {  	_ =	swait.ge [sflag:s8], $0x2000  }
0x6e: {  	[sflag:s8] =	ssyncset.done $0x0  }
0x6f: {  	[sflag:s8] =	ssyncadd.s32 $0xFFFFE000  }
0x70: {  	[hbm4b:s15+s3] =	stream.linear.scatter [tilespmem:s7], [sflag:$0x2], $0x2000, $0x38;
	[tilespmem:$0x2080] =	vst v63  }
0x71: {  	_ =	swait.ge [sflag:s4], $0x2000  }
0x72: {  	[sflag:s4] =	ssyncset.done $0x0  }
0x73: {  	[sflag:s4] =	ssyncadd.s32 $0xFFFFE000  }
0x74: {  	[tilespmem:s3], [sflag:$0x2] =	stream.linear.gather [hbm4b:s16+s3], $0x40, $0x38;
	[tilespmem:$0x2080] =	vst v63  }
0x75: {  	_ =	swait.ge [sflag:s4], $0x40  }
0x76: {  	[sflag:s4] =	ssyncset.done $0x0  }
0x77: {  	[sflag:s4] =	ssyncadd.s32 $0xFFFFFFC0  }
0x78: {  	[tilespmem:s7], [sflag:$0x1] =	stream.indirect.gather [hbm4b:s2+s6], $0x80, s3, s6, $0xb8;
	[tilespmem:$0x2080] =	vst v63  }
0x79: {  	_ =	swait.ge [sflag:s8], $0x2000  }
.Ltmp1:
0x7a: {  	[sflag:s8] =	ssyncset.done $0x0;
	(pc) =	sbr.rel @p0 .LBB2_1-.Ltmp1, $4  }
0x7b: {  	[sflag:s8] =	ssyncadd.s32 $0xFFFFE000  }
0x7c: {  	[hbm4b:s17+s3] =	stream.linear.scatter [tilespmem:s7], [sflag:$0x2], $0x2000, $0x38;
	[tilespmem:$0x2080] =	vst v63  }
0x7d: {  	_ =	swait.ge [sflag:s4], $0x2000  }
0x7e: {  	[sflag:s4] =	ssyncset.done $0x0  }
.LBB2_2:
0x7f: {  	[sflag:s4] =	ssyncadd.s32 $0xFFFFE000  }
0x80: {  	_ =	sfence.sel $0x180000  }
0x81: {  	[bflag:$0x0] =	sbarrier.arrive $0xFFFF  }
0x82: {  	p0 =	sne.s32 s0, $0x0;
	_ =	strace $0x90000047  }
0x83: {  	s0 =	sadd.s32 @!p0 $0x100000, s1;
	[bflag:$0x2] =	sbarrier.arrive $0xFFFF  }
0x84: {  	[sflag:s0] =	ssyncadd.tile.s32 @!p0 $0x1;
	_ =	shalt  }
.Lfunc_end2:
_tile_overlayer_lowered:
.L_overlay_start_2:
0x85: {  	(tag) =	ssettag $0x2  }
0x86: {  	s0 =	rddreg [dreg:$0x0];
	s2 =	stileid.u32  }
0x87: {  	s1 =	rddreg [dreg:$0x1];
	p0 =	sne.s32 s2, $0x0  }
0x88: {  	s3 =	rddreg [dreg:$0x2];
	[bflag:$0x3] =	sbarrier.arrive $0xFFFF;
	s2 =	simm.s32 @!p0 $0x1C02  }
0x89: {  	[timem:s3], [sflag:s2] =	dma.local @!p0 [hbm:s0], s1  }
0x8a: {  	s0 =	simm.s32 @!p0 $0x2  }
0x8b: {  	_ =	swait.ge @!p0 [sflag:s0], s1  }
0x8c: {  	s1 =	ssub.s32 @!p0 $0x0, s1;
	[sflag:s0] =	ssyncset.done @!p0 $0x0  }
0x8d: {  	[sflag:s0] =	ssyncadd.s32 @!p0 s1  }
0x8e: {  	[bflag:$0x3] =	sbarrier.arrive $0xFFFF  }
0x8f: {  	_ =	shalt  }

// kernel: kernel.20.cloned.1.call-start
scs
__scs_entry_jumppad:
0x0: {  	(pc) =	sbr.rel $0x88, $3  }
0x1: {  	(tag) =	ssettag $0x0;
	lr =	simm.s32 $0x1  }
0x2: {  	[smem:$0x3F90] =	sst lr;
	_ =	strace $0xD0000000  }
0x3: {  	_ = 	snop  }
0x4: {  	_ = 	snop  }
0x5: {  	_ = 	snop  }
0x6: {  	_ = 	snop  }
0x7: {  	_ = 	snop  }
__scs_overlays_trampoline_lowered:
0x8: {  	[smem:$0x3F9F] =	sst s0  }
0x9: {  	[smem:$0x3FA0] =	sst s1  }
0xa: {  	[smem:$0x3FA1] =	sst s2  }
0xb: {  	[smem:$0x3FA2] =	sst s3  }
0xc: {  	[smem:$0x3FA3] =	sst s4  }
0xd: {  	[smem:$0x3FA4] =	sst s5  }
0xe: {  	[smem:$0x3FA5] =	sst s6  }
0xf: {  	[smem:$0x3FA6] =	sst s7  }
0x10: {  	[smem:$0x3FA7] =	sst s8  }
0x11: {  	[smem:$0x3FA8] =	sst s9;
	s0 =	simm.s32 @!p0 $0x0  }
0x12: {  	s1 =	sld [smem:$0x3F8E];
	s0 =	simm.s32 @p0 $0x1  }
0x13: {  	[smem:$0x3FA9] =	sst s0;
	s0 =	simm.s32 @!p1 $0x0  }
0x14: {  	s2 =	sld [smem:$0x3F8D];
	s0 =	simm.s32 @p1 $0x1  }
0x15: {  	[smem:$0x3FAA] =	sst s0;
	s0 =	simm.s32 @!p2 $0x0  }
0x16: {  	s3 =	sld [smem:$0x3FDB];
	s0 =	simm.s32 @p2 $0x1  }
0x17: {  	s4 =	simm.s32 $0x1BF5;
	[smem:$0x3FAC] =	sst s0  }
0x18: {  	s0 =	sld [smem:$0x3F8F];
	_ =	swait.ge [sflag:s4], $0x0  }
0x19: {  	s7 =	sld [smem:$0x3F90]  }
0x1a: {  	s8 =	sadd.s32 $0xFFFFE003, lr  }
0x1b: {  	s9 =	sadd.s32 $0xFFFFFEF7, lr;
	s5 =	simm.s32 $0xFFFFFFFF;
	p2 =	slt.u32 s8, $0xFFFFF086  }
0x1c: {  	p1 =	slt.u32 s9, $0xF7A;
	s5 =	simm.s32 @!p2 $0x0  }
0x1d: {  	s5 =	simm.s32 @p1 $0x1;
	p0 =	seq.s32 s7, s2  }
0x1e: {  	s7 =	smul.u32 @!p0 $0xF7A, s2;
	p2 =	seq.s32 @!p0 s5, $0x0  }
0x1f: {  	s9 =	smul.u32 $0xF7A, s1;
	s8 =	simm.s32 @!p0 $0x1BF5;
	p2 =	por !p2, p0  }
0x20: {  	[sflag:s8] =	ssyncset.s32 @!p0 $0xFFFFF086;
	s6 =	sadd.s32 @!p0 s3, s7;
	s7 =	simm.s32 @!p0 $0x108  }
0x21: {  	s3 =	sadd.s32 s3, s9;
	s6 =	sadd.s32 @!p0 $0x88, s6;
	s7 =	simm.s32 @p2 $0x1082  }
0x22: {  	[simem:s7], [sflag:s8] =	dma.local @!p0 [hbm:s6], $0xF7A  }
0x23: {  	s9 =	sor.u32 $0xD0000000, s2;
	s6 =	simm.s32 $0x108;
	_ =	swait.ge @!p0 [sflag:s8], $0x0  }
0x24: {  	s3 =	sadd.s32 $0x88, s3;
	s6 =	simm.s32 @!p1 $0x1082;
	[sflag:s4] =	ssyncset.s32 $0xFFFFF086  }
0x25: {  	[simem:s6], [sflag:s4] =	dma.local [hbm:s3], $0xF7A  }
0x26: {  	[smem:$0x3F90] =	sst s1;
	(tag) =	ssettag s2;
	_ =	strace s9  }
0x27: {  	s1 =	sld [smem:$0x3FA0]  }
0x28: {  	s2 =	sld [smem:$0x3FA1]  }
0x29: {  	s4 =	sld [smem:$0x3FA3]  }
0x2a: {  	p0 =	seq.s32 s5, $0x0;
	s5 =	sld [smem:$0x3FA4]  }
0x2b: {  	s6 =	sld [smem:$0x3FA5]  }
0x2c: {  	s7 =	sld [smem:$0x3FA6]  }
0x2d: {  	s3 =	simm.s32 $0x108;
	s8 =	sld [smem:$0x3FA7]  }
0x2e: {  	s3 =	simm.s32 @!p0 $0x1082;
	s9 =	sld [smem:$0x3FA8]  }
0x2f: {  	lr =	sadd.s32 s0, s3;
	s0 =	sld [smem:$0x3F9F]  }
0x30: {  	s3 =	sld [smem:$0x3FA2]  }
0x31: {  	[smem:$0x3FAB] =	sst s10  }
0x32: {  	s10 =	sld [smem:$0x3FA9];
	_ =	sdelay $0x3  }
0x33: {  	p0 =	seq.s32 s10, $0x1;
	s10 =	sld [smem:$0x3FAB];
	_ =	sdelay $0x3  }
0x34: {  	[smem:$0x3FAB] =	sst s10  }
0x35: {  	s10 =	sld [smem:$0x3FAA];
	_ =	sdelay $0x3  }
0x36: {  	p1 =	seq.s32 s10, $0x1;
	s10 =	sld [smem:$0x3FAB];
	_ =	sdelay $0x3  }
0x37: {  	[smem:$0x3FAB] =	sst s10  }
0x38: {  	s10 =	sld [smem:$0x3FAC]  }
0x39: {  	_ = 	snop;
	(pc) =	sbr.ind lr, $3  }
0x3a: {  	_ = 	snop  }
0x3b: {  	_ = 	snop  }
0x3c: {  	p2 =	seq.s32 s10, $0x1;
	s10 =	sld [smem:$0x3FAB]  }
0x3d: {  	_ =	shalt  }
0x3e: {  	_ =	shalt  }
0x3f: {  	_ =	shalt  }
0x40: {  	_ =	shalt  }
0x41: {  	_ =	shalt  }
0x42: {  	_ =	shalt  }
0x43: {  	_ =	shalt  }
0x44: {  	_ =	shalt  }
0x45: {  	_ =	shalt  }
0x46: {  	_ =	shalt  }
0x47: {  	_ =	shalt  }
0x48: {  	_ =	shalt  }
0x49: {  	_ =	shalt  }
0x4a: {  	_ =	shalt  }
0x4b: {  	_ =	shalt  }
0x4c: {  	_ =	shalt  }
0x4d: {  	_ =	shalt  }
0x4e: {  	_ =	shalt  }
0x4f: {  	_ =	shalt  }
0x50: {  	_ =	shalt  }
0x51: {  	_ =	shalt  }
0x52: {  	_ =	shalt  }
0x53: {  	_ =	shalt  }
0x54: {  	_ =	shalt  }
0x55: {  	_ =	shalt  }
0x56: {  	_ =	shalt  }
0x57: {  	_ =	shalt  }
0x58: {  	_ =	shalt  }
0x59: {  	_ =	shalt  }
0x5a: {  	_ =	shalt  }
0x5b: {  	_ =	shalt  }
0x5c: {  	_ =	shalt  }
0x5d: {  	_ =	shalt  }
0x5e: {  	_ =	shalt  }
0x5f: {  	_ =	shalt  }
0x60: {  	_ =	shalt  }
0x61: {  	_ =	shalt  }
0x62: {  	_ =	shalt  }
0x63: {  	_ =	shalt  }
0x64: {  	_ =	shalt  }
0x65: {  	_ =	shalt  }
0x66: {  	_ =	shalt  }
0x67: {  	_ =	shalt  }
0x68: {  	_ =	shalt  }
0x69: {  	_ =	shalt  }
0x6a: {  	_ =	shalt  }
0x6b: {  	_ =	shalt  }
0x6c: {  	_ =	shalt  }
0x6d: {  	_ =	shalt  }
0x6e: {  	_ =	shalt  }
0x6f: {  	_ =	shalt  }
0x70: {  	_ =	shalt  }
0x71: {  	_ =	shalt  }
0x72: {  	_ =	shalt  }
0x73: {  	_ =	shalt  }
0x74: {  	_ =	shalt  }
0x75: {  	_ =	shalt  }
0x76: {  	_ =	shalt  }
0x77: {  	_ =	shalt  }
0x78: {  	_ =	shalt  }
0x79: {  	_ =	shalt  }
0x7a: {  	_ =	shalt  }
0x7b: {  	_ =	shalt  }
0x7c: {  	_ =	shalt  }
0x7d: {  	_ =	shalt  }
0x7e: {  	_ =	shalt  }
0x7f: {  	_ =	shalt  }
0x80: {  	_ =	shalt  }
0x81: {  	_ =	shalt  }
0x82: {  	_ =	shalt  }
0x83: {  	_ =	shalt  }
0x84: {  	_ =	shalt  }
0x85: {  	_ =	shalt  }
0x86: {  	_ =	shalt  }
0x87: {  	_ =	shalt  }
.Lfunc_end0:
.L_simem_size_0:
called_computation.1_lowered:
.L_overlay_start_0:
0x88: {  	s2 =	sld [smem:$0x3FD9]  }
0x89: {  	s3 =	sld [smem:$0x3FFE];
	_ =	sdelay $0x1  }
0x8a: {  	s1 =	srdreg.scid  }
0x8b: {  	s0 =	sand.u32 $0x1, s1  }
0x8c: {  	s16 =	sshll.u32 s0, $0xA;
	s2 =	sadd.s32 s3, s2  }
0x8d: {  	s2 =	sadd.s32 s2, s16  }
0x8e: {  	[smem:$0x3FB7] =	sst s2  }
0x8f: {  	_ = 	snop  }
0x90: {  	(tm) =	ssettm $0x1  }
0x91: {  	s17 =	sld [smem:$0x3FFB];
	_ =	sdelay $0x3  }
0x92: {  	_ =	strace s17  }
0x93: {  	s2 =	sld [smem:$0x3FFC];
	_ =	sdelay $0x3  }
0x94: {  	_ =	strace s2  }
0x95: {  	s2 =	sld [smem:$0x3FFD];
	_ =	sdelay $0x3  }
0x96: {  	_ =	strace s2  }
0x97: {  	_ =	strace $0x8FFFFFFF  }
0x98: {  	s18 =	sld [smem:$0x3FDB];
	_ =	sdelay $0x1  }
0x99: {  	s19 =	simm.s32 $_scs_section_size  }
0x9a: {  	s4 =	simm.s32 $_size__tile_overlayer_lowered;
	s5 =	simm.s32 $_tile_overlayer_lowered  }
0x9b: {  	s22 =	simm.s32 $0x1BFF;
	s21 =	sshll.u32 s5, $0x1;
	s2 =	sadd.s32 s19, s18  }
0x9c: {  	s6 =	simm.s32 $0x0;
	s20 =	sshll.u32 s4, $0x1;
	s4 =	sadd.s32 s21, s2  }
0x9d: {  	[timem:s6], [sflag:s22] =	dma.local [hbm:s4], s20  }
0x9e: {  	_ =	swait.ge [sflag:s22], s20  }
0x9f: {  	s3 =	ssub.s32 $0x0, s20;
	[sflag:s22] =	ssyncset.done $0x0  }
0xa0: {  	[sflag:s22] =	ssyncadd.s32 s3;
	_ =	sdelay $0x1  }
0xa1: {  	s23 =	simm.s32 $0x1B8B  }
0xa2: {  	_ =	swait.ge [sflag:s23], $0x1  }
0xa3: {  	[sflag:s23] =	ssyncset.done $0x0  }
0xa4: {  	s25 =	simm.s32 $0x1B8E;
	s24 =	sld [smem:$0x3FFE];
	[sflag:s23] =	ssyncadd.s32 $0xFFFFFFFF  }
0xa5: {  	s26 =	simm.s32 $execute0_lowered;
	[smem:$0x3FD2] =	sst s25  }
0xa6: {  	s4 =	sshll.u32 s26, $0x1;
	_ =	strace $0x80000049;
	[dreg:$0x1] =	wrdreg $0xFFFFFFFF  }
0xa7: {  	s28 =	simm.s32 $_size_execute0_lowered;
	s2 =	sadd.s32 s2, s4;
	[dreg:$0x0] =	wrdreg $0x0  }
0xa8: {  	s4 =	sshll.u32 s28, $0x1;
	[dreg:$0x2] =	wrdreg s2  }
0xa9: {  	[dreg:$0x3] =	wrdreg s4  }
0xaa: {  	[dreg:$0x4] =	wrdreg $0xC0  }
0xab: {  	_ =	task [dreg:s6], $0x5FFFF  }
0xac: {  	[dreg:$0x1] =	wrdreg $0xFFFFFFFF  }
0xad: {  	[dreg:$0x0] =	wrdreg $0x60  }
0xae: {  	[dreg:$0x2] =	wrdreg s24  }
0xaf: {  	[dreg:$0x3] =	wrdreg $0xA  }
0xb0: {  	_ =	task.clear_ibuf [dreg:s6], $0x4FFFF;
	_ =	strace $0x90000049  }
0xb1: {  	s29 =	simm.s32 $0xA;
	_ =	strace $0x8000004B  }
0xb2: {  	_ =	swait.ge [sflag:s29], $0x1  }
0xb3: {  	[sflag:s29] =	ssyncadd.s32 $0xFFFFFFFF  }
0xb4: {  	_ =	strace $0x9000004B  }
0xb5: {  	_ =	sfence  }
0xb6: {  	s30 =	sld [smem:$0x0];
	_ =	sdelay $0x2  }
0xb7: {  	s31 =	sshll.u32 s1, $0xD;
	s1 =	sshrl.u32 s1, $0x2  }
0xb8: {  	s3 =	sand.u32 $0x4000, s31;
	s1 =	sadd.s32 s1, s30  }
0xb9: {  	s0 =	sor.u32 s3, s0;
	s1 =	sshll.u32 s1, $0x11  }
0xba: {  	s0 =	sor.u32 s1, s0  }
0xbb: {  	s0 =	sadd.s32 $0x8F2B, s0  }
0xbc: {  	[sflag:s0] =	ssyncadd.remote.s32 $0x1  }
0xbd: {  	_ =	sfence.sel $0xFFFF  }
0xbe: {  	[dreg:$0x0] =	wrdreg $0xFFFFFFFF;
	(pc) =	sbr.abs _section_cstart, $3  }
0xbf: {  	[dreg:$0x1] =	wrdreg $0xFFFFFFFF  }
0xc0: {  	_ =	task.clear_ibuf [dreg:s6], $0x2FFFF;
	_ =	strace $0x9FFFFFFF  }
0xc1: {  	(tm) =	ssettm $0x7FFFFFFF  }
tec
execute0_lowered:
.L_overlay_start_1:
0x0: {  	(tag) =	ssettag $0x1  }
0x1: {  	s7 =	rddreg [dreg:$0x0]  }
0x2: {  	s0 =	rddreg [dreg:$0x1];
	s1 =	simm.s32 $0x0;
	s5 =	srdreg.scid  }
0x3: {  	s2 =	stileid.u32;
	s12 =	simm.s32 $0x100;
	s13 =	simm.s32 $0x40  }
0x4: {  	s14 =	simm.s32 $0x180;
	s15 =	simm.s32 $0x2180;
	s16 =	simm.s32 $0x4180  }
0x5: {  	s17 =	simm.s32 $0x1;
	s18 =	simm.s32 $0x2;
	s19 =	simm.s32 $0x3  }
0x6: {  	s20 =	simm.s32 $0x0;
	[smem:$0x7FF] =	sst s1;
	s3 =	sadd.s32 $0x6800, s7  }
0x7: {  	s4 =	sadd.s32 $0x2E800, s7;
	s8 =	sand.u32 $0x1, s5;
	s5 =	sadd.s32 $0x33800, s7  }
0x8: {  	s10 =	sshll.u32 s2, $0x1;
	s6 =	sadd.s32 $0x38800, s7;
	s9 =	ssub.s32 $0x2, s8  }
0x9: {  	s7 =	sadd.s32 $0x3D800, s7;
	_ =	strace $0x8000004A;
	s11 =	sshrl.u32 s9, $0x1  }
0xa: {  	s8 =	sor.u32 s8, s10;
	s10 =	simm.s32 $0x4;
	s9 =	ssub.s32 s9, s11  }
0xb: {  	s8 =	smul.u32 $0x1400, s8;
	s11 =	simm.s32 $0x80;
	s9 =	smax.u32 s9, $0x1  }
.LBB2_1:
0xc: {  	s21 =	simm.s32 $0x0  }
.LBB2_2:
0xd: {  	s22 =	sshll.u32 s21, $0x6  }
0xe: {  	s22 =	sadd.s32 s8, s22  }
0xf: {  	s23 =	sshrl.u32 s22, $0x3  }
0x10: {  	s25 =	simm.s32 $0x0;
	s24 =	sadd.s32 s4, s23  }
0x11: {  	[tilespmem:s25], [sflag:$0x4] =	stream.linear.gather [hbm4b:s24+s25], $0x40, $0x38;
	[tilespmem:$0x6180] =	vst v63  }
0x12: {  	_ =	swait.ge [sflag:s10], $0x40  }
0x13: {  	[sflag:s10] =	ssyncset.done $0x0  }
0x14: {  	s31 =	sadd.s32 s5, s23;
	[sflag:s10] =	ssyncadd.s32 $0xFFFFFFC0  }
0x15: {  	[tilespmem:s11], [sflag:$0x4] =	stream.linear.gather [hbm4b:s31+s25], $0x40, $0x38;
	[tilespmem:$0x6180] =	vst v63  }
0x16: {  	_ =	swait.ge [sflag:s10], $0x40  }
0x17: {  	[sflag:s10] =	ssyncset.done $0x0  }
0x18: {  	s23 =	sadd.s32 s6, s23;
	[sflag:s10] =	ssyncadd.s32 $0xFFFFFFC0  }
0x19: {  	[tilespmem:s12], [sflag:$0x4] =	stream.linear.gather [hbm4b:s23+s25], $0x40, $0x38;
	[tilespmem:$0x6180] =	vst v63  }
0x1a: {  	_ =	swait.ge [sflag:s10], $0x40  }
0x1b: {  	[sflag:s10] =	ssyncset.done $0x0  }
0x1c: {  	[sflag:s10] =	ssyncadd.s32 $0xFFFFFFC0  }
0x1d: {  	[tilespmem:s14], [sflag:$0x1] =	stream.indirect.gather [hbm4b:s3+s13], $0x80, s25, s13, $0xb8;
	[tilespmem:$0x6180] =	vst v63  }
0x1e: {  	_ = 	snop  }
0x1f: {  	[tilespmem:s15], [sflag:$0x2] =	stream.indirect.gather [hbm4b:s3+s13], $0x80, s11, s13, $0xb8;
	[tilespmem:$0x6180] =	vst v63  }
0x20: {  	_ = 	snop  }
0x21: {  	[tilespmem:s16], [sflag:$0x3] =	stream.indirect.gather [hbm4b:s3+s13], $0x80, s12, s13, $0xb8;
	[tilespmem:$0x6180] =	vst v63  }
0x22: {  	_ =	swait.ge [sflag:s17], $0x2000  }
0x23: {  	[sflag:s17] =	ssyncset.done $0x0  }
0x24: {  	[sflag:s17] =	ssyncadd.s32 $0xFFFFE000  }
0x25: {  	_ =	swait.ge [sflag:s18], $0x2000  }
0x26: {  	[sflag:s18] =	ssyncset.done $0x0  }
0x27: {  	[sflag:s18] =	ssyncadd.s32 $0xFFFFE000  }
0x28: {  	_ =	swait.ge [sflag:s19], $0x2000  }
0x29: {  	[sflag:s19] =	ssyncset.done $0x0  }
0x2a: {  	s23 =	simm.s32 $0x0;
	[sflag:s19] =	ssyncadd.s32 $0xFFFFE000  }
0x2b: {  	v5 =	vld [tilespmem:s23+$0x4180]  }
0x2c: {  	v4 =	vld [tilespmem:s23+$0x4190]  }
0x2d: {  	v3 =	vld [tilespmem:s23+$0x41A0]  }
0x2e: {  	v2 =	vld [tilespmem:s23+$0x41B0]  }
0x2f: {  	v1 =	vld [tilespmem:s23+$0x41C0]  }
0x30: {  	v0 =	vld [tilespmem:s23+$0x41D0]  }
0x31: {  	v12 =	vld [tilespmem:s23+$0x2180]  }
0x32: {  	v17 =	vld [tilespmem:s23+$0x2190]  }
0x33: {  	v11 =	vld [tilespmem:s23+$0x21A0]  }
0x34: {  	v10 =	vld [tilespmem:s23+$0x21B0]  }
0x35: {  	v9 =	vld [tilespmem:s23+$0x21C0]  }
0x36: {  	v8 =	vld [tilespmem:s23+$0x21D0]  }
0x37: {  	v7 =	vld [tilespmem:s23+$0x21E0]  }
0x38: {  	v6 =	vld [tilespmem:s23+$0x21F0]  }
0x39: {  	v18 =	vld [tilespmem:s23+$0x180]  }
0x3a: {  	v19 =	vld [tilespmem:s23+$0x190]  }
0x3b: {  	v16 =	vld [tilespmem:s23+$0x1A0]  }
0x3c: {  	v15 =	vld [tilespmem:s23+$0x1B0]  }
0x3d: {  	v14 =	vld [tilespmem:s23+$0x1C0]  }
0x3e: {  	v13 =	vld [tilespmem:s23+$0x1D0];
	v18 =	vadd.f32 v12, v18  }
0x3f: {  	s24 =	simm.s32 $0x200;
	v17 =	vadd.f32 v17, v19;
	v12 =	vld [tilespmem:s23+$0x1E0]  }
.LBB2_3:
0x40: {  	p0 =	sne.s32 s24, $0x7E00;
	v5 =	vadd.f32 v5, v18;
	v11 =	vadd.f32 v11, v16;
	v16 =	vld [tilespmem:s23+$0x1F0]  }
0x41: {  	v4 =	vadd.f32 v4, v17;
	v10 =	vadd.f32 v10, v15;
	v15 =	vld [tilespmem:s23+$0x41E0]  }
0x42: {  	s25 =	sshra.s32 s24, $0x2;
	[tilespmem:s23+$0x180] =	vst v5;
	v3 =	vadd.f32 v3, v11;
	v9 =	vadd.f32 v9, v14;
	v11 =	vld [tilespmem:s23+$0x41F0]  }
0x43: {  	v5 =	vld [tilespmem:s25+$0x4180];
	[tilespmem:s23+$0x190] =	vst v4;
	v2 =	vadd.f32 v2, v10;
	v8 =	vadd.f32 v8, v13  }
0x44: {  	v4 =	vld [tilespmem:s25+$0x4190];
	[tilespmem:s23+$0x1A0] =	vst v3;
	v1 =	vadd.f32 v1, v9;
	v7 =	vadd.f32 v7, v12  }
0x45: {  	v3 =	vld [tilespmem:s25+$0x41A0];
	[tilespmem:s23+$0x1B0] =	vst v2;
	v0 =	vadd.f32 v0, v8;
	v6 =	vadd.f32 v6, v16  }
0x46: {  	v2 =	vld [tilespmem:s25+$0x41B0];
	[tilespmem:s23+$0x1C0] =	vst v1;
	v7 =	vadd.f32 v15, v7  }
0x47: {  	v1 =	vld [tilespmem:s25+$0x41C0];
	[tilespmem:s23+$0x1D0] =	vst v0;
	v6 =	vadd.f32 v11, v6  }
0x48: {  	v0 =	vld [tilespmem:s25+$0x41D0];
	[tilespmem:s23+$0x1E0] =	vst v7  }
0x49: {  	v12 =	vld [tilespmem:s25+$0x2180];
	[tilespmem:s23+$0x1F0] =	vst v6;
	s23 =	smov.u32 s25  }
0x4a: {  	v17 =	vld [tilespmem:s23+$0x2190]  }
0x4b: {  	v11 =	vld [tilespmem:s23+$0x21A0]  }
0x4c: {  	v10 =	vld [tilespmem:s23+$0x21B0]  }
0x4d: {  	v9 =	vld [tilespmem:s23+$0x21C0]  }
0x4e: {  	v8 =	vld [tilespmem:s23+$0x21D0]  }
0x4f: {  	v7 =	vld [tilespmem:s23+$0x21E0]  }
0x50: {  	v6 =	vld [tilespmem:s23+$0x21F0]  }
0x51: {  	v13 =	vld [tilespmem:s23+$0x180]  }
0x52: {  	v19 =	vld [tilespmem:s23+$0x190]  }
.Ltmp0:
0x53: {  	v16 =	vld [tilespmem:s23+$0x1A0];
	(pc) =	sbr.rel @p0 .LBB2_3-.Ltmp0, $4  }
0x54: {  	v15 =	vld [tilespmem:s23+$0x1B0]  }
0x55: {  	v14 =	vld [tilespmem:s23+$0x1C0]  }
0x56: {  	v18 =	vadd.f32 v12, v13;
	v13 =	vld [tilespmem:s23+$0x1D0]  }
0x57: {  	s24 =	sadd.s32 $0x200, s24;
	v17 =	vadd.f32 v17, v19;
	v12 =	vld [tilespmem:s23+$0x1E0]  }
0x58: {  	v5 =	vadd.f32 v5, v18;
	v55 =	vld [tilespmem:s23+$0x1F0];
	v11 =	vadd.f32 v11, v16  }
0x59: {  	v56 =	vld [tilespmem:s23+$0x41E0];
	v4 =	vadd.f32 v4, v17;
	v10 =	vadd.f32 v10, v15  }
0x5a: {  	v58 =	vld [tilespmem:s23+$0x41F0];
	[tilespmem:s23+$0x180] =	vst v5;
	v3 =	vadd.f32 v3, v11;
	v57 =	vadd.f32 v9, v14  }
0x5b: {  	[tilespmem:s23+$0x190] =	vst v4;
	v2 =	vadd.f32 v2, v10;
	v59 =	vadd.f32 v8, v13  }
0x5c: {  	[tilespmem:s23+$0x1A0] =	vst v3;
	v1 =	vadd.f32 v1, v57;
	v60 =	vadd.f32 v7, v12  }
0x5d: {  	[tilespmem:s23+$0x1B0] =	vst v2;
	v0 =	vadd.f32 v0, v59;
	v61 =	vadd.f32 v6, v55  }
0x5e: {  	[tilespmem:s23+$0x1C0] =	vst v1;
	v62 =	vadd.f32 v56, v60  }
0x5f: {  	s21 =	sadd.s32 $0x1, s21;
	[tilespmem:s23+$0x1D0] =	vst v0;
	v63 =	vadd.f32 v58, v61  }
0x60: {  	s22 =	sshll.u32 s22, $0x4;
	p0 =	sne.s32 s21, $0x50;
	[tilespmem:s23+$0x1E0] =	vst v62  }
.Ltmp1:
0x61: {  	s22 =	sadd.s32 s7, s22;
	[tilespmem:s23+$0x1F0] =	vst v63;
	(pc) =	sbr.rel @p0 .LBB2_2-.Ltmp1, $4  }
0x62: {  	[hbm4b:s22+s1] =	stream.linear.scatter [tilespmem:s14], [sflag:$0x4], $0x2000, $0x38;
	[tilespmem:$0x6180] =	vst v63  }
0x63: {  	_ =	swait.ge [sflag:s10], $0x2000  }
0x64: {  	[sflag:s10] =	ssyncset.done $0x0  }
0x65: {  	[sflag:s10] =	ssyncadd.s32 $0xFFFFE000  }
0x66: {  	s20 =	sadd.s32 $0x1, s20  }
0x67: {  	p0 =	sne.s32 s20, s9  }
.Ltmp2:
0x68: {  	_ = 	snop;
	(pc) =	sbr.rel @p0 .LBB2_1-.Ltmp2, $1  }
0x69: {  	_ =	sdelay $0x3  }
0x6a: {  	_ =	sfence.sel $0x180000  }
0x6b: {  	[bflag:$0x0] =	sbarrier.arrive $0xFFFF  }
0x6c: {  	p0 =	sne.s32 s2, $0x0;
	_ =	strace $0x9000004A  }
0x6d: {  	s0 =	sadd.s32 @!p0 $0x100000, s0;
	[bflag:$0x2] =	sbarrier.arrive $0xFFFF  }
0x6e: {  	[sflag:s0] =	ssyncadd.tile.s32 @!p0 $0x1;
	_ =	shalt  }
.Lfunc_end2:
_tile_overlayer_lowered:
.L_overlay_start_2:
0x6f: {  	(tag) =	ssettag $0x2  }
0x70: {  	s0 =	rddreg [dreg:$0x0];
	s2 =	stileid.u32  }
0x71: {  	s1 =	rddreg [dreg:$0x1];
	p0 =	sne.s32 s2, $0x0  }
0x72: {  	s3 =	rddreg [dreg:$0x2];
	[bflag:$0x3] =	sbarrier.arrive $0xFFFF;
	s2 =	simm.s32 @!p0 $0x1C04  }
0x73: {  	[timem:s3], [sflag:s2] =	dma.local @!p0 [hbm:s0], s1  }
0x74: {  	s0 =	simm.s32 @!p0 $0x4  }
0x75: {  	_ =	swait.ge @!p0 [sflag:s0], s1  }
0x76: {  	s1 =	ssub.s32 @!p0 $0x0, s1;
	[sflag:s0] =	ssyncset.done @!p0 $0x0  }
0x77: {  	[sflag:s0] =	ssyncadd.s32 @!p0 s1  }
0x78: {  	[bflag:$0x3] =	sbarrier.arrive $0xFFFF  }
0x79: {  	_ =	shalt  }

// kernel: kernel.23.cloned.1.call-start
scs
__scs_entry_jumppad:
0x0: {  	(pc) =	sbr.rel $0x88, $3  }
0x1: {  	(tag) =	ssettag $0x0;
	lr =	simm.s32 $0x1  }
0x2: {  	[smem:$0x3F90] =	sst lr;
	_ =	strace $0xD0000000  }
0x3: {  	_ = 	snop  }
0x4: {  	_ = 	snop  }
0x5: {  	_ = 	snop  }
0x6: {  	_ = 	snop  }
0x7: {  	_ = 	snop  }
__scs_overlays_trampoline_lowered:
0x8: {  	[smem:$0x3F9F] =	sst s0  }
0x9: {  	[smem:$0x3FA0] =	sst s1  }
0xa: {  	[smem:$0x3FA1] =	sst s2  }
0xb: {  	[smem:$0x3FA2] =	sst s3  }
0xc: {  	[smem:$0x3FA3] =	sst s4  }
0xd: {  	[smem:$0x3FA4] =	sst s5  }
0xe: {  	[smem:$0x3FA5] =	sst s6  }
0xf: {  	[smem:$0x3FA6] =	sst s7  }
0x10: {  	[smem:$0x3FA7] =	sst s8  }
0x11: {  	[smem:$0x3FA8] =	sst s9;
	s0 =	simm.s32 @!p0 $0x0  }
0x12: {  	s1 =	sld [smem:$0x3F8E];
	s0 =	simm.s32 @p0 $0x1  }
0x13: {  	[smem:$0x3FA9] =	sst s0;
	s0 =	simm.s32 @!p1 $0x0  }
0x14: {  	s2 =	sld [smem:$0x3F8D];
	s0 =	simm.s32 @p1 $0x1  }
0x15: {  	[smem:$0x3FAA] =	sst s0;
	s0 =	simm.s32 @!p2 $0x0  }
0x16: {  	s3 =	sld [smem:$0x3FDB];
	s0 =	simm.s32 @p2 $0x1  }
0x17: {  	s4 =	simm.s32 $0x1BF5;
	[smem:$0x3FAC] =	sst s0  }
0x18: {  	s0 =	sld [smem:$0x3F8F];
	_ =	swait.ge [sflag:s4], $0x0  }
0x19: {  	s7 =	sld [smem:$0x3F90]  }
0x1a: {  	s8 =	sadd.s32 $0xFFFFE003, lr  }
0x1b: {  	s9 =	sadd.s32 $0xFFFFFEF7, lr;
	s5 =	simm.s32 $0xFFFFFFFF;
	p2 =	slt.u32 s8, $0xFFFFF086  }
0x1c: {  	p1 =	slt.u32 s9, $0xF7A;
	s5 =	simm.s32 @!p2 $0x0  }
0x1d: {  	s5 =	simm.s32 @p1 $0x1;
	p0 =	seq.s32 s7, s2  }
0x1e: {  	s7 =	smul.u32 @!p0 $0xF7A, s2;
	p2 =	seq.s32 @!p0 s5, $0x0  }
0x1f: {  	s9 =	smul.u32 $0xF7A, s1;
	s8 =	simm.s32 @!p0 $0x1BF5;
	p2 =	por !p2, p0  }
0x20: {  	[sflag:s8] =	ssyncset.s32 @!p0 $0xFFFFF086;
	s6 =	sadd.s32 @!p0 s3, s7;
	s7 =	simm.s32 @!p0 $0x108  }
0x21: {  	s3 =	sadd.s32 s3, s9;
	s6 =	sadd.s32 @!p0 $0x88, s6;
	s7 =	simm.s32 @p2 $0x1082  }
0x22: {  	[simem:s7], [sflag:s8] =	dma.local @!p0 [hbm:s6], $0xF7A  }
0x23: {  	s9 =	sor.u32 $0xD0000000, s2;
	s6 =	simm.s32 $0x108;
	_ =	swait.ge @!p0 [sflag:s8], $0x0  }
0x24: {  	s3 =	sadd.s32 $0x88, s3;
	s6 =	simm.s32 @!p1 $0x1082;
	[sflag:s4] =	ssyncset.s32 $0xFFFFF086  }
0x25: {  	[simem:s6], [sflag:s4] =	dma.local [hbm:s3], $0xF7A  }
0x26: {  	[smem:$0x3F90] =	sst s1;
	(tag) =	ssettag s2;
	_ =	strace s9  }
0x27: {  	s1 =	sld [smem:$0x3FA0]  }
0x28: {  	s2 =	sld [smem:$0x3FA1]  }
0x29: {  	s4 =	sld [smem:$0x3FA3]  }
0x2a: {  	p0 =	seq.s32 s5, $0x0;
	s5 =	sld [smem:$0x3FA4]  }
0x2b: {  	s6 =	sld [smem:$0x3FA5]  }
0x2c: {  	s7 =	sld [smem:$0x3FA6]  }
0x2d: {  	s3 =	simm.s32 $0x108;
	s8 =	sld [smem:$0x3FA7]  }
0x2e: {  	s3 =	simm.s32 @!p0 $0x1082;
	s9 =	sld [smem:$0x3FA8]  }
0x2f: {  	lr =	sadd.s32 s0, s3;
	s0 =	sld [smem:$0x3F9F]  }
0x30: {  	s3 =	sld [smem:$0x3FA2]  }
0x31: {  	[smem:$0x3FAB] =	sst s10  }
0x32: {  	s10 =	sld [smem:$0x3FA9];
	_ =	sdelay $0x3  }
0x33: {  	p0 =	seq.s32 s10, $0x1;
	s10 =	sld [smem:$0x3FAB];
	_ =	sdelay $0x3  }
0x34: {  	[smem:$0x3FAB] =	sst s10  }
0x35: {  	s10 =	sld [smem:$0x3FAA];
	_ =	sdelay $0x3  }
0x36: {  	p1 =	seq.s32 s10, $0x1;
	s10 =	sld [smem:$0x3FAB];
	_ =	sdelay $0x3  }
0x37: {  	[smem:$0x3FAB] =	sst s10  }
0x38: {  	s10 =	sld [smem:$0x3FAC]  }
0x39: {  	_ = 	snop;
	(pc) =	sbr.ind lr, $3  }
0x3a: {  	_ = 	snop  }
0x3b: {  	_ = 	snop  }
0x3c: {  	p2 =	seq.s32 s10, $0x1;
	s10 =	sld [smem:$0x3FAB]  }
0x3d: {  	_ =	shalt  }
0x3e: {  	_ =	shalt  }
0x3f: {  	_ =	shalt  }
0x40: {  	_ =	shalt  }
0x41: {  	_ =	shalt  }
0x42: {  	_ =	shalt  }
0x43: {  	_ =	shalt  }
0x44: {  	_ =	shalt  }
0x45: {  	_ =	shalt  }
0x46: {  	_ =	shalt  }
0x47: {  	_ =	shalt  }
0x48: {  	_ =	shalt  }
0x49: {  	_ =	shalt  }
0x4a: {  	_ =	shalt  }
0x4b: {  	_ =	shalt  }
0x4c: {  	_ =	shalt  }
0x4d: {  	_ =	shalt  }
0x4e: {  	_ =	shalt  }
0x4f: {  	_ =	shalt  }
0x50: {  	_ =	shalt  }
0x51: {  	_ =	shalt  }
0x52: {  	_ =	shalt  }
0x53: {  	_ =	shalt  }
0x54: {  	_ =	shalt  }
0x55: {  	_ =	shalt  }
0x56: {  	_ =	shalt  }
0x57: {  	_ =	shalt  }
0x58: {  	_ =	shalt  }
0x59: {  	_ =	shalt  }
0x5a: {  	_ =	shalt  }
0x5b: {  	_ =	shalt  }
0x5c: {  	_ =	shalt  }
0x5d: {  	_ =	shalt  }
0x5e: {  	_ =	shalt  }
0x5f: {  	_ =	shalt  }
0x60: {  	_ =	shalt  }
0x61: {  	_ =	shalt  }
0x62: {  	_ =	shalt  }
0x63: {  	_ =	shalt  }
0x64: {  	_ =	shalt  }
0x65: {  	_ =	shalt  }
0x66: {  	_ =	shalt  }
0x67: {  	_ =	shalt  }
0x68: {  	_ =	shalt  }
0x69: {  	_ =	shalt  }
0x6a: {  	_ =	shalt  }
0x6b: {  	_ =	shalt  }
0x6c: {  	_ =	shalt  }
0x6d: {  	_ =	shalt  }
0x6e: {  	_ =	shalt  }
0x6f: {  	_ =	shalt  }
0x70: {  	_ =	shalt  }
0x71: {  	_ =	shalt  }
0x72: {  	_ =	shalt  }
0x73: {  	_ =	shalt  }
0x74: {  	_ =	shalt  }
0x75: {  	_ =	shalt  }
0x76: {  	_ =	shalt  }
0x77: {  	_ =	shalt  }
0x78: {  	_ =	shalt  }
0x79: {  	_ =	shalt  }
0x7a: {  	_ =	shalt  }
0x7b: {  	_ =	shalt  }
0x7c: {  	_ =	shalt  }
0x7d: {  	_ =	shalt  }
0x7e: {  	_ =	shalt  }
0x7f: {  	_ =	shalt  }
0x80: {  	_ =	shalt  }
0x81: {  	_ =	shalt  }
0x82: {  	_ =	shalt  }
0x83: {  	_ =	shalt  }
0x84: {  	_ =	shalt  }
0x85: {  	_ =	shalt  }
0x86: {  	_ =	shalt  }
0x87: {  	_ =	shalt  }
.Lfunc_end0:
.L_simem_size_0:
called_computation.2_lowered:
.L_overlay_start_0:
0x88: {  	s2 =	sld [smem:$0x3FD9]  }
0x89: {  	s3 =	sld [smem:$0x3FFE];
	_ =	sdelay $0x1  }
0x8a: {  	s1 =	srdreg.scid  }
0x8b: {  	s0 =	sand.u32 $0x1, s1  }
0x8c: {  	s17 =	sshll.u32 s0, $0xA;
	s2 =	sadd.s32 s3, s2  }
0x8d: {  	s2 =	sadd.s32 s2, s17  }
0x8e: {  	[smem:$0x3FB7] =	sst s2  }
0x8f: {  	_ = 	snop  }
0x90: {  	(tm) =	ssettm $0x1  }
0x91: {  	s18 =	sld [smem:$0x3FFB];
	_ =	sdelay $0x3  }
0x92: {  	_ =	strace s18  }
0x93: {  	s2 =	sld [smem:$0x3FFC];
	_ =	sdelay $0x3  }
0x94: {  	_ =	strace s2  }
0x95: {  	s2 =	sld [smem:$0x3FFD];
	_ =	sdelay $0x3  }
0x96: {  	_ =	strace s2  }
0x97: {  	_ =	strace $0x8FFFFFFF  }
0x98: {  	s19 =	sld [smem:$0x3FDB];
	_ =	sdelay $0x1  }
0x99: {  	s20 =	simm.s32 $_scs_section_size  }
0x9a: {  	s4 =	simm.s32 $_size__tile_overlayer_lowered;
	s5 =	simm.s32 $_tile_overlayer_lowered  }
0x9b: {  	s6 =	simm.s32 $0x1BFF;
	s21 =	sshll.u32 s5, $0x1;
	s3 =	sadd.s32 s20, s19  }
0x9c: {  	s22 =	simm.s32 $0x0;
	s4 =	sshll.u32 s4, $0x1;
	s5 =	sadd.s32 s21, s3  }
0x9d: {  	[timem:s22], [sflag:s6] =	dma.local [hbm:s5], s4  }
0x9e: {  	_ =	swait.ge [sflag:s6], s4  }
0x9f: {  	s4 =	ssub.s32 $0x0, s4;
	[sflag:s6] =	ssyncset.done $0x0  }
0xa0: {  	[sflag:s6] =	ssyncadd.s32 s4;
	_ =	sdelay $0x1  }
0xa1: {  	s23 =	simm.s32 $0x1B8B  }
0xa2: {  	_ =	swait.ge [sflag:s23], $0x1  }
0xa3: {  	[sflag:s23] =	ssyncset.done $0x0  }
0xa4: {  	[sflag:s23] =	ssyncadd.s32 $0xFFFFFFFF  }
0xa5: {  	s4 =	sld [smem:$0x0]  }
0xa6: {  	s5 =	sand.u32 $0xFFFFFFFE, s1  }
0xa7: {  	p0 =	sne.s32 s1, s5  }
0xa8: {  	s5 =	sshll.u32 @p0 s5, $0xE  }
0xa9: {  	s5 =	sadd.s32 @p0 $0x11B8D, s5;
	s6 =	sshll.u32 @p0 s4, $0x11  }
0xaa: {  	s5 =	sor.u32 @p0 s6, s5  }
0xab: {  	[sflag:s5] =	ssyncadd.remote.s32 @p0 $0x1;
	_ =	sdelay $0x1  }
0xac: {  	s5 =	simm.s32 @p0 $0x1B8D  }
0xad: {  	_ =	swait.eq @p0 [sflag:s5], $0x1  }
0xae: {  	[sflag:s5] =	ssyncadd.s32 @p0 $0xFFFFFFFF  }
0xaf: {  	s6 =	sshll.u32 @!p0 s1, $0xE  }
0xb0: {  	s6 =	sor.u32 @!p0 $0x4000, s6;
	s5 =	simm.s32 @!p0 $0x1B8D  }
0xb1: {  	s4 =	sshll.u32 @!p0 s4, $0x11;
	s6 =	sadd.s32 @!p0 $0x11B8D, s6;
	_ =	swait.eq @!p0 [sflag:s5], $0x1  }
0xb2: {  	s4 =	sor.u32 @!p0 s4, s6;
	[sflag:s5] =	ssyncadd.s32 @!p0 $0xFFFFFFFF  }
0xb3: {  	s25 =	simm.s32 $0x1B8E;
	s24 =	sld [smem:$0x3FFE];
	[sflag:s4] =	ssyncadd.remote.s32 @!p0 $0x1  }
0xb4: {  	s26 =	simm.s32 $execute0_lowered;
	[smem:$0x3FD2] =	sst s25  }
0xb5: {  	s5 =	sshll.u32 s26, $0x1;
	_ =	strace $0x8000004C;
	[dreg:$0x1] =	wrdreg $0xFFFFFFFF  }
0xb6: {  	s28 =	simm.s32 $_size_execute0_lowered;
	s3 =	sadd.s32 s3, s5;
	[dreg:$0x0] =	wrdreg $0x0  }
0xb7: {  	s5 =	sshll.u32 s28, $0x1;
	[dreg:$0x2] =	wrdreg s3  }
0xb8: {  	[dreg:$0x3] =	wrdreg s5  }
0xb9: {  	[dreg:$0x4] =	wrdreg $0xC0  }
0xba: {  	_ =	task [dreg:s22], $0x5FFFF  }
0xbb: {  	[dreg:$0x1] =	wrdreg $0xFFFFFFFF  }
0xbc: {  	[dreg:$0x0] =	wrdreg $0x60  }
0xbd: {  	[dreg:$0x2] =	wrdreg s24  }
0xbe: {  	[dreg:$0x3] =	wrdreg $0x0  }
0xbf: {  	[dreg:$0x4] =	wrdreg $0x9  }
0xc0: {  	_ =	task.clear_ibuf [dreg:s22], $0x5FFFF;
	_ =	strace $0x9000004C  }
0xc1: {  	s29 =	simm.s32 $0x9;
	_ =	strace $0x8000004E  }
0xc2: {  	_ =	swait.ge [sflag:s29], $0x1  }
0xc3: {  	[sflag:s29] =	ssyncadd.s32 $0xFFFFFFFF  }
0xc4: {  	_ =	strace $0x9000004E  }
0xc5: {  	_ =	sfence  }
0xc6: {  	s30 =	sld [smem:$0x0];
	_ =	sdelay $0x2  }
0xc7: {  	s31 =	sshll.u32 s1, $0xD;
	s1 =	sshrl.u32 s1, $0x2  }
0xc8: {  	s4 =	sand.u32 $0x4000, s31;
	s1 =	sadd.s32 s1, s30  }
0xc9: {  	s0 =	sor.u32 s4, s0;
	s1 =	sshll.u32 s1, $0x11  }
0xca: {  	s0 =	sor.u32 s1, s0  }
0xcb: {  	s0 =	sadd.s32 $0x8F2B, s0  }
0xcc: {  	[sflag:s0] =	ssyncadd.remote.s32 $0x1  }
0xcd: {  	_ =	sfence.sel $0xFFFF  }
0xce: {  	[dreg:$0x0] =	wrdreg $0xFFFFFFFF;
	(pc) =	sbr.abs _section_cstart, $3  }
0xcf: {  	[dreg:$0x1] =	wrdreg $0xFFFFFFFF  }
0xd0: {  	_ =	task.clear_ibuf [dreg:s22], $0x2FFFF;
	_ =	strace $0x9FFFFFFF  }
0xd1: {  	(tm) =	ssettm $0x7FFFFFFF  }
tec
execute0_lowered:
.L_overlay_start_1:
0x0: {  	(tag) =	ssettag $0x1  }
0x1: {  	s5 =	rddreg [dreg:$0x0]  }
0x2: {  	s2 =	rddreg [dreg:$0x1]  }
0x3: {  	s0 =	rddreg [dreg:$0x2]  }
0x4: {  	s1 =	stileid.u32;
	s4 =	srdreg.scid;
	s3 =	simm.s32 $0x0  }
0x5: {  	s14 =	simm.s32 $0x14080;
	s15 =	simm.s32 $0x80;
	s16 =	simm.s32 $0x14100  }
0x6: {  	s17 =	simm.s32 $0x1;
	s18 =	simm.s32 $0x0;
	s6 =	smul.u32 $0x9E0, s1  }
0x7: {  	s7 =	smul.u32 $0x14000, s1;
	s8 =	sand.u32 $0x1, s4;
	[smem:$0x7FF] =	sst s3  }
0x8: {  	s4 =	sadd.s32 $0x2D1C00, s5;
	s28 =	smul.u32 $0x50000, s1;
	s31 =	sshll.u32 s1, $0x6  }
0x9: {  	s9 =	smul.u32 $0x140000, s8;
	_ =	strace $0x8000004D;
	s29 =	ssub.s32 $0x2, s8  }
0xa: {  	s8 =	smul.u32 $0x4F0, s8;
	s10 =	sadd.s32 s6, s5;
	s30 =	sshrl.u32 s29, $0x1  }
0xb: {  	s26 =	sadd.s32 s7, s9;
	s7 =	sshrl.u32 s7, $0x3;
	s9 =	sshrl.u32 s28, $0x2  }
0xc: {  	s12 =	ssub.s32 s29, s30;
	s10 =	sadd.s32 s8, s10;
	s6 =	sshrl.u32 s26, $0x3  }
0xd: {  	s7 =	sadd.s32 s7, s5;
	s13 =	sadd.s32 s9, s2;
	s8 =	smax.u32 s12, $0x1  }
0xe: {  	s9 =	sadd.s32 $0x2C7600, s10;
	s10 =	sadd.s32 $0x2BD800, s10;
	s12 =	simm.s32 $0x2  }
0xf: {  	s11 =	sadd.s32 s6, s5;
	s5 =	sadd.s32 $0x2F9C00, s7;
	s6 =	sor.u32 $0x1C02, s31  }
0x10: {  	s7 =	sadd.s32 $0x321C00, s11;
	s11 =	sshrl.u32 s13, $0x3;
	s13 =	simm.s32 $0x14000  }
.LBB2_1:
0x11: {  	[spmem:s11], [sflag:s6] =	dma.local [hbm:s5], $0x2800  }
0x12: {  	_ =	swait.ge [sflag:s12], $0x2800  }
0x13: {  	[sflag:s12] =	ssyncset.done $0x0  }
0x14: {  	[sflag:s12] =	ssyncadd.s32 $0xFFFFD800  }
0x15: {  	s19 =	sadd.s32 $0x0, s10;
	[bflag:$0x0] =	sbarrier.arrive $0xFFFF  }
0x16: {  	[tilespmem:s13], [sflag:$0x2] =	stream.linear.gather [hbm4b:s19+s3], $0x80, $0x38;
	[tilespmem:$0x18100] =	vst v63  }
0x17: {  	_ =	swait.ge [sflag:s12], $0x80  }
0x18: {  	[sflag:s12] =	ssyncset.done $0x0  }
0x19: {  	s31 =	sadd.s32 $0x0, s9;
	[sflag:s12] =	ssyncadd.s32 $0xFFFFFF80  }
0x1a: {  	[tilespmem:s14], [sflag:$0x2] =	stream.linear.gather [hbm4b:s31+s3], $0x80, $0x38;
	[tilespmem:$0x18100] =	vst v63  }
0x1b: {  	_ =	swait.ge [sflag:s12], $0x80  }
0x1c: {  	[sflag:s12] =	ssyncset.done $0x0  }
0x1d: {  	[sflag:s12] =	ssyncadd.s32 $0xFFFFFF80  }
0x1e: {  	[tilespmem:s16], [sflag:$0x1] =	stream.indirect.gather [hbm4b:s4+s15], $0x80, s13, s15, $0xb8;
	[tilespmem:$0x18100] =	vst v63  }
0x1f: {  	_ =	swait.ge [sflag:s17], $0x4000  }
0x20: {  	[sflag:s17] =	ssyncset.done $0x0  }
0x21: {  	[sflag:s17] =	ssyncadd.s32 $0xFFFFC000  }
0x22: {  	[spmem:s2] =	stream.indirect.scatter.add.f32 [tilespmem:s16], [sflag:$0x2], $0x80, s14, s15, $0xb8;
	[tilespmem:$0x18100] =	vst v63  }
0x23: {  	_ =	swait.ge [sflag:s12], $0x4000  }
0x24: {  	s20 =	simm.s32 $0x20;
	s19 =	simm.s32 $0x10;
	[sflag:s12] =	ssyncset.done $0x0  }
.LBB2_2:
0x25: {  	s21 =	sadd.s32 s19, s10  }
0x26: {  	[sflag:s12] =	ssyncadd.s32 $0xFFFFC000;
	s22 =	smov.u32 s20;
	s23 =	sadd.s32 $0x10, s20  }
0x27: {  	[tilespmem:s13], [sflag:$0x2] =	stream.linear.gather [hbm4b:s21+s3], $0x80, $0x38;
	[tilespmem:$0x18100] =	vst v63  }
0x28: {  	p0 =	sne.s32 s20, $0x4E0;
	_ =	swait.ge [sflag:s12], $0x80  }
0x29: {  	[sflag:s12] =	ssyncset.done $0x0  }
0x2a: {  	s20 =	sadd.s32 s19, s9;
	s19 =	smov.u32 s22;
	[sflag:s12] =	ssyncadd.s32 $0xFFFFFF80  }
0x2b: {  	[tilespmem:s14], [sflag:$0x2] =	stream.linear.gather [hbm4b:s20+s3], $0x80, $0x38;
	[tilespmem:$0x18100] =	vst v63  }
0x2c: {  	_ =	swait.ge [sflag:s12], $0x80  }
0x2d: {  	[sflag:s12] =	ssyncset.done $0x0  }
0x2e: {  	[sflag:s12] =	ssyncadd.s32 $0xFFFFFF80  }
0x2f: {  	[tilespmem:s16], [sflag:$0x1] =	stream.indirect.gather [hbm4b:s4+s15], $0x80, s13, s15, $0xb8;
	[tilespmem:$0x18100] =	vst v63  }
0x30: {  	_ =	swait.ge [sflag:s17], $0x4000  }
.Ltmp0:
0x31: {  	[sflag:s17] =	ssyncset.done $0x0;
	(pc) =	sbr.rel @p0 .LBB2_2-.Ltmp0, $4  }
0x32: {  	[sflag:s17] =	ssyncadd.s32 $0xFFFFC000  }
0x33: {  	[spmem:s2] =	stream.indirect.scatter.add.f32 [tilespmem:s16], [sflag:$0x2], $0x80, s14, s15, $0xb8;
	[tilespmem:$0x18100] =	vst v63  }
0x34: {  	_ =	swait.ge [sflag:s12], $0x4000  }
0x35: {  	s20 =	smov.u32 s23;
	[sflag:s12] =	ssyncset.done $0x0  }
0x36: {  	s20 =	sadd.s32 s19, s10;
	[sflag:s12] =	ssyncadd.s32 $0xFFFFC000  }
0x37: {  	[tilespmem:s13], [sflag:$0x2] =	stream.linear.gather [hbm4b:s20+s3], $0x80, $0x38;
	[tilespmem:$0x18100] =	vst v63  }
0x38: {  	_ =	swait.ge [sflag:s12], $0x80  }
0x39: {  	[sflag:s12] =	ssyncset.done $0x0  }
0x3a: {  	s31 =	sadd.s32 s19, s9;
	[sflag:s12] =	ssyncadd.s32 $0xFFFFFF80  }
0x3b: {  	[tilespmem:s14], [sflag:$0x2] =	stream.linear.gather [hbm4b:s31+s3], $0x80, $0x38;
	[tilespmem:$0x18100] =	vst v63  }
0x3c: {  	_ =	swait.ge [sflag:s12], $0x80  }
0x3d: {  	[sflag:s12] =	ssyncset.done $0x0  }
0x3e: {  	[sflag:s12] =	ssyncadd.s32 $0xFFFFFF80  }
0x3f: {  	[tilespmem:s16], [sflag:$0x1] =	stream.indirect.gather [hbm4b:s4+s15], $0x80, s13, s15, $0xb8;
	[tilespmem:$0x18100] =	vst v63  }
0x40: {  	_ =	swait.ge [sflag:s17], $0x4000  }
0x41: {  	[sflag:s17] =	ssyncset.done $0x0  }
0x42: {  	[sflag:s17] =	ssyncadd.s32 $0xFFFFC000  }
0x43: {  	[spmem:s2] =	stream.indirect.scatter.add.f32 [tilespmem:s16], [sflag:$0x2], $0x80, s14, s15, $0xb8;
	[tilespmem:$0x18100] =	vst v63  }
0x44: {  	_ =	swait.ge [sflag:s12], $0x4000  }
0x45: {  	s18 =	sadd.s32 $0x1, s18;
	[sflag:s12] =	ssyncset.done $0x0  }
0x46: {  	p0 =	sne.s32 s18, s8;
	[sflag:s12] =	ssyncadd.s32 $0xFFFFC000  }
.Ltmp1:
0x47: {  	[bflag:$0x0] =	sbarrier.arrive $0xFFFF;
	(pc) =	sbr.rel @p0 .LBB2_1-.Ltmp1, $4  }
0x48: {  	[hbm:s7], [sflag:s6] =	dma.local [spmem:s11], $0x2800  }
0x49: {  	_ =	swait.ge [sflag:s12], $0x2800  }
0x4a: {  	[sflag:s12] =	ssyncset.done $0x0  }
0x4b: {  	[sflag:s12] =	ssyncadd.s32 $0xFFFFD800  }
0x4c: {  	_ =	sfence.sel $0x180000  }
0x4d: {  	[bflag:$0x0] =	sbarrier.arrive $0xFFFF  }
0x4e: {  	p0 =	sne.s32 s1, $0x0;
	_ =	strace $0x9000004D  }
0x4f: {  	s0 =	sadd.s32 @!p0 $0x100000, s0;
	[bflag:$0x2] =	sbarrier.arrive $0xFFFF  }
0x50: {  	[sflag:s0] =	ssyncadd.tile.s32 @!p0 $0x1;
	_ =	shalt  }
.Lfunc_end2:
_tile_overlayer_lowered:
.L_overlay_start_2:
0x51: {  	(tag) =	ssettag $0x2  }
0x52: {  	s0 =	rddreg [dreg:$0x0];
	s2 =	stileid.u32  }
0x53: {  	s1 =	rddreg [dreg:$0x1];
	p0 =	sne.s32 s2, $0x0  }
0x54: {  	s3 =	rddreg [dreg:$0x2];
	[bflag:$0x3] =	sbarrier.arrive $0xFFFF;
	s2 =	simm.s32 @!p0 $0x1C02  }
0x55: {  	[timem:s3], [sflag:s2] =	dma.local @!p0 [hbm:s0], s1  }
0x56: {  	s0 =	simm.s32 @!p0 $0x2  }
0x57: {  	_ =	swait.ge @!p0 [sflag:s0], s1  }
0x58: {  	s1 =	ssub.s32 @!p0 $0x0, s1;
	[sflag:s0] =	ssyncset.done @!p0 $0x0  }
0x59: {  	[sflag:s0] =	ssyncadd.s32 @!p0 s1  }
0x5a: {  	[bflag:$0x3] =	sbarrier.arrive $0xFFFF  }
0x5b: {  	_ =	shalt  }

// kernel: kernel.26.cloned.1.call-start
scs
__scs_entry_jumppad:
0x0: {  	(pc) =	sbr.rel $0x88, $3  }
0x1: {  	(tag) =	ssettag $0x0;
	lr =	simm.s32 $0x1  }
0x2: {  	[smem:$0x3F90] =	sst lr;
	_ =	strace $0xD0000000  }
0x3: {  	_ = 	snop  }
0x4: {  	_ = 	snop  }
0x5: {  	_ = 	snop  }
0x6: {  	_ = 	snop  }
0x7: {  	_ = 	snop  }
__scs_overlays_trampoline_lowered:
0x8: {  	[smem:$0x3F9F] =	sst s0  }
0x9: {  	[smem:$0x3FA0] =	sst s1  }
0xa: {  	[smem:$0x3FA1] =	sst s2  }
0xb: {  	[smem:$0x3FA2] =	sst s3  }
0xc: {  	[smem:$0x3FA3] =	sst s4  }
0xd: {  	[smem:$0x3FA4] =	sst s5  }
0xe: {  	[smem:$0x3FA5] =	sst s6  }
0xf: {  	[smem:$0x3FA6] =	sst s7  }
0x10: {  	[smem:$0x3FA7] =	sst s8  }
0x11: {  	[smem:$0x3FA8] =	sst s9;
	s0 =	simm.s32 @!p0 $0x0  }
0x12: {  	s1 =	sld [smem:$0x3F8E];
	s0 =	simm.s32 @p0 $0x1  }
0x13: {  	[smem:$0x3FA9] =	sst s0;
	s0 =	simm.s32 @!p1 $0x0  }
0x14: {  	s2 =	sld [smem:$0x3F8D];
	s0 =	simm.s32 @p1 $0x1  }
0x15: {  	[smem:$0x3FAA] =	sst s0;
	s0 =	simm.s32 @!p2 $0x0  }
0x16: {  	s3 =	sld [smem:$0x3FDB];
	s0 =	simm.s32 @p2 $0x1  }
0x17: {  	s4 =	simm.s32 $0x1BF5;
	[smem:$0x3FAC] =	sst s0  }
0x18: {  	s0 =	sld [smem:$0x3F8F];
	_ =	swait.ge [sflag:s4], $0x0  }
0x19: {  	s7 =	sld [smem:$0x3F90]  }
0x1a: {  	s8 =	sadd.s32 $0xFFFFE003, lr  }
0x1b: {  	s9 =	sadd.s32 $0xFFFFFEF7, lr;
	s5 =	simm.s32 $0xFFFFFFFF;
	p2 =	slt.u32 s8, $0xFFFFF086  }
0x1c: {  	p1 =	slt.u32 s9, $0xF7A;
	s5 =	simm.s32 @!p2 $0x0  }
0x1d: {  	s5 =	simm.s32 @p1 $0x1;
	p0 =	seq.s32 s7, s2  }
0x1e: {  	s7 =	smul.u32 @!p0 $0xF7A, s2;
	p2 =	seq.s32 @!p0 s5, $0x0  }
0x1f: {  	s9 =	smul.u32 $0xF7A, s1;
	s8 =	simm.s32 @!p0 $0x1BF5;
	p2 =	por !p2, p0  }
0x20: {  	[sflag:s8] =	ssyncset.s32 @!p0 $0xFFFFF086;
	s6 =	sadd.s32 @!p0 s3, s7;
	s7 =	simm.s32 @!p0 $0x108  }
0x21: {  	s3 =	sadd.s32 s3, s9;
	s6 =	sadd.s32 @!p0 $0x88, s6;
	s7 =	simm.s32 @p2 $0x1082  }
0x22: {  	[simem:s7], [sflag:s8] =	dma.local @!p0 [hbm:s6], $0xF7A  }
0x23: {  	s9 =	sor.u32 $0xD0000000, s2;
	s6 =	simm.s32 $0x108;
	_ =	swait.ge @!p0 [sflag:s8], $0x0  }
0x24: {  	s3 =	sadd.s32 $0x88, s3;
	s6 =	simm.s32 @!p1 $0x1082;
	[sflag:s4] =	ssyncset.s32 $0xFFFFF086  }
0x25: {  	[simem:s6], [sflag:s4] =	dma.local [hbm:s3], $0xF7A  }
0x26: {  	[smem:$0x3F90] =	sst s1;
	(tag) =	ssettag s2;
	_ =	strace s9  }
0x27: {  	s1 =	sld [smem:$0x3FA0]  }
0x28: {  	s2 =	sld [smem:$0x3FA1]  }
0x29: {  	s4 =	sld [smem:$0x3FA3]  }
0x2a: {  	p0 =	seq.s32 s5, $0x0;
	s5 =	sld [smem:$0x3FA4]  }
0x2b: {  	s6 =	sld [smem:$0x3FA5]  }
0x2c: {  	s7 =	sld [smem:$0x3FA6]  }
0x2d: {  	s3 =	simm.s32 $0x108;
	s8 =	sld [smem:$0x3FA7]  }
0x2e: {  	s3 =	simm.s32 @!p0 $0x1082;
	s9 =	sld [smem:$0x3FA8]  }
0x2f: {  	lr =	sadd.s32 s0, s3;
	s0 =	sld [smem:$0x3F9F]  }
0x30: {  	s3 =	sld [smem:$0x3FA2]  }
0x31: {  	[smem:$0x3FAB] =	sst s10  }
0x32: {  	s10 =	sld [smem:$0x3FA9];
	_ =	sdelay $0x3  }
0x33: {  	p0 =	seq.s32 s10, $0x1;
	s10 =	sld [smem:$0x3FAB];
	_ =	sdelay $0x3  }
0x34: {  	[smem:$0x3FAB] =	sst s10  }
0x35: {  	s10 =	sld [smem:$0x3FAA];
	_ =	sdelay $0x3  }
0x36: {  	p1 =	seq.s32 s10, $0x1;
	s10 =	sld [smem:$0x3FAB];
	_ =	sdelay $0x3  }
0x37: {  	[smem:$0x3FAB] =	sst s10  }
0x38: {  	s10 =	sld [smem:$0x3FAC]  }
0x39: {  	_ = 	snop;
	(pc) =	sbr.ind lr, $3  }
0x3a: {  	_ = 	snop  }
0x3b: {  	_ = 	snop  }
0x3c: {  	p2 =	seq.s32 s10, $0x1;
	s10 =	sld [smem:$0x3FAB]  }
0x3d: {  	_ =	shalt  }
0x3e: {  	_ =	shalt  }
0x3f: {  	_ =	shalt  }
0x40: {  	_ =	shalt  }
0x41: {  	_ =	shalt  }
0x42: {  	_ =	shalt  }
0x43: {  	_ =	shalt  }
0x44: {  	_ =	shalt  }
0x45: {  	_ =	shalt  }
0x46: {  	_ =	shalt  }
0x47: {  	_ =	shalt  }
0x48: {  	_ =	shalt  }
0x49: {  	_ =	shalt  }
0x4a: {  	_ =	shalt  }
0x4b: {  	_ =	shalt  }
0x4c: {  	_ =	shalt  }
0x4d: {  	_ =	shalt  }
0x4e: {  	_ =	shalt  }
0x4f: {  	_ =	shalt  }
0x50: {  	_ =	shalt  }
0x51: {  	_ =	shalt  }
0x52: {  	_ =	shalt  }
0x53: {  	_ =	shalt  }
0x54: {  	_ =	shalt  }
0x55: {  	_ =	shalt  }
0x56: {  	_ =	shalt  }
0x57: {  	_ =	shalt  }
0x58: {  	_ =	shalt  }
0x59: {  	_ =	shalt  }
0x5a: {  	_ =	shalt  }
0x5b: {  	_ =	shalt  }
0x5c: {  	_ =	shalt  }
0x5d: {  	_ =	shalt  }
0x5e: {  	_ =	shalt  }
0x5f: {  	_ =	shalt  }
0x60: {  	_ =	shalt  }
0x61: {  	_ =	shalt  }
0x62: {  	_ =	shalt  }
0x63: {  	_ =	shalt  }
0x64: {  	_ =	shalt  }
0x65: {  	_ =	shalt  }
0x66: {  	_ =	shalt  }
0x67: {  	_ =	shalt  }
0x68: {  	_ =	shalt  }
0x69: {  	_ =	shalt  }
0x6a: {  	_ =	shalt  }
0x6b: {  	_ =	shalt  }
0x6c: {  	_ =	shalt  }
0x6d: {  	_ =	shalt  }
0x6e: {  	_ =	shalt  }
0x6f: {  	_ =	shalt  }
0x70: {  	_ =	shalt  }
0x71: {  	_ =	shalt  }
0x72: {  	_ =	shalt  }
0x73: {  	_ =	shalt  }
0x74: {  	_ =	shalt  }
0x75: {  	_ =	shalt  }
0x76: {  	_ =	shalt  }
0x77: {  	_ =	shalt  }
0x78: {  	_ =	shalt  }
0x79: {  	_ =	shalt  }
0x7a: {  	_ =	shalt  }
0x7b: {  	_ =	shalt  }
0x7c: {  	_ =	shalt  }
0x7d: {  	_ =	shalt  }
0x7e: {  	_ =	shalt  }
0x7f: {  	_ =	shalt  }
0x80: {  	_ =	shalt  }
0x81: {  	_ =	shalt  }
0x82: {  	_ =	shalt  }
0x83: {  	_ =	shalt  }
0x84: {  	_ =	shalt  }
0x85: {  	_ =	shalt  }
0x86: {  	_ =	shalt  }
0x87: {  	_ =	shalt  }
.Lfunc_end0:
.L_simem_size_0:
called_computation.3_lowered:
.L_overlay_start_0:
0x88: {  	s2 =	sld [smem:$0x3FD9]  }
0x89: {  	s3 =	sld [smem:$0x3FFE];
	_ =	sdelay $0x1  }
0x8a: {  	s1 =	srdreg.scid  }
0x8b: {  	s0 =	sand.u32 $0x1, s1  }
0x8c: {  	s17 =	sshll.u32 s0, $0xA;
	s2 =	sadd.s32 s3, s2  }
0x8d: {  	s2 =	sadd.s32 s2, s17  }
0x8e: {  	[smem:$0x3FB7] =	sst s2  }
0x8f: {  	_ = 	snop  }
0x90: {  	(tm) =	ssettm $0x1  }
0x91: {  	s18 =	sld [smem:$0x3FFB];
	_ =	sdelay $0x3  }
0x92: {  	_ =	strace s18  }
0x93: {  	s2 =	sld [smem:$0x3FFC];
	_ =	sdelay $0x3  }
0x94: {  	_ =	strace s2  }
0x95: {  	s2 =	sld [smem:$0x3FFD];
	_ =	sdelay $0x3  }
0x96: {  	_ =	strace s2  }
0x97: {  	_ =	strace $0x8FFFFFFF  }
0x98: {  	s19 =	sld [smem:$0x3FDB];
	_ =	sdelay $0x1  }
0x99: {  	s20 =	simm.s32 $_scs_section_size  }
0x9a: {  	s4 =	simm.s32 $_size__tile_overlayer_lowered;
	s5 =	simm.s32 $_tile_overlayer_lowered  }
0x9b: {  	s6 =	simm.s32 $0x1BFF;
	s21 =	sshll.u32 s5, $0x1;
	s3 =	sadd.s32 s20, s19  }
0x9c: {  	s22 =	simm.s32 $0x0;
	s4 =	sshll.u32 s4, $0x1;
	s5 =	sadd.s32 s21, s3  }
0x9d: {  	[timem:s22], [sflag:s6] =	dma.local [hbm:s5], s4  }
0x9e: {  	_ =	swait.ge [sflag:s6], s4  }
0x9f: {  	s4 =	ssub.s32 $0x0, s4;
	[sflag:s6] =	ssyncset.done $0x0  }
0xa0: {  	[sflag:s6] =	ssyncadd.s32 s4;
	_ =	sdelay $0x1  }
0xa1: {  	s23 =	simm.s32 $0x1B8B  }
0xa2: {  	_ =	swait.ge [sflag:s23], $0x1  }
0xa3: {  	[sflag:s23] =	ssyncset.done $0x0  }
0xa4: {  	[sflag:s23] =	ssyncadd.s32 $0xFFFFFFFF  }
0xa5: {  	s4 =	sld [smem:$0x0]  }
0xa6: {  	s5 =	sand.u32 $0xFFFFFFFE, s1  }
0xa7: {  	p0 =	sne.s32 s1, s5  }
0xa8: {  	s5 =	sshll.u32 @p0 s5, $0xE  }
0xa9: {  	s5 =	sadd.s32 @p0 $0x11B8D, s5;
	s6 =	sshll.u32 @p0 s4, $0x11  }
0xaa: {  	s5 =	sor.u32 @p0 s6, s5  }
0xab: {  	[sflag:s5] =	ssyncadd.remote.s32 @p0 $0x1;
	_ =	sdelay $0x1  }
0xac: {  	s5 =	simm.s32 @p0 $0x1B8D  }
0xad: {  	_ =	swait.eq @p0 [sflag:s5], $0x1  }
0xae: {  	[sflag:s5] =	ssyncadd.s32 @p0 $0xFFFFFFFF  }
0xaf: {  	s6 =	sshll.u32 @!p0 s1, $0xE  }
0xb0: {  	s6 =	sor.u32 @!p0 $0x4000, s6;
	s5 =	simm.s32 @!p0 $0x1B8D  }
0xb1: {  	s4 =	sshll.u32 @!p0 s4, $0x11;
	s6 =	sadd.s32 @!p0 $0x11B8D, s6;
	_ =	swait.eq @!p0 [sflag:s5], $0x1  }
0xb2: {  	s4 =	sor.u32 @!p0 s4, s6;
	[sflag:s5] =	ssyncadd.s32 @!p0 $0xFFFFFFFF  }
0xb3: {  	s25 =	simm.s32 $0x1B8E;
	s24 =	sld [smem:$0x3FFE];
	[sflag:s4] =	ssyncadd.remote.s32 @!p0 $0x1  }
0xb4: {  	s26 =	simm.s32 $execute0_lowered;
	[smem:$0x3FD2] =	sst s25  }
0xb5: {  	s5 =	sshll.u32 s26, $0x1;
	_ =	strace $0x8000004F;
	[dreg:$0x1] =	wrdreg $0xFFFFFFFF  }
0xb6: {  	s28 =	simm.s32 $_size_execute0_lowered;
	s3 =	sadd.s32 s3, s5;
	[dreg:$0x0] =	wrdreg $0x0  }
0xb7: {  	s5 =	sshll.u32 s28, $0x1;
	[dreg:$0x2] =	wrdreg s3  }
0xb8: {  	[dreg:$0x3] =	wrdreg s5  }
0xb9: {  	[dreg:$0x4] =	wrdreg $0xC0  }
0xba: {  	_ =	task [dreg:s22], $0x5FFFF  }
0xbb: {  	[dreg:$0x1] =	wrdreg $0xFFFFFFFF  }
0xbc: {  	[dreg:$0x0] =	wrdreg $0x60  }
0xbd: {  	[dreg:$0x2] =	wrdreg s24  }
0xbe: {  	[dreg:$0x3] =	wrdreg $0x0  }
0xbf: {  	[dreg:$0x4] =	wrdreg $0xA  }
0xc0: {  	_ =	task.clear_ibuf [dreg:s22], $0x5FFFF;
	_ =	strace $0x9000004F  }
0xc1: {  	s29 =	simm.s32 $0xA;
	_ =	strace $0x80000051  }
0xc2: {  	_ =	swait.ge [sflag:s29], $0x1  }
0xc3: {  	[sflag:s29] =	ssyncadd.s32 $0xFFFFFFFF  }
0xc4: {  	_ =	strace $0x90000051  }
0xc5: {  	_ =	sfence  }
0xc6: {  	s30 =	sld [smem:$0x0];
	_ =	sdelay $0x2  }
0xc7: {  	s31 =	sshll.u32 s1, $0xD;
	s1 =	sshrl.u32 s1, $0x2  }
0xc8: {  	s4 =	sand.u32 $0x4000, s31;
	s1 =	sadd.s32 s1, s30  }
0xc9: {  	s0 =	sor.u32 s4, s0;
	s1 =	sshll.u32 s1, $0x11  }
0xca: {  	s0 =	sor.u32 s1, s0  }
0xcb: {  	s0 =	sadd.s32 $0x8F2B, s0  }
0xcc: {  	[sflag:s0] =	ssyncadd.remote.s32 $0x1  }
0xcd: {  	_ =	sfence.sel $0xFFFF  }
0xce: {  	[dreg:$0x0] =	wrdreg $0xFFFFFFFF;
	(pc) =	sbr.abs _section_cstart, $3  }
0xcf: {  	[dreg:$0x1] =	wrdreg $0xFFFFFFFF  }
0xd0: {  	_ =	task.clear_ibuf [dreg:s22], $0x2FFFF;
	_ =	strace $0x9FFFFFFF  }
0xd1: {  	(tm) =	ssettm $0x7FFFFFFF  }
tec
execute0_lowered:
.L_overlay_start_1:
0x0: {  	(tag) =	ssettag $0x1  }
0x1: {  	s0 =	stileid.u32  }
0x2: {  	s1 =	srdreg.scid;
	s4 =	rddreg [dreg:$0x0]  }
0x3: {  	s2 =	rddreg [dreg:$0x1];
	s3 =	simm.s32 $0x0;
	s6 =	smul.u32 $0x2800, s0  }
0x4: {  	s14 =	simm.s32 $0x14000;
	s15 =	simm.s32 $0x14080;
	s8 =	smul.u32 $0x28000, s0  }
0x5: {  	s16 =	simm.s32 $0x14100;
	s17 =	simm.s32 $0x14180;
	s25 =	smul.u32 $0x14000, s0  }
0x6: {  	s18 =	simm.s32 $0x80;
	s5 =	sand.u32 $0x1, s1;
	s12 =	smul.u32 $0x50000, s0  }
0x7: {  	s19 =	simm.s32 $0x0;
	s1 =	rddreg [dreg:$0x2];
	s7 =	smul.u32 $0x1400, s5  }
0x8: {  	[smem:$0x7FF] =	sst s3;
	s30 =	sshll.u32 s0, $0x6;
	s9 =	smul.u32 $0x140000, s5  }
0x9: {  	_ =	strace $0x80000050;
	s28 =	ssub.s32 $0x2, s5;
	s31 =	smul.u32 $0x14000, s5  }
0xa: {  	s5 =	sor.u32 $0x1C01, s30;
	s8 =	sadd.s32 s8, s4;
	s26 =	sshrl.u32 s25, $0x3  }
0xb: {  	s10 =	sshrl.u32 s28, $0x1;
	s29 =	sshrl.u32 s12, $0x2;
	s6 =	sadd.s32 s7, s6  }
0xc: {  	s7 =	sadd.s32 s25, s9;
	s9 =	ssub.s32 s28, s10;
	s13 =	sadd.s32 s29, s2  }
0xd: {  	s8 =	sadd.s32 s31, s8;
	s6 =	sshrl.u32 s6, $0x3;
	s7 =	sshrl.u32 s7, $0x3  }
0xe: {  	s8 =	sadd.s32 $0x372400, s8;
	s12 =	sshrl.u32 s13, $0x3;
	s13 =	simm.s32 $0x1  }
0xf: {  	s11 =	sadd.s32 s6, s4;
	s6 =	sadd.s32 s26, s4;
	s7 =	sadd.s32 s7, s4  }
0x10: {  	s4 =	sadd.s32 $0x2F9C00, s6;
	s6 =	sadd.s32 $0x3D800, s7;
	s7 =	smax.u32 s9, $0x1  }
0x11: {  	s9 =	sadd.s32 $0x38800, s11;
	s10 =	sadd.s32 $0x33800, s11;
	s11 =	sadd.s32 $0x2E800, s11  }
.LBB2_1:
0x12: {  	[spmem:s12], [sflag:s5] =	dma.local [hbm:s4], $0x2800  }
0x13: {  	_ =	swait.ge [sflag:s13], $0x2800  }
0x14: {  	[sflag:s13] =	ssyncset.done $0x0  }
0x15: {  	[sflag:s13] =	ssyncadd.s32 $0xFFFFD800  }
0x16: {  	s20 =	sadd.s32 $0x0, s11;
	[bflag:$0x0] =	sbarrier.arrive $0xFFFF  }
0x17: {  	[tilespmem:s14], [sflag:$0x1] =	stream.linear.gather [hbm4b:s20+s3], $0x80, $0x38;
	[tilespmem:$0x18180] =	vst v63  }
0x18: {  	_ =	swait.ge [sflag:s13], $0x80  }
0x19: {  	[sflag:s13] =	ssyncset.done $0x0  }
0x1a: {  	s30 =	sadd.s32 $0x0, s10;
	[sflag:s13] =	ssyncadd.s32 $0xFFFFFF80  }
0x1b: {  	[tilespmem:s15], [sflag:$0x1] =	stream.linear.gather [hbm4b:s30+s3], $0x80, $0x38;
	[tilespmem:$0x18180] =	vst v63  }
0x1c: {  	_ =	swait.ge [sflag:s13], $0x80  }
0x1d: {  	[sflag:s13] =	ssyncset.done $0x0  }
0x1e: {  	s31 =	sadd.s32 $0x0, s9;
	[sflag:s13] =	ssyncadd.s32 $0xFFFFFF80  }
0x1f: {  	[tilespmem:s16], [sflag:$0x1] =	stream.linear.gather [hbm4b:s31+s3], $0x80, $0x38;
	[tilespmem:$0x18180] =	vst v63  }
0x20: {  	_ =	swait.ge [sflag:s13], $0x80  }
0x21: {  	[sflag:s13] =	ssyncset.done $0x0  }
0x22: {  	[sflag:s13] =	ssyncadd.s32 $0xFFFFFF80  }
0x23: {  	[tilespmem:s17], [sflag:$0x1] =	stream.linear.gather [hbm4b:s8+s3], $0x4000, $0x38;
	[tilespmem:$0x18180] =	vst v63  }
0x24: {  	_ =	swait.ge [sflag:s13], $0x4000  }
0x25: {  	[sflag:s13] =	ssyncset.done $0x0  }
0x26: {  	[sflag:s13] =	ssyncadd.s32 $0xFFFFC000  }
0x27: {  	[spmem:s2] =	stream.indirect.scatter.add.f32 [tilespmem:s17], [sflag:$0x1], $0x80, s14, s18, $0xb8;
	[tilespmem:$0x18180] =	vst v63  }
0x28: {  	_ =	swait.ge [sflag:s13], $0x4000  }
0x29: {  	[sflag:s13] =	ssyncset.done $0x0  }
0x2a: {  	[sflag:s13] =	ssyncadd.s32 $0xFFFFC000  }
0x2b: {  	[spmem:s2] =	stream.indirect.scatter.add.f32 [tilespmem:s17], [sflag:$0x1], $0x80, s15, s18, $0xb8;
	[tilespmem:$0x18180] =	vst v63  }
0x2c: {  	_ =	swait.ge [sflag:s13], $0x4000  }
0x2d: {  	[sflag:s13] =	ssyncset.done $0x0  }
0x2e: {  	[sflag:s13] =	ssyncadd.s32 $0xFFFFC000  }
0x2f: {  	[spmem:s2] =	stream.indirect.scatter.add.f32 [tilespmem:s17], [sflag:$0x1], $0x80, s16, s18, $0xb8;
	[tilespmem:$0x18180] =	vst v63  }
0x30: {  	s21 =	simm.s32 $0x10;
	_ =	swait.ge [sflag:s13], $0x4000  }
0x31: {  	s22 =	simm.s32 $0x20;
	s20 =	sadd.s32 $0x800, s8;
	[sflag:s13] =	ssyncset.done $0x0  }
.LBB2_2:
0x32: {  	s23 =	sadd.s32 s21, s11  }
0x33: {  	[sflag:s13] =	ssyncadd.s32 $0xFFFFC000;
	s24 =	smov.u32 s22;
	s25 =	sadd.s32 $0x10, s22  }
0x34: {  	[tilespmem:s14], [sflag:$0x1] =	stream.linear.gather [hbm4b:s23+s3], $0x80, $0x38;
	[tilespmem:$0x18180] =	vst v63  }
0x35: {  	p0 =	sne.s32 s22, $0x270;
	_ =	swait.ge [sflag:s13], $0x80  }
0x36: {  	[sflag:s13] =	ssyncset.done $0x0  }
0x37: {  	s22 =	sadd.s32 s21, s10;
	[sflag:s13] =	ssyncadd.s32 $0xFFFFFF80  }
0x38: {  	[tilespmem:s15], [sflag:$0x1] =	stream.linear.gather [hbm4b:s22+s3], $0x80, $0x38;
	[tilespmem:$0x18180] =	vst v63  }
0x39: {  	_ =	swait.ge [sflag:s13], $0x80  }
0x3a: {  	[sflag:s13] =	ssyncset.done $0x0  }
0x3b: {  	s22 =	sadd.s32 s21, s9;
	s21 =	smov.u32 s24;
	[sflag:s13] =	ssyncadd.s32 $0xFFFFFF80  }
0x3c: {  	[tilespmem:s16], [sflag:$0x1] =	stream.linear.gather [hbm4b:s22+s3], $0x80, $0x38;
	[tilespmem:$0x18180] =	vst v63  }
0x3d: {  	_ =	swait.ge [sflag:s13], $0x80  }
0x3e: {  	[sflag:s13] =	ssyncset.done $0x0  }
0x3f: {  	[sflag:s13] =	ssyncadd.s32 $0xFFFFFF80  }
0x40: {  	[tilespmem:s17], [sflag:$0x1] =	stream.linear.gather [hbm4b:s20+s3], $0x4000, $0x38;
	[tilespmem:$0x18180] =	vst v63  }
0x41: {  	_ =	swait.ge [sflag:s13], $0x4000  }
0x42: {  	[sflag:s13] =	ssyncset.done $0x0  }
0x43: {  	[sflag:s13] =	ssyncadd.s32 $0xFFFFC000  }
0x44: {  	[spmem:s2] =	stream.indirect.scatter.add.f32 [tilespmem:s17], [sflag:$0x1], $0x80, s14, s18, $0xb8;
	[tilespmem:$0x18180] =	vst v63  }
0x45: {  	_ =	swait.ge [sflag:s13], $0x4000  }
0x46: {  	[sflag:s13] =	ssyncset.done $0x0  }
0x47: {  	[sflag:s13] =	ssyncadd.s32 $0xFFFFC000  }
0x48: {  	[spmem:s2] =	stream.indirect.scatter.add.f32 [tilespmem:s17], [sflag:$0x1], $0x80, s15, s18, $0xb8;
	[tilespmem:$0x18180] =	vst v63  }
0x49: {  	_ =	swait.ge [sflag:s13], $0x4000  }
.Ltmp0:
0x4a: {  	[sflag:s13] =	ssyncset.done $0x0;
	(pc) =	sbr.rel @p0 .LBB2_2-.Ltmp0, $4  }
0x4b: {  	[sflag:s13] =	ssyncadd.s32 $0xFFFFC000  }
0x4c: {  	[spmem:s2] =	stream.indirect.scatter.add.f32 [tilespmem:s17], [sflag:$0x1], $0x80, s16, s18, $0xb8;
	[tilespmem:$0x18180] =	vst v63  }
0x4d: {  	_ =	swait.ge [sflag:s13], $0x4000  }
0x4e: {  	s22 =	smov.u32 s25;
	s20 =	sadd.s32 $0x800, s20;
	[sflag:s13] =	ssyncset.done $0x0  }
0x4f: {  	s22 =	sadd.s32 s21, s11;
	[sflag:s13] =	ssyncadd.s32 $0xFFFFC000  }
0x50: {  	[tilespmem:s14], [sflag:$0x1] =	stream.linear.gather [hbm4b:s22+s3], $0x80, $0x38;
	[tilespmem:$0x18180] =	vst v63  }
0x51: {  	_ =	swait.ge [sflag:s13], $0x80  }
0x52: {  	[sflag:s13] =	ssyncset.done $0x0  }
0x53: {  	s30 =	sadd.s32 s21, s10;
	[sflag:s13] =	ssyncadd.s32 $0xFFFFFF80  }
0x54: {  	[tilespmem:s15], [sflag:$0x1] =	stream.linear.gather [hbm4b:s30+s3], $0x80, $0x38;
	[tilespmem:$0x18180] =	vst v63  }
0x55: {  	_ =	swait.ge [sflag:s13], $0x80  }
0x56: {  	[sflag:s13] =	ssyncset.done $0x0  }
0x57: {  	s31 =	sadd.s32 s21, s9;
	[sflag:s13] =	ssyncadd.s32 $0xFFFFFF80  }
0x58: {  	[tilespmem:s16], [sflag:$0x1] =	stream.linear.gather [hbm4b:s31+s3], $0x80, $0x38;
	[tilespmem:$0x18180] =	vst v63  }
0x59: {  	_ =	swait.ge [sflag:s13], $0x80  }
0x5a: {  	[sflag:s13] =	ssyncset.done $0x0  }
0x5b: {  	[sflag:s13] =	ssyncadd.s32 $0xFFFFFF80  }
0x5c: {  	[tilespmem:s17], [sflag:$0x1] =	stream.linear.gather [hbm4b:s20+s3], $0x4000, $0x38;
	[tilespmem:$0x18180] =	vst v63  }
0x5d: {  	_ =	swait.ge [sflag:s13], $0x4000  }
0x5e: {  	[sflag:s13] =	ssyncset.done $0x0  }
0x5f: {  	[sflag:s13] =	ssyncadd.s32 $0xFFFFC000  }
0x60: {  	[spmem:s2] =	stream.indirect.scatter.add.f32 [tilespmem:s17], [sflag:$0x1], $0x80, s14, s18, $0xb8;
	[tilespmem:$0x18180] =	vst v63  }
0x61: {  	_ =	swait.ge [sflag:s13], $0x4000  }
0x62: {  	[sflag:s13] =	ssyncset.done $0x0  }
0x63: {  	[sflag:s13] =	ssyncadd.s32 $0xFFFFC000  }
0x64: {  	[spmem:s2] =	stream.indirect.scatter.add.f32 [tilespmem:s17], [sflag:$0x1], $0x80, s15, s18, $0xb8;
	[tilespmem:$0x18180] =	vst v63  }
0x65: {  	_ =	swait.ge [sflag:s13], $0x4000  }
0x66: {  	[sflag:s13] =	ssyncset.done $0x0  }
0x67: {  	[sflag:s13] =	ssyncadd.s32 $0xFFFFC000  }
0x68: {  	[spmem:s2] =	stream.indirect.scatter.add.f32 [tilespmem:s17], [sflag:$0x1], $0x80, s16, s18, $0xb8;
	[tilespmem:$0x18180] =	vst v63  }
0x69: {  	_ =	swait.ge [sflag:s13], $0x4000  }
0x6a: {  	s19 =	sadd.s32 $0x1, s19;
	[sflag:s13] =	ssyncset.done $0x0  }
0x6b: {  	p0 =	sne.s32 s19, s7;
	[sflag:s13] =	ssyncadd.s32 $0xFFFFC000  }
.Ltmp1:
0x6c: {  	[bflag:$0x0] =	sbarrier.arrive $0xFFFF;
	(pc) =	sbr.rel @p0 .LBB2_1-.Ltmp1, $4  }
0x6d: {  	[hbm:s6], [sflag:s5] =	dma.local [spmem:s12], $0x2800  }
0x6e: {  	_ =	swait.ge [sflag:s13], $0x2800  }
0x6f: {  	[sflag:s13] =	ssyncset.done $0x0  }
0x70: {  	[sflag:s13] =	ssyncadd.s32 $0xFFFFD800  }
0x71: {  	_ =	sfence.sel $0x180000  }
0x72: {  	[bflag:$0x0] =	sbarrier.arrive $0xFFFF  }
0x73: {  	p0 =	sne.s32 s0, $0x0;
	_ =	strace $0x90000050  }
0x74: {  	s0 =	sadd.s32 @!p0 $0x100000, s1;
	[bflag:$0x2] =	sbarrier.arrive $0xFFFF  }
0x75: {  	[sflag:s0] =	ssyncadd.tile.s32 @!p0 $0x1;
	_ =	shalt  }
.Lfunc_end2:
_tile_overlayer_lowered:
.L_overlay_start_2:
0x76: {  	(tag) =	ssettag $0x2  }
0x77: {  	s0 =	rddreg [dreg:$0x0];
	s2 =	stileid.u32  }
0x78: {  	s1 =	rddreg [dreg:$0x1];
	p0 =	sne.s32 s2, $0x0  }
0x79: {  	s3 =	rddreg [dreg:$0x2];
	[bflag:$0x3] =	sbarrier.arrive $0xFFFF;
	s2 =	simm.s32 @!p0 $0x1C01  }
0x7a: {  	[timem:s3], [sflag:s2] =	dma.local @!p0 [hbm:s0], s1  }
0x7b: {  	s0 =	simm.s32 @!p0 $0x1  }
0x7c: {  	_ =	swait.ge @!p0 [sflag:s0], s1  }
0x7d: {  	s1 =	ssub.s32 @!p0 $0x0, s1;
	[sflag:s0] =	ssyncset.done @!p0 $0x0  }
0x7e: {  	[sflag:s0] =	ssyncadd.s32 @!p0 s1  }
0x7f: {  	[bflag:$0x3] =	sbarrier.arrive $0xFFFF  }
0x80: {  	_ =	shalt  }

// kernel: kernel.29.cloned.1.call-start
scs
__scs_entry_jumppad:
0x0: {  	(pc) =	sbr.rel $0x88, $3  }
0x1: {  	(tag) =	ssettag $0x0;
	lr =	simm.s32 $0x1  }
0x2: {  	[smem:$0x3F90] =	sst lr;
	_ =	strace $0xD0000000  }
0x3: {  	_ = 	snop  }
0x4: {  	_ = 	snop  }
0x5: {  	_ = 	snop  }
0x6: {  	_ = 	snop  }
0x7: {  	_ = 	snop  }
__scs_overlays_trampoline_lowered:
0x8: {  	[smem:$0x3F9F] =	sst s0  }
0x9: {  	[smem:$0x3FA0] =	sst s1  }
0xa: {  	[smem:$0x3FA1] =	sst s2  }
0xb: {  	[smem:$0x3FA2] =	sst s3  }
0xc: {  	[smem:$0x3FA3] =	sst s4  }
0xd: {  	[smem:$0x3FA4] =	sst s5  }
0xe: {  	[smem:$0x3FA5] =	sst s6  }
0xf: {  	[smem:$0x3FA6] =	sst s7  }
0x10: {  	[smem:$0x3FA7] =	sst s8  }
0x11: {  	[smem:$0x3FA8] =	sst s9;
	s0 =	simm.s32 @!p0 $0x0  }
0x12: {  	s1 =	sld [smem:$0x3F8E];
	s0 =	simm.s32 @p0 $0x1  }
0x13: {  	[smem:$0x3FA9] =	sst s0;
	s0 =	simm.s32 @!p1 $0x0  }
0x14: {  	s2 =	sld [smem:$0x3F8D];
	s0 =	simm.s32 @p1 $0x1  }
0x15: {  	[smem:$0x3FAA] =	sst s0;
	s0 =	simm.s32 @!p2 $0x0  }
0x16: {  	s3 =	sld [smem:$0x3FDB];
	s0 =	simm.s32 @p2 $0x1  }
0x17: {  	s4 =	simm.s32 $0x1BF5;
	[smem:$0x3FAC] =	sst s0  }
0x18: {  	s0 =	sld [smem:$0x3F8F];
	_ =	swait.ge [sflag:s4], $0x0  }
0x19: {  	s7 =	sld [smem:$0x3F90]  }
0x1a: {  	s8 =	sadd.s32 $0xFFFFE003, lr  }
0x1b: {  	s9 =	sadd.s32 $0xFFFFFEF7, lr;
	s5 =	simm.s32 $0xFFFFFFFF;
	p2 =	slt.u32 s8, $0xFFFFF086  }
0x1c: {  	p1 =	slt.u32 s9, $0xF7A;
	s5 =	simm.s32 @!p2 $0x0  }
0x1d: {  	s5 =	simm.s32 @p1 $0x1;
	p0 =	seq.s32 s7, s2  }
0x1e: {  	s7 =	smul.u32 @!p0 $0xF7A, s2;
	p2 =	seq.s32 @!p0 s5, $0x0  }
0x1f: {  	s9 =	smul.u32 $0xF7A, s1;
	s8 =	simm.s32 @!p0 $0x1BF5;
	p2 =	por !p2, p0  }
0x20: {  	[sflag:s8] =	ssyncset.s32 @!p0 $0xFFFFF086;
	s6 =	sadd.s32 @!p0 s3, s7;
	s7 =	simm.s32 @!p0 $0x108  }
0x21: {  	s3 =	sadd.s32 s3, s9;
	s6 =	sadd.s32 @!p0 $0x88, s6;
	s7 =	simm.s32 @p2 $0x1082  }
0x22: {  	[simem:s7], [sflag:s8] =	dma.local @!p0 [hbm:s6], $0xF7A  }
0x23: {  	s9 =	sor.u32 $0xD0000000, s2;
	s6 =	simm.s32 $0x108;
	_ =	swait.ge @!p0 [sflag:s8], $0x0  }
0x24: {  	s3 =	sadd.s32 $0x88, s3;
	s6 =	simm.s32 @!p1 $0x1082;
	[sflag:s4] =	ssyncset.s32 $0xFFFFF086  }
0x25: {  	[simem:s6], [sflag:s4] =	dma.local [hbm:s3], $0xF7A  }
0x26: {  	[smem:$0x3F90] =	sst s1;
	(tag) =	ssettag s2;
	_ =	strace s9  }
0x27: {  	s1 =	sld [smem:$0x3FA0]  }
0x28: {  	s2 =	sld [smem:$0x3FA1]  }
0x29: {  	s4 =	sld [smem:$0x3FA3]  }
0x2a: {  	p0 =	seq.s32 s5, $0x0;
	s5 =	sld [smem:$0x3FA4]  }
0x2b: {  	s6 =	sld [smem:$0x3FA5]  }
0x2c: {  	s7 =	sld [smem:$0x3FA6]  }
0x2d: {  	s3 =	simm.s32 $0x108;
	s8 =	sld [smem:$0x3FA7]  }
0x2e: {  	s3 =	simm.s32 @!p0 $0x1082;
	s9 =	sld [smem:$0x3FA8]  }
0x2f: {  	lr =	sadd.s32 s0, s3;
	s0 =	sld [smem:$0x3F9F]  }
0x30: {  	s3 =	sld [smem:$0x3FA2]  }
0x31: {  	[smem:$0x3FAB] =	sst s10  }
0x32: {  	s10 =	sld [smem:$0x3FA9];
	_ =	sdelay $0x3  }
0x33: {  	p0 =	seq.s32 s10, $0x1;
	s10 =	sld [smem:$0x3FAB];
	_ =	sdelay $0x3  }
0x34: {  	[smem:$0x3FAB] =	sst s10  }
0x35: {  	s10 =	sld [smem:$0x3FAA];
	_ =	sdelay $0x3  }
0x36: {  	p1 =	seq.s32 s10, $0x1;
	s10 =	sld [smem:$0x3FAB];
	_ =	sdelay $0x3  }
0x37: {  	[smem:$0x3FAB] =	sst s10  }
0x38: {  	s10 =	sld [smem:$0x3FAC]  }
0x39: {  	_ = 	snop;
	(pc) =	sbr.ind lr, $3  }
0x3a: {  	_ = 	snop  }
0x3b: {  	_ = 	snop  }
0x3c: {  	p2 =	seq.s32 s10, $0x1;
	s10 =	sld [smem:$0x3FAB]  }
0x3d: {  	_ =	shalt  }
0x3e: {  	_ =	shalt  }
0x3f: {  	_ =	shalt  }
0x40: {  	_ =	shalt  }
0x41: {  	_ =	shalt  }
0x42: {  	_ =	shalt  }
0x43: {  	_ =	shalt  }
0x44: {  	_ =	shalt  }
0x45: {  	_ =	shalt  }
0x46: {  	_ =	shalt  }
0x47: {  	_ =	shalt  }
0x48: {  	_ =	shalt  }
0x49: {  	_ =	shalt  }
0x4a: {  	_ =	shalt  }
0x4b: {  	_ =	shalt  }
0x4c: {  	_ =	shalt  }
0x4d: {  	_ =	shalt  }
0x4e: {  	_ =	shalt  }
0x4f: {  	_ =	shalt  }
0x50: {  	_ =	shalt  }
0x51: {  	_ =	shalt  }
0x52: {  	_ =	shalt  }
0x53: {  	_ =	shalt  }
0x54: {  	_ =	shalt  }
0x55: {  	_ =	shalt  }
0x56: {  	_ =	shalt  }
0x57: {  	_ =	shalt  }
0x58: {  	_ =	shalt  }
0x59: {  	_ =	shalt  }
0x5a: {  	_ =	shalt  }
0x5b: {  	_ =	shalt  }
0x5c: {  	_ =	shalt  }
0x5d: {  	_ =	shalt  }
0x5e: {  	_ =	shalt  }
0x5f: {  	_ =	shalt  }
0x60: {  	_ =	shalt  }
0x61: {  	_ =	shalt  }
0x62: {  	_ =	shalt  }
0x63: {  	_ =	shalt  }
0x64: {  	_ =	shalt  }
0x65: {  	_ =	shalt  }
0x66: {  	_ =	shalt  }
0x67: {  	_ =	shalt  }
0x68: {  	_ =	shalt  }
0x69: {  	_ =	shalt  }
0x6a: {  	_ =	shalt  }
0x6b: {  	_ =	shalt  }
0x6c: {  	_ =	shalt  }
0x6d: {  	_ =	shalt  }
0x6e: {  	_ =	shalt  }
0x6f: {  	_ =	shalt  }
0x70: {  	_ =	shalt  }
0x71: {  	_ =	shalt  }
0x72: {  	_ =	shalt  }
0x73: {  	_ =	shalt  }
0x74: {  	_ =	shalt  }
0x75: {  	_ =	shalt  }
0x76: {  	_ =	shalt  }
0x77: {  	_ =	shalt  }
0x78: {  	_ =	shalt  }
0x79: {  	_ =	shalt  }
0x7a: {  	_ =	shalt  }
0x7b: {  	_ =	shalt  }
0x7c: {  	_ =	shalt  }
0x7d: {  	_ =	shalt  }
0x7e: {  	_ =	shalt  }
0x7f: {  	_ =	shalt  }
0x80: {  	_ =	shalt  }
0x81: {  	_ =	shalt  }
0x82: {  	_ =	shalt  }
0x83: {  	_ =	shalt  }
0x84: {  	_ =	shalt  }
0x85: {  	_ =	shalt  }
0x86: {  	_ =	shalt  }
0x87: {  	_ =	shalt  }
.Lfunc_end0:
.L_simem_size_0:
called_computation.4_lowered:
.L_overlay_start_0:
0x88: {  	s2 =	sld [smem:$0x3FD9]  }
0x89: {  	s3 =	sld [smem:$0x3FFE];
	_ =	sdelay $0x1  }
0x8a: {  	s1 =	srdreg.scid  }
0x8b: {  	s0 =	sand.u32 $0x1, s1  }
0x8c: {  	s16 =	sshll.u32 s0, $0xA;
	s2 =	sadd.s32 s3, s2  }
0x8d: {  	s2 =	sadd.s32 s2, s16  }
0x8e: {  	[smem:$0x3FB7] =	sst s2  }
0x8f: {  	_ = 	snop  }
0x90: {  	(tm) =	ssettm $0x1  }
0x91: {  	s17 =	sld [smem:$0x3FFB];
	_ =	sdelay $0x3  }
0x92: {  	_ =	strace s17  }
0x93: {  	s2 =	sld [smem:$0x3FFC];
	_ =	sdelay $0x3  }
0x94: {  	_ =	strace s2  }
0x95: {  	s2 =	sld [smem:$0x3FFD];
	_ =	sdelay $0x3  }
0x96: {  	_ =	strace s2  }
0x97: {  	_ =	strace $0x8FFFFFFF  }
0x98: {  	s18 =	sld [smem:$0x3FDB];
	_ =	sdelay $0x1  }
0x99: {  	s19 =	simm.s32 $_scs_section_size  }
0x9a: {  	s4 =	simm.s32 $_size__tile_overlayer_lowered;
	s5 =	simm.s32 $_tile_overlayer_lowered  }
0x9b: {  	s22 =	simm.s32 $0x1BFF;
	s21 =	sshll.u32 s5, $0x1;
	s2 =	sadd.s32 s19, s18  }
0x9c: {  	s6 =	simm.s32 $0x0;
	s20 =	sshll.u32 s4, $0x1;
	s4 =	sadd.s32 s21, s2  }
0x9d: {  	[timem:s6], [sflag:s22] =	dma.local [hbm:s4], s20  }
0x9e: {  	_ =	swait.ge [sflag:s22], s20  }
0x9f: {  	s3 =	ssub.s32 $0x0, s20;
	[sflag:s22] =	ssyncset.done $0x0  }
0xa0: {  	[sflag:s22] =	ssyncadd.s32 s3;
	_ =	sdelay $0x1  }
0xa1: {  	s23 =	simm.s32 $0x1B8B  }
0xa2: {  	_ =	swait.ge [sflag:s23], $0x1  }
0xa3: {  	[sflag:s23] =	ssyncset.done $0x0  }
0xa4: {  	s25 =	simm.s32 $0x1B8E;
	s24 =	sld [smem:$0x3FFE];
	[sflag:s23] =	ssyncadd.s32 $0xFFFFFFFF  }
0xa5: {  	s26 =	simm.s32 $execute0_lowered;
	[smem:$0x3FD2] =	sst s25  }
0xa6: {  	s4 =	sshll.u32 s26, $0x1;
	_ =	strace $0x80000052;
	[dreg:$0x1] =	wrdreg $0xFFFFFFFF  }
0xa7: {  	s28 =	simm.s32 $_size_execute0_lowered;
	s2 =	sadd.s32 s2, s4;
	[dreg:$0x0] =	wrdreg $0x0  }
0xa8: {  	s4 =	sshll.u32 s28, $0x1;
	[dreg:$0x2] =	wrdreg s2  }
0xa9: {  	[dreg:$0x3] =	wrdreg s4  }
0xaa: {  	[dreg:$0x4] =	wrdreg $0xC0  }
0xab: {  	_ =	task [dreg:s6], $0x5FFFF  }
0xac: {  	[dreg:$0x1] =	wrdreg $0xFFFFFFFF  }
0xad: {  	[dreg:$0x0] =	wrdreg $0x60  }
0xae: {  	[dreg:$0x2] =	wrdreg s24  }
0xaf: {  	[dreg:$0x3] =	wrdreg $0xA  }
0xb0: {  	_ =	task.clear_ibuf [dreg:s6], $0x4FFFF;
	_ =	strace $0x90000052  }
0xb1: {  	s29 =	simm.s32 $0xA;
	_ =	strace $0x80000054  }
0xb2: {  	_ =	swait.ge [sflag:s29], $0x1  }
0xb3: {  	[sflag:s29] =	ssyncadd.s32 $0xFFFFFFFF  }
0xb4: {  	_ =	strace $0x90000054  }
0xb5: {  	_ =	sfence  }
0xb6: {  	s30 =	sld [smem:$0x0];
	_ =	sdelay $0x2  }
0xb7: {  	s31 =	sshll.u32 s1, $0xD;
	s1 =	sshrl.u32 s1, $0x2  }
0xb8: {  	s3 =	sand.u32 $0x4000, s31;
	s1 =	sadd.s32 s1, s30  }
0xb9: {  	s0 =	sor.u32 s3, s0;
	s1 =	sshll.u32 s1, $0x11  }
0xba: {  	s0 =	sor.u32 s1, s0  }
0xbb: {  	s0 =	sadd.s32 $0x8F2B, s0  }
0xbc: {  	[sflag:s0] =	ssyncadd.remote.s32 $0x1  }
0xbd: {  	_ =	sfence.sel $0xFFFF  }
0xbe: {  	[dreg:$0x0] =	wrdreg $0xFFFFFFFF;
	(pc) =	sbr.abs _section_cstart, $3  }
0xbf: {  	[dreg:$0x1] =	wrdreg $0xFFFFFFFF  }
0xc0: {  	_ =	task.clear_ibuf [dreg:s6], $0x2FFFF;
	_ =	strace $0x9FFFFFFF  }
0xc1: {  	(tm) =	ssettm $0x7FFFFFFF  }
tec
execute0_lowered:
.L_overlay_start_1:
0x0: {  	(tag) =	ssettag $0x1  }
0x1: {  	s7 =	rddreg [dreg:$0x0]  }
0x2: {  	s0 =	rddreg [dreg:$0x1];
	s1 =	simm.s32 $0x0;
	s5 =	srdreg.scid  }
0x3: {  	s2 =	stileid.u32;
	s12 =	simm.s32 $0x100;
	s13 =	simm.s32 $0x40  }
0x4: {  	s14 =	simm.s32 $0x180;
	s15 =	simm.s32 $0x2180;
	s16 =	simm.s32 $0x4180  }
0x5: {  	s17 =	simm.s32 $0x1;
	s18 =	simm.s32 $0x2;
	s19 =	simm.s32 $0x3  }
0x6: {  	s20 =	simm.s32 $0x0;
	[smem:$0x7FF] =	sst s1;
	s3 =	sadd.s32 $0x2D1C00, s7  }
0x7: {  	s4 =	sadd.s32 $0x2E800, s7;
	s8 =	sand.u32 $0x1, s5;
	s5 =	sadd.s32 $0x33800, s7  }
0x8: {  	s10 =	sshll.u32 s2, $0x1;
	s6 =	sadd.s32 $0x38800, s7;
	s9 =	ssub.s32 $0x2, s8  }
0x9: {  	s7 =	sadd.s32 $0x372400, s7;
	_ =	strace $0x80000053;
	s11 =	sshrl.u32 s9, $0x1  }
0xa: {  	s8 =	sor.u32 s8, s10;
	s10 =	simm.s32 $0x4;
	s9 =	ssub.s32 s9, s11  }
0xb: {  	s8 =	smul.u32 $0x1400, s8;
	s11 =	simm.s32 $0x80;
	s9 =	smax.u32 s9, $0x1  }
.LBB2_1:
0xc: {  	s21 =	simm.s32 $0x0  }
.LBB2_2:
0xd: {  	s22 =	sshll.u32 s21, $0x6  }
0xe: {  	s22 =	sadd.s32 s8, s22  }
0xf: {  	s23 =	sshrl.u32 s22, $0x3  }
0x10: {  	s25 =	simm.s32 $0x0;
	s24 =	sadd.s32 s4, s23  }
0x11: {  	[tilespmem:s25], [sflag:$0x4] =	stream.linear.gather [hbm4b:s24+s25], $0x40, $0x38;
	[tilespmem:$0x6180] =	vst v63  }
0x12: {  	_ =	swait.ge [sflag:s10], $0x40  }
0x13: {  	[sflag:s10] =	ssyncset.done $0x0  }
0x14: {  	s31 =	sadd.s32 s5, s23;
	[sflag:s10] =	ssyncadd.s32 $0xFFFFFFC0  }
0x15: {  	[tilespmem:s11], [sflag:$0x4] =	stream.linear.gather [hbm4b:s31+s25], $0x40, $0x38;
	[tilespmem:$0x6180] =	vst v63  }
0x16: {  	_ =	swait.ge [sflag:s10], $0x40  }
0x17: {  	[sflag:s10] =	ssyncset.done $0x0  }
0x18: {  	s23 =	sadd.s32 s6, s23;
	[sflag:s10] =	ssyncadd.s32 $0xFFFFFFC0  }
0x19: {  	[tilespmem:s12], [sflag:$0x4] =	stream.linear.gather [hbm4b:s23+s25], $0x40, $0x38;
	[tilespmem:$0x6180] =	vst v63  }
0x1a: {  	_ =	swait.ge [sflag:s10], $0x40  }
0x1b: {  	[sflag:s10] =	ssyncset.done $0x0  }
0x1c: {  	[sflag:s10] =	ssyncadd.s32 $0xFFFFFFC0  }
0x1d: {  	[tilespmem:s14], [sflag:$0x1] =	stream.indirect.gather [hbm4b:s3+s13], $0x80, s25, s13, $0xb8;
	[tilespmem:$0x6180] =	vst v63  }
0x1e: {  	_ = 	snop  }
0x1f: {  	[tilespmem:s15], [sflag:$0x2] =	stream.indirect.gather [hbm4b:s3+s13], $0x80, s11, s13, $0xb8;
	[tilespmem:$0x6180] =	vst v63  }
0x20: {  	_ = 	snop  }
0x21: {  	[tilespmem:s16], [sflag:$0x3] =	stream.indirect.gather [hbm4b:s3+s13], $0x80, s12, s13, $0xb8;
	[tilespmem:$0x6180] =	vst v63  }
0x22: {  	_ =	swait.ge [sflag:s17], $0x2000  }
0x23: {  	[sflag:s17] =	ssyncset.done $0x0  }
0x24: {  	[sflag:s17] =	ssyncadd.s32 $0xFFFFE000  }
0x25: {  	_ =	swait.ge [sflag:s18], $0x2000  }
0x26: {  	[sflag:s18] =	ssyncset.done $0x0  }
0x27: {  	[sflag:s18] =	ssyncadd.s32 $0xFFFFE000  }
0x28: {  	_ =	swait.ge [sflag:s19], $0x2000  }
0x29: {  	[sflag:s19] =	ssyncset.done $0x0  }
0x2a: {  	s23 =	simm.s32 $0x0;
	[sflag:s19] =	ssyncadd.s32 $0xFFFFE000  }
0x2b: {  	v5 =	vld [tilespmem:s23+$0x4180]  }
0x2c: {  	v4 =	vld [tilespmem:s23+$0x4190]  }
0x2d: {  	v3 =	vld [tilespmem:s23+$0x41A0]  }
0x2e: {  	v2 =	vld [tilespmem:s23+$0x41B0]  }
0x2f: {  	v1 =	vld [tilespmem:s23+$0x41C0]  }
0x30: {  	v0 =	vld [tilespmem:s23+$0x41D0]  }
0x31: {  	v12 =	vld [tilespmem:s23+$0x2180]  }
0x32: {  	v17 =	vld [tilespmem:s23+$0x2190]  }
0x33: {  	v11 =	vld [tilespmem:s23+$0x21A0]  }
0x34: {  	v10 =	vld [tilespmem:s23+$0x21B0]  }
0x35: {  	v9 =	vld [tilespmem:s23+$0x21C0]  }
0x36: {  	v8 =	vld [tilespmem:s23+$0x21D0]  }
0x37: {  	v7 =	vld [tilespmem:s23+$0x21E0]  }
0x38: {  	v6 =	vld [tilespmem:s23+$0x21F0]  }
0x39: {  	v18 =	vld [tilespmem:s23+$0x180]  }
0x3a: {  	v19 =	vld [tilespmem:s23+$0x190]  }
0x3b: {  	v16 =	vld [tilespmem:s23+$0x1A0]  }
0x3c: {  	v15 =	vld [tilespmem:s23+$0x1B0]  }
0x3d: {  	v14 =	vld [tilespmem:s23+$0x1C0]  }
0x3e: {  	v13 =	vld [tilespmem:s23+$0x1D0];
	v18 =	vadd.f32 v12, v18  }
0x3f: {  	s24 =	simm.s32 $0x200;
	v17 =	vadd.f32 v17, v19;
	v12 =	vld [tilespmem:s23+$0x1E0]  }
.LBB2_3:
0x40: {  	p0 =	sne.s32 s24, $0x7E00;
	v5 =	vadd.f32 v5, v18;
	v11 =	vadd.f32 v11, v16;
	v16 =	vld [tilespmem:s23+$0x1F0]  }
0x41: {  	v4 =	vadd.f32 v4, v17;
	v10 =	vadd.f32 v10, v15;
	v15 =	vld [tilespmem:s23+$0x41E0]  }
0x42: {  	s25 =	sshra.s32 s24, $0x2;
	[tilespmem:s23+$0x180] =	vst v5;
	v3 =	vadd.f32 v3, v11;
	v9 =	vadd.f32 v9, v14;
	v11 =	vld [tilespmem:s23+$0x41F0]  }
0x43: {  	v5 =	vld [tilespmem:s25+$0x4180];
	[tilespmem:s23+$0x190] =	vst v4;
	v2 =	vadd.f32 v2, v10;
	v8 =	vadd.f32 v8, v13  }
0x44: {  	v4 =	vld [tilespmem:s25+$0x4190];
	[tilespmem:s23+$0x1A0] =	vst v3;
	v1 =	vadd.f32 v1, v9;
	v7 =	vadd.f32 v7, v12  }
0x45: {  	v3 =	vld [tilespmem:s25+$0x41A0];
	[tilespmem:s23+$0x1B0] =	vst v2;
	v0 =	vadd.f32 v0, v8;
	v6 =	vadd.f32 v6, v16  }
0x46: {  	v2 =	vld [tilespmem:s25+$0x41B0];
	[tilespmem:s23+$0x1C0] =	vst v1;
	v7 =	vadd.f32 v15, v7  }
0x47: {  	v1 =	vld [tilespmem:s25+$0x41C0];
	[tilespmem:s23+$0x1D0] =	vst v0;
	v6 =	vadd.f32 v11, v6  }
0x48: {  	v0 =	vld [tilespmem:s25+$0x41D0];
	[tilespmem:s23+$0x1E0] =	vst v7  }
0x49: {  	v12 =	vld [tilespmem:s25+$0x2180];
	[tilespmem:s23+$0x1F0] =	vst v6;
	s23 =	smov.u32 s25  }
0x4a: {  	v17 =	vld [tilespmem:s23+$0x2190]  }
0x4b: {  	v11 =	vld [tilespmem:s23+$0x21A0]  }
0x4c: {  	v10 =	vld [tilespmem:s23+$0x21B0]  }
0x4d: {  	v9 =	vld [tilespmem:s23+$0x21C0]  }
0x4e: {  	v8 =	vld [tilespmem:s23+$0x21D0]  }
0x4f: {  	v7 =	vld [tilespmem:s23+$0x21E0]  }
0x50: {  	v6 =	vld [tilespmem:s23+$0x21F0]  }
0x51: {  	v13 =	vld [tilespmem:s23+$0x180]  }
0x52: {  	v19 =	vld [tilespmem:s23+$0x190]  }
.Ltmp0:
0x53: {  	v16 =	vld [tilespmem:s23+$0x1A0];
	(pc) =	sbr.rel @p0 .LBB2_3-.Ltmp0, $4  }
0x54: {  	v15 =	vld [tilespmem:s23+$0x1B0]  }
0x55: {  	v14 =	vld [tilespmem:s23+$0x1C0]  }
0x56: {  	v18 =	vadd.f32 v12, v13;
	v13 =	vld [tilespmem:s23+$0x1D0]  }
0x57: {  	s24 =	sadd.s32 $0x200, s24;
	v17 =	vadd.f32 v17, v19;
	v12 =	vld [tilespmem:s23+$0x1E0]  }
0x58: {  	v5 =	vadd.f32 v5, v18;
	v55 =	vld [tilespmem:s23+$0x1F0];
	v11 =	vadd.f32 v11, v16  }
0x59: {  	v56 =	vld [tilespmem:s23+$0x41E0];
	v4 =	vadd.f32 v4, v17;
	v10 =	vadd.f32 v10, v15  }
0x5a: {  	v58 =	vld [tilespmem:s23+$0x41F0];
	[tilespmem:s23+$0x180] =	vst v5;
	v3 =	vadd.f32 v3, v11;
	v57 =	vadd.f32 v9, v14  }
0x5b: {  	[tilespmem:s23+$0x190] =	vst v4;
	v2 =	vadd.f32 v2, v10;
	v59 =	vadd.f32 v8, v13  }
0x5c: {  	[tilespmem:s23+$0x1A0] =	vst v3;
	v1 =	vadd.f32 v1, v57;
	v60 =	vadd.f32 v7, v12  }
0x5d: {  	[tilespmem:s23+$0x1B0] =	vst v2;
	v0 =	vadd.f32 v0, v59;
	v61 =	vadd.f32 v6, v55  }
0x5e: {  	[tilespmem:s23+$0x1C0] =	vst v1;
	v62 =	vadd.f32 v56, v60  }
0x5f: {  	s21 =	sadd.s32 $0x1, s21;
	[tilespmem:s23+$0x1D0] =	vst v0;
	v63 =	vadd.f32 v58, v61  }
0x60: {  	s22 =	sshll.u32 s22, $0x4;
	p0 =	sne.s32 s21, $0x50;
	[tilespmem:s23+$0x1E0] =	vst v62  }
.Ltmp1:
0x61: {  	s22 =	sadd.s32 s7, s22;
	[tilespmem:s23+$0x1F0] =	vst v63;
	(pc) =	sbr.rel @p0 .LBB2_2-.Ltmp1, $4  }
0x62: {  	[hbm4b:s22+s1] =	stream.linear.scatter [tilespmem:s14], [sflag:$0x4], $0x2000, $0x38;
	[tilespmem:$0x6180] =	vst v63  }
0x63: {  	_ =	swait.ge [sflag:s10], $0x2000  }
0x64: {  	[sflag:s10] =	ssyncset.done $0x0  }
0x65: {  	[sflag:s10] =	ssyncadd.s32 $0xFFFFE000  }
0x66: {  	s20 =	sadd.s32 $0x1, s20  }
0x67: {  	p0 =	sne.s32 s20, s9  }
.Ltmp2:
0x68: {  	_ = 	snop;
	(pc) =	sbr.rel @p0 .LBB2_1-.Ltmp2, $1  }
0x69: {  	_ =	sdelay $0x3  }
0x6a: {  	_ =	sfence.sel $0x180000  }
0x6b: {  	[bflag:$0x0] =	sbarrier.arrive $0xFFFF  }
0x6c: {  	p0 =	sne.s32 s2, $0x0;
	_ =	strace $0x90000053  }
0x6d: {  	s0 =	sadd.s32 @!p0 $0x100000, s0;
	[bflag:$0x2] =	sbarrier.arrive $0xFFFF  }
0x6e: {  	[sflag:s0] =	ssyncadd.tile.s32 @!p0 $0x1;
	_ =	shalt  }
.Lfunc_end2:
_tile_overlayer_lowered:
.L_overlay_start_2:
0x6f: {  	(tag) =	ssettag $0x2  }
0x70: {  	s0 =	rddreg [dreg:$0x0];
	s2 =	stileid.u32  }
0x71: {  	s1 =	rddreg [dreg:$0x1];
	p0 =	sne.s32 s2, $0x0  }
0x72: {  	s3 =	rddreg [dreg:$0x2];
	[bflag:$0x3] =	sbarrier.arrive $0xFFFF;
	s2 =	simm.s32 @!p0 $0x1C04  }
0x73: {  	[timem:s3], [sflag:s2] =	dma.local @!p0 [hbm:s0], s1  }
0x74: {  	s0 =	simm.s32 @!p0 $0x4  }
0x75: {  	_ =	swait.ge @!p0 [sflag:s0], s1  }
0x76: {  	s1 =	ssub.s32 @!p0 $0x0, s1;
	[sflag:s0] =	ssyncset.done @!p0 $0x0  }
0x77: {  	[sflag:s0] =	ssyncadd.s32 @!p0 s1  }
0x78: {  	[bflag:$0x3] =	sbarrier.arrive $0xFFFF  }
0x79: {  	_ =	shalt  }

// kernel: kernel.32.cloned.1.call-start
scs
__scs_entry_jumppad:
0x0: {  	(pc) =	sbr.rel $0x88, $3  }
0x1: {  	(tag) =	ssettag $0x0;
	lr =	simm.s32 $0x1  }
0x2: {  	[smem:$0x3F90] =	sst lr;
	_ =	strace $0xD0000000  }
0x3: {  	_ = 	snop  }
0x4: {  	_ = 	snop  }
0x5: {  	_ = 	snop  }
0x6: {  	_ = 	snop  }
0x7: {  	_ = 	snop  }
__scs_overlays_trampoline_lowered:
0x8: {  	[smem:$0x3F9F] =	sst s0  }
0x9: {  	[smem:$0x3FA0] =	sst s1  }
0xa: {  	[smem:$0x3FA1] =	sst s2  }
0xb: {  	[smem:$0x3FA2] =	sst s3  }
0xc: {  	[smem:$0x3FA3] =	sst s4  }
0xd: {  	[smem:$0x3FA4] =	sst s5  }
0xe: {  	[smem:$0x3FA5] =	sst s6  }
0xf: {  	[smem:$0x3FA6] =	sst s7  }
0x10: {  	[smem:$0x3FA7] =	sst s8  }
0x11: {  	[smem:$0x3FA8] =	sst s9;
	s0 =	simm.s32 @!p0 $0x0  }
0x12: {  	s1 =	sld [smem:$0x3F8E];
	s0 =	simm.s32 @p0 $0x1  }
0x13: {  	[smem:$0x3FA9] =	sst s0;
	s0 =	simm.s32 @!p1 $0x0  }
0x14: {  	s2 =	sld [smem:$0x3F8D];
	s0 =	simm.s32 @p1 $0x1  }
0x15: {  	[smem:$0x3FAA] =	sst s0;
	s0 =	simm.s32 @!p2 $0x0  }
0x16: {  	s3 =	sld [smem:$0x3FDB];
	s0 =	simm.s32 @p2 $0x1  }
0x17: {  	s4 =	simm.s32 $0x1BF5;
	[smem:$0x3FAC] =	sst s0  }
0x18: {  	s0 =	sld [smem:$0x3F8F];
	_ =	swait.ge [sflag:s4], $0x0  }
0x19: {  	s7 =	sld [smem:$0x3F90]  }
0x1a: {  	s8 =	sadd.s32 $0xFFFFE003, lr  }
0x1b: {  	s9 =	sadd.s32 $0xFFFFFEF7, lr;
	s5 =	simm.s32 $0xFFFFFFFF;
	p2 =	slt.u32 s8, $0xFFFFF086  }
0x1c: {  	p1 =	slt.u32 s9, $0xF7A;
	s5 =	simm.s32 @!p2 $0x0  }
0x1d: {  	s5 =	simm.s32 @p1 $0x1;
	p0 =	seq.s32 s7, s2  }
0x1e: {  	s7 =	smul.u32 @!p0 $0xF7A, s2;
	p2 =	seq.s32 @!p0 s5, $0x0  }
0x1f: {  	s9 =	smul.u32 $0xF7A, s1;
	s8 =	simm.s32 @!p0 $0x1BF5;
	p2 =	por !p2, p0  }
0x20: {  	[sflag:s8] =	ssyncset.s32 @!p0 $0xFFFFF086;
	s6 =	sadd.s32 @!p0 s3, s7;
	s7 =	simm.s32 @!p0 $0x108  }
0x21: {  	s3 =	sadd.s32 s3, s9;
	s6 =	sadd.s32 @!p0 $0x88, s6;
	s7 =	simm.s32 @p2 $0x1082  }
0x22: {  	[simem:s7], [sflag:s8] =	dma.local @!p0 [hbm:s6], $0xF7A  }
0x23: {  	s9 =	sor.u32 $0xD0000000, s2;
	s6 =	simm.s32 $0x108;
	_ =	swait.ge @!p0 [sflag:s8], $0x0  }
0x24: {  	s3 =	sadd.s32 $0x88, s3;
	s6 =	simm.s32 @!p1 $0x1082;
	[sflag:s4] =	ssyncset.s32 $0xFFFFF086  }
0x25: {  	[simem:s6], [sflag:s4] =	dma.local [hbm:s3], $0xF7A  }
0x26: {  	[smem:$0x3F90] =	sst s1;
	(tag) =	ssettag s2;
	_ =	strace s9  }
0x27: {  	s1 =	sld [smem:$0x3FA0]  }
0x28: {  	s2 =	sld [smem:$0x3FA1]  }
0x29: {  	s4 =	sld [smem:$0x3FA3]  }
0x2a: {  	p0 =	seq.s32 s5, $0x0;
	s5 =	sld [smem:$0x3FA4]  }
0x2b: {  	s6 =	sld [smem:$0x3FA5]  }
0x2c: {  	s7 =	sld [smem:$0x3FA6]  }
0x2d: {  	s3 =	simm.s32 $0x108;
	s8 =	sld [smem:$0x3FA7]  }
0x2e: {  	s3 =	simm.s32 @!p0 $0x1082;
	s9 =	sld [smem:$0x3FA8]  }
0x2f: {  	lr =	sadd.s32 s0, s3;
	s0 =	sld [smem:$0x3F9F]  }
0x30: {  	s3 =	sld [smem:$0x3FA2]  }
0x31: {  	[smem:$0x3FAB] =	sst s10  }
0x32: {  	s10 =	sld [smem:$0x3FA9];
	_ =	sdelay $0x3  }
0x33: {  	p0 =	seq.s32 s10, $0x1;
	s10 =	sld [smem:$0x3FAB];
	_ =	sdelay $0x3  }
0x34: {  	[smem:$0x3FAB] =	sst s10  }
0x35: {  	s10 =	sld [smem:$0x3FAA];
	_ =	sdelay $0x3  }
0x36: {  	p1 =	seq.s32 s10, $0x1;
	s10 =	sld [smem:$0x3FAB];
	_ =	sdelay $0x3  }
0x37: {  	[smem:$0x3FAB] =	sst s10  }
0x38: {  	s10 =	sld [smem:$0x3FAC]  }
0x39: {  	_ = 	snop;
	(pc) =	sbr.ind lr, $3  }
0x3a: {  	_ = 	snop  }
0x3b: {  	_ = 	snop  }
0x3c: {  	p2 =	seq.s32 s10, $0x1;
	s10 =	sld [smem:$0x3FAB]  }
0x3d: {  	_ =	shalt  }
0x3e: {  	_ =	shalt  }
0x3f: {  	_ =	shalt  }
0x40: {  	_ =	shalt  }
0x41: {  	_ =	shalt  }
0x42: {  	_ =	shalt  }
0x43: {  	_ =	shalt  }
0x44: {  	_ =	shalt  }
0x45: {  	_ =	shalt  }
0x46: {  	_ =	shalt  }
0x47: {  	_ =	shalt  }
0x48: {  	_ =	shalt  }
0x49: {  	_ =	shalt  }
0x4a: {  	_ =	shalt  }
0x4b: {  	_ =	shalt  }
0x4c: {  	_ =	shalt  }
0x4d: {  	_ =	shalt  }
0x4e: {  	_ =	shalt  }
0x4f: {  	_ =	shalt  }
0x50: {  	_ =	shalt  }
0x51: {  	_ =	shalt  }
0x52: {  	_ =	shalt  }
0x53: {  	_ =	shalt  }
0x54: {  	_ =	shalt  }
0x55: {  	_ =	shalt  }
0x56: {  	_ =	shalt  }
0x57: {  	_ =	shalt  }
0x58: {  	_ =	shalt  }
0x59: {  	_ =	shalt  }
0x5a: {  	_ =	shalt  }
0x5b: {  	_ =	shalt  }
0x5c: {  	_ =	shalt  }
0x5d: {  	_ =	shalt  }
0x5e: {  	_ =	shalt  }
0x5f: {  	_ =	shalt  }
0x60: {  	_ =	shalt  }
0x61: {  	_ =	shalt  }
0x62: {  	_ =	shalt  }
0x63: {  	_ =	shalt  }
0x64: {  	_ =	shalt  }
0x65: {  	_ =	shalt  }
0x66: {  	_ =	shalt  }
0x67: {  	_ =	shalt  }
0x68: {  	_ =	shalt  }
0x69: {  	_ =	shalt  }
0x6a: {  	_ =	shalt  }
0x6b: {  	_ =	shalt  }
0x6c: {  	_ =	shalt  }
0x6d: {  	_ =	shalt  }
0x6e: {  	_ =	shalt  }
0x6f: {  	_ =	shalt  }
0x70: {  	_ =	shalt  }
0x71: {  	_ =	shalt  }
0x72: {  	_ =	shalt  }
0x73: {  	_ =	shalt  }
0x74: {  	_ =	shalt  }
0x75: {  	_ =	shalt  }
0x76: {  	_ =	shalt  }
0x77: {  	_ =	shalt  }
0x78: {  	_ =	shalt  }
0x79: {  	_ =	shalt  }
0x7a: {  	_ =	shalt  }
0x7b: {  	_ =	shalt  }
0x7c: {  	_ =	shalt  }
0x7d: {  	_ =	shalt  }
0x7e: {  	_ =	shalt  }
0x7f: {  	_ =	shalt  }
0x80: {  	_ =	shalt  }
0x81: {  	_ =	shalt  }
0x82: {  	_ =	shalt  }
0x83: {  	_ =	shalt  }
0x84: {  	_ =	shalt  }
0x85: {  	_ =	shalt  }
0x86: {  	_ =	shalt  }
0x87: {  	_ =	shalt  }
.Lfunc_end0:
.L_simem_size_0:
called_computation.5_lowered:
.L_overlay_start_0:
0x88: {  	s2 =	sld [smem:$0x3FD9]  }
0x89: {  	s3 =	sld [smem:$0x3FFE];
	_ =	sdelay $0x1  }
0x8a: {  	s1 =	srdreg.scid  }
0x8b: {  	s0 =	sand.u32 $0x1, s1  }
0x8c: {  	s17 =	sshll.u32 s0, $0xA;
	s2 =	sadd.s32 s3, s2  }
0x8d: {  	s2 =	sadd.s32 s2, s17  }
0x8e: {  	[smem:$0x3FB7] =	sst s2  }
0x8f: {  	_ = 	snop  }
0x90: {  	(tm) =	ssettm $0x1  }
0x91: {  	s18 =	sld [smem:$0x3FFB];
	_ =	sdelay $0x3  }
0x92: {  	_ =	strace s18  }
0x93: {  	s2 =	sld [smem:$0x3FFC];
	_ =	sdelay $0x3  }
0x94: {  	_ =	strace s2  }
0x95: {  	s2 =	sld [smem:$0x3FFD];
	_ =	sdelay $0x3  }
0x96: {  	_ =	strace s2  }
0x97: {  	_ =	strace $0x8FFFFFFF  }
0x98: {  	s19 =	sld [smem:$0x3FDB];
	_ =	sdelay $0x1  }
0x99: {  	s20 =	simm.s32 $_scs_section_size  }
0x9a: {  	s4 =	simm.s32 $_size__tile_overlayer_lowered;
	s5 =	simm.s32 $_tile_overlayer_lowered  }
0x9b: {  	s6 =	simm.s32 $0x1BFF;
	s21 =	sshll.u32 s5, $0x1;
	s3 =	sadd.s32 s20, s19  }
0x9c: {  	s22 =	simm.s32 $0x0;
	s4 =	sshll.u32 s4, $0x1;
	s5 =	sadd.s32 s21, s3  }
0x9d: {  	[timem:s22], [sflag:s6] =	dma.local [hbm:s5], s4  }
0x9e: {  	_ =	swait.ge [sflag:s6], s4  }
0x9f: {  	s4 =	ssub.s32 $0x0, s4;
	[sflag:s6] =	ssyncset.done $0x0  }
0xa0: {  	[sflag:s6] =	ssyncadd.s32 s4;
	_ =	sdelay $0x1  }
0xa1: {  	s23 =	simm.s32 $0x1B8B  }
0xa2: {  	_ =	swait.ge [sflag:s23], $0x1  }
0xa3: {  	[sflag:s23] =	ssyncset.done $0x0  }
0xa4: {  	[sflag:s23] =	ssyncadd.s32 $0xFFFFFFFF  }
0xa5: {  	s4 =	sld [smem:$0x0]  }
0xa6: {  	s5 =	sand.u32 $0xFFFFFFFE, s1  }
0xa7: {  	p0 =	sne.s32 s1, s5  }
0xa8: {  	s5 =	sshll.u32 @p0 s5, $0xE  }
0xa9: {  	s5 =	sadd.s32 @p0 $0x11B8D, s5;
	s6 =	sshll.u32 @p0 s4, $0x11  }
0xaa: {  	s5 =	sor.u32 @p0 s6, s5  }
0xab: {  	[sflag:s5] =	ssyncadd.remote.s32 @p0 $0x1;
	_ =	sdelay $0x1  }
0xac: {  	s5 =	simm.s32 @p0 $0x1B8D  }
0xad: {  	_ =	swait.eq @p0 [sflag:s5], $0x1  }
0xae: {  	[sflag:s5] =	ssyncadd.s32 @p0 $0xFFFFFFFF  }
0xaf: {  	s6 =	sshll.u32 @!p0 s1, $0xE  }
0xb0: {  	s6 =	sor.u32 @!p0 $0x4000, s6;
	s5 =	simm.s32 @!p0 $0x1B8D  }
0xb1: {  	s4 =	sshll.u32 @!p0 s4, $0x11;
	s6 =	sadd.s32 @!p0 $0x11B8D, s6;
	_ =	swait.eq @!p0 [sflag:s5], $0x1  }
0xb2: {  	s4 =	sor.u32 @!p0 s4, s6;
	[sflag:s5] =	ssyncadd.s32 @!p0 $0xFFFFFFFF  }
0xb3: {  	s25 =	simm.s32 $0x1B8E;
	s24 =	sld [smem:$0x3FFE];
	[sflag:s4] =	ssyncadd.remote.s32 @!p0 $0x1  }
0xb4: {  	s26 =	simm.s32 $execute0_lowered;
	[smem:$0x3FD2] =	sst s25  }
0xb5: {  	s5 =	sshll.u32 s26, $0x1;
	_ =	strace $0x80000055;
	[dreg:$0x1] =	wrdreg $0xFFFFFFFF  }
0xb6: {  	s28 =	simm.s32 $_size_execute0_lowered;
	s3 =	sadd.s32 s3, s5;
	[dreg:$0x0] =	wrdreg $0x0  }
0xb7: {  	s5 =	sshll.u32 s28, $0x1;
	[dreg:$0x2] =	wrdreg s3  }
0xb8: {  	[dreg:$0x3] =	wrdreg s5  }
0xb9: {  	[dreg:$0x4] =	wrdreg $0xC0  }
0xba: {  	_ =	task [dreg:s22], $0x5FFFF  }
0xbb: {  	[dreg:$0x1] =	wrdreg $0xFFFFFFFF  }
0xbc: {  	[dreg:$0x0] =	wrdreg $0x60  }
0xbd: {  	[dreg:$0x2] =	wrdreg s24  }
0xbe: {  	[dreg:$0x3] =	wrdreg $0x0  }
0xbf: {  	[dreg:$0x4] =	wrdreg $0x9  }
0xc0: {  	_ =	task.clear_ibuf [dreg:s22], $0x5FFFF;
	_ =	strace $0x90000055  }
0xc1: {  	s29 =	simm.s32 $0x9;
	_ =	strace $0x80000057  }
0xc2: {  	_ =	swait.ge [sflag:s29], $0x1  }
0xc3: {  	[sflag:s29] =	ssyncadd.s32 $0xFFFFFFFF  }
0xc4: {  	_ =	strace $0x90000057  }
0xc5: {  	_ =	sfence  }
0xc6: {  	s30 =	sld [smem:$0x0];
	_ =	sdelay $0x2  }
0xc7: {  	s31 =	sshll.u32 s1, $0xD;
	s1 =	sshrl.u32 s1, $0x2  }
0xc8: {  	s4 =	sand.u32 $0x4000, s31;
	s1 =	sadd.s32 s1, s30  }
0xc9: {  	s0 =	sor.u32 s4, s0;
	s1 =	sshll.u32 s1, $0x11  }
0xca: {  	s0 =	sor.u32 s1, s0  }
0xcb: {  	s0 =	sadd.s32 $0x8F2B, s0  }
0xcc: {  	[sflag:s0] =	ssyncadd.remote.s32 $0x1  }
0xcd: {  	_ =	sfence.sel $0xFFFF  }
0xce: {  	[dreg:$0x0] =	wrdreg $0xFFFFFFFF;
	(pc) =	sbr.abs _section_cstart, $3  }
0xcf: {  	[dreg:$0x1] =	wrdreg $0xFFFFFFFF  }
0xd0: {  	_ =	task.clear_ibuf [dreg:s22], $0x2FFFF;
	_ =	strace $0x9FFFFFFF  }
0xd1: {  	(tm) =	ssettm $0x7FFFFFFF  }
tec
execute0_lowered:
.L_overlay_start_1:
0x0: {  	(tag) =	ssettag $0x1  }
0x1: {  	s5 =	rddreg [dreg:$0x0]  }
0x2: {  	s2 =	rddreg [dreg:$0x1]  }
0x3: {  	s0 =	rddreg [dreg:$0x2]  }
0x4: {  	s1 =	stileid.u32;
	s4 =	srdreg.scid;
	s3 =	simm.s32 $0x0  }
0x5: {  	s14 =	simm.s32 $0x14080;
	s15 =	simm.s32 $0x80;
	s16 =	simm.s32 $0x14100  }
0x6: {  	s17 =	simm.s32 $0x1;
	s18 =	simm.s32 $0x0;
	s6 =	smul.u32 $0x9E0, s1  }
0x7: {  	s7 =	smul.u32 $0x14000, s1;
	s8 =	sand.u32 $0x1, s4;
	[smem:$0x7FF] =	sst s3  }
0x8: {  	s4 =	sadd.s32 $0x6600, s5;
	s28 =	smul.u32 $0x50000, s1;
	s31 =	sshll.u32 s1, $0x6  }
0x9: {  	s9 =	smul.u32 $0x140000, s8;
	_ =	strace $0x80000056;
	s29 =	ssub.s32 $0x2, s8  }
0xa: {  	s8 =	smul.u32 $0x4F0, s8;
	s10 =	sadd.s32 s6, s5;
	s30 =	sshrl.u32 s29, $0x1  }
0xb: {  	s26 =	sadd.s32 s7, s9;
	s7 =	sshrl.u32 s7, $0x3;
	s9 =	sshrl.u32 s28, $0x2  }
0xc: {  	s12 =	ssub.s32 s29, s30;
	s10 =	sadd.s32 s8, s10;
	s6 =	sshrl.u32 s26, $0x3  }
0xd: {  	s7 =	sadd.s32 s7, s5;
	s13 =	sadd.s32 s9, s2;
	s8 =	smax.u32 s12, $0x1  }
0xe: {  	s9 =	sadd.s32 $0x2C7600, s10;
	s10 =	sadd.s32 $0x2BD800, s10;
	s12 =	simm.s32 $0x2  }
0xf: {  	s11 =	sadd.s32 s6, s5;
	s5 =	sadd.s32 $0x2F9C00, s7;
	s6 =	sor.u32 $0x1C02, s31  }
0x10: {  	s7 =	sadd.s32 $0x3D800, s11;
	s11 =	sshrl.u32 s13, $0x3;
	s13 =	simm.s32 $0x14000  }
.LBB2_1:
0x11: {  	[spmem:s11], [sflag:s6] =	dma.local [hbm:s5], $0x2800  }
0x12: {  	_ =	swait.ge [sflag:s12], $0x2800  }
0x13: {  	[sflag:s12] =	ssyncset.done $0x0  }
0x14: {  	[sflag:s12] =	ssyncadd.s32 $0xFFFFD800  }
0x15: {  	s19 =	sadd.s32 $0x0, s10;
	[bflag:$0x0] =	sbarrier.arrive $0xFFFF  }
0x16: {  	[tilespmem:s13], [sflag:$0x2] =	stream.linear.gather [hbm4b:s19+s3], $0x80, $0x38;
	[tilespmem:$0x18100] =	vst v63  }
0x17: {  	_ =	swait.ge [sflag:s12], $0x80  }
0x18: {  	[sflag:s12] =	ssyncset.done $0x0  }
0x19: {  	s31 =	sadd.s32 $0x0, s9;
	[sflag:s12] =	ssyncadd.s32 $0xFFFFFF80  }
0x1a: {  	[tilespmem:s14], [sflag:$0x2] =	stream.linear.gather [hbm4b:s31+s3], $0x80, $0x38;
	[tilespmem:$0x18100] =	vst v63  }
0x1b: {  	_ =	swait.ge [sflag:s12], $0x80  }
0x1c: {  	[sflag:s12] =	ssyncset.done $0x0  }
0x1d: {  	[sflag:s12] =	ssyncadd.s32 $0xFFFFFF80  }
0x1e: {  	[tilespmem:s16], [sflag:$0x1] =	stream.indirect.gather [hbm4b:s4+s15], $0x80, s13, s15, $0xb8;
	[tilespmem:$0x18100] =	vst v63  }
0x1f: {  	_ =	swait.ge [sflag:s17], $0x4000  }
0x20: {  	[sflag:s17] =	ssyncset.done $0x0  }
0x21: {  	[sflag:s17] =	ssyncadd.s32 $0xFFFFC000  }
0x22: {  	[spmem:s2] =	stream.indirect.scatter.add.f32 [tilespmem:s16], [sflag:$0x2], $0x80, s14, s15, $0xb8;
	[tilespmem:$0x18100] =	vst v63  }
0x23: {  	_ =	swait.ge [sflag:s12], $0x4000  }
0x24: {  	s20 =	simm.s32 $0x20;
	s19 =	simm.s32 $0x10;
	[sflag:s12] =	ssyncset.done $0x0  }
.LBB2_2:
0x25: {  	s21 =	sadd.s32 s19, s10  }
0x26: {  	[sflag:s12] =	ssyncadd.s32 $0xFFFFC000;
	s22 =	smov.u32 s20;
	s23 =	sadd.s32 $0x10, s20  }
0x27: {  	[tilespmem:s13], [sflag:$0x2] =	stream.linear.gather [hbm4b:s21+s3], $0x80, $0x38;
	[tilespmem:$0x18100] =	vst v63  }
0x28: {  	p0 =	sne.s32 s20, $0x4E0;
	_ =	swait.ge [sflag:s12], $0x80  }
0x29: {  	[sflag:s12] =	ssyncset.done $0x0  }
0x2a: {  	s20 =	sadd.s32 s19, s9;
	s19 =	smov.u32 s22;
	[sflag:s12] =	ssyncadd.s32 $0xFFFFFF80  }
0x2b: {  	[tilespmem:s14], [sflag:$0x2] =	stream.linear.gather [hbm4b:s20+s3], $0x80, $0x38;
	[tilespmem:$0x18100] =	vst v63  }
0x2c: {  	_ =	swait.ge [sflag:s12], $0x80  }
0x2d: {  	[sflag:s12] =	ssyncset.done $0x0  }
0x2e: {  	[sflag:s12] =	ssyncadd.s32 $0xFFFFFF80  }
0x2f: {  	[tilespmem:s16], [sflag:$0x1] =	stream.indirect.gather [hbm4b:s4+s15], $0x80, s13, s15, $0xb8;
	[tilespmem:$0x18100] =	vst v63  }
0x30: {  	_ =	swait.ge [sflag:s17], $0x4000  }
.Ltmp0:
0x31: {  	[sflag:s17] =	ssyncset.done $0x0;
	(pc) =	sbr.rel @p0 .LBB2_2-.Ltmp0, $4  }
0x32: {  	[sflag:s17] =	ssyncadd.s32 $0xFFFFC000  }
0x33: {  	[spmem:s2] =	stream.indirect.scatter.add.f32 [tilespmem:s16], [sflag:$0x2], $0x80, s14, s15, $0xb8;
	[tilespmem:$0x18100] =	vst v63  }
0x34: {  	_ =	swait.ge [sflag:s12], $0x4000  }
0x35: {  	s20 =	smov.u32 s23;
	[sflag:s12] =	ssyncset.done $0x0  }
0x36: {  	s20 =	sadd.s32 s19, s10;
	[sflag:s12] =	ssyncadd.s32 $0xFFFFC000  }
0x37: {  	[tilespmem:s13], [sflag:$0x2] =	stream.linear.gather [hbm4b:s20+s3], $0x80, $0x38;
	[tilespmem:$0x18100] =	vst v63  }
0x38: {  	_ =	swait.ge [sflag:s12], $0x80  }
0x39: {  	[sflag:s12] =	ssyncset.done $0x0  }
0x3a: {  	s31 =	sadd.s32 s19, s9;
	[sflag:s12] =	ssyncadd.s32 $0xFFFFFF80  }
0x3b: {  	[tilespmem:s14], [sflag:$0x2] =	stream.linear.gather [hbm4b:s31+s3], $0x80, $0x38;
	[tilespmem:$0x18100] =	vst v63  }
0x3c: {  	_ =	swait.ge [sflag:s12], $0x80  }
0x3d: {  	[sflag:s12] =	ssyncset.done $0x0  }
0x3e: {  	[sflag:s12] =	ssyncadd.s32 $0xFFFFFF80  }
0x3f: {  	[tilespmem:s16], [sflag:$0x1] =	stream.indirect.gather [hbm4b:s4+s15], $0x80, s13, s15, $0xb8;
	[tilespmem:$0x18100] =	vst v63  }
0x40: {  	_ =	swait.ge [sflag:s17], $0x4000  }
0x41: {  	[sflag:s17] =	ssyncset.done $0x0  }
0x42: {  	[sflag:s17] =	ssyncadd.s32 $0xFFFFC000  }
0x43: {  	[spmem:s2] =	stream.indirect.scatter.add.f32 [tilespmem:s16], [sflag:$0x2], $0x80, s14, s15, $0xb8;
	[tilespmem:$0x18100] =	vst v63  }
0x44: {  	_ =	swait.ge [sflag:s12], $0x4000  }
0x45: {  	s18 =	sadd.s32 $0x1, s18;
	[sflag:s12] =	ssyncset.done $0x0  }
0x46: {  	p0 =	sne.s32 s18, s8;
	[sflag:s12] =	ssyncadd.s32 $0xFFFFC000  }
.Ltmp1:
0x47: {  	[bflag:$0x0] =	sbarrier.arrive $0xFFFF;
	(pc) =	sbr.rel @p0 .LBB2_1-.Ltmp1, $4  }
0x48: {  	[hbm:s7], [sflag:s6] =	dma.local [spmem:s11], $0x2800  }
0x49: {  	_ =	swait.ge [sflag:s12], $0x2800  }
0x4a: {  	[sflag:s12] =	ssyncset.done $0x0  }
0x4b: {  	[sflag:s12] =	ssyncadd.s32 $0xFFFFD800  }
0x4c: {  	_ =	sfence.sel $0x180000  }
0x4d: {  	[bflag:$0x0] =	sbarrier.arrive $0xFFFF  }
0x4e: {  	p0 =	sne.s32 s1, $0x0;
	_ =	strace $0x90000056  }
0x4f: {  	s0 =	sadd.s32 @!p0 $0x100000, s0;
	[bflag:$0x2] =	sbarrier.arrive $0xFFFF  }
0x50: {  	[sflag:s0] =	ssyncadd.tile.s32 @!p0 $0x1;
	_ =	shalt  }
.Lfunc_end2:
_tile_overlayer_lowered:
.L_overlay_start_2:
0x51: {  	(tag) =	ssettag $0x2  }
0x52: {  	s0 =	rddreg [dreg:$0x0];
	s2 =	stileid.u32  }
0x53: {  	s1 =	rddreg [dreg:$0x1];
	p0 =	sne.s32 s2, $0x0  }
0x54: {  	s3 =	rddreg [dreg:$0x2];
	[bflag:$0x3] =	sbarrier.arrive $0xFFFF;
	s2 =	simm.s32 @!p0 $0x1C02  }
0x55: {  	[timem:s3], [sflag:s2] =	dma.local @!p0 [hbm:s0], s1  }
0x56: {  	s0 =	simm.s32 @!p0 $0x2  }
0x57: {  	_ =	swait.ge @!p0 [sflag:s0], s1  }
0x58: {  	s1 =	ssub.s32 @!p0 $0x0, s1;
	[sflag:s0] =	ssyncset.done @!p0 $0x0  }
0x59: {  	[sflag:s0] =	ssyncadd.s32 @!p0 s1  }
0x5a: {  	[bflag:$0x3] =	sbarrier.arrive $0xFFFF  }
0x5b: {  	_ =	shalt  }

// kernel: kernel.35.cloned.1.call-start
scs
__scs_entry_jumppad:
0x0: {  	(pc) =	sbr.rel $0x88, $3  }
0x1: {  	(tag) =	ssettag $0x0;
	lr =	simm.s32 $0x1  }
0x2: {  	[smem:$0x3F90] =	sst lr;
	_ =	strace $0xD0000000  }
0x3: {  	_ = 	snop  }
0x4: {  	_ = 	snop  }
0x5: {  	_ = 	snop  }
0x6: {  	_ = 	snop  }
0x7: {  	_ = 	snop  }
__scs_overlays_trampoline_lowered:
0x8: {  	[smem:$0x3F9F] =	sst s0  }
0x9: {  	[smem:$0x3FA0] =	sst s1  }
0xa: {  	[smem:$0x3FA1] =	sst s2  }
0xb: {  	[smem:$0x3FA2] =	sst s3  }
0xc: {  	[smem:$0x3FA3] =	sst s4  }
0xd: {  	[smem:$0x3FA4] =	sst s5  }
0xe: {  	[smem:$0x3FA5] =	sst s6  }
0xf: {  	[smem:$0x3FA6] =	sst s7  }
0x10: {  	[smem:$0x3FA7] =	sst s8  }
0x11: {  	[smem:$0x3FA8] =	sst s9;
	s0 =	simm.s32 @!p0 $0x0  }
0x12: {  	s1 =	sld [smem:$0x3F8E];
	s0 =	simm.s32 @p0 $0x1  }
0x13: {  	[smem:$0x3FA9] =	sst s0;
	s0 =	simm.s32 @!p1 $0x0  }
0x14: {  	s2 =	sld [smem:$0x3F8D];
	s0 =	simm.s32 @p1 $0x1  }
0x15: {  	[smem:$0x3FAA] =	sst s0;
	s0 =	simm.s32 @!p2 $0x0  }
0x16: {  	s3 =	sld [smem:$0x3FDB];
	s0 =	simm.s32 @p2 $0x1  }
0x17: {  	s4 =	simm.s32 $0x1BF5;
	[smem:$0x3FAC] =	sst s0  }
0x18: {  	s0 =	sld [smem:$0x3F8F];
	_ =	swait.ge [sflag:s4], $0x0  }
0x19: {  	s7 =	sld [smem:$0x3F90]  }
0x1a: {  	s8 =	sadd.s32 $0xFFFFE003, lr  }
0x1b: {  	s9 =	sadd.s32 $0xFFFFFEF7, lr;
	s5 =	simm.s32 $0xFFFFFFFF;
	p2 =	slt.u32 s8, $0xFFFFF086  }
0x1c: {  	p1 =	slt.u32 s9, $0xF7A;
	s5 =	simm.s32 @!p2 $0x0  }
0x1d: {  	s5 =	simm.s32 @p1 $0x1;
	p0 =	seq.s32 s7, s2  }
0x1e: {  	s7 =	smul.u32 @!p0 $0xF7A, s2;
	p2 =	seq.s32 @!p0 s5, $0x0  }
0x1f: {  	s9 =	smul.u32 $0xF7A, s1;
	s8 =	simm.s32 @!p0 $0x1BF5;
	p2 =	por !p2, p0  }
0x20: {  	[sflag:s8] =	ssyncset.s32 @!p0 $0xFFFFF086;
	s6 =	sadd.s32 @!p0 s3, s7;
	s7 =	simm.s32 @!p0 $0x108  }
0x21: {  	s3 =	sadd.s32 s3, s9;
	s6 =	sadd.s32 @!p0 $0x88, s6;
	s7 =	simm.s32 @p2 $0x1082  }
0x22: {  	[simem:s7], [sflag:s8] =	dma.local @!p0 [hbm:s6], $0xF7A  }
0x23: {  	s9 =	sor.u32 $0xD0000000, s2;
	s6 =	simm.s32 $0x108;
	_ =	swait.ge @!p0 [sflag:s8], $0x0  }
0x24: {  	s3 =	sadd.s32 $0x88, s3;
	s6 =	simm.s32 @!p1 $0x1082;
	[sflag:s4] =	ssyncset.s32 $0xFFFFF086  }
0x25: {  	[simem:s6], [sflag:s4] =	dma.local [hbm:s3], $0xF7A  }
0x26: {  	[smem:$0x3F90] =	sst s1;
	(tag) =	ssettag s2;
	_ =	strace s9  }
0x27: {  	s1 =	sld [smem:$0x3FA0]  }
0x28: {  	s2 =	sld [smem:$0x3FA1]  }
0x29: {  	s4 =	sld [smem:$0x3FA3]  }
0x2a: {  	p0 =	seq.s32 s5, $0x0;
	s5 =	sld [smem:$0x3FA4]  }
0x2b: {  	s6 =	sld [smem:$0x3FA5]  }
0x2c: {  	s7 =	sld [smem:$0x3FA6]  }
0x2d: {  	s3 =	simm.s32 $0x108;
	s8 =	sld [smem:$0x3FA7]  }
0x2e: {  	s3 =	simm.s32 @!p0 $0x1082;
	s9 =	sld [smem:$0x3FA8]  }
0x2f: {  	lr =	sadd.s32 s0, s3;
	s0 =	sld [smem:$0x3F9F]  }
0x30: {  	s3 =	sld [smem:$0x3FA2]  }
0x31: {  	[smem:$0x3FAB] =	sst s10  }
0x32: {  	s10 =	sld [smem:$0x3FA9];
	_ =	sdelay $0x3  }
0x33: {  	p0 =	seq.s32 s10, $0x1;
	s10 =	sld [smem:$0x3FAB];
	_ =	sdelay $0x3  }
0x34: {  	[smem:$0x3FAB] =	sst s10  }
0x35: {  	s10 =	sld [smem:$0x3FAA];
	_ =	sdelay $0x3  }
0x36: {  	p1 =	seq.s32 s10, $0x1;
	s10 =	sld [smem:$0x3FAB];
	_ =	sdelay $0x3  }
0x37: {  	[smem:$0x3FAB] =	sst s10  }
0x38: {  	s10 =	sld [smem:$0x3FAC]  }
0x39: {  	_ = 	snop;
	(pc) =	sbr.ind lr, $3  }
0x3a: {  	_ = 	snop  }
0x3b: {  	_ = 	snop  }
0x3c: {  	p2 =	seq.s32 s10, $0x1;
	s10 =	sld [smem:$0x3FAB]  }
0x3d: {  	_ =	shalt  }
0x3e: {  	_ =	shalt  }
0x3f: {  	_ =	shalt  }
0x40: {  	_ =	shalt  }
0x41: {  	_ =	shalt  }
0x42: {  	_ =	shalt  }
0x43: {  	_ =	shalt  }
0x44: {  	_ =	shalt  }
0x45: {  	_ =	shalt  }
0x46: {  	_ =	shalt  }
0x47: {  	_ =	shalt  }
0x48: {  	_ =	shalt  }
0x49: {  	_ =	shalt  }
0x4a: {  	_ =	shalt  }
0x4b: {  	_ =	shalt  }
0x4c: {  	_ =	shalt  }
0x4d: {  	_ =	shalt  }
0x4e: {  	_ =	shalt  }
0x4f: {  	_ =	shalt  }
0x50: {  	_ =	shalt  }
0x51: {  	_ =	shalt  }
0x52: {  	_ =	shalt  }
0x53: {  	_ =	shalt  }
0x54: {  	_ =	shalt  }
0x55: {  	_ =	shalt  }
0x56: {  	_ =	shalt  }
0x57: {  	_ =	shalt  }
0x58: {  	_ =	shalt  }
0x59: {  	_ =	shalt  }
0x5a: {  	_ =	shalt  }
0x5b: {  	_ =	shalt  }
0x5c: {  	_ =	shalt  }
0x5d: {  	_ =	shalt  }
0x5e: {  	_ =	shalt  }
0x5f: {  	_ =	shalt  }
0x60: {  	_ =	shalt  }
0x61: {  	_ =	shalt  }
0x62: {  	_ =	shalt  }
0x63: {  	_ =	shalt  }
0x64: {  	_ =	shalt  }
0x65: {  	_ =	shalt  }
0x66: {  	_ =	shalt  }
0x67: {  	_ =	shalt  }
0x68: {  	_ =	shalt  }
0x69: {  	_ =	shalt  }
0x6a: {  	_ =	shalt  }
0x6b: {  	_ =	shalt  }
0x6c: {  	_ =	shalt  }
0x6d: {  	_ =	shalt  }
0x6e: {  	_ =	shalt  }
0x6f: {  	_ =	shalt  }
0x70: {  	_ =	shalt  }
0x71: {  	_ =	shalt  }
0x72: {  	_ =	shalt  }
0x73: {  	_ =	shalt  }
0x74: {  	_ =	shalt  }
0x75: {  	_ =	shalt  }
0x76: {  	_ =	shalt  }
0x77: {  	_ =	shalt  }
0x78: {  	_ =	shalt  }
0x79: {  	_ =	shalt  }
0x7a: {  	_ =	shalt  }
0x7b: {  	_ =	shalt  }
0x7c: {  	_ =	shalt  }
0x7d: {  	_ =	shalt  }
0x7e: {  	_ =	shalt  }
0x7f: {  	_ =	shalt  }
0x80: {  	_ =	shalt  }
0x81: {  	_ =	shalt  }
0x82: {  	_ =	shalt  }
0x83: {  	_ =	shalt  }
0x84: {  	_ =	shalt  }
0x85: {  	_ =	shalt  }
0x86: {  	_ =	shalt  }
0x87: {  	_ =	shalt  }
.Lfunc_end0:
.L_simem_size_0:
called_computation.6_lowered:
.L_overlay_start_0:
0x88: {  	s2 =	sld [smem:$0x3FD9]  }
0x89: {  	s3 =	sld [smem:$0x3FFE];
	_ =	sdelay $0x1  }
0x8a: {  	s1 =	srdreg.scid  }
0x8b: {  	s0 =	sand.u32 $0x1, s1  }
0x8c: {  	s17 =	sshll.u32 s0, $0xA;
	s2 =	sadd.s32 s3, s2  }
0x8d: {  	s2 =	sadd.s32 s2, s17  }
0x8e: {  	[smem:$0x3FB7] =	sst s2  }
0x8f: {  	_ = 	snop  }
0x90: {  	(tm) =	ssettm $0x1  }
0x91: {  	s18 =	sld [smem:$0x3FFB];
	_ =	sdelay $0x3  }
0x92: {  	_ =	strace s18  }
0x93: {  	s2 =	sld [smem:$0x3FFC];
	_ =	sdelay $0x3  }
0x94: {  	_ =	strace s2  }
0x95: {  	s2 =	sld [smem:$0x3FFD];
	_ =	sdelay $0x3  }
0x96: {  	_ =	strace s2  }
0x97: {  	_ =	strace $0x8FFFFFFF  }
0x98: {  	s19 =	sld [smem:$0x3FDB];
	_ =	sdelay $0x1  }
0x99: {  	s20 =	simm.s32 $_scs_section_size  }
0x9a: {  	s4 =	simm.s32 $_size__tile_overlayer_lowered;
	s5 =	simm.s32 $_tile_overlayer_lowered  }
0x9b: {  	s6 =	simm.s32 $0x1BFF;
	s21 =	sshll.u32 s5, $0x1;
	s3 =	sadd.s32 s20, s19  }
0x9c: {  	s22 =	simm.s32 $0x0;
	s4 =	sshll.u32 s4, $0x1;
	s5 =	sadd.s32 s21, s3  }
0x9d: {  	[timem:s22], [sflag:s6] =	dma.local [hbm:s5], s4  }
0x9e: {  	_ =	swait.ge [sflag:s6], s4  }
0x9f: {  	s4 =	ssub.s32 $0x0, s4;
	[sflag:s6] =	ssyncset.done $0x0  }
0xa0: {  	[sflag:s6] =	ssyncadd.s32 s4;
	_ =	sdelay $0x1  }
0xa1: {  	s23 =	simm.s32 $0x1B8B  }
0xa2: {  	_ =	swait.ge [sflag:s23], $0x1  }
0xa3: {  	[sflag:s23] =	ssyncset.done $0x0  }
0xa4: {  	[sflag:s23] =	ssyncadd.s32 $0xFFFFFFFF  }
0xa5: {  	s4 =	sld [smem:$0x0]  }
0xa6: {  	s5 =	sand.u32 $0xFFFFFFFE, s1  }
0xa7: {  	p0 =	sne.s32 s1, s5  }
0xa8: {  	s5 =	sshll.u32 @p0 s5, $0xE  }
0xa9: {  	s5 =	sadd.s32 @p0 $0x11B8D, s5;
	s6 =	sshll.u32 @p0 s4, $0x11  }
0xaa: {  	s5 =	sor.u32 @p0 s6, s5  }
0xab: {  	[sflag:s5] =	ssyncadd.remote.s32 @p0 $0x1;
	_ =	sdelay $0x1  }
0xac: {  	s5 =	simm.s32 @p0 $0x1B8D  }
0xad: {  	_ =	swait.eq @p0 [sflag:s5], $0x1  }
0xae: {  	[sflag:s5] =	ssyncadd.s32 @p0 $0xFFFFFFFF  }
0xaf: {  	s6 =	sshll.u32 @!p0 s1, $0xE  }
0xb0: {  	s6 =	sor.u32 @!p0 $0x4000, s6;
	s5 =	simm.s32 @!p0 $0x1B8D  }
0xb1: {  	s4 =	sshll.u32 @!p0 s4, $0x11;
	s6 =	sadd.s32 @!p0 $0x11B8D, s6;
	_ =	swait.eq @!p0 [sflag:s5], $0x1  }
0xb2: {  	s4 =	sor.u32 @!p0 s4, s6;
	[sflag:s5] =	ssyncadd.s32 @!p0 $0xFFFFFFFF  }
0xb3: {  	s25 =	simm.s32 $0x1B8E;
	s24 =	sld [smem:$0x3FFE];
	[sflag:s4] =	ssyncadd.remote.s32 @!p0 $0x1  }
0xb4: {  	s26 =	simm.s32 $execute0_lowered;
	[smem:$0x3FD2] =	sst s25  }
0xb5: {  	s5 =	sshll.u32 s26, $0x1;
	_ =	strace $0x80000058;
	[dreg:$0x1] =	wrdreg $0xFFFFFFFF  }
0xb6: {  	s28 =	simm.s32 $_size_execute0_lowered;
	s3 =	sadd.s32 s3, s5;
	[dreg:$0x0] =	wrdreg $0x0  }
0xb7: {  	s5 =	sshll.u32 s28, $0x1;
	[dreg:$0x2] =	wrdreg s3  }
0xb8: {  	[dreg:$0x3] =	wrdreg s5  }
0xb9: {  	[dreg:$0x4] =	wrdreg $0xC0  }
0xba: {  	_ =	task [dreg:s22], $0x5FFFF  }
0xbb: {  	[dreg:$0x1] =	wrdreg $0xFFFFFFFF  }
0xbc: {  	[dreg:$0x0] =	wrdreg $0x60  }
0xbd: {  	[dreg:$0x2] =	wrdreg s24  }
0xbe: {  	[dreg:$0x3] =	wrdreg $0x0  }
0xbf: {  	[dreg:$0x4] =	wrdreg $0xA  }
0xc0: {  	_ =	task.clear_ibuf [dreg:s22], $0x5FFFF;
	_ =	strace $0x90000058  }
0xc1: {  	s29 =	simm.s32 $0xA;
	_ =	strace $0x8000005A  }
0xc2: {  	_ =	swait.ge [sflag:s29], $0x1  }
0xc3: {  	[sflag:s29] =	ssyncadd.s32 $0xFFFFFFFF  }
0xc4: {  	_ =	strace $0x9000005A  }
0xc5: {  	_ =	sfence  }
0xc6: {  	s30 =	sld [smem:$0x0];
	_ =	sdelay $0x2  }
0xc7: {  	s31 =	sshll.u32 s1, $0xD;
	s1 =	sshrl.u32 s1, $0x2  }
0xc8: {  	s4 =	sand.u32 $0x4000, s31;
	s1 =	sadd.s32 s1, s30  }
0xc9: {  	s0 =	sor.u32 s4, s0;
	s1 =	sshll.u32 s1, $0x11  }
0xca: {  	s0 =	sor.u32 s1, s0  }
0xcb: {  	s0 =	sadd.s32 $0x8F2B, s0  }
0xcc: {  	[sflag:s0] =	ssyncadd.remote.s32 $0x1  }
0xcd: {  	_ =	sfence.sel $0xFFFF  }
0xce: {  	[dreg:$0x0] =	wrdreg $0xFFFFFFFF;
	(pc) =	sbr.abs _section_cstart, $3  }
0xcf: {  	[dreg:$0x1] =	wrdreg $0xFFFFFFFF  }
0xd0: {  	_ =	task.clear_ibuf [dreg:s22], $0x2FFFF;
	_ =	strace $0x9FFFFFFF  }
0xd1: {  	(tm) =	ssettm $0x7FFFFFFF  }
tec
execute0_lowered:
.L_overlay_start_1:
0x0: {  	(tag) =	ssettag $0x1  }
0x1: {  	s0 =	stileid.u32  }
0x2: {  	s1 =	srdreg.scid;
	s4 =	rddreg [dreg:$0x0]  }
0x3: {  	s2 =	rddreg [dreg:$0x1];
	s3 =	simm.s32 $0x0;
	s6 =	smul.u32 $0x2800, s0  }
0x4: {  	s14 =	simm.s32 $0x14000;
	s15 =	simm.s32 $0x14080;
	s8 =	smul.u32 $0x28000, s0  }
0x5: {  	s16 =	simm.s32 $0x14100;
	s17 =	simm.s32 $0x14180;
	s25 =	smul.u32 $0x14000, s0  }
0x6: {  	s18 =	simm.s32 $0x80;
	s5 =	sand.u32 $0x1, s1;
	s12 =	smul.u32 $0x50000, s0  }
0x7: {  	s19 =	simm.s32 $0x0;
	s1 =	rddreg [dreg:$0x2];
	s7 =	smul.u32 $0x1400, s5  }
0x8: {  	[smem:$0x7FF] =	sst s3;
	s30 =	sshll.u32 s0, $0x6;
	s9 =	smul.u32 $0x140000, s5  }
0x9: {  	_ =	strace $0x80000059;
	s28 =	ssub.s32 $0x2, s5;
	s31 =	smul.u32 $0x14000, s5  }
0xa: {  	s5 =	sor.u32 $0x1C01, s30;
	s8 =	sadd.s32 s8, s4;
	s26 =	sshrl.u32 s25, $0x3  }
0xb: {  	s10 =	sshrl.u32 s28, $0x1;
	s29 =	sshrl.u32 s12, $0x2;
	s6 =	sadd.s32 s7, s6  }
0xc: {  	s7 =	sadd.s32 s25, s9;
	s9 =	ssub.s32 s28, s10;
	s13 =	sadd.s32 s29, s2  }
0xd: {  	s8 =	sadd.s32 s31, s8;
	s6 =	sshrl.u32 s6, $0x3;
	s7 =	sshrl.u32 s7, $0x3  }
0xe: {  	s8 =	sadd.s32 $0x5F2400, s8;
	s12 =	sshrl.u32 s13, $0x3;
	s13 =	simm.s32 $0x1  }
0xf: {  	s11 =	sadd.s32 s6, s4;
	s6 =	sadd.s32 s26, s4;
	s7 =	sadd.s32 s7, s4  }
0x10: {  	s4 =	sadd.s32 $0x2F9C00, s6;
	s6 =	sadd.s32 $0x8E000, s7;
	s7 =	smax.u32 s9, $0x1  }
0x11: {  	s9 =	sadd.s32 $0x38800, s11;
	s10 =	sadd.s32 $0x33800, s11;
	s11 =	sadd.s32 $0x2E800, s11  }
.LBB2_1:
0x12: {  	[spmem:s12], [sflag:s5] =	dma.local [hbm:s4], $0x2800  }
0x13: {  	_ =	swait.ge [sflag:s13], $0x2800  }
0x14: {  	[sflag:s13] =	ssyncset.done $0x0  }
0x15: {  	[sflag:s13] =	ssyncadd.s32 $0xFFFFD800  }
0x16: {  	s20 =	sadd.s32 $0x0, s11;
	[bflag:$0x0] =	sbarrier.arrive $0xFFFF  }
0x17: {  	[tilespmem:s14], [sflag:$0x1] =	stream.linear.gather [hbm4b:s20+s3], $0x80, $0x38;
	[tilespmem:$0x18180] =	vst v63  }
0x18: {  	_ =	swait.ge [sflag:s13], $0x80  }
0x19: {  	[sflag:s13] =	ssyncset.done $0x0  }
0x1a: {  	s30 =	sadd.s32 $0x0, s10;
	[sflag:s13] =	ssyncadd.s32 $0xFFFFFF80  }
0x1b: {  	[tilespmem:s15], [sflag:$0x1] =	stream.linear.gather [hbm4b:s30+s3], $0x80, $0x38;
	[tilespmem:$0x18180] =	vst v63  }
0x1c: {  	_ =	swait.ge [sflag:s13], $0x80  }
0x1d: {  	[sflag:s13] =	ssyncset.done $0x0  }
0x1e: {  	s31 =	sadd.s32 $0x0, s9;
	[sflag:s13] =	ssyncadd.s32 $0xFFFFFF80  }
0x1f: {  	[tilespmem:s16], [sflag:$0x1] =	stream.linear.gather [hbm4b:s31+s3], $0x80, $0x38;
	[tilespmem:$0x18180] =	vst v63  }
0x20: {  	_ =	swait.ge [sflag:s13], $0x80  }
0x21: {  	[sflag:s13] =	ssyncset.done $0x0  }
0x22: {  	[sflag:s13] =	ssyncadd.s32 $0xFFFFFF80  }
0x23: {  	[tilespmem:s17], [sflag:$0x1] =	stream.linear.gather [hbm4b:s8+s3], $0x4000, $0x38;
	[tilespmem:$0x18180] =	vst v63  }
0x24: {  	_ =	swait.ge [sflag:s13], $0x4000  }
0x25: {  	[sflag:s13] =	ssyncset.done $0x0  }
0x26: {  	[sflag:s13] =	ssyncadd.s32 $0xFFFFC000  }
0x27: {  	[spmem:s2] =	stream.indirect.scatter.add.f32 [tilespmem:s17], [sflag:$0x1], $0x80, s14, s18, $0xb8;
	[tilespmem:$0x18180] =	vst v63  }
0x28: {  	_ =	swait.ge [sflag:s13], $0x4000  }
0x29: {  	[sflag:s13] =	ssyncset.done $0x0  }
0x2a: {  	[sflag:s13] =	ssyncadd.s32 $0xFFFFC000  }
0x2b: {  	[spmem:s2] =	stream.indirect.scatter.add.f32 [tilespmem:s17], [sflag:$0x1], $0x80, s15, s18, $0xb8;
	[tilespmem:$0x18180] =	vst v63  }
0x2c: {  	_ =	swait.ge [sflag:s13], $0x4000  }
0x2d: {  	[sflag:s13] =	ssyncset.done $0x0  }
0x2e: {  	[sflag:s13] =	ssyncadd.s32 $0xFFFFC000  }
0x2f: {  	[spmem:s2] =	stream.indirect.scatter.add.f32 [tilespmem:s17], [sflag:$0x1], $0x80, s16, s18, $0xb8;
	[tilespmem:$0x18180] =	vst v63  }
0x30: {  	s21 =	simm.s32 $0x10;
	_ =	swait.ge [sflag:s13], $0x4000  }
0x31: {  	s22 =	simm.s32 $0x20;
	s20 =	sadd.s32 $0x800, s8;
	[sflag:s13] =	ssyncset.done $0x0  }
.LBB2_2:
0x32: {  	s23 =	sadd.s32 s21, s11  }
0x33: {  	[sflag:s13] =	ssyncadd.s32 $0xFFFFC000;
	s24 =	smov.u32 s22;
	s25 =	sadd.s32 $0x10, s22  }
0x34: {  	[tilespmem:s14], [sflag:$0x1] =	stream.linear.gather [hbm4b:s23+s3], $0x80, $0x38;
	[tilespmem:$0x18180] =	vst v63  }
0x35: {  	p0 =	sne.s32 s22, $0x270;
	_ =	swait.ge [sflag:s13], $0x80  }
0x36: {  	[sflag:s13] =	ssyncset.done $0x0  }
0x37: {  	s22 =	sadd.s32 s21, s10;
	[sflag:s13] =	ssyncadd.s32 $0xFFFFFF80  }
0x38: {  	[tilespmem:s15], [sflag:$0x1] =	stream.linear.gather [hbm4b:s22+s3], $0x80, $0x38;
	[tilespmem:$0x18180] =	vst v63  }
0x39: {  	_ =	swait.ge [sflag:s13], $0x80  }
0x3a: {  	[sflag:s13] =	ssyncset.done $0x0  }
0x3b: {  	s22 =	sadd.s32 s21, s9;
	s21 =	smov.u32 s24;
	[sflag:s13] =	ssyncadd.s32 $0xFFFFFF80  }
0x3c: {  	[tilespmem:s16], [sflag:$0x1] =	stream.linear.gather [hbm4b:s22+s3], $0x80, $0x38;
	[tilespmem:$0x18180] =	vst v63  }
0x3d: {  	_ =	swait.ge [sflag:s13], $0x80  }
0x3e: {  	[sflag:s13] =	ssyncset.done $0x0  }
0x3f: {  	[sflag:s13] =	ssyncadd.s32 $0xFFFFFF80  }
0x40: {  	[tilespmem:s17], [sflag:$0x1] =	stream.linear.gather [hbm4b:s20+s3], $0x4000, $0x38;
	[tilespmem:$0x18180] =	vst v63  }
0x41: {  	_ =	swait.ge [sflag:s13], $0x4000  }
0x42: {  	[sflag:s13] =	ssyncset.done $0x0  }
0x43: {  	[sflag:s13] =	ssyncadd.s32 $0xFFFFC000  }
0x44: {  	[spmem:s2] =	stream.indirect.scatter.add.f32 [tilespmem:s17], [sflag:$0x1], $0x80, s14, s18, $0xb8;
	[tilespmem:$0x18180] =	vst v63  }
0x45: {  	_ =	swait.ge [sflag:s13], $0x4000  }
0x46: {  	[sflag:s13] =	ssyncset.done $0x0  }
0x47: {  	[sflag:s13] =	ssyncadd.s32 $0xFFFFC000  }
0x48: {  	[spmem:s2] =	stream.indirect.scatter.add.f32 [tilespmem:s17], [sflag:$0x1], $0x80, s15, s18, $0xb8;
	[tilespmem:$0x18180] =	vst v63  }
0x49: {  	_ =	swait.ge [sflag:s13], $0x4000  }
.Ltmp0:
0x4a: {  	[sflag:s13] =	ssyncset.done $0x0;
	(pc) =	sbr.rel @p0 .LBB2_2-.Ltmp0, $4  }
0x4b: {  	[sflag:s13] =	ssyncadd.s32 $0xFFFFC000  }
0x4c: {  	[spmem:s2] =	stream.indirect.scatter.add.f32 [tilespmem:s17], [sflag:$0x1], $0x80, s16, s18, $0xb8;
	[tilespmem:$0x18180] =	vst v63  }
0x4d: {  	_ =	swait.ge [sflag:s13], $0x4000  }
0x4e: {  	s22 =	smov.u32 s25;
	s20 =	sadd.s32 $0x800, s20;
	[sflag:s13] =	ssyncset.done $0x0  }
0x4f: {  	s22 =	sadd.s32 s21, s11;
	[sflag:s13] =	ssyncadd.s32 $0xFFFFC000  }
0x50: {  	[tilespmem:s14], [sflag:$0x1] =	stream.linear.gather [hbm4b:s22+s3], $0x80, $0x38;
	[tilespmem:$0x18180] =	vst v63  }
0x51: {  	_ =	swait.ge [sflag:s13], $0x80  }
0x52: {  	[sflag:s13] =	ssyncset.done $0x0  }
0x53: {  	s30 =	sadd.s32 s21, s10;
	[sflag:s13] =	ssyncadd.s32 $0xFFFFFF80  }
0x54: {  	[tilespmem:s15], [sflag:$0x1] =	stream.linear.gather [hbm4b:s30+s3], $0x80, $0x38;
	[tilespmem:$0x18180] =	vst v63  }
0x55: {  	_ =	swait.ge [sflag:s13], $0x80  }
0x56: {  	[sflag:s13] =	ssyncset.done $0x0  }
0x57: {  	s31 =	sadd.s32 s21, s9;
	[sflag:s13] =	ssyncadd.s32 $0xFFFFFF80  }
0x58: {  	[tilespmem:s16], [sflag:$0x1] =	stream.linear.gather [hbm4b:s31+s3], $0x80, $0x38;
	[tilespmem:$0x18180] =	vst v63  }
0x59: {  	_ =	swait.ge [sflag:s13], $0x80  }
0x5a: {  	[sflag:s13] =	ssyncset.done $0x0  }
0x5b: {  	[sflag:s13] =	ssyncadd.s32 $0xFFFFFF80  }
0x5c: {  	[tilespmem:s17], [sflag:$0x1] =	stream.linear.gather [hbm4b:s20+s3], $0x4000, $0x38;
	[tilespmem:$0x18180] =	vst v63  }
0x5d: {  	_ =	swait.ge [sflag:s13], $0x4000  }
0x5e: {  	[sflag:s13] =	ssyncset.done $0x0  }
0x5f: {  	[sflag:s13] =	ssyncadd.s32 $0xFFFFC000  }
0x60: {  	[spmem:s2] =	stream.indirect.scatter.add.f32 [tilespmem:s17], [sflag:$0x1], $0x80, s14, s18, $0xb8;
	[tilespmem:$0x18180] =	vst v63  }
0x61: {  	_ =	swait.ge [sflag:s13], $0x4000  }
0x62: {  	[sflag:s13] =	ssyncset.done $0x0  }
0x63: {  	[sflag:s13] =	ssyncadd.s32 $0xFFFFC000  }
0x64: {  	[spmem:s2] =	stream.indirect.scatter.add.f32 [tilespmem:s17], [sflag:$0x1], $0x80, s15, s18, $0xb8;
	[tilespmem:$0x18180] =	vst v63  }
0x65: {  	_ =	swait.ge [sflag:s13], $0x4000  }
0x66: {  	[sflag:s13] =	ssyncset.done $0x0  }
0x67: {  	[sflag:s13] =	ssyncadd.s32 $0xFFFFC000  }
0x68: {  	[spmem:s2] =	stream.indirect.scatter.add.f32 [tilespmem:s17], [sflag:$0x1], $0x80, s16, s18, $0xb8;
	[tilespmem:$0x18180] =	vst v63  }
0x69: {  	_ =	swait.ge [sflag:s13], $0x4000  }
0x6a: {  	s19 =	sadd.s32 $0x1, s19;
	[sflag:s13] =	ssyncset.done $0x0  }
0x6b: {  	p0 =	sne.s32 s19, s7;
	[sflag:s13] =	ssyncadd.s32 $0xFFFFC000  }
.Ltmp1:
0x6c: {  	[bflag:$0x0] =	sbarrier.arrive $0xFFFF;
	(pc) =	sbr.rel @p0 .LBB2_1-.Ltmp1, $4  }
0x6d: {  	[hbm:s6], [sflag:s5] =	dma.local [spmem:s12], $0x2800  }
0x6e: {  	_ =	swait.ge [sflag:s13], $0x2800  }
0x6f: {  	[sflag:s13] =	ssyncset.done $0x0  }
0x70: {  	[sflag:s13] =	ssyncadd.s32 $0xFFFFD800  }
0x71: {  	_ =	sfence.sel $0x180000  }
0x72: {  	[bflag:$0x0] =	sbarrier.arrive $0xFFFF  }
0x73: {  	p0 =	sne.s32 s0, $0x0;
	_ =	strace $0x90000059  }
0x74: {  	s0 =	sadd.s32 @!p0 $0x100000, s1;
	[bflag:$0x2] =	sbarrier.arrive $0xFFFF  }
0x75: {  	[sflag:s0] =	ssyncadd.tile.s32 @!p0 $0x1;
	_ =	shalt  }
.Lfunc_end2:
_tile_overlayer_lowered:
.L_overlay_start_2:
0x76: {  	(tag) =	ssettag $0x2  }
0x77: {  	s0 =	rddreg [dreg:$0x0];
	s2 =	stileid.u32  }
0x78: {  	s1 =	rddreg [dreg:$0x1];
	p0 =	sne.s32 s2, $0x0  }
0x79: {  	s3 =	rddreg [dreg:$0x2];
	[bflag:$0x3] =	sbarrier.arrive $0xFFFF;
	s2 =	simm.s32 @!p0 $0x1C01  }
0x7a: {  	[timem:s3], [sflag:s2] =	dma.local @!p0 [hbm:s0], s1  }
0x7b: {  	s0 =	simm.s32 @!p0 $0x1  }
0x7c: {  	_ =	swait.ge @!p0 [sflag:s0], s1  }
0x7d: {  	s1 =	ssub.s32 @!p0 $0x0, s1;
	[sflag:s0] =	ssyncset.done @!p0 $0x0  }
0x7e: {  	[sflag:s0] =	ssyncadd.s32 @!p0 s1  }
0x7f: {  	[bflag:$0x3] =	sbarrier.arrive $0xFFFF  }
0x80: {  	_ =	shalt  }

// kernel: kernel.38.cloned.1.call-start
scs
__scs_entry_jumppad:
0x0: {  	(pc) =	sbr.rel $0x88, $3  }
0x1: {  	(tag) =	ssettag $0x0;
	lr =	simm.s32 $0x1  }
0x2: {  	[smem:$0x3F90] =	sst lr;
	_ =	strace $0xD0000000  }
0x3: {  	_ = 	snop  }
0x4: {  	_ = 	snop  }
0x5: {  	_ = 	snop  }
0x6: {  	_ = 	snop  }
0x7: {  	_ = 	snop  }
__scs_overlays_trampoline_lowered:
0x8: {  	[smem:$0x3F9F] =	sst s0  }
0x9: {  	[smem:$0x3FA0] =	sst s1  }
0xa: {  	[smem:$0x3FA1] =	sst s2  }
0xb: {  	[smem:$0x3FA2] =	sst s3  }
0xc: {  	[smem:$0x3FA3] =	sst s4  }
0xd: {  	[smem:$0x3FA4] =	sst s5  }
0xe: {  	[smem:$0x3FA5] =	sst s6  }
0xf: {  	[smem:$0x3FA6] =	sst s7  }
0x10: {  	[smem:$0x3FA7] =	sst s8  }
0x11: {  	[smem:$0x3FA8] =	sst s9;
	s0 =	simm.s32 @!p0 $0x0  }
0x12: {  	s1 =	sld [smem:$0x3F8E];
	s0 =	simm.s32 @p0 $0x1  }
0x13: {  	[smem:$0x3FA9] =	sst s0;
	s0 =	simm.s32 @!p1 $0x0  }
0x14: {  	s2 =	sld [smem:$0x3F8D];
	s0 =	simm.s32 @p1 $0x1  }
0x15: {  	[smem:$0x3FAA] =	sst s0;
	s0 =	simm.s32 @!p2 $0x0  }
0x16: {  	s3 =	sld [smem:$0x3FDB];
	s0 =	simm.s32 @p2 $0x1  }
0x17: {  	s4 =	simm.s32 $0x1BF5;
	[smem:$0x3FAC] =	sst s0  }
0x18: {  	s0 =	sld [smem:$0x3F8F];
	_ =	swait.ge [sflag:s4], $0x0  }
0x19: {  	s7 =	sld [smem:$0x3F90]  }
0x1a: {  	s8 =	sadd.s32 $0xFFFFE003, lr  }
0x1b: {  	s9 =	sadd.s32 $0xFFFFFEF7, lr;
	s5 =	simm.s32 $0xFFFFFFFF;
	p2 =	slt.u32 s8, $0xFFFFF086  }
0x1c: {  	p1 =	slt.u32 s9, $0xF7A;
	s5 =	simm.s32 @!p2 $0x0  }
0x1d: {  	s5 =	simm.s32 @p1 $0x1;
	p0 =	seq.s32 s7, s2  }
0x1e: {  	s7 =	smul.u32 @!p0 $0xF7A, s2;
	p2 =	seq.s32 @!p0 s5, $0x0  }
0x1f: {  	s9 =	smul.u32 $0xF7A, s1;
	s8 =	simm.s32 @!p0 $0x1BF5;
	p2 =	por !p2, p0  }
0x20: {  	[sflag:s8] =	ssyncset.s32 @!p0 $0xFFFFF086;
	s6 =	sadd.s32 @!p0 s3, s7;
	s7 =	simm.s32 @!p0 $0x108  }
0x21: {  	s3 =	sadd.s32 s3, s9;
	s6 =	sadd.s32 @!p0 $0x88, s6;
	s7 =	simm.s32 @p2 $0x1082  }
0x22: {  	[simem:s7], [sflag:s8] =	dma.local @!p0 [hbm:s6], $0xF7A  }
0x23: {  	s9 =	sor.u32 $0xD0000000, s2;
	s6 =	simm.s32 $0x108;
	_ =	swait.ge @!p0 [sflag:s8], $0x0  }
0x24: {  	s3 =	sadd.s32 $0x88, s3;
	s6 =	simm.s32 @!p1 $0x1082;
	[sflag:s4] =	ssyncset.s32 $0xFFFFF086  }
0x25: {  	[simem:s6], [sflag:s4] =	dma.local [hbm:s3], $0xF7A  }
0x26: {  	[smem:$0x3F90] =	sst s1;
	(tag) =	ssettag s2;
	_ =	strace s9  }
0x27: {  	s1 =	sld [smem:$0x3FA0]  }
0x28: {  	s2 =	sld [smem:$0x3FA1]  }
0x29: {  	s4 =	sld [smem:$0x3FA3]  }
0x2a: {  	p0 =	seq.s32 s5, $0x0;
	s5 =	sld [smem:$0x3FA4]  }
0x2b: {  	s6 =	sld [smem:$0x3FA5]  }
0x2c: {  	s7 =	sld [smem:$0x3FA6]  }
0x2d: {  	s3 =	simm.s32 $0x108;
	s8 =	sld [smem:$0x3FA7]  }
0x2e: {  	s3 =	simm.s32 @!p0 $0x1082;
	s9 =	sld [smem:$0x3FA8]  }
0x2f: {  	lr =	sadd.s32 s0, s3;
	s0 =	sld [smem:$0x3F9F]  }
0x30: {  	s3 =	sld [smem:$0x3FA2]  }
0x31: {  	[smem:$0x3FAB] =	sst s10  }
0x32: {  	s10 =	sld [smem:$0x3FA9];
	_ =	sdelay $0x3  }
0x33: {  	p0 =	seq.s32 s10, $0x1;
	s10 =	sld [smem:$0x3FAB];
	_ =	sdelay $0x3  }
0x34: {  	[smem:$0x3FAB] =	sst s10  }
0x35: {  	s10 =	sld [smem:$0x3FAA];
	_ =	sdelay $0x3  }
0x36: {  	p1 =	seq.s32 s10, $0x1;
	s10 =	sld [smem:$0x3FAB];
	_ =	sdelay $0x3  }
0x37: {  	[smem:$0x3FAB] =	sst s10  }
0x38: {  	s10 =	sld [smem:$0x3FAC]  }
0x39: {  	_ = 	snop;
	(pc) =	sbr.ind lr, $3  }
0x3a: {  	_ = 	snop  }
0x3b: {  	_ = 	snop  }
0x3c: {  	p2 =	seq.s32 s10, $0x1;
	s10 =	sld [smem:$0x3FAB]  }
0x3d: {  	_ =	shalt  }
0x3e: {  	_ =	shalt  }
0x3f: {  	_ =	shalt  }
0x40: {  	_ =	shalt  }
0x41: {  	_ =	shalt  }
0x42: {  	_ =	shalt  }
0x43: {  	_ =	shalt  }
0x44: {  	_ =	shalt  }
0x45: {  	_ =	shalt  }
0x46: {  	_ =	shalt  }
0x47: {  	_ =	shalt  }
0x48: {  	_ =	shalt  }
0x49: {  	_ =	shalt  }
0x4a: {  	_ =	shalt  }
0x4b: {  	_ =	shalt  }
0x4c: {  	_ =	shalt  }
0x4d: {  	_ =	shalt  }
0x4e: {  	_ =	shalt  }
0x4f: {  	_ =	shalt  }
0x50: {  	_ =	shalt  }
0x51: {  	_ =	shalt  }
0x52: {  	_ =	shalt  }
0x53: {  	_ =	shalt  }
0x54: {  	_ =	shalt  }
0x55: {  	_ =	shalt  }
0x56: {  	_ =	shalt  }
0x57: {  	_ =	shalt  }
0x58: {  	_ =	shalt  }
0x59: {  	_ =	shalt  }
0x5a: {  	_ =	shalt  }
0x5b: {  	_ =	shalt  }
0x5c: {  	_ =	shalt  }
0x5d: {  	_ =	shalt  }
0x5e: {  	_ =	shalt  }
0x5f: {  	_ =	shalt  }
0x60: {  	_ =	shalt  }
0x61: {  	_ =	shalt  }
0x62: {  	_ =	shalt  }
0x63: {  	_ =	shalt  }
0x64: {  	_ =	shalt  }
0x65: {  	_ =	shalt  }
0x66: {  	_ =	shalt  }
0x67: {  	_ =	shalt  }
0x68: {  	_ =	shalt  }
0x69: {  	_ =	shalt  }
0x6a: {  	_ =	shalt  }
0x6b: {  	_ =	shalt  }
0x6c: {  	_ =	shalt  }
0x6d: {  	_ =	shalt  }
0x6e: {  	_ =	shalt  }
0x6f: {  	_ =	shalt  }
0x70: {  	_ =	shalt  }
0x71: {  	_ =	shalt  }
0x72: {  	_ =	shalt  }
0x73: {  	_ =	shalt  }
0x74: {  	_ =	shalt  }
0x75: {  	_ =	shalt  }
0x76: {  	_ =	shalt  }
0x77: {  	_ =	shalt  }
0x78: {  	_ =	shalt  }
0x79: {  	_ =	shalt  }
0x7a: {  	_ =	shalt  }
0x7b: {  	_ =	shalt  }
0x7c: {  	_ =	shalt  }
0x7d: {  	_ =	shalt  }
0x7e: {  	_ =	shalt  }
0x7f: {  	_ =	shalt  }
0x80: {  	_ =	shalt  }
0x81: {  	_ =	shalt  }
0x82: {  	_ =	shalt  }
0x83: {  	_ =	shalt  }
0x84: {  	_ =	shalt  }
0x85: {  	_ =	shalt  }
0x86: {  	_ =	shalt  }
0x87: {  	_ =	shalt  }
.Lfunc_end0:
.L_simem_size_0:
called_computation.7_lowered:
.L_overlay_start_0:
0x88: {  	s2 =	sld [smem:$0x3FD9]  }
0x89: {  	s3 =	sld [smem:$0x3FFE];
	_ =	sdelay $0x1  }
0x8a: {  	s1 =	srdreg.scid  }
0x8b: {  	s0 =	sand.u32 $0x1, s1  }
0x8c: {  	s17 =	sshll.u32 s0, $0xA;
	s2 =	sadd.s32 s3, s2  }
0x8d: {  	s2 =	sadd.s32 s2, s17  }
0x8e: {  	[smem:$0x3FB7] =	sst s2  }
0x8f: {  	_ = 	snop  }
0x90: {  	s2 =	sld [smem:$0x3FC7];
	(tm) =	ssettm $0x1  }
0x91: {  	s18 =	sld [smem:$0x3FFB];
	_ =	sdelay $0x3  }
0x92: {  	_ =	strace s18  }
0x93: {  	s3 =	sld [smem:$0x3FFC];
	_ =	sdelay $0x3  }
0x94: {  	_ =	strace s3  }
0x95: {  	s3 =	sld [smem:$0x3FFD];
	_ =	sdelay $0x3  }
0x96: {  	_ =	strace s3  }
0x97: {  	_ =	strace $0x8FFFFFFF  }
0x98: {  	s19 =	sld [smem:$0x3FDB];
	_ =	sdelay $0x1  }
0x99: {  	s4 =	simm.s32 $_scs_section_size  }
0x9a: {  	s5 =	simm.s32 $_size__tile_overlayer_lowered;
	s6 =	simm.s32 $_tile_overlayer_lowered  }
0x9b: {  	s22 =	simm.s32 $0x1BFF;
	s21 =	sshll.u32 s6, $0x1;
	s3 =	sadd.s32 s4, s19  }
0x9c: {  	s7 =	simm.s32 $0x0;
	s20 =	sshll.u32 s5, $0x1;
	s5 =	sadd.s32 s21, s3  }
0x9d: {  	[timem:s7], [sflag:s22] =	dma.local [hbm:s5], s20  }
0x9e: {  	_ =	swait.ge [sflag:s22], s20  }
0x9f: {  	s4 =	ssub.s32 $0x0, s20;
	[sflag:s22] =	ssyncset.done $0x0  }
0xa0: {  	[sflag:s22] =	ssyncadd.s32 s4;
	_ =	sdelay $0x1  }
0xa1: {  	s23 =	simm.s32 $0x1B8B  }
0xa2: {  	_ =	swait.ge [sflag:s23], $0x1  }
0xa3: {  	[sflag:s23] =	ssyncset.done $0x0  }
0xa4: {  	s25 =	simm.s32 $0x1B8E;
	s24 =	sld [smem:$0x3FFE];
	[sflag:s23] =	ssyncadd.s32 $0xFFFFFFFF  }
0xa5: {  	s26 =	simm.s32 $execute0_lowered;
	[smem:$0x3FD2] =	sst s25  }
0xa6: {  	s5 =	sshll.u32 s26, $0x1;
	_ =	strace $0x8000005B;
	[dreg:$0x1] =	wrdreg $0xFFFFFFFF  }
0xa7: {  	s28 =	simm.s32 $_size_execute0_lowered;
	s3 =	sadd.s32 s3, s5;
	[dreg:$0x0] =	wrdreg $0x0  }
0xa8: {  	s5 =	sshll.u32 s28, $0x1;
	[dreg:$0x2] =	wrdreg s3  }
0xa9: {  	[dreg:$0x3] =	wrdreg s5  }
0xaa: {  	[dreg:$0x4] =	wrdreg $0xC0  }
0xab: {  	_ =	task [dreg:s7], $0x5FFFF  }
0xac: {  	[dreg:$0x1] =	wrdreg $0xFFFFFFFF  }
0xad: {  	[dreg:$0x0] =	wrdreg $0x60  }
0xae: {  	[dreg:$0x2] =	wrdreg s24  }
0xaf: {  	[dreg:$0x3] =	wrdreg s2  }
0xb0: {  	[dreg:$0x4] =	wrdreg $0x9  }
0xb1: {  	_ =	task.clear_ibuf [dreg:s7], $0x5FFFF;
	_ =	strace $0x9000005B  }
0xb2: {  	s29 =	simm.s32 $0x9;
	_ =	strace $0x8000005D  }
0xb3: {  	_ =	swait.ge [sflag:s29], $0x1  }
0xb4: {  	[sflag:s29] =	ssyncadd.s32 $0xFFFFFFFF  }
0xb5: {  	_ =	strace $0x9000005D  }
0xb6: {  	_ =	sfence  }
0xb7: {  	s30 =	sld [smem:$0x0];
	_ =	sdelay $0x2  }
0xb8: {  	s31 =	sshll.u32 s1, $0xD;
	s1 =	sshrl.u32 s1, $0x2  }
0xb9: {  	s3 =	sand.u32 $0x4000, s31;
	s1 =	sadd.s32 s1, s30  }
0xba: {  	s0 =	sor.u32 s3, s0;
	s1 =	sshll.u32 s1, $0x11  }
0xbb: {  	s0 =	sor.u32 s1, s0  }
0xbc: {  	s0 =	sadd.s32 $0x8F2B, s0  }
0xbd: {  	[sflag:s0] =	ssyncadd.remote.s32 $0x1  }
0xbe: {  	_ =	sfence.sel $0xFFFF  }
0xbf: {  	[dreg:$0x0] =	wrdreg $0xFFFFFFFF;
	(pc) =	sbr.abs _section_cstart, $3  }
0xc0: {  	[dreg:$0x1] =	wrdreg $0xFFFFFFFF  }
0xc1: {  	_ =	task.clear_ibuf [dreg:s7], $0x2FFFF;
	_ =	strace $0x9FFFFFFF  }
0xc2: {  	(tm) =	ssettm $0x7FFFFFFF  }
0xc3: {  	_ =	shalt  }
tec
execute0_lowered:
.L_overlay_start_1:
0x0: {  	(tag) =	ssettag $0x1  }
0x1: {  	s1 =	srdreg.scid;
	s9 =	rddreg [dreg:$0x0]  }
0x2: {  	s0 =	stileid.u32;
	s3 =	rddreg [dreg:$0x1]  }
0x3: {  	s2 =	simm.s32 $0x0;
	s7 =	simm.s32 $0x80;
	s6 =	sand.u32 $0x1, s1  }
0x4: {  	s4 =	sshll.u32 s0, $0x6;
	s1 =	rddreg [dreg:$0x2];
	s5 =	sshll.u32 s6, $0x5  }
0x5: {  	s8 =	simm.s32 $0x1;
	[smem:$0x7FF] =	sst s2;
	s10 =	sor.u32 s5, s4  }
0x6: {  	_ =	strace $0x8000005C;
	s11 =	ssub.s32 $0x2, s6;
	s4 =	sshrl.u32 s10, $0x3  }
0x7: {  	s6 =	simm.s32 $0x20;
	s4 =	sadd.s32 s3, s4;
	s3 =	simm.s32 $0x2  }
0x8: {  	[tilespmem:s2], [sflag:$0x2] =	stream.linear.gather [hbm4b:s4+s2], $0x20, $0x38;
	[tilespmem:$0x1080] =	vst v63  }
0x9: {  	s5 =	sadd.s32 $0x6200, s9;
	s12 =	sshrl.u32 s11, $0x1;
	_ =	swait.ge [sflag:s3], $0x20  }
0xa: {  	s10 =	sshll.u32 s10, $0x4;
	s31 =	ssub.s32 s11, s12;
	[sflag:s3] =	ssyncset.done $0x0  }
0xb: {  	s9 =	sadd.s32 s10, s9;
	s10 =	smax.u32 s31, $0x1;
	[sflag:s3] =	ssyncadd.s32 $0xFFFFFFE0  }
0xc: {  	[tilespmem:s7], [sflag:$0x1] =	stream.indirect.gather [hbm4b:s5+s6], $0x80, s2, s6, $0xb8;
	[tilespmem:$0x1080] =	vst v63  }
0xd: {  	p0 =	sne.s32 s10, $0x1;
	_ =	swait.ge [sflag:s8], $0x1000  }
.Ltmp0:
0xe: {  	[sflag:s8] =	ssyncset.done $0x0;
	(pc) =	sbr.rel @!p0 .LBB2_2-.Ltmp0, $4  }
0xf: {  	s9 =	sadd.s32 $0x2E200, s9;
	[sflag:s8] =	ssyncadd.s32 $0xFFFFF000  }
0x10: {  	[hbm4b:s9+s2] =	stream.linear.scatter [tilespmem:s7], [sflag:$0x2], $0x1000, $0x38;
	[tilespmem:$0x1080] =	vst v63  }
0x11: {  	_ =	swait.ge [sflag:s3], $0x1000  }
0x12: {  	s10 =	sadd.s32 $0xFFFFFFFF, s10;
	[sflag:s3] =	ssyncset.done $0x0  }
.LBB2_1:
0x13: {  	p0 =	sne.s32 s10, $0x1;
	s10 =	sadd.s32 $0xFFFFFFFF, s10;
	[sflag:s3] =	ssyncadd.s32 $0xFFFFF000  }
0x14: {  	[tilespmem:s2], [sflag:$0x2] =	stream.linear.gather [hbm4b:s4+s2], $0x20, $0x38;
	[tilespmem:$0x1080] =	vst v63  }
0x15: {  	_ =	swait.ge [sflag:s3], $0x20  }
0x16: {  	[sflag:s3] =	ssyncset.done $0x0  }
0x17: {  	[sflag:s3] =	ssyncadd.s32 $0xFFFFFFE0  }
0x18: {  	[tilespmem:s7], [sflag:$0x1] =	stream.indirect.gather [hbm4b:s5+s6], $0x80, s2, s6, $0xb8;
	[tilespmem:$0x1080] =	vst v63  }
0x19: {  	_ =	swait.ge [sflag:s8], $0x1000  }
.Ltmp1:
0x1a: {  	[sflag:s8] =	ssyncset.done $0x0;
	(pc) =	sbr.rel @p0 .LBB2_1-.Ltmp1, $4  }
0x1b: {  	[sflag:s8] =	ssyncadd.s32 $0xFFFFF000  }
0x1c: {  	[hbm4b:s9+s2] =	stream.linear.scatter [tilespmem:s7], [sflag:$0x2], $0x1000, $0x38;
	[tilespmem:$0x1080] =	vst v63  }
0x1d: {  	_ =	swait.ge [sflag:s3], $0x1000  }
0x1e: {  	[sflag:s3] =	ssyncset.done $0x0  }
.LBB2_2:
0x1f: {  	[sflag:s3] =	ssyncadd.s32 $0xFFFFF000  }
0x20: {  	_ =	sfence.sel $0x180000  }
0x21: {  	[bflag:$0x0] =	sbarrier.arrive $0xFFFF  }
0x22: {  	p0 =	sne.s32 s0, $0x0;
	_ =	strace $0x9000005C  }
0x23: {  	s0 =	sadd.s32 @!p0 $0x100000, s1;
	[bflag:$0x2] =	sbarrier.arrive $0xFFFF  }
0x24: {  	[sflag:s0] =	ssyncadd.tile.s32 @!p0 $0x1;
	_ =	shalt  }
.Lfunc_end2:
_tile_overlayer_lowered:
.L_overlay_start_2:
0x25: {  	(tag) =	ssettag $0x2  }
0x26: {  	s0 =	rddreg [dreg:$0x0];
	s2 =	stileid.u32  }
0x27: {  	s1 =	rddreg [dreg:$0x1];
	p0 =	sne.s32 s2, $0x0  }
0x28: {  	s3 =	rddreg [dreg:$0x2];
	[bflag:$0x3] =	sbarrier.arrive $0xFFFF;
	s2 =	simm.s32 @!p0 $0x1C02  }
0x29: {  	[timem:s3], [sflag:s2] =	dma.local @!p0 [hbm:s0], s1  }
0x2a: {  	s0 =	simm.s32 @!p0 $0x2  }
0x2b: {  	_ =	swait.ge @!p0 [sflag:s0], s1  }
0x2c: {  	s1 =	ssub.s32 @!p0 $0x0, s1;
	[sflag:s0] =	ssyncset.done @!p0 $0x0  }
0x2d: {  	[sflag:s0] =	ssyncadd.s32 @!p0 s1  }
0x2e: {  	[bflag:$0x3] =	sbarrier.arrive $0xFFFF  }
0x2f: {  	_ =	shalt  }

</sc_bundles>
